<compile_context>
chip_gen: v7x
topology: tpu7x:2x2x1
jax: 0.10.2.dev20260603
libtpu: 0.0.44.dev20260713+nightly
codegen_flags: <defaults>
</compile_context>

<pallas_src>
import functools

import jax
import jax.numpy as jnp
from jax import lax
from jax.experimental import pallas as pl
from jax.experimental.pallas import tpu as pltpu
from jax.experimental.pallas import tpu_sc as plsc

N_TOKENS = 16384
N_EXPERTS = 64
TOP_K = 8
L = 16
NC, NS = 2, 16
NW = NC * NS
TPW = N_TOKENS // NW
GROUPS = TPW // L


def _make_kernel():
  mesh = plsc.VectorSubcoreMesh(core_axis_name="c", subcore_axis_name="s")

  @functools.partial(
      pl.kernel,
      out_type=[
          jax.ShapeDtypeStruct((TOP_K, N_TOKENS), jnp.int32),
          jax.ShapeDtypeStruct((TOP_K, N_TOKENS), jnp.float32),
      ],
      mesh=mesh,
      compiler_params=pltpu.CompilerParams(needs_layout_passes=False),
      scratch_types=[
          pltpu.VMEM((N_EXPERTS, TPW), jnp.float32),
          pltpu.VMEM((TOP_K, TPW), jnp.int32),
          pltpu.VMEM((TOP_K, TPW), jnp.float32),
      ],
  )
  def _router_topk(logits_hbm, idx_hbm, vals_hbm, in_v, idx_v, vals_v):
    wid = lax.axis_index("s") * NC + lax.axis_index("c")
    col0 = wid * TPW
    pltpu.sync_copy(logits_hbm.at[:, pl.ds(col0, TPW)], in_v)

    def comparator(a, b):
      (ka, ia), (kb, ib) = a, b
      c = kb > ka
      return ((jnp.maximum(ka, kb), jnp.where(c, ib, ia)),
              (jnp.minimum(ka, kb), jnp.where(c, ia, ib)))

    def oem(a, b):
      n = len(a)
      if n == 1:
        hi, lo = comparator(a[0], b[0])
        return [hi, lo]
      even = oem(a[0::2], b[0::2])
      odd = oem(a[1::2], b[1::2])
      out = [even[0]]
      for i in range(n - 1):
        hi, lo = comparator(odd[i], even[i + 1])
        out.append(hi)
        out.append(lo)
      out.append(odd[n - 1])
      return out

    def tie_fix(lst):
      ks = [k for k, _ in lst]
      is_ = [i for _, i in lst]
      n = len(lst)
      eq = [ks[r] == ks[r + 1] for r in range(n - 1)]
      new = []
      for r in range(n):
        i_r = is_[r]
        if r + 1 < n:
          i_r = jnp.where(eq[r], jnp.minimum(is_[r], is_[r + 1]), i_r)
        if r > 0:
          take_prev = eq[r - 1] if r + 1 >= n else eq[r - 1] & ~eq[r]
          i_r = jnp.where(take_prev, jnp.maximum(is_[r], is_[r - 1]), i_r)
        new.append((ks[r], i_r))
      return new

    @plsc.parallel_loop(0, GROUPS)
    def group_body(g):
      tb = g * L
      den_acc = [jnp.zeros((L,), jnp.float32)]

      def subtree(e0, width):
        if width == 1:
          x = in_v[e0, pl.ds(tb, L)]
          den_acc[0] = den_acc[0] + jnp.exp(x)
          return [(x, jnp.full((L,), e0, jnp.int32))]
        a = subtree(e0, width // 2)
        b = subtree(e0 + width // 2, width // 2)
        m = oem(a, b)
        if len(m) > TOP_K:
          m = tie_fix(m)[:TOP_K]
        return m

      top = subtree(0, N_EXPERTS)
      rcp = 1.0 / den_acc[0]
      for r in range(TOP_K):
        k_r, i_r = top[r]
        idx_v[r, pl.ds(tb, L)] = i_r
        vals_v[r, pl.ds(tb, L)] = jnp.exp(k_r) * rcp

    pltpu.sync_copy(idx_v, idx_hbm.at[:, pl.ds(col0, TPW)])
    pltpu.sync_copy(vals_v, vals_hbm.at[:, pl.ds(col0, TPW)])

  return _router_topk


_ROUTER_TOPK = _make_kernel()


def kernel(router_logits):
  idx_t, vals_t = _ROUTER_TOPK(router_logits.T)
  return idx_t.T, vals_t.T

# --- scband reference (transcript-rebuilt; emitter-appended) ---
"""Pipeline reference for scband-default-moe-routing-method-45303315038675 (READ-ONLY COPY).

The authoritative reference and input builder live on the scoring server;
editing this copy changes nothing except your own understanding.
"""

import jax, jax.numpy as jnp
import numpy as np

TOP_K = 8

def setup_inputs(seed: int = 0) -> dict:
    key = jax.random.key(seed)
    router_logits = jax.random.normal(key, (16384, 64), dtype=jnp.float32)
    return {"router_logits": router_logits}

def reference(router_logits):
    # DefaultMoeRoutingMethod.apply_pytorch: softmax over experts, then top-k
    probs = jax.nn.softmax(router_logits.astype(jnp.float32), axis=-1)
    topk_values, topk_indices = jax.lax.top_k(probs, TOP_K)
    return (topk_indices.astype(jnp.int32), topk_values)

if __name__ == "__main__":
    import jax
    _d = setup_inputs()
    print(jax.jit(kernel)(*tuple(_d.values())))

</pallas_src>

<mosaic_0001>
#map = affine_map<(d0, d1) -> (0, 0)>
module attributes {stable_mosaic.version = 14 : i64} {
  func.func @_router_topk(%arg0: i32, %arg1: i32, %arg2: memref<64x16384xf32, #tpu.memory_space<hbm>>, %arg3: memref<8x16384xi32, #tpu.memory_space<hbm>>, %arg4: memref<8x16384xf32, #tpu.memory_space<hbm>>, %arg5: memref<64x512xf32, #tpu.memory_space<vmem>>, %arg6: memref<8x512xi32, #tpu.memory_space<vmem>>, %arg7: memref<8x512xf32, #tpu.memory_space<vmem>>) attributes {dimension_semantics = [#tpu.dimension_semantics<core_parallel>, #tpu.dimension_semantics<subcore_parallel>], iteration_bounds = array<i64: 2, 16>, scalar_prefetch = 0 : i64, scratch_operands = 3 : i64, tpu.core_type = #tpu.core_type<sc_vector_subcore>, window_params = [{transform_indices = #map}, {transform_indices = #map}, {transform_indices = #map}]} {
    %mul3A = arith.constant 2 : i32
    %mul3A_0 = arith.muli %arg1, %mul3A : i32
    %add3A = arith.addi %mul3A_0, %arg0 : i32
    %mul3A_1 = arith.constant 512 : i32
    %mul3A_2 = arith.muli %add3A, %mul3A_1 : i32
    "tpu.region"() ({
      %run_scoped3A = tpu.sem_alloc : memref<!tpu.dma_semaphore, #tpu.memory_space<semaphore_mem>>
      %dma_start3A = arith.constant 0 : i32
      %dma_start3A_5 = tpu.memref_slice %arg2[%dma_start3A, %mul3A_2] : memref<64x16384xf32, #tpu.memory_space<hbm>> -> memref<64x512xf32, #tpu.memory_space<hbm>>
      %dma_start3A_6 = arith.constant 0 : i32
      %dma_start3A_7 = tpu.memref_slice %arg2[%dma_start3A_6, %mul3A_2] : memref<64x16384xf32, #tpu.memory_space<hbm>> -> memref<64x512xf32, #tpu.memory_space<hbm>>
      tpu.enqueue_dma source(%dma_start3A_7 : memref<64x512xf32, #tpu.memory_space<hbm>>) target(%arg5 : memref<64x512xf32, #tpu.memory_space<vmem>>) target_semaphore(%run_scoped3A : memref<!tpu.dma_semaphore, #tpu.memory_space<semaphore_mem>>)
      %dma_wait3A = arith.constant 0 : i32
      %dma_wait3A_8 = tpu.memref_slice %arg2[%dma_wait3A, %mul3A_2] : memref<64x16384xf32, #tpu.memory_space<hbm>> -> memref<64x512xf32, #tpu.memory_space<hbm>>
      %dma_wait3A_9 = arith.constant 0 : i32
      %dma_wait3A_10 = tpu.memref_slice %arg2[%dma_wait3A_9, %mul3A_2] : memref<64x16384xf32, #tpu.memory_space<hbm>> -> memref<64x512xf32, #tpu.memory_space<hbm>>
      tpu.wait_dma2 semaphore(%run_scoped3A : memref<!tpu.dma_semaphore, #tpu.memory_space<semaphore_mem>>) src(%dma_wait3A_10 : memref<64x512xf32, #tpu.memory_space<hbm>>) dst(%arg5 : memref<64x512xf32, #tpu.memory_space<vmem>>)
      tpu.yield
    }) : () -> ()
    %parallel_loop3A = arith.constant 0 : i32
    %parallel_loop3A_3 = arith.constant 32 : i32
    %parallel_loop3A_4 = arith.constant 1 : i32
    scf.for %parallel_loop3A_5 = %parallel_loop3A to %parallel_loop3A_3 step %parallel_loop3A_4  : i32 {
      %parallel_loop3A_6 = arith.constant 16 : i32
      %parallel_loop3A_7 = arith.muli %parallel_loop3A_5, %parallel_loop3A_6 : i32
      %parallel_loop3A_8 = arith.constant 0.000000e+00 : f32
      %parallel_loop3A_9 = vector.broadcast %parallel_loop3A_8 : f32 to vector<16xf32>
      %parallel_loop3A_10 = arith.constant 0 : i32
      %parallel_loop3A_11 = arith.index_cast %parallel_loop3A_10 : i32 to index
      %parallel_loop3A_12 = arith.index_cast %parallel_loop3A_7 : i32 to index
      %parallel_loop3A_13 = tpu.vector_load %arg5[%parallel_loop3A_11, %parallel_loop3A_12] {strides = array<i32>} : memref<64x512xf32, #tpu.memory_space<vmem>>, vector<16xf32>,
      %parallel_loop3A_14 = math.exp %parallel_loop3A_13 : vector<16xf32>
      %parallel_loop3A_15 = arith.addf %parallel_loop3A_9, %parallel_loop3A_14 : vector<16xf32>
      %parallel_loop3A_16 = arith.constant 0 : i32
      %parallel_loop3A_17 = vector.broadcast %parallel_loop3A_16 : i32 to vector<16xi32>
      %parallel_loop3A_18 = arith.constant 1 : i32
      %parallel_loop3A_19 = arith.index_cast %parallel_loop3A_18 : i32 to index
      %parallel_loop3A_20 = arith.index_cast %parallel_loop3A_7 : i32 to index
      %parallel_loop3A_21 = tpu.vector_load %arg5[%parallel_loop3A_19, %parallel_loop3A_20] {strides = array<i32>} : memref<64x512xf32, #tpu.memory_space<vmem>>, vector<16xf32>,
      %parallel_loop3A_22 = math.exp %parallel_loop3A_21 : vector<16xf32>
      %parallel_loop3A_23 = arith.addf %parallel_loop3A_15, %parallel_loop3A_22 : vector<16xf32>
      %parallel_loop3A_24 = arith.constant 1 : i32
      %parallel_loop3A_25 = vector.broadcast %parallel_loop3A_24 : i32 to vector<16xi32>
      %parallel_loop3A_26 = arith.cmpf ogt, %parallel_loop3A_21, %parallel_loop3A_13 : vector<16xf32>
      %parallel_loop3A_27 = arith.maximumf %parallel_loop3A_13, %parallel_loop3A_21 : vector<16xf32>
      %parallel_loop3A_28 = arith.select %parallel_loop3A_26, %parallel_loop3A_25, %parallel_loop3A_17 : vector<16xi1>, vector<16xi32>
      %parallel_loop3A_29 = arith.minimumf %parallel_loop3A_13, %parallel_loop3A_21 : vector<16xf32>
      %parallel_loop3A_30 = arith.select %parallel_loop3A_26, %parallel_loop3A_17, %parallel_loop3A_25 : vector<16xi1>, vector<16xi32>
      %parallel_loop3A_31 = arith.constant 2 : i32
      %parallel_loop3A_32 = arith.index_cast %parallel_loop3A_31 : i32 to index
      %parallel_loop3A_33 = arith.index_cast %parallel_loop3A_7 : i32 to index
      %parallel_loop3A_34 = tpu.vector_load %arg5[%parallel_loop3A_32, %parallel_loop3A_33] {strides = array<i32>} : memref<64x512xf32, #tpu.memory_space<vmem>>, vector<16xf32>,
      %parallel_loop3A_35 = math.exp %parallel_loop3A_34 : vector<16xf32>
      %parallel_loop3A_36 = arith.addf %parallel_loop3A_23, %parallel_loop3A_35 : vector<16xf32>
      %parallel_loop3A_37 = arith.constant 2 : i32
      %parallel_loop3A_38 = vector.broadcast %parallel_loop3A_37 : i32 to vector<16xi32>
      %parallel_loop3A_39 = arith.constant 3 : i32
      %parallel_loop3A_40 = arith.index_cast %parallel_loop3A_39 : i32 to index
      %parallel_loop3A_41 = arith.index_cast %parallel_loop3A_7 : i32 to index
      %parallel_loop3A_42 = tpu.vector_load %arg5[%parallel_loop3A_40, %parallel_loop3A_41] {strides = array<i32>} : memref<64x512xf32, #tpu.memory_space<vmem>>, vector<16xf32>,
      %parallel_loop3A_43 = math.exp %parallel_loop3A_42 : vector<16xf32>
      %parallel_loop3A_44 = arith.addf %parallel_loop3A_36, %parallel_loop3A_43 : vector<16xf32>
      %parallel_loop3A_45 = arith.constant 3 : i32
      %parallel_loop3A_46 = vector.broadcast %parallel_loop3A_45 : i32 to vector<16xi32>
      %parallel_loop3A_47 = arith.cmpf ogt, %parallel_loop3A_42, %parallel_loop3A_34 : vector<16xf32>
      %parallel_loop3A_48 = arith.maximumf %parallel_loop3A_34, %parallel_loop3A_42 : vector<16xf32>
      %parallel_loop3A_49 = arith.select %parallel_loop3A_47, %parallel_loop3A_46, %parallel_loop3A_38 : vector<16xi1>, vector<16xi32>
      %parallel_loop3A_50 = arith.minimumf %parallel_loop3A_34, %parallel_loop3A_42 : vector<16xf32>
      %parallel_loop3A_51 = arith.select %parallel_loop3A_47, %parallel_loop3A_38, %parallel_loop3A_46 : vector<16xi1>, vector<16xi32>
      %parallel_loop3A_52 = arith.cmpf ogt, %parallel_loop3A_48, %parallel_loop3A_27 : vector<16xf32>
      %parallel_loop3A_53 = arith.maximumf %parallel_loop3A_27, %parallel_loop3A_48 : vector<16xf32>
      %parallel_loop3A_54 = arith.select %parallel_loop3A_52, %parallel_loop3A_49, %parallel_loop3A_28 : vector<16xi1>, vector<16xi32>
      %parallel_loop3A_55 = arith.minimumf %parallel_loop3A_27, %parallel_loop3A_48 : vector<16xf32>
      %parallel_loop3A_56 = arith.select %parallel_loop3A_52, %parallel_loop3A_28, %parallel_loop3A_49 : vector<16xi1>, vector<16xi32>
      %parallel_loop3A_57 = arith.cmpf ogt, %parallel_loop3A_50, %parallel_loop3A_29 : vector<16xf32>
      %parallel_loop3A_58 = arith.maximumf %parallel_loop3A_29, %parallel_loop3A_50 : vector<16xf32>
      %parallel_loop3A_59 = arith.select %parallel_loop3A_57, %parallel_loop3A_51, %parallel_loop3A_30 : vector<16xi1>, vector<16xi32>
      %parallel_loop3A_60 = arith.minimumf %parallel_loop3A_29, %parallel_loop3A_50 : vector<16xf32>
      %parallel_loop3A_61 = arith.select %parallel_loop3A_57, %parallel_loop3A_30, %parallel_loop3A_51 : vector<16xi1>, vector<16xi32>
      %parallel_loop3A_62 = arith.cmpf ogt, %parallel_loop3A_55, %parallel_loop3A_58 : vector<16xf32>
      %parallel_loop3A_63 = arith.maximumf %parallel_loop3A_58, %parallel_loop3A_55 : vector<16xf32>
      %parallel_loop3A_64 = arith.select %parallel_loop3A_62, %parallel_loop3A_56, %parallel_loop3A_59 : vector<16xi1>, vector<16xi32>
      %parallel_loop3A_65 = arith.minimumf %parallel_loop3A_58, %parallel_loop3A_55 : vector<16xf32>
      %parallel_loop3A_66 = arith.select %parallel_loop3A_62, %parallel_loop3A_59, %parallel_loop3A_56 : vector<16xi1>, vector<16xi32>
      %parallel_loop3A_67 = arith.constant 4 : i32
      %parallel_loop3A_68 = arith.index_cast %parallel_loop3A_67 : i32 to index
      %parallel_loop3A_69 = arith.index_cast %parallel_loop3A_7 : i32 to index
      %parallel_loop3A_70 = tpu.vector_load %arg5[%parallel_loop3A_68, %parallel_loop3A_69] {strides = array<i32>} : memref<64x512xf32, #tpu.memory_space<vmem>>, vector<16xf32>,
      %parallel_loop3A_71 = math.exp %parallel_loop3A_70 : vector<16xf32>
      %parallel_loop3A_72 = arith.addf %parallel_loop3A_44, %parallel_loop3A_71 : vector<16xf32>
      %parallel_loop3A_73 = arith.constant 4 : i32
      %parallel_loop3A_74 = vector.broadcast %parallel_loop3A_73 : i32 to vector<16xi32>
      %parallel_loop3A_75 = arith.constant 5 : i32
      %parallel_loop3A_76 = arith.index_cast %parallel_loop3A_75 : i32 to index
      %parallel_loop3A_77 = arith.index_cast %parallel_loop3A_7 : i32 to index
      %parallel_loop3A_78 = tpu.vector_load %arg5[%parallel_loop3A_76, %parallel_loop3A_77] {strides = array<i32>} : memref<64x512xf32, #tpu.memory_space<vmem>>, vector<16xf32>,
      %parallel_loop3A_79 = math.exp %parallel_loop3A_78 : vector<16xf32>
      %parallel_loop3A_80 = arith.addf %parallel_loop3A_72, %parallel_loop3A_79 : vector<16xf32>
      %parallel_loop3A_81 = arith.constant 5 : i32
      %parallel_loop3A_82 = vector.broadcast %parallel_loop3A_81 : i32 to vector<16xi32>
      %parallel_loop3A_83 = arith.cmpf ogt, %parallel_loop3A_78, %parallel_loop3A_70 : vector<16xf32>
      %parallel_loop3A_84 = arith.maximumf %parallel_loop3A_70, %parallel_loop3A_78 : vector<16xf32>
      %parallel_loop3A_85 = arith.select %parallel_loop3A_83, %parallel_loop3A_82, %parallel_loop3A_74 : vector<16xi1>, vector<16xi32>
      %parallel_loop3A_86 = arith.minimumf %parallel_loop3A_70, %parallel_loop3A_78 : vector<16xf32>
      %parallel_loop3A_87 = arith.select %parallel_loop3A_83, %parallel_loop3A_74, %parallel_loop3A_82 : vector<16xi1>, vector<16xi32>
      %parallel_loop3A_88 = arith.constant 6 : i32
      %parallel_loop3A_89 = arith.index_cast %parallel_loop3A_88 : i32 to index
      %parallel_loop3A_90 = arith.index_cast %parallel_loop3A_7 : i32 to index
      %parallel_loop3A_91 = tpu.vector_load %arg5[%parallel_loop3A_89, %parallel_loop3A_90] {strides = array<i32>} : memref<64x512xf32, #tpu.memory_space<vmem>>, vector<16xf32>,
      %parallel_loop3A_92 = math.exp %parallel_loop3A_91 : vector<16xf32>
      %parallel_loop3A_93 = arith.addf %parallel_loop3A_80, %parallel_loop3A_92 : vector<16xf32>
      %parallel_loop3A_94 = arith.constant 6 : i32
      %parallel_loop3A_95 = vector.broadcast %parallel_loop3A_94 : i32 to vector<16xi32>
      %parallel_loop3A_96 = arith.constant 7 : i32
      %parallel_loop3A_97 = arith.index_cast %parallel_loop3A_96 : i32 to index
      %parallel_loop3A_98 = arith.index_cast %parallel_loop3A_7 : i32 to index
      %parallel_loop3A_99 = tpu.vector_load %arg5[%parallel_loop3A_97, %parallel_loop3A_98] {strides = array<i32>} : memref<64x512xf32, #tpu.memory_space<vmem>>, vector<16xf32>,
      %parallel_loop3A_100 = math.exp %parallel_loop3A_99 : vector<16xf32>
      %parallel_loop3A_101 = arith.addf %parallel_loop3A_93, %parallel_loop3A_100 : vector<16xf32>
      %parallel_loop3A_102 = arith.constant 7 : i32
      %parallel_loop3A_103 = vector.broadcast %parallel_loop3A_102 : i32 to vector<16xi32>
      %parallel_loop3A_104 = arith.cmpf ogt, %parallel_loop3A_99, %parallel_loop3A_91 : vector<16xf32>
      %parallel_loop3A_105 = arith.maximumf %parallel_loop3A_91, %parallel_loop3A_99 : vector<16xf32>
      %parallel_loop3A_106 = arith.select %parallel_loop3A_104, %parallel_loop3A_103, %parallel_loop3A_95 : vector<16xi1>, vector<16xi32>
      %parallel_loop3A_107 = arith.minimumf %parallel_loop3A_91, %parallel_loop3A_99 : vector<16xf32>
      %parallel_loop3A_108 = arith.select %parallel_loop3A_104, %parallel_loop3A_95, %parallel_loop3A_103 : vector<16xi1>, vector<16xi32>
      %parallel_loop3A_109 = arith.cmpf ogt, %parallel_loop3A_105, %parallel_loop3A_84 : vector<16xf32>
      %parallel_loop3A_110 = arith.maximumf %parallel_loop3A_84, %parallel_loop3A_105 : vector<16xf32>
      %parallel_loop3A_111 = arith.select %parallel_loop3A_109, %parallel_loop3A_106, %parallel_loop3A_85 : vector<16xi1>, vector<16xi32>
      %parallel_loop3A_112 = arith.minimumf %parallel_loop3A_84, %parallel_loop3A_105 : vector<16xf32>
      %parallel_loop3A_113 = arith.select %parallel_loop3A_109, %parallel_loop3A_85, %parallel_loop3A_106 : vector<16xi1>, vector<16xi32>
      %parallel_loop3A_114 = arith.cmpf ogt, %parallel_loop3A_107, %parallel_loop3A_86 : vector<16xf32>
      %parallel_loop3A_115 = arith.maximumf %parallel_loop3A_86, %parallel_loop3A_107 : vector<16xf32>
      %parallel_loop3A_116 = arith.select %parallel_loop3A_114, %parallel_loop3A_108, %parallel_loop3A_87 : vector<16xi1>, vector<16xi32>
      %parallel_loop3A_117 = arith.minimumf %parallel_loop3A_86, %parallel_loop3A_107 : vector<16xf32>
      %parallel_loop3A_118 = arith.select %parallel_loop3A_114, %parallel_loop3A_87, %parallel_loop3A_108 : vector<16xi1>, vector<16xi32>
      %parallel_loop3A_119 = arith.cmpf ogt, %parallel_loop3A_112, %parallel_loop3A_115 : vector<16xf32>
      %parallel_loop3A_120 = arith.maximumf %parallel_loop3A_115, %parallel_loop3A_112 : vector<16xf32>
      %parallel_loop3A_121 = arith.select %parallel_loop3A_119, %parallel_loop3A_113, %parallel_loop3A_116 : vector<16xi1>, vector<16xi32>
      %parallel_loop3A_122 = arith.minimumf %parallel_loop3A_115, %parallel_loop3A_112 : vector<16xf32>
      %parallel_loop3A_123 = arith.select %parallel_loop3A_119, %parallel_loop3A_116, %parallel_loop3A_113 : vector<16xi1>, vector<16xi32>
      %parallel_loop3A_124 = arith.cmpf ogt, %parallel_loop3A_110, %parallel_loop3A_53 : vector<16xf32>
      %parallel_loop3A_125 = arith.maximumf %parallel_loop3A_53, %parallel_loop3A_110 : vector<16xf32>
      %parallel_loop3A_126 = arith.select %parallel_loop3A_124, %parallel_loop3A_111, %parallel_loop3A_54 : vector<16xi1>, vector<16xi32>
      %parallel_loop3A_127 = arith.minimumf %parallel_loop3A_53, %parallel_loop3A_110 : vector<16xf32>
      %parallel_loop3A_128 = arith.select %parallel_loop3A_124, %parallel_loop3A_54, %parallel_loop3A_111 : vector<16xi1>, vector<16xi32>
      %parallel_loop3A_129 = arith.cmpf ogt, %parallel_loop3A_122, %parallel_loop3A_65 : vector<16xf32>
      %parallel_loop3A_130 = arith.maximumf %parallel_loop3A_65, %parallel_loop3A_122 : vector<16xf32>
      %parallel_loop3A_131 = arith.select %parallel_loop3A_129, %parallel_loop3A_123, %parallel_loop3A_66 : vector<16xi1>, vector<16xi32>
      %parallel_loop3A_132 = arith.minimumf %parallel_loop3A_65, %parallel_loop3A_122 : vector<16xf32>
      %parallel_loop3A_133 = arith.select %parallel_loop3A_129, %parallel_loop3A_66, %parallel_loop3A_123 : vector<16xi1>, vector<16xi32>
      %parallel_loop3A_134 = arith.cmpf ogt, %parallel_loop3A_127, %parallel_loop3A_130 : vector<16xf32>
      %parallel_loop3A_135 = arith.maximumf %parallel_loop3A_130, %parallel_loop3A_127 : vector<16xf32>
      %parallel_loop3A_136 = arith.select %parallel_loop3A_134, %parallel_loop3A_128, %parallel_loop3A_131 : vector<16xi1>, vector<16xi32>
      %parallel_loop3A_137 = arith.minimumf %parallel_loop3A_130, %parallel_loop3A_127 : vector<16xf32>
      %parallel_loop3A_138 = arith.select %parallel_loop3A_134, %parallel_loop3A_131, %parallel_loop3A_128 : vector<16xi1>, vector<16xi32>
      %parallel_loop3A_139 = arith.cmpf ogt, %parallel_loop3A_120, %parallel_loop3A_63 : vector<16xf32>
      %parallel_loop3A_140 = arith.maximumf %parallel_loop3A_63, %parallel_loop3A_120 : vector<16xf32>
      %parallel_loop3A_141 = arith.select %parallel_loop3A_139, %parallel_loop3A_121, %parallel_loop3A_64 : vector<16xi1>, vector<16xi32>
      %parallel_loop3A_142 = arith.minimumf %parallel_loop3A_63, %parallel_loop3A_120 : vector<16xf32>
      %parallel_loop3A_143 = arith.select %parallel_loop3A_139, %parallel_loop3A_64, %parallel_loop3A_121 : vector<16xi1>, vector<16xi32>
      %parallel_loop3A_144 = arith.cmpf ogt, %parallel_loop3A_117, %parallel_loop3A_60 : vector<16xf32>
      %parallel_loop3A_145 = arith.maximumf %parallel_loop3A_60, %parallel_loop3A_117 : vector<16xf32>
      %parallel_loop3A_146 = arith.select %parallel_loop3A_144, %parallel_loop3A_118, %parallel_loop3A_61 : vector<16xi1>, vector<16xi32>
      %parallel_loop3A_147 = arith.minimumf %parallel_loop3A_60, %parallel_loop3A_117 : vector<16xf32>
      %parallel_loop3A_148 = arith.select %parallel_loop3A_144, %parallel_loop3A_61, %parallel_loop3A_118 : vector<16xi1>, vector<16xi32>
      %parallel_loop3A_149 = arith.cmpf ogt, %parallel_loop3A_142, %parallel_loop3A_145 : vector<16xf32>
      %parallel_loop3A_150 = arith.maximumf %parallel_loop3A_145, %parallel_loop3A_142 : vector<16xf32>
      %parallel_loop3A_151 = arith.select %parallel_loop3A_149, %parallel_loop3A_143, %parallel_loop3A_146 : vector<16xi1>, vector<16xi32>
      %parallel_loop3A_152 = arith.minimumf %parallel_loop3A_145, %parallel_loop3A_142 : vector<16xf32>
      %parallel_loop3A_153 = arith.select %parallel_loop3A_149, %parallel_loop3A_146, %parallel_loop3A_143 : vector<16xi1>, vector<16xi32>
      %parallel_loop3A_154 = arith.cmpf ogt, %parallel_loop3A_135, %parallel_loop3A_140 : vector<16xf32>
      %parallel_loop3A_155 = arith.maximumf %parallel_loop3A_140, %parallel_loop3A_135 : vector<16xf32>
      %parallel_loop3A_156 = arith.select %parallel_loop3A_154, %parallel_loop3A_136, %parallel_loop3A_141 : vector<16xi1>, vector<16xi32>
      %parallel_loop3A_157 = arith.minimumf %parallel_loop3A_140, %parallel_loop3A_135 : vector<16xf32>
      %parallel_loop3A_158 = arith.select %parallel_loop3A_154, %parallel_loop3A_141, %parallel_loop3A_136 : vector<16xi1>, vector<16xi32>
      %parallel_loop3A_159 = arith.cmpf ogt, %parallel_loop3A_137, %parallel_loop3A_150 : vector<16xf32>
      %parallel_loop3A_160 = arith.maximumf %parallel_loop3A_150, %parallel_loop3A_137 : vector<16xf32>
      %parallel_loop3A_161 = arith.select %parallel_loop3A_159, %parallel_loop3A_138, %parallel_loop3A_151 : vector<16xi1>, vector<16xi32>
      %parallel_loop3A_162 = arith.minimumf %parallel_loop3A_150, %parallel_loop3A_137 : vector<16xf32>
      %parallel_loop3A_163 = arith.select %parallel_loop3A_159, %parallel_loop3A_151, %parallel_loop3A_138 : vector<16xi1>, vector<16xi32>
      %parallel_loop3A_164 = arith.cmpf ogt, %parallel_loop3A_132, %parallel_loop3A_152 : vector<16xf32>
      %parallel_loop3A_165 = arith.maximumf %parallel_loop3A_152, %parallel_loop3A_132 : vector<16xf32>
      %parallel_loop3A_166 = arith.select %parallel_loop3A_164, %parallel_loop3A_133, %parallel_loop3A_153 : vector<16xi1>, vector<16xi32>
      %parallel_loop3A_167 = arith.minimumf %parallel_loop3A_152, %parallel_loop3A_132 : vector<16xf32>
      %parallel_loop3A_168 = arith.select %parallel_loop3A_164, %parallel_loop3A_153, %parallel_loop3A_133 : vector<16xi1>, vector<16xi32>
      %parallel_loop3A_169 = arith.constant 8 : i32
      %parallel_loop3A_170 = arith.index_cast %parallel_loop3A_169 : i32 to index
      %parallel_loop3A_171 = arith.index_cast %parallel_loop3A_7 : i32 to index
      %parallel_loop3A_172 = tpu.vector_load %arg5[%parallel_loop3A_170, %parallel_loop3A_171] {strides = array<i32>} : memref<64x512xf32, #tpu.memory_space<vmem>>, vector<16xf32>,
      %parallel_loop3A_173 = math.exp %parallel_loop3A_172 : vector<16xf32>
      %parallel_loop3A_174 = arith.addf %parallel_loop3A_101, %parallel_loop3A_173 : vector<16xf32>
      %parallel_loop3A_175 = arith.constant 8 : i32
      %parallel_loop3A_176 = vector.broadcast %parallel_loop3A_175 : i32 to vector<16xi32>
      %parallel_loop3A_177 = arith.constant 9 : i32
      %parallel_loop3A_178 = arith.index_cast %parallel_loop3A_177 : i32 to index
      %parallel_loop3A_179 = arith.index_cast %parallel_loop3A_7 : i32 to index
      %parallel_loop3A_180 = tpu.vector_load %arg5[%parallel_loop3A_178, %parallel_loop3A_179] {strides = array<i32>} : memref<64x512xf32, #tpu.memory_space<vmem>>, vector<16xf32>,
      %parallel_loop3A_181 = math.exp %parallel_loop3A_180 : vector<16xf32>
      %parallel_loop3A_182 = arith.addf %parallel_loop3A_174, %parallel_loop3A_181 : vector<16xf32>
      %parallel_loop3A_183 = arith.constant 9 : i32
      %parallel_loop3A_184 = vector.broadcast %parallel_loop3A_183 : i32 to vector<16xi32>
      %parallel_loop3A_185 = arith.cmpf ogt, %parallel_loop3A_180, %parallel_loop3A_172 : vector<16xf32>
      %parallel_loop3A_186 = arith.maximumf %parallel_loop3A_172, %parallel_loop3A_180 : vector<16xf32>
      %parallel_loop3A_187 = arith.select %parallel_loop3A_185, %parallel_loop3A_184, %parallel_loop3A_176 : vector<16xi1>, vector<16xi32>
      %parallel_loop3A_188 = arith.minimumf %parallel_loop3A_172, %parallel_loop3A_180 : vector<16xf32>
      %parallel_loop3A_189 = arith.select %parallel_loop3A_185, %parallel_loop3A_176, %parallel_loop3A_184 : vector<16xi1>, vector<16xi32>
      %parallel_loop3A_190 = arith.constant 10 : i32
      %parallel_loop3A_191 = arith.index_cast %parallel_loop3A_190 : i32 to index
      %parallel_loop3A_192 = arith.index_cast %parallel_loop3A_7 : i32 to index
      %parallel_loop3A_193 = tpu.vector_load %arg5[%parallel_loop3A_191, %parallel_loop3A_192] {strides = array<i32>} : memref<64x512xf32, #tpu.memory_space<vmem>>, vector<16xf32>,
      %parallel_loop3A_194 = math.exp %parallel_loop3A_193 : vector<16xf32>
      %parallel_loop3A_195 = arith.addf %parallel_loop3A_182, %parallel_loop3A_194 : vector<16xf32>
      %parallel_loop3A_196 = arith.constant 10 : i32
      %parallel_loop3A_197 = vector.broadcast %parallel_loop3A_196 : i32 to vector<16xi32>
      %parallel_loop3A_198 = arith.constant 11 : i32
      %parallel_loop3A_199 = arith.index_cast %parallel_loop3A_198 : i32 to index
      %parallel_loop3A_200 = arith.index_cast %parallel_loop3A_7 : i32 to index
      %parallel_loop3A_201 = tpu.vector_load %arg5[%parallel_loop3A_199, %parallel_loop3A_200] {strides = array<i32>} : memref<64x512xf32, #tpu.memory_space<vmem>>, vector<16xf32>,
      %parallel_loop3A_202 = math.exp %parallel_loop3A_201 : vector<16xf32>
      %parallel_loop3A_203 = arith.addf %parallel_loop3A_195, %parallel_loop3A_202 : vector<16xf32>
      %parallel_loop3A_204 = arith.constant 11 : i32
      %parallel_loop3A_205 = vector.broadcast %parallel_loop3A_204 : i32 to vector<16xi32>
      %parallel_loop3A_206 = arith.cmpf ogt, %parallel_loop3A_201, %parallel_loop3A_193 : vector<16xf32>
      %parallel_loop3A_207 = arith.maximumf %parallel_loop3A_193, %parallel_loop3A_201 : vector<16xf32>
      %parallel_loop3A_208 = arith.select %parallel_loop3A_206, %parallel_loop3A_205, %parallel_loop3A_197 : vector<16xi1>, vector<16xi32>
      %parallel_loop3A_209 = arith.minimumf %parallel_loop3A_193, %parallel_loop3A_201 : vector<16xf32>
      %parallel_loop3A_210 = arith.select %parallel_loop3A_206, %parallel_loop3A_197, %parallel_loop3A_205 : vector<16xi1>, vector<16xi32>
      %parallel_loop3A_211 = arith.cmpf ogt, %parallel_loop3A_207, %parallel_loop3A_186 : vector<16xf32>
      %parallel_loop3A_212 = arith.maximumf %parallel_loop3A_186, %parallel_loop3A_207 : vector<16xf32>
      %parallel_loop3A_213 = arith.select %parallel_loop3A_211, %parallel_loop3A_208, %parallel_loop3A_187 : vector<16xi1>, vector<16xi32>
      %parallel_loop3A_214 = arith.minimumf %parallel_loop3A_186, %parallel_loop3A_207 : vector<16xf32>
      %parallel_loop3A_215 = arith.select %parallel_loop3A_211, %parallel_loop3A_187, %parallel_loop3A_208 : vector<16xi1>, vector<16xi32>
      %parallel_loop3A_216 = arith.cmpf ogt, %parallel_loop3A_209, %parallel_loop3A_188 : vector<16xf32>
      %parallel_loop3A_217 = arith.maximumf %parallel_loop3A_188, %parallel_loop3A_209 : vector<16xf32>
      %parallel_loop3A_218 = arith.select %parallel_loop3A_216, %parallel_loop3A_210, %parallel_loop3A_189 : vector<16xi1>, vector<16xi32>
      %parallel_loop3A_219 = arith.minimumf %parallel_loop3A_188, %parallel_loop3A_209 : vector<16xf32>
      %parallel_loop3A_220 = arith.select %parallel_loop3A_216, %parallel_loop3A_189, %parallel_loop3A_210 : vector<16xi1>, vector<16xi32>
      %parallel_loop3A_221 = arith.cmpf ogt, %parallel_loop3A_214, %parallel_loop3A_217 : vector<16xf32>
      %parallel_loop3A_222 = arith.maximumf %parallel_loop3A_217, %parallel_loop3A_214 : vector<16xf32>
      %parallel_loop3A_223 = arith.select %parallel_loop3A_221, %parallel_loop3A_215, %parallel_loop3A_218 : vector<16xi1>, vector<16xi32>
      %parallel_loop3A_224 = arith.minimumf %parallel_loop3A_217, %parallel_loop3A_214 : vector<16xf32>
      %parallel_loop3A_225 = arith.select %parallel_loop3A_221, %parallel_loop3A_218, %parallel_loop3A_215 : vector<16xi1>, vector<16xi32>
      %parallel_loop3A_226 = arith.constant 12 : i32
      %parallel_loop3A_227 = arith.index_cast %parallel_loop3A_226 : i32 to index
      %parallel_loop3A_228 = arith.index_cast %parallel_loop3A_7 : i32 to index
      %parallel_loop3A_229 = tpu.vector_load %arg5[%parallel_loop3A_227, %parallel_loop3A_228] {strides = array<i32>} : memref<64x512xf32, #tpu.memory_space<vmem>>, vector<16xf32>,
      %parallel_loop3A_230 = math.exp %parallel_loop3A_229 : vector<16xf32>
      %parallel_loop3A_231 = arith.addf %parallel_loop3A_203, %parallel_loop3A_230 : vector<16xf32>
      %parallel_loop3A_232 = arith.constant 12 : i32
      %parallel_loop3A_233 = vector.broadcast %parallel_loop3A_232 : i32 to vector<16xi32>
      %parallel_loop3A_234 = arith.constant 13 : i32
      %parallel_loop3A_235 = arith.index_cast %parallel_loop3A_234 : i32 to index
      %parallel_loop3A_236 = arith.index_cast %parallel_loop3A_7 : i32 to index
      %parallel_loop3A_237 = tpu.vector_load %arg5[%parallel_loop3A_235, %parallel_loop3A_236] {strides = array<i32>} : memref<64x512xf32, #tpu.memory_space<vmem>>, vector<16xf32>,
      %parallel_loop3A_238 = math.exp %parallel_loop3A_237 : vector<16xf32>
      %parallel_loop3A_239 = arith.addf %parallel_loop3A_231, %parallel_loop3A_238 : vector<16xf32>
      %parallel_loop3A_240 = arith.constant 13 : i32
      %parallel_loop3A_241 = vector.broadcast %parallel_loop3A_240 : i32 to vector<16xi32>
      %parallel_loop3A_242 = arith.cmpf ogt, %parallel_loop3A_237, %parallel_loop3A_229 : vector<16xf32>
      %parallel_loop3A_243 = arith.maximumf %parallel_loop3A_229, %parallel_loop3A_237 : vector<16xf32>
      %parallel_loop3A_244 = arith.select %parallel_loop3A_242, %parallel_loop3A_241, %parallel_loop3A_233 : vector<16xi1>, vector<16xi32>
      %parallel_loop3A_245 = arith.minimumf %parallel_loop3A_229, %parallel_loop3A_237 : vector<16xf32>
      %parallel_loop3A_246 = arith.select %parallel_loop3A_242, %parallel_loop3A_233, %parallel_loop3A_241 : vector<16xi1>, vector<16xi32>
      %parallel_loop3A_247 = arith.constant 14 : i32
      %parallel_loop3A_248 = arith.index_cast %parallel_loop3A_247 : i32 to index
      %parallel_loop3A_249 = arith.index_cast %parallel_loop3A_7 : i32 to index
      %parallel_loop3A_250 = tpu.vector_load %arg5[%parallel_loop3A_248, %parallel_loop3A_249] {strides = array<i32>} : memref<64x512xf32, #tpu.memory_space<vmem>>, vector<16xf32>,
      %parallel_loop3A_251 = math.exp %parallel_loop3A_250 : vector<16xf32>
      %parallel_loop3A_252 = arith.addf %parallel_loop3A_239, %parallel_loop3A_251 : vector<16xf32>
      %parallel_loop3A_253 = arith.constant 14 : i32
      %parallel_loop3A_254 = vector.broadcast %parallel_loop3A_253 : i32 to vector<16xi32>
      %parallel_loop3A_255 = arith.constant 15 : i32
      %parallel_loop3A_256 = arith.index_cast %parallel_loop3A_255 : i32 to index
      %parallel_loop3A_257 = arith.index_cast %parallel_loop3A_7 : i32 to index
      %parallel_loop3A_258 = tpu.vector_load %arg5[%parallel_loop3A_256, %parallel_loop3A_257] {strides = array<i32>} : memref<64x512xf32, #tpu.memory_space<vmem>>, vector<16xf32>,
      %parallel_loop3A_259 = math.exp %parallel_loop3A_258 : vector<16xf32>
      %parallel_loop3A_260 = arith.addf %parallel_loop3A_252, %parallel_loop3A_259 : vector<16xf32>
      %parallel_loop3A_261 = arith.constant 15 : i32
      %parallel_loop3A_262 = vector.broadcast %parallel_loop3A_261 : i32 to vector<16xi32>
      %parallel_loop3A_263 = arith.cmpf ogt, %parallel_loop3A_258, %parallel_loop3A_250 : vector<16xf32>
      %parallel_loop3A_264 = arith.maximumf %parallel_loop3A_250, %parallel_loop3A_258 : vector<16xf32>
      %parallel_loop3A_265 = arith.select %parallel_loop3A_263, %parallel_loop3A_262, %parallel_loop3A_254 : vector<16xi1>, vector<16xi32>
      %parallel_loop3A_266 = arith.minimumf %parallel_loop3A_250, %parallel_loop3A_258 : vector<16xf32>
      %parallel_loop3A_267 = arith.select %parallel_loop3A_263, %parallel_loop3A_254, %parallel_loop3A_262 : vector<16xi1>, vector<16xi32>
      %parallel_loop3A_268 = arith.cmpf ogt, %parallel_loop3A_264, %parallel_loop3A_243 : vector<16xf32>
      %parallel_loop3A_269 = arith.maximumf %parallel_loop3A_243, %parallel_loop3A_264 : vector<16xf32>
      %parallel_loop3A_270 = arith.select %parallel_loop3A_268, %parallel_loop3A_265, %parallel_loop3A_244 : vector<16xi1>, vector<16xi32>
      %parallel_loop3A_271 = arith.minimumf %parallel_loop3A_243, %parallel_loop3A_264 : vector<16xf32>
      %parallel_loop3A_272 = arith.select %parallel_loop3A_268, %parallel_loop3A_244, %parallel_loop3A_265 : vector<16xi1>, vector<16xi32>
      %parallel_loop3A_273 = arith.cmpf ogt, %parallel_loop3A_266, %parallel_loop3A_245 : vector<16xf32>
      %parallel_loop3A_274 = arith.maximumf %parallel_loop3A_245, %parallel_loop3A_266 : vector<16xf32>
      %parallel_loop3A_275 = arith.select %parallel_loop3A_273, %parallel_loop3A_267, %parallel_loop3A_246 : vector<16xi1>, vector<16xi32>
      %parallel_loop3A_276 = arith.minimumf %parallel_loop3A_245, %parallel_loop3A_266 : vector<16xf32>
      %parallel_loop3A_277 = arith.select %parallel_loop3A_273, %parallel_loop3A_246, %parallel_loop3A_267 : vector<16xi1>, vector<16xi32>
      %parallel_loop3A_278 = arith.cmpf ogt, %parallel_loop3A_271, %parallel_loop3A_274 : vector<16xf32>
      %parallel_loop3A_279 = arith.maximumf %parallel_loop3A_274, %parallel_loop3A_271 : vector<16xf32>
      %parallel_loop3A_280 = arith.select %parallel_loop3A_278, %parallel_loop3A_272, %parallel_loop3A_275 : vector<16xi1>, vector<16xi32>
      %parallel_loop3A_281 = arith.minimumf %parallel_loop3A_274, %parallel_loop3A_271 : vector<16xf32>
      %parallel_loop3A_282 = arith.select %parallel_loop3A_278, %parallel_loop3A_275, %parallel_loop3A_272 : vector<16xi1>, vector<16xi32>
      %parallel_loop3A_283 = arith.cmpf ogt, %parallel_loop3A_269, %parallel_loop3A_212 : vector<16xf32>
      %parallel_loop3A_284 = arith.maximumf %parallel_loop3A_212, %parallel_loop3A_269 : vector<16xf32>
      %parallel_loop3A_285 = arith.select %parallel_loop3A_283, %parallel_loop3A_270, %parallel_loop3A_213 : vector<16xi1>, vector<16xi32>
      %parallel_loop3A_286 = arith.minimumf %parallel_loop3A_212, %parallel_loop3A_269 : vector<16xf32>
      %parallel_loop3A_287 = arith.select %parallel_loop3A_283, %parallel_loop3A_213, %parallel_loop3A_270 : vector<16xi1>, vector<16xi32>
      %parallel_loop3A_288 = arith.cmpf ogt, %parallel_loop3A_281, %parallel_loop3A_224 : vector<16xf32>
      %parallel_loop3A_289 = arith.maximumf %parallel_loop3A_224, %parallel_loop3A_281 : vector<16xf32>
      %parallel_loop3A_290 = arith.select %parallel_loop3A_288, %parallel_loop3A_282, %parallel_loop3A_225 : vector<16xi1>, vector<16xi32>
      %parallel_loop3A_291 = arith.minimumf %parallel_loop3A_224, %parallel_loop3A_281 : vector<16xf32>
      %parallel_loop3A_292 = arith.select %parallel_loop3A_288, %parallel_loop3A_225, %parallel_loop3A_282 : vector<16xi1>, vector<16xi32>
      %parallel_loop3A_293 = arith.cmpf ogt, %parallel_loop3A_286, %parallel_loop3A_289 : vector<16xf32>
      %parallel_loop3A_294 = arith.maximumf %parallel_loop3A_289, %parallel_loop3A_286 : vector<16xf32>
      %parallel_loop3A_295 = arith.select %parallel_loop3A_293, %parallel_loop3A_287, %parallel_loop3A_290 : vector<16xi1>, vector<16xi32>
      %parallel_loop3A_296 = arith.minimumf %parallel_loop3A_289, %parallel_loop3A_286 : vector<16xf32>
      %parallel_loop3A_297 = arith.select %parallel_loop3A_293, %parallel_loop3A_290, %parallel_loop3A_287 : vector<16xi1>, vector<16xi32>
      %parallel_loop3A_298 = arith.cmpf ogt, %parallel_loop3A_279, %parallel_loop3A_222 : vector<16xf32>
      %parallel_loop3A_299 = arith.maximumf %parallel_loop3A_222, %parallel_loop3A_279 : vector<16xf32>
      %parallel_loop3A_300 = arith.select %parallel_loop3A_298, %parallel_loop3A_280, %parallel_loop3A_223 : vector<16xi1>, vector<16xi32>
      %parallel_loop3A_301 = arith.minimumf %parallel_loop3A_222, %parallel_loop3A_279 : vector<16xf32>
      %parallel_loop3A_302 = arith.select %parallel_loop3A_298, %parallel_loop3A_223, %parallel_loop3A_280 : vector<16xi1>, vector<16xi32>
      %parallel_loop3A_303 = arith.cmpf ogt, %parallel_loop3A_276, %parallel_loop3A_219 : vector<16xf32>
      %parallel_loop3A_304 = arith.maximumf %parallel_loop3A_219, %parallel_loop3A_276 : vector<16xf32>
      %parallel_loop3A_305 = arith.select %parallel_loop3A_303, %parallel_loop3A_277, %parallel_loop3A_220 : vector<16xi1>, vector<16xi32>
      %parallel_loop3A_306 = arith.minimumf %parallel_loop3A_219, %parallel_loop3A_276 : vector<16xf32>
      %parallel_loop3A_307 = arith.select %parallel_loop3A_303, %parallel_loop3A_220, %parallel_loop3A_277 : vector<16xi1>, vector<16xi32>
      %parallel_loop3A_308 = arith.cmpf ogt, %parallel_loop3A_301, %parallel_loop3A_304 : vector<16xf32>
      %parallel_loop3A_309 = arith.maximumf %parallel_loop3A_304, %parallel_loop3A_301 : vector<16xf32>
      %parallel_loop3A_310 = arith.select %parallel_loop3A_308, %parallel_loop3A_302, %parallel_loop3A_305 : vector<16xi1>, vector<16xi32>
      %parallel_loop3A_311 = arith.minimumf %parallel_loop3A_304, %parallel_loop3A_301 : vector<16xf32>
      %parallel_loop3A_312 = arith.select %parallel_loop3A_308, %parallel_loop3A_305, %parallel_loop3A_302 : vector<16xi1>, vector<16xi32>
      %parallel_loop3A_313 = arith.cmpf ogt, %parallel_loop3A_294, %parallel_loop3A_299 : vector<16xf32>
      %parallel_loop3A_314 = arith.maximumf %parallel_loop3A_299, %parallel_loop3A_294 : vector<16xf32>
      %parallel_loop3A_315 = arith.select %parallel_loop3A_313, %parallel_loop3A_295, %parallel_loop3A_300 : vector<16xi1>, vector<16xi32>
      %parallel_loop3A_316 = arith.minimumf %parallel_loop3A_299, %parallel_loop3A_294 : vector<16xf32>
      %parallel_loop3A_317 = arith.select %parallel_loop3A_313, %parallel_loop3A_300, %parallel_loop3A_295 : vector<16xi1>, vector<16xi32>
      %parallel_loop3A_318 = arith.cmpf ogt, %parallel_loop3A_296, %parallel_loop3A_309 : vector<16xf32>
      %parallel_loop3A_319 = arith.maximumf %parallel_loop3A_309, %parallel_loop3A_296 : vector<16xf32>
      %parallel_loop3A_320 = arith.select %parallel_loop3A_318, %parallel_loop3A_297, %parallel_loop3A_310 : vector<16xi1>, vector<16xi32>
      %parallel_loop3A_321 = arith.minimumf %parallel_loop3A_309, %parallel_loop3A_296 : vector<16xf32>
      %parallel_loop3A_322 = arith.select %parallel_loop3A_318, %parallel_loop3A_310, %parallel_loop3A_297 : vector<16xi1>, vector<16xi32>
      %parallel_loop3A_323 = arith.cmpf ogt, %parallel_loop3A_291, %parallel_loop3A_311 : vector<16xf32>
      %parallel_loop3A_324 = arith.maximumf %parallel_loop3A_311, %parallel_loop3A_291 : vector<16xf32>
      %parallel_loop3A_325 = arith.select %parallel_loop3A_323, %parallel_loop3A_292, %parallel_loop3A_312 : vector<16xi1>, vector<16xi32>
      %parallel_loop3A_326 = arith.minimumf %parallel_loop3A_311, %parallel_loop3A_291 : vector<16xf32>
      %parallel_loop3A_327 = arith.select %parallel_loop3A_323, %parallel_loop3A_312, %parallel_loop3A_292 : vector<16xi1>, vector<16xi32>
      %parallel_loop3A_328 = arith.cmpf ogt, %parallel_loop3A_284, %parallel_loop3A_125 : vector<16xf32>
      %parallel_loop3A_329 = arith.maximumf %parallel_loop3A_125, %parallel_loop3A_284 : vector<16xf32>
      %parallel_loop3A_330 = arith.select %parallel_loop3A_328, %parallel_loop3A_285, %parallel_loop3A_126 : vector<16xi1>, vector<16xi32>
      %parallel_loop3A_331 = arith.minimumf %parallel_loop3A_125, %parallel_loop3A_284 : vector<16xf32>
      %parallel_loop3A_332 = arith.select %parallel_loop3A_328, %parallel_loop3A_126, %parallel_loop3A_285 : vector<16xi1>, vector<16xi32>
      %parallel_loop3A_333 = arith.cmpf ogt, %parallel_loop3A_321, %parallel_loop3A_162 : vector<16xf32>
      %parallel_loop3A_334 = arith.maximumf %parallel_loop3A_162, %parallel_loop3A_321 : vector<16xf32>
      %parallel_loop3A_335 = arith.select %parallel_loop3A_333, %parallel_loop3A_322, %parallel_loop3A_163 : vector<16xi1>, vector<16xi32>
      %parallel_loop3A_336 = arith.minimumf %parallel_loop3A_162, %parallel_loop3A_321 : vector<16xf32>
      %parallel_loop3A_337 = arith.select %parallel_loop3A_333, %parallel_loop3A_163, %parallel_loop3A_322 : vector<16xi1>, vector<16xi32>
      %parallel_loop3A_338 = arith.cmpf ogt, %parallel_loop3A_331, %parallel_loop3A_334 : vector<16xf32>
      %parallel_loop3A_339 = arith.maximumf %parallel_loop3A_334, %parallel_loop3A_331 : vector<16xf32>
      %parallel_loop3A_340 = arith.select %parallel_loop3A_338, %parallel_loop3A_332, %parallel_loop3A_335 : vector<16xi1>, vector<16xi32>
      %parallel_loop3A_341 = arith.minimumf %parallel_loop3A_334, %parallel_loop3A_331 : vector<16xf32>
      %parallel_loop3A_342 = arith.select %parallel_loop3A_338, %parallel_loop3A_335, %parallel_loop3A_332 : vector<16xi1>, vector<16xi32>
      %parallel_loop3A_343 = arith.cmpf ogt, %parallel_loop3A_316, %parallel_loop3A_157 : vector<16xf32>
      %parallel_loop3A_344 = arith.maximumf %parallel_loop3A_157, %parallel_loop3A_316 : vector<16xf32>
      %parallel_loop3A_345 = arith.select %parallel_loop3A_343, %parallel_loop3A_317, %parallel_loop3A_158 : vector<16xi1>, vector<16xi32>
      %parallel_loop3A_346 = arith.minimumf %parallel_loop3A_157, %parallel_loop3A_316 : vector<16xf32>
      %parallel_loop3A_347 = arith.select %parallel_loop3A_343, %parallel_loop3A_158, %parallel_loop3A_317 : vector<16xi1>, vector<16xi32>
      %parallel_loop3A_348 = arith.cmpf ogt, %parallel_loop3A_326, %parallel_loop3A_167 : vector<16xf32>
      %parallel_loop3A_349 = arith.maximumf %parallel_loop3A_167, %parallel_loop3A_326 : vector<16xf32>
      %parallel_loop3A_350 = arith.select %parallel_loop3A_348, %parallel_loop3A_327, %parallel_loop3A_168 : vector<16xi1>, vector<16xi32>
      %parallel_loop3A_351 = arith.minimumf %parallel_loop3A_167, %parallel_loop3A_326 : vector<16xf32>
      %parallel_loop3A_352 = arith.select %parallel_loop3A_348, %parallel_loop3A_168, %parallel_loop3A_327 : vector<16xi1>, vector<16xi32>
      %parallel_loop3A_353 = arith.cmpf ogt, %parallel_loop3A_346, %parallel_loop3A_349 : vector<16xf32>
      %parallel_loop3A_354 = arith.maximumf %parallel_loop3A_349, %parallel_loop3A_346 : vector<16xf32>
      %parallel_loop3A_355 = arith.select %parallel_loop3A_353, %parallel_loop3A_347, %parallel_loop3A_350 : vector<16xi1>, vector<16xi32>
      %parallel_loop3A_356 = arith.minimumf %parallel_loop3A_349, %parallel_loop3A_346 : vector<16xf32>
      %parallel_loop3A_357 = arith.select %parallel_loop3A_353, %parallel_loop3A_350, %parallel_loop3A_347 : vector<16xi1>, vector<16xi32>
      %parallel_loop3A_358 = arith.cmpf ogt, %parallel_loop3A_339, %parallel_loop3A_344 : vector<16xf32>
      %parallel_loop3A_359 = arith.maximumf %parallel_loop3A_344, %parallel_loop3A_339 : vector<16xf32>
      %parallel_loop3A_360 = arith.select %parallel_loop3A_358, %parallel_loop3A_340, %parallel_loop3A_345 : vector<16xi1>, vector<16xi32>
      %parallel_loop3A_361 = arith.minimumf %parallel_loop3A_344, %parallel_loop3A_339 : vector<16xf32>
      %parallel_loop3A_362 = arith.select %parallel_loop3A_358, %parallel_loop3A_345, %parallel_loop3A_340 : vector<16xi1>, vector<16xi32>
      %parallel_loop3A_363 = arith.cmpf ogt, %parallel_loop3A_341, %parallel_loop3A_354 : vector<16xf32>
      %parallel_loop3A_364 = arith.maximumf %parallel_loop3A_354, %parallel_loop3A_341 : vector<16xf32>
      %parallel_loop3A_365 = arith.select %parallel_loop3A_363, %parallel_loop3A_342, %parallel_loop3A_355 : vector<16xi1>, vector<16xi32>
      %parallel_loop3A_366 = arith.minimumf %parallel_loop3A_354, %parallel_loop3A_341 : vector<16xf32>
      %parallel_loop3A_367 = arith.select %parallel_loop3A_363, %parallel_loop3A_355, %parallel_loop3A_342 : vector<16xi1>, vector<16xi32>
      %parallel_loop3A_368 = arith.cmpf ogt, %parallel_loop3A_336, %parallel_loop3A_356 : vector<16xf32>
      %parallel_loop3A_369 = arith.maximumf %parallel_loop3A_356, %parallel_loop3A_336 : vector<16xf32>
      %parallel_loop3A_370 = arith.select %parallel_loop3A_368, %parallel_loop3A_337, %parallel_loop3A_357 : vector<16xi1>, vector<16xi32>
      %parallel_loop3A_371 = arith.minimumf %parallel_loop3A_356, %parallel_loop3A_336 : vector<16xf32>
      %parallel_loop3A_372 = arith.select %parallel_loop3A_368, %parallel_loop3A_357, %parallel_loop3A_337 : vector<16xi1>, vector<16xi32>
      %parallel_loop3A_373 = arith.cmpf ogt, %parallel_loop3A_314, %parallel_loop3A_155 : vector<16xf32>
      %parallel_loop3A_374 = arith.maximumf %parallel_loop3A_155, %parallel_loop3A_314 : vector<16xf32>
      %parallel_loop3A_375 = arith.select %parallel_loop3A_373, %parallel_loop3A_315, %parallel_loop3A_156 : vector<16xi1>, vector<16xi32>
      %parallel_loop3A_376 = arith.minimumf %parallel_loop3A_155, %parallel_loop3A_314 : vector<16xf32>
      %parallel_loop3A_377 = arith.select %parallel_loop3A_373, %parallel_loop3A_156, %parallel_loop3A_315 : vector<16xi1>, vector<16xi32>
      %parallel_loop3A_378 = arith.cmpf ogt, %parallel_loop3A_324, %parallel_loop3A_165 : vector<16xf32>
      %parallel_loop3A_379 = arith.maximumf %parallel_loop3A_165, %parallel_loop3A_324 : vector<16xf32>
      %parallel_loop3A_380 = arith.select %parallel_loop3A_378, %parallel_loop3A_325, %parallel_loop3A_166 : vector<16xi1>, vector<16xi32>
      %parallel_loop3A_381 = arith.minimumf %parallel_loop3A_165, %parallel_loop3A_324 : vector<16xf32>
      %parallel_loop3A_382 = arith.select %parallel_loop3A_378, %parallel_loop3A_166, %parallel_loop3A_325 : vector<16xi1>, vector<16xi32>
      %parallel_loop3A_383 = arith.cmpf ogt, %parallel_loop3A_376, %parallel_loop3A_379 : vector<16xf32>
      %parallel_loop3A_384 = arith.maximumf %parallel_loop3A_379, %parallel_loop3A_376 : vector<16xf32>
      %parallel_loop3A_385 = arith.select %parallel_loop3A_383, %parallel_loop3A_377, %parallel_loop3A_380 : vector<16xi1>, vector<16xi32>
      %parallel_loop3A_386 = arith.minimumf %parallel_loop3A_379, %parallel_loop3A_376 : vector<16xf32>
      %parallel_loop3A_387 = arith.select %parallel_loop3A_383, %parallel_loop3A_380, %parallel_loop3A_377 : vector<16xi1>, vector<16xi32>
      %parallel_loop3A_388 = arith.cmpf ogt, %parallel_loop3A_319, %parallel_loop3A_160 : vector<16xf32>
      %parallel_loop3A_389 = arith.maximumf %parallel_loop3A_160, %parallel_loop3A_319 : vector<16xf32>
      %parallel_loop3A_390 = arith.select %parallel_loop3A_388, %parallel_loop3A_320, %parallel_loop3A_161 : vector<16xi1>, vector<16xi32>
      %parallel_loop3A_391 = arith.minimumf %parallel_loop3A_160, %parallel_loop3A_319 : vector<16xf32>
      %parallel_loop3A_392 = arith.select %parallel_loop3A_388, %parallel_loop3A_161, %parallel_loop3A_320 : vector<16xi1>, vector<16xi32>
      %parallel_loop3A_393 = arith.cmpf ogt, %parallel_loop3A_306, %parallel_loop3A_147 : vector<16xf32>
      %parallel_loop3A_394 = arith.maximumf %parallel_loop3A_147, %parallel_loop3A_306 : vector<16xf32>
      %parallel_loop3A_395 = arith.select %parallel_loop3A_393, %parallel_loop3A_307, %parallel_loop3A_148 : vector<16xi1>, vector<16xi32>
      %parallel_loop3A_396 = arith.minimumf %parallel_loop3A_147, %parallel_loop3A_306 : vector<16xf32>
      %parallel_loop3A_397 = arith.select %parallel_loop3A_393, %parallel_loop3A_148, %parallel_loop3A_307 : vector<16xi1>, vector<16xi32>
      %parallel_loop3A_398 = arith.cmpf ogt, %parallel_loop3A_391, %parallel_loop3A_394 : vector<16xf32>
      %parallel_loop3A_399 = arith.maximumf %parallel_loop3A_394, %parallel_loop3A_391 : vector<16xf32>
      %parallel_loop3A_400 = arith.select %parallel_loop3A_398, %parallel_loop3A_392, %parallel_loop3A_395 : vector<16xi1>, vector<16xi32>
      %parallel_loop3A_401 = arith.minimumf %parallel_loop3A_394, %parallel_loop3A_391 : vector<16xf32>
      %parallel_loop3A_402 = arith.select %parallel_loop3A_398, %parallel_loop3A_395, %parallel_loop3A_392 : vector<16xi1>, vector<16xi32>
      %parallel_loop3A_403 = arith.cmpf ogt, %parallel_loop3A_384, %parallel_loop3A_389 : vector<16xf32>
      %parallel_loop3A_404 = arith.maximumf %parallel_loop3A_389, %parallel_loop3A_384 : vector<16xf32>
      %parallel_loop3A_405 = arith.select %parallel_loop3A_403, %parallel_loop3A_385, %parallel_loop3A_390 : vector<16xi1>, vector<16xi32>
      %parallel_loop3A_406 = arith.minimumf %parallel_loop3A_389, %parallel_loop3A_384 : vector<16xf32>
      %parallel_loop3A_407 = arith.select %parallel_loop3A_403, %parallel_loop3A_390, %parallel_loop3A_385 : vector<16xi1>, vector<16xi32>
      %parallel_loop3A_408 = arith.cmpf ogt, %parallel_loop3A_386, %parallel_loop3A_399 : vector<16xf32>
      %parallel_loop3A_409 = arith.maximumf %parallel_loop3A_399, %parallel_loop3A_386 : vector<16xf32>
      %parallel_loop3A_410 = arith.select %parallel_loop3A_408, %parallel_loop3A_387, %parallel_loop3A_400 : vector<16xi1>, vector<16xi32>
      %parallel_loop3A_411 = arith.minimumf %parallel_loop3A_399, %parallel_loop3A_386 : vector<16xf32>
      %parallel_loop3A_412 = arith.select %parallel_loop3A_408, %parallel_loop3A_400, %parallel_loop3A_387 : vector<16xi1>, vector<16xi32>
      %parallel_loop3A_413 = arith.cmpf ogt, %parallel_loop3A_381, %parallel_loop3A_401 : vector<16xf32>
      %parallel_loop3A_414 = arith.maximumf %parallel_loop3A_401, %parallel_loop3A_381 : vector<16xf32>
      %parallel_loop3A_415 = arith.select %parallel_loop3A_413, %parallel_loop3A_382, %parallel_loop3A_402 : vector<16xi1>, vector<16xi32>
      %parallel_loop3A_416 = arith.minimumf %parallel_loop3A_401, %parallel_loop3A_381 : vector<16xf32>
      %parallel_loop3A_417 = arith.select %parallel_loop3A_413, %parallel_loop3A_402, %parallel_loop3A_382 : vector<16xi1>, vector<16xi32>
      %parallel_loop3A_418 = arith.cmpf ogt, %parallel_loop3A_359, %parallel_loop3A_374 : vector<16xf32>
      %parallel_loop3A_419 = arith.maximumf %parallel_loop3A_374, %parallel_loop3A_359 : vector<16xf32>
      %parallel_loop3A_420 = arith.select %parallel_loop3A_418, %parallel_loop3A_360, %parallel_loop3A_375 : vector<16xi1>, vector<16xi32>
      %parallel_loop3A_421 = arith.minimumf %parallel_loop3A_374, %parallel_loop3A_359 : vector<16xf32>
      %parallel_loop3A_422 = arith.select %parallel_loop3A_418, %parallel_loop3A_375, %parallel_loop3A_360 : vector<16xi1>, vector<16xi32>
      %parallel_loop3A_423 = arith.cmpf ogt, %parallel_loop3A_361, %parallel_loop3A_404 : vector<16xf32>
      %parallel_loop3A_424 = arith.maximumf %parallel_loop3A_404, %parallel_loop3A_361 : vector<16xf32>
      %parallel_loop3A_425 = arith.select %parallel_loop3A_423, %parallel_loop3A_362, %parallel_loop3A_405 : vector<16xi1>, vector<16xi32>
      %parallel_loop3A_426 = arith.minimumf %parallel_loop3A_404, %parallel_loop3A_361 : vector<16xf32>
      %parallel_loop3A_427 = arith.select %parallel_loop3A_423, %parallel_loop3A_405, %parallel_loop3A_362 : vector<16xi1>, vector<16xi32>
      %parallel_loop3A_428 = arith.cmpf ogt, %parallel_loop3A_364, %parallel_loop3A_406 : vector<16xf32>
      %parallel_loop3A_429 = arith.maximumf %parallel_loop3A_406, %parallel_loop3A_364 : vector<16xf32>
      %parallel_loop3A_430 = arith.select %parallel_loop3A_428, %parallel_loop3A_365, %parallel_loop3A_407 : vector<16xi1>, vector<16xi32>
      %parallel_loop3A_431 = arith.minimumf %parallel_loop3A_406, %parallel_loop3A_364 : vector<16xf32>
      %parallel_loop3A_432 = arith.select %parallel_loop3A_428, %parallel_loop3A_407, %parallel_loop3A_365 : vector<16xi1>, vector<16xi32>
      %parallel_loop3A_433 = arith.cmpf ogt, %parallel_loop3A_366, %parallel_loop3A_409 : vector<16xf32>
      %parallel_loop3A_434 = arith.maximumf %parallel_loop3A_409, %parallel_loop3A_366 : vector<16xf32>
      %parallel_loop3A_435 = arith.select %parallel_loop3A_433, %parallel_loop3A_367, %parallel_loop3A_410 : vector<16xi1>, vector<16xi32>
      %parallel_loop3A_436 = arith.minimumf %parallel_loop3A_409, %parallel_loop3A_366 : vector<16xf32>
      %parallel_loop3A_437 = arith.select %parallel_loop3A_433, %parallel_loop3A_410, %parallel_loop3A_367 : vector<16xi1>, vector<16xi32>
      %parallel_loop3A_438 = arith.cmpf ogt, %parallel_loop3A_369, %parallel_loop3A_411 : vector<16xf32>
      %parallel_loop3A_439 = arith.maximumf %parallel_loop3A_411, %parallel_loop3A_369 : vector<16xf32>
      %parallel_loop3A_440 = arith.select %parallel_loop3A_438, %parallel_loop3A_370, %parallel_loop3A_412 : vector<16xi1>, vector<16xi32>
      %parallel_loop3A_441 = arith.minimumf %parallel_loop3A_411, %parallel_loop3A_369 : vector<16xf32>
      %parallel_loop3A_442 = arith.select %parallel_loop3A_438, %parallel_loop3A_412, %parallel_loop3A_370 : vector<16xi1>, vector<16xi32>
      %parallel_loop3A_443 = arith.cmpf ogt, %parallel_loop3A_371, %parallel_loop3A_414 : vector<16xf32>
      %parallel_loop3A_444 = arith.maximumf %parallel_loop3A_414, %parallel_loop3A_371 : vector<16xf32>
      %parallel_loop3A_445 = arith.select %parallel_loop3A_443, %parallel_loop3A_372, %parallel_loop3A_415 : vector<16xi1>, vector<16xi32>
      %parallel_loop3A_446 = arith.minimumf %parallel_loop3A_414, %parallel_loop3A_371 : vector<16xf32>
      %parallel_loop3A_447 = arith.select %parallel_loop3A_443, %parallel_loop3A_415, %parallel_loop3A_372 : vector<16xi1>, vector<16xi32>
      %parallel_loop3A_448 = arith.cmpf ogt, %parallel_loop3A_351, %parallel_loop3A_416 : vector<16xf32>
      %parallel_loop3A_449 = arith.maximumf %parallel_loop3A_416, %parallel_loop3A_351 : vector<16xf32>
      %parallel_loop3A_450 = arith.select %parallel_loop3A_448, %parallel_loop3A_352, %parallel_loop3A_417 : vector<16xi1>, vector<16xi32>
      %parallel_loop3A_451 = arith.minimumf %parallel_loop3A_416, %parallel_loop3A_351 : vector<16xf32>
      %parallel_loop3A_452 = arith.select %parallel_loop3A_448, %parallel_loop3A_417, %parallel_loop3A_352 : vector<16xi1>, vector<16xi32>
      %parallel_loop3A_453 = arith.cmpf oeq, %parallel_loop3A_329, %parallel_loop3A_419 : vector<16xf32>
      %parallel_loop3A_454 = arith.cmpf oeq, %parallel_loop3A_419, %parallel_loop3A_421 : vector<16xf32>
      %parallel_loop3A_455 = arith.cmpf oeq, %parallel_loop3A_421, %parallel_loop3A_424 : vector<16xf32>
      %parallel_loop3A_456 = arith.cmpf oeq, %parallel_loop3A_424, %parallel_loop3A_426 : vector<16xf32>
      %parallel_loop3A_457 = arith.cmpf oeq, %parallel_loop3A_426, %parallel_loop3A_429 : vector<16xf32>
      %parallel_loop3A_458 = arith.cmpf oeq, %parallel_loop3A_429, %parallel_loop3A_431 : vector<16xf32>
      %parallel_loop3A_459 = arith.cmpf oeq, %parallel_loop3A_431, %parallel_loop3A_434 : vector<16xf32>
      %parallel_loop3A_460 = arith.cmpf oeq, %parallel_loop3A_434, %parallel_loop3A_436 : vector<16xf32>
      %parallel_loop3A_461 = arith.cmpf oeq, %parallel_loop3A_436, %parallel_loop3A_439 : vector<16xf32>
      %parallel_loop3A_462 = arith.cmpf oeq, %parallel_loop3A_439, %parallel_loop3A_441 : vector<16xf32>
      %parallel_loop3A_463 = arith.cmpf oeq, %parallel_loop3A_441, %parallel_loop3A_444 : vector<16xf32>
      %parallel_loop3A_464 = arith.cmpf oeq, %parallel_loop3A_444, %parallel_loop3A_446 : vector<16xf32>
      %parallel_loop3A_465 = arith.cmpf oeq, %parallel_loop3A_446, %parallel_loop3A_449 : vector<16xf32>
      %parallel_loop3A_466 = arith.cmpf oeq, %parallel_loop3A_449, %parallel_loop3A_451 : vector<16xf32>
      %parallel_loop3A_467 = arith.cmpf oeq, %parallel_loop3A_451, %parallel_loop3A_396 : vector<16xf32>
      %parallel_loop3A_468 = arith.minsi %parallel_loop3A_330, %parallel_loop3A_420 : vector<16xi32>
      %parallel_loop3A_469 = arith.select %parallel_loop3A_453, %parallel_loop3A_468, %parallel_loop3A_330 : vector<16xi1>, vector<16xi32>
      %parallel_loop3A_470 = arith.minsi %parallel_loop3A_420, %parallel_loop3A_422 : vector<16xi32>
      %parallel_loop3A_471 = arith.select %parallel_loop3A_454, %parallel_loop3A_470, %parallel_loop3A_420 : vector<16xi1>, vector<16xi32>
      %parallel_loop3A_472 = arith.constant dense<true> : vector<16xi1>
      %parallel_loop3A_473 = arith.xori %parallel_loop3A_454, %parallel_loop3A_472 : vector<16xi1>
      %parallel_loop3A_474 = arith.andi %parallel_loop3A_453, %parallel_loop3A_473 : vector<16xi1>
      %parallel_loop3A_475 = arith.maxsi %parallel_loop3A_420, %parallel_loop3A_330 : vector<16xi32>
      %parallel_loop3A_476 = arith.select %parallel_loop3A_474, %parallel_loop3A_475, %parallel_loop3A_471 : vector<16xi1>, vector<16xi32>
      %parallel_loop3A_477 = arith.minsi %parallel_loop3A_422, %parallel_loop3A_425 : vector<16xi32>
      %parallel_loop3A_478 = arith.select %parallel_loop3A_455, %parallel_loop3A_477, %parallel_loop3A_422 : vector<16xi1>, vector<16xi32>
      %parallel_loop3A_479 = arith.constant dense<true> : vector<16xi1>
      %parallel_loop3A_480 = arith.xori %parallel_loop3A_455, %parallel_loop3A_479 : vector<16xi1>
      %parallel_loop3A_481 = arith.andi %parallel_loop3A_454, %parallel_loop3A_480 : vector<16xi1>
      %parallel_loop3A_482 = arith.maxsi %parallel_loop3A_422, %parallel_loop3A_420 : vector<16xi32>
      %parallel_loop3A_483 = arith.select %parallel_loop3A_481, %parallel_loop3A_482, %parallel_loop3A_478 : vector<16xi1>, vector<16xi32>
      %parallel_loop3A_484 = arith.minsi %parallel_loop3A_425, %parallel_loop3A_427 : vector<16xi32>
      %parallel_loop3A_485 = arith.select %parallel_loop3A_456, %parallel_loop3A_484, %parallel_loop3A_425 : vector<16xi1>, vector<16xi32>
      %parallel_loop3A_486 = arith.constant dense<true> : vector<16xi1>
      %parallel_loop3A_487 = arith.xori %parallel_loop3A_456, %parallel_loop3A_486 : vector<16xi1>
      %parallel_loop3A_488 = arith.andi %parallel_loop3A_455, %parallel_loop3A_487 : vector<16xi1>
      %parallel_loop3A_489 = arith.maxsi %parallel_loop3A_425, %parallel_loop3A_422 : vector<16xi32>
      %parallel_loop3A_490 = arith.select %parallel_loop3A_488, %parallel_loop3A_489, %parallel_loop3A_485 : vector<16xi1>, vector<16xi32>
      %parallel_loop3A_491 = arith.minsi %parallel_loop3A_427, %parallel_loop3A_430 : vector<16xi32>
      %parallel_loop3A_492 = arith.select %parallel_loop3A_457, %parallel_loop3A_491, %parallel_loop3A_427 : vector<16xi1>, vector<16xi32>
      %parallel_loop3A_493 = arith.constant dense<true> : vector<16xi1>
      %parallel_loop3A_494 = arith.xori %parallel_loop3A_457, %parallel_loop3A_493 : vector<16xi1>
      %parallel_loop3A_495 = arith.andi %parallel_loop3A_456, %parallel_loop3A_494 : vector<16xi1>
      %parallel_loop3A_496 = arith.maxsi %parallel_loop3A_427, %parallel_loop3A_425 : vector<16xi32>
      %parallel_loop3A_497 = arith.select %parallel_loop3A_495, %parallel_loop3A_496, %parallel_loop3A_492 : vector<16xi1>, vector<16xi32>
      %parallel_loop3A_498 = arith.minsi %parallel_loop3A_430, %parallel_loop3A_432 : vector<16xi32>
      %parallel_loop3A_499 = arith.select %parallel_loop3A_458, %parallel_loop3A_498, %parallel_loop3A_430 : vector<16xi1>, vector<16xi32>
      %parallel_loop3A_500 = arith.constant dense<true> : vector<16xi1>
      %parallel_loop3A_501 = arith.xori %parallel_loop3A_458, %parallel_loop3A_500 : vector<16xi1>
      %parallel_loop3A_502 = arith.andi %parallel_loop3A_457, %parallel_loop3A_501 : vector<16xi1>
      %parallel_loop3A_503 = arith.maxsi %parallel_loop3A_430, %parallel_loop3A_427 : vector<16xi32>
      %parallel_loop3A_504 = arith.select %parallel_loop3A_502, %parallel_loop3A_503, %parallel_loop3A_499 : vector<16xi1>, vector<16xi32>
      %parallel_loop3A_505 = arith.minsi %parallel_loop3A_432, %parallel_loop3A_435 : vector<16xi32>
      %parallel_loop3A_506 = arith.select %parallel_loop3A_459, %parallel_loop3A_505, %parallel_loop3A_432 : vector<16xi1>, vector<16xi32>
      %parallel_loop3A_507 = arith.constant dense<true> : vector<16xi1>
      %parallel_loop3A_508 = arith.xori %parallel_loop3A_459, %parallel_loop3A_507 : vector<16xi1>
      %parallel_loop3A_509 = arith.andi %parallel_loop3A_458, %parallel_loop3A_508 : vector<16xi1>
      %parallel_loop3A_510 = arith.maxsi %parallel_loop3A_432, %parallel_loop3A_430 : vector<16xi32>
      %parallel_loop3A_511 = arith.select %parallel_loop3A_509, %parallel_loop3A_510, %parallel_loop3A_506 : vector<16xi1>, vector<16xi32>
      %parallel_loop3A_512 = arith.minsi %parallel_loop3A_435, %parallel_loop3A_437 : vector<16xi32>
      %parallel_loop3A_513 = arith.select %parallel_loop3A_460, %parallel_loop3A_512, %parallel_loop3A_435 : vector<16xi1>, vector<16xi32>
      %parallel_loop3A_514 = arith.constant dense<true> : vector<16xi1>
      %parallel_loop3A_515 = arith.xori %parallel_loop3A_460, %parallel_loop3A_514 : vector<16xi1>
      %parallel_loop3A_516 = arith.andi %parallel_loop3A_459, %parallel_loop3A_515 : vector<16xi1>
      %parallel_loop3A_517 = arith.maxsi %parallel_loop3A_435, %parallel_loop3A_432 : vector<16xi32>
      %parallel_loop3A_518 = arith.select %parallel_loop3A_516, %parallel_loop3A_517, %parallel_loop3A_513 : vector<16xi1>, vector<16xi32>
      %parallel_loop3A_519 = arith.minsi %parallel_loop3A_437, %parallel_loop3A_440 : vector<16xi32>
      %parallel_loop3A_520 = arith.select %parallel_loop3A_461, %parallel_loop3A_519, %parallel_loop3A_437 : vector<16xi1>, vector<16xi32>
      %parallel_loop3A_521 = arith.constant dense<true> : vector<16xi1>
      %parallel_loop3A_522 = arith.xori %parallel_loop3A_461, %parallel_loop3A_521 : vector<16xi1>
      %parallel_loop3A_523 = arith.andi %parallel_loop3A_460, %parallel_loop3A_522 : vector<16xi1>
      %parallel_loop3A_524 = arith.maxsi %parallel_loop3A_437, %parallel_loop3A_435 : vector<16xi32>
      %parallel_loop3A_525 = arith.select %parallel_loop3A_523, %parallel_loop3A_524, %parallel_loop3A_520 : vector<16xi1>, vector<16xi32>
      %parallel_loop3A_526 = arith.minsi %parallel_loop3A_440, %parallel_loop3A_442 : vector<16xi32>
      %parallel_loop3A_527 = arith.select %parallel_loop3A_462, %parallel_loop3A_526, %parallel_loop3A_440 : vector<16xi1>, vector<16xi32>
      %parallel_loop3A_528 = arith.constant dense<true> : vector<16xi1>
      %parallel_loop3A_529 = arith.xori %parallel_loop3A_462, %parallel_loop3A_528 : vector<16xi1>
      %parallel_loop3A_530 = arith.andi %parallel_loop3A_461, %parallel_loop3A_529 : vector<16xi1>
      %parallel_loop3A_531 = arith.maxsi %parallel_loop3A_440, %parallel_loop3A_437 : vector<16xi32>
      %parallel_loop3A_532 = arith.select %parallel_loop3A_530, %parallel_loop3A_531, %parallel_loop3A_527 : vector<16xi1>, vector<16xi32>
      %parallel_loop3A_533 = arith.minsi %parallel_loop3A_442, %parallel_loop3A_445 : vector<16xi32>
      %parallel_loop3A_534 = arith.select %parallel_loop3A_463, %parallel_loop3A_533, %parallel_loop3A_442 : vector<16xi1>, vector<16xi32>
      %parallel_loop3A_535 = arith.constant dense<true> : vector<16xi1>
      %parallel_loop3A_536 = arith.xori %parallel_loop3A_463, %parallel_loop3A_535 : vector<16xi1>
      %parallel_loop3A_537 = arith.andi %parallel_loop3A_462, %parallel_loop3A_536 : vector<16xi1>
      %parallel_loop3A_538 = arith.maxsi %parallel_loop3A_442, %parallel_loop3A_440 : vector<16xi32>
      %parallel_loop3A_539 = arith.select %parallel_loop3A_537, %parallel_loop3A_538, %parallel_loop3A_534 : vector<16xi1>, vector<16xi32>
      %parallel_loop3A_540 = arith.minsi %parallel_loop3A_445, %parallel_loop3A_447 : vector<16xi32>
      %parallel_loop3A_541 = arith.select %parallel_loop3A_464, %parallel_loop3A_540, %parallel_loop3A_445 : vector<16xi1>, vector<16xi32>
      %parallel_loop3A_542 = arith.constant dense<true> : vector<16xi1>
      %parallel_loop3A_543 = arith.xori %parallel_loop3A_464, %parallel_loop3A_542 : vector<16xi1>
      %parallel_loop3A_544 = arith.andi %parallel_loop3A_463, %parallel_loop3A_543 : vector<16xi1>
      %parallel_loop3A_545 = arith.maxsi %parallel_loop3A_445, %parallel_loop3A_442 : vector<16xi32>
      %parallel_loop3A_546 = arith.select %parallel_loop3A_544, %parallel_loop3A_545, %parallel_loop3A_541 : vector<16xi1>, vector<16xi32>
      %parallel_loop3A_547 = arith.minsi %parallel_loop3A_447, %parallel_loop3A_450 : vector<16xi32>
      %parallel_loop3A_548 = arith.select %parallel_loop3A_465, %parallel_loop3A_547, %parallel_loop3A_447 : vector<16xi1>, vector<16xi32>
      %parallel_loop3A_549 = arith.constant dense<true> : vector<16xi1>
      %parallel_loop3A_550 = arith.xori %parallel_loop3A_465, %parallel_loop3A_549 : vector<16xi1>
      %parallel_loop3A_551 = arith.andi %parallel_loop3A_464, %parallel_loop3A_550 : vector<16xi1>
      %parallel_loop3A_552 = arith.maxsi %parallel_loop3A_447, %parallel_loop3A_445 : vector<16xi32>
      %parallel_loop3A_553 = arith.select %parallel_loop3A_551, %parallel_loop3A_552, %parallel_loop3A_548 : vector<16xi1>, vector<16xi32>
      %parallel_loop3A_554 = arith.minsi %parallel_loop3A_450, %parallel_loop3A_452 : vector<16xi32>
      %parallel_loop3A_555 = arith.select %parallel_loop3A_466, %parallel_loop3A_554, %parallel_loop3A_450 : vector<16xi1>, vector<16xi32>
      %parallel_loop3A_556 = arith.constant dense<true> : vector<16xi1>
      %parallel_loop3A_557 = arith.xori %parallel_loop3A_466, %parallel_loop3A_556 : vector<16xi1>
      %parallel_loop3A_558 = arith.andi %parallel_loop3A_465, %parallel_loop3A_557 : vector<16xi1>
      %parallel_loop3A_559 = arith.maxsi %parallel_loop3A_450, %parallel_loop3A_447 : vector<16xi32>
      %parallel_loop3A_560 = arith.select %parallel_loop3A_558, %parallel_loop3A_559, %parallel_loop3A_555 : vector<16xi1>, vector<16xi32>
      %parallel_loop3A_561 = arith.minsi %parallel_loop3A_452, %parallel_loop3A_397 : vector<16xi32>
      %parallel_loop3A_562 = arith.select %parallel_loop3A_467, %parallel_loop3A_561, %parallel_loop3A_452 : vector<16xi1>, vector<16xi32>
      %parallel_loop3A_563 = arith.constant dense<true> : vector<16xi1>
      %parallel_loop3A_564 = arith.xori %parallel_loop3A_467, %parallel_loop3A_563 : vector<16xi1>
      %parallel_loop3A_565 = arith.andi %parallel_loop3A_466, %parallel_loop3A_564 : vector<16xi1>
      %parallel_loop3A_566 = arith.maxsi %parallel_loop3A_452, %parallel_loop3A_450 : vector<16xi32>
      %parallel_loop3A_567 = arith.select %parallel_loop3A_565, %parallel_loop3A_566, %parallel_loop3A_562 : vector<16xi1>, vector<16xi32>
      %parallel_loop3A_568 = arith.maxsi %parallel_loop3A_397, %parallel_loop3A_452 : vector<16xi32>
      %parallel_loop3A_569 = arith.select %parallel_loop3A_467, %parallel_loop3A_568, %parallel_loop3A_397 : vector<16xi1>, vector<16xi32>
      %parallel_loop3A_570 = arith.constant 16 : i32
      %parallel_loop3A_571 = arith.index_cast %parallel_loop3A_570 : i32 to index
      %parallel_loop3A_572 = arith.index_cast %parallel_loop3A_7 : i32 to index
      %parallel_loop3A_573 = tpu.vector_load %arg5[%parallel_loop3A_571, %parallel_loop3A_572] {strides = array<i32>} : memref<64x512xf32, #tpu.memory_space<vmem>>, vector<16xf32>,
      %parallel_loop3A_574 = math.exp %parallel_loop3A_573 : vector<16xf32>
      %parallel_loop3A_575 = arith.addf %parallel_loop3A_260, %parallel_loop3A_574 : vector<16xf32>
      %parallel_loop3A_576 = arith.constant 16 : i32
      %parallel_loop3A_577 = vector.broadcast %parallel_loop3A_576 : i32 to vector<16xi32>
      %parallel_loop3A_578 = arith.constant 17 : i32
      %parallel_loop3A_579 = arith.index_cast %parallel_loop3A_578 : i32 to index
      %parallel_loop3A_580 = arith.index_cast %parallel_loop3A_7 : i32 to index
      %parallel_loop3A_581 = tpu.vector_load %arg5[%parallel_loop3A_579, %parallel_loop3A_580] {strides = array<i32>} : memref<64x512xf32, #tpu.memory_space<vmem>>, vector<16xf32>,
      %parallel_loop3A_582 = math.exp %parallel_loop3A_581 : vector<16xf32>
      %parallel_loop3A_583 = arith.addf %parallel_loop3A_575, %parallel_loop3A_582 : vector<16xf32>
      %parallel_loop3A_584 = arith.constant 17 : i32
      %parallel_loop3A_585 = vector.broadcast %parallel_loop3A_584 : i32 to vector<16xi32>
      %parallel_loop3A_586 = arith.cmpf ogt, %parallel_loop3A_581, %parallel_loop3A_573 : vector<16xf32>
      %parallel_loop3A_587 = arith.maximumf %parallel_loop3A_573, %parallel_loop3A_581 : vector<16xf32>
      %parallel_loop3A_588 = arith.select %parallel_loop3A_586, %parallel_loop3A_585, %parallel_loop3A_577 : vector<16xi1>, vector<16xi32>
      %parallel_loop3A_589 = arith.minimumf %parallel_loop3A_573, %parallel_loop3A_581 : vector<16xf32>
      %parallel_loop3A_590 = arith.select %parallel_loop3A_586, %parallel_loop3A_577, %parallel_loop3A_585 : vector<16xi1>, vector<16xi32>
      %parallel_loop3A_591 = arith.constant 18 : i32
      %parallel_loop3A_592 = arith.index_cast %parallel_loop3A_591 : i32 to index
      %parallel_loop3A_593 = arith.index_cast %parallel_loop3A_7 : i32 to index
      %parallel_loop3A_594 = tpu.vector_load %arg5[%parallel_loop3A_592, %parallel_loop3A_593] {strides = array<i32>} : memref<64x512xf32, #tpu.memory_space<vmem>>, vector<16xf32>,
      %parallel_loop3A_595 = math.exp %parallel_loop3A_594 : vector<16xf32>
      %parallel_loop3A_596 = arith.addf %parallel_loop3A_583, %parallel_loop3A_595 : vector<16xf32>
      %parallel_loop3A_597 = arith.constant 18 : i32
      %parallel_loop3A_598 = vector.broadcast %parallel_loop3A_597 : i32 to vector<16xi32>
      %parallel_loop3A_599 = arith.constant 19 : i32
      %parallel_loop3A_600 = arith.index_cast %parallel_loop3A_599 : i32 to index
      %parallel_loop3A_601 = arith.index_cast %parallel_loop3A_7 : i32 to index
      %parallel_loop3A_602 = tpu.vector_load %arg5[%parallel_loop3A_600, %parallel_loop3A_601] {strides = array<i32>} : memref<64x512xf32, #tpu.memory_space<vmem>>, vector<16xf32>,
      %parallel_loop3A_603 = math.exp %parallel_loop3A_602 : vector<16xf32>
      %parallel_loop3A_604 = arith.addf %parallel_loop3A_596, %parallel_loop3A_603 : vector<16xf32>
      %parallel_loop3A_605 = arith.constant 19 : i32
      %parallel_loop3A_606 = vector.broadcast %parallel_loop3A_605 : i32 to vector<16xi32>
      %parallel_loop3A_607 = arith.cmpf ogt, %parallel_loop3A_602, %parallel_loop3A_594 : vector<16xf32>
      %parallel_loop3A_608 = arith.maximumf %parallel_loop3A_594, %parallel_loop3A_602 : vector<16xf32>
      %parallel_loop3A_609 = arith.select %parallel_loop3A_607, %parallel_loop3A_606, %parallel_loop3A_598 : vector<16xi1>, vector<16xi32>
      %parallel_loop3A_610 = arith.minimumf %parallel_loop3A_594, %parallel_loop3A_602 : vector<16xf32>
      %parallel_loop3A_611 = arith.select %parallel_loop3A_607, %parallel_loop3A_598, %parallel_loop3A_606 : vector<16xi1>, vector<16xi32>
      %parallel_loop3A_612 = arith.cmpf ogt, %parallel_loop3A_608, %parallel_loop3A_587 : vector<16xf32>
      %parallel_loop3A_613 = arith.maximumf %parallel_loop3A_587, %parallel_loop3A_608 : vector<16xf32>
      %parallel_loop3A_614 = arith.select %parallel_loop3A_612, %parallel_loop3A_609, %parallel_loop3A_588 : vector<16xi1>, vector<16xi32>
      %parallel_loop3A_615 = arith.minimumf %parallel_loop3A_587, %parallel_loop3A_608 : vector<16xf32>
      %parallel_loop3A_616 = arith.select %parallel_loop3A_612, %parallel_loop3A_588, %parallel_loop3A_609 : vector<16xi1>, vector<16xi32>
      %parallel_loop3A_617 = arith.cmpf ogt, %parallel_loop3A_610, %parallel_loop3A_589 : vector<16xf32>
      %parallel_loop3A_618 = arith.maximumf %parallel_loop3A_589, %parallel_loop3A_610 : vector<16xf32>
      %parallel_loop3A_619 = arith.select %parallel_loop3A_617, %parallel_loop3A_611, %parallel_loop3A_590 : vector<16xi1>, vector<16xi32>
      %parallel_loop3A_620 = arith.minimumf %parallel_loop3A_589, %parallel_loop3A_610 : vector<16xf32>
      %parallel_loop3A_621 = arith.select %parallel_loop3A_617, %parallel_loop3A_590, %parallel_loop3A_611 : vector<16xi1>, vector<16xi32>
      %parallel_loop3A_622 = arith.cmpf ogt, %parallel_loop3A_615, %parallel_loop3A_618 : vector<16xf32>
      %parallel_loop3A_623 = arith.maximumf %parallel_loop3A_618, %parallel_loop3A_615 : vector<16xf32>
      %parallel_loop3A_624 = arith.select %parallel_loop3A_622, %parallel_loop3A_616, %parallel_loop3A_619 : vector<16xi1>, vector<16xi32>
      %parallel_loop3A_625 = arith.minimumf %parallel_loop3A_618, %parallel_loop3A_615 : vector<16xf32>
      %parallel_loop3A_626 = arith.select %parallel_loop3A_622, %parallel_loop3A_619, %parallel_loop3A_616 : vector<16xi1>, vector<16xi32>
      %parallel_loop3A_627 = arith.constant 20 : i32
      %parallel_loop3A_628 = arith.index_cast %parallel_loop3A_627 : i32 to index
      %parallel_loop3A_629 = arith.index_cast %parallel_loop3A_7 : i32 to index
      %parallel_loop3A_630 = tpu.vector_load %arg5[%parallel_loop3A_628, %parallel_loop3A_629] {strides = array<i32>} : memref<64x512xf32, #tpu.memory_space<vmem>>, vector<16xf32>,
      %parallel_loop3A_631 = math.exp %parallel_loop3A_630 : vector<16xf32>
      %parallel_loop3A_632 = arith.addf %parallel_loop3A_604, %parallel_loop3A_631 : vector<16xf32>
      %parallel_loop3A_633 = arith.constant 20 : i32
      %parallel_loop3A_634 = vector.broadcast %parallel_loop3A_633 : i32 to vector<16xi32>
      %parallel_loop3A_635 = arith.constant 21 : i32
      %parallel_loop3A_636 = arith.index_cast %parallel_loop3A_635 : i32 to index
      %parallel_loop3A_637 = arith.index_cast %parallel_loop3A_7 : i32 to index
      %parallel_loop3A_638 = tpu.vector_load %arg5[%parallel_loop3A_636, %parallel_loop3A_637] {strides = array<i32>} : memref<64x512xf32, #tpu.memory_space<vmem>>, vector<16xf32>,
      %parallel_loop3A_639 = math.exp %parallel_loop3A_638 : vector<16xf32>
      %parallel_loop3A_640 = arith.addf %parallel_loop3A_632, %parallel_loop3A_639 : vector<16xf32>
      %parallel_loop3A_641 = arith.constant 21 : i32
      %parallel_loop3A_642 = vector.broadcast %parallel_loop3A_641 : i32 to vector<16xi32>
      %parallel_loop3A_643 = arith.cmpf ogt, %parallel_loop3A_638, %parallel_loop3A_630 : vector<16xf32>
      %parallel_loop3A_644 = arith.maximumf %parallel_loop3A_630, %parallel_loop3A_638 : vector<16xf32>
      %parallel_loop3A_645 = arith.select %parallel_loop3A_643, %parallel_loop3A_642, %parallel_loop3A_634 : vector<16xi1>, vector<16xi32>
      %parallel_loop3A_646 = arith.minimumf %parallel_loop3A_630, %parallel_loop3A_638 : vector<16xf32>
      %parallel_loop3A_647 = arith.select %parallel_loop3A_643, %parallel_loop3A_634, %parallel_loop3A_642 : vector<16xi1>, vector<16xi32>
      %parallel_loop3A_648 = arith.constant 22 : i32
      %parallel_loop3A_649 = arith.index_cast %parallel_loop3A_648 : i32 to index
      %parallel_loop3A_650 = arith.index_cast %parallel_loop3A_7 : i32 to index
      %parallel_loop3A_651 = tpu.vector_load %arg5[%parallel_loop3A_649, %parallel_loop3A_650] {strides = array<i32>} : memref<64x512xf32, #tpu.memory_space<vmem>>, vector<16xf32>,
      %parallel_loop3A_652 = math.exp %parallel_loop3A_651 : vector<16xf32>
      %parallel_loop3A_653 = arith.addf %parallel_loop3A_640, %parallel_loop3A_652 : vector<16xf32>
      %parallel_loop3A_654 = arith.constant 22 : i32
      %parallel_loop3A_655 = vector.broadcast %parallel_loop3A_654 : i32 to vector<16xi32>
      %parallel_loop3A_656 = arith.constant 23 : i32
      %parallel_loop3A_657 = arith.index_cast %parallel_loop3A_656 : i32 to index
      %parallel_loop3A_658 = arith.index_cast %parallel_loop3A_7 : i32 to index
      %parallel_loop3A_659 = tpu.vector_load %arg5[%parallel_loop3A_657, %parallel_loop3A_658] {strides = array<i32>} : memref<64x512xf32, #tpu.memory_space<vmem>>, vector<16xf32>,
      %parallel_loop3A_660 = math.exp %parallel_loop3A_659 : vector<16xf32>
      %parallel_loop3A_661 = arith.addf %parallel_loop3A_653, %parallel_loop3A_660 : vector<16xf32>
      %parallel_loop3A_662 = arith.constant 23 : i32
      %parallel_loop3A_663 = vector.broadcast %parallel_loop3A_662 : i32 to vector<16xi32>
      %parallel_loop3A_664 = arith.cmpf ogt, %parallel_loop3A_659, %parallel_loop3A_651 : vector<16xf32>
      %parallel_loop3A_665 = arith.maximumf %parallel_loop3A_651, %parallel_loop3A_659 : vector<16xf32>
      %parallel_loop3A_666 = arith.select %parallel_loop3A_664, %parallel_loop3A_663, %parallel_loop3A_655 : vector<16xi1>, vector<16xi32>
      %parallel_loop3A_667 = arith.minimumf %parallel_loop3A_651, %parallel_loop3A_659 : vector<16xf32>
      %parallel_loop3A_668 = arith.select %parallel_loop3A_664, %parallel_loop3A_655, %parallel_loop3A_663 : vector<16xi1>, vector<16xi32>
      %parallel_loop3A_669 = arith.cmpf ogt, %parallel_loop3A_665, %parallel_loop3A_644 : vector<16xf32>
      %parallel_loop3A_670 = arith.maximumf %parallel_loop3A_644, %parallel_loop3A_665 : vector<16xf32>
      %parallel_loop3A_671 = arith.select %parallel_loop3A_669, %parallel_loop3A_666, %parallel_loop3A_645 : vector<16xi1>, vector<16xi32>
      %parallel_loop3A_672 = arith.minimumf %parallel_loop3A_644, %parallel_loop3A_665 : vector<16xf32>
      %parallel_loop3A_673 = arith.select %parallel_loop3A_669, %parallel_loop3A_645, %parallel_loop3A_666 : vector<16xi1>, vector<16xi32>
      %parallel_loop3A_674 = arith.cmpf ogt, %parallel_loop3A_667, %parallel_loop3A_646 : vector<16xf32>
      %parallel_loop3A_675 = arith.maximumf %parallel_loop3A_646, %parallel_loop3A_667 : vector<16xf32>
      %parallel_loop3A_676 = arith.select %parallel_loop3A_674, %parallel_loop3A_668, %parallel_loop3A_647 : vector<16xi1>, vector<16xi32>
      %parallel_loop3A_677 = arith.minimumf %parallel_loop3A_646, %parallel_loop3A_667 : vector<16xf32>
      %parallel_loop3A_678 = arith.select %parallel_loop3A_674, %parallel_loop3A_647, %parallel_loop3A_668 : vector<16xi1>, vector<16xi32>
      %parallel_loop3A_679 = arith.cmpf ogt, %parallel_loop3A_672, %parallel_loop3A_675 : vector<16xf32>
      %parallel_loop3A_680 = arith.maximumf %parallel_loop3A_675, %parallel_loop3A_672 : vector<16xf32>
      %parallel_loop3A_681 = arith.select %parallel_loop3A_679, %parallel_loop3A_673, %parallel_loop3A_676 : vector<16xi1>, vector<16xi32>
      %parallel_loop3A_682 = arith.minimumf %parallel_loop3A_675, %parallel_loop3A_672 : vector<16xf32>
      %parallel_loop3A_683 = arith.select %parallel_loop3A_679, %parallel_loop3A_676, %parallel_loop3A_673 : vector<16xi1>, vector<16xi32>
      %parallel_loop3A_684 = arith.cmpf ogt, %parallel_loop3A_670, %parallel_loop3A_613 : vector<16xf32>
      %parallel_loop3A_685 = arith.maximumf %parallel_loop3A_613, %parallel_loop3A_670 : vector<16xf32>
      %parallel_loop3A_686 = arith.select %parallel_loop3A_684, %parallel_loop3A_671, %parallel_loop3A_614 : vector<16xi1>, vector<16xi32>
      %parallel_loop3A_687 = arith.minimumf %parallel_loop3A_613, %parallel_loop3A_670 : vector<16xf32>
      %parallel_loop3A_688 = arith.select %parallel_loop3A_684, %parallel_loop3A_614, %parallel_loop3A_671 : vector<16xi1>, vector<16xi32>
      %parallel_loop3A_689 = arith.cmpf ogt, %parallel_loop3A_682, %parallel_loop3A_625 : vector<16xf32>
      %parallel_loop3A_690 = arith.maximumf %parallel_loop3A_625, %parallel_loop3A_682 : vector<16xf32>
      %parallel_loop3A_691 = arith.select %parallel_loop3A_689, %parallel_loop3A_683, %parallel_loop3A_626 : vector<16xi1>, vector<16xi32>
      %parallel_loop3A_692 = arith.minimumf %parallel_loop3A_625, %parallel_loop3A_682 : vector<16xf32>
      %parallel_loop3A_693 = arith.select %parallel_loop3A_689, %parallel_loop3A_626, %parallel_loop3A_683 : vector<16xi1>, vector<16xi32>
      %parallel_loop3A_694 = arith.cmpf ogt, %parallel_loop3A_687, %parallel_loop3A_690 : vector<16xf32>
      %parallel_loop3A_695 = arith.maximumf %parallel_loop3A_690, %parallel_loop3A_687 : vector<16xf32>
      %parallel_loop3A_696 = arith.select %parallel_loop3A_694, %parallel_loop3A_688, %parallel_loop3A_691 : vector<16xi1>, vector<16xi32>
      %parallel_loop3A_697 = arith.minimumf %parallel_loop3A_690, %parallel_loop3A_687 : vector<16xf32>
      %parallel_loop3A_698 = arith.select %parallel_loop3A_694, %parallel_loop3A_691, %parallel_loop3A_688 : vector<16xi1>, vector<16xi32>
      %parallel_loop3A_699 = arith.cmpf ogt, %parallel_loop3A_680, %parallel_loop3A_623 : vector<16xf32>
      %parallel_loop3A_700 = arith.maximumf %parallel_loop3A_623, %parallel_loop3A_680 : vector<16xf32>
      %parallel_loop3A_701 = arith.select %parallel_loop3A_699, %parallel_loop3A_681, %parallel_loop3A_624 : vector<16xi1>, vector<16xi32>
      %parallel_loop3A_702 = arith.minimumf %parallel_loop3A_623, %parallel_loop3A_680 : vector<16xf32>
      %parallel_loop3A_703 = arith.select %parallel_loop3A_699, %parallel_loop3A_624, %parallel_loop3A_681 : vector<16xi1>, vector<16xi32>
      %parallel_loop3A_704 = arith.cmpf ogt, %parallel_loop3A_677, %parallel_loop3A_620 : vector<16xf32>
      %parallel_loop3A_705 = arith.maximumf %parallel_loop3A_620, %parallel_loop3A_677 : vector<16xf32>
      %parallel_loop3A_706 = arith.select %parallel_loop3A_704, %parallel_loop3A_678, %parallel_loop3A_621 : vector<16xi1>, vector<16xi32>
      %parallel_loop3A_707 = arith.minimumf %parallel_loop3A_620, %parallel_loop3A_677 : vector<16xf32>
      %parallel_loop3A_708 = arith.select %parallel_loop3A_704, %parallel_loop3A_621, %parallel_loop3A_678 : vector<16xi1>, vector<16xi32>
      %parallel_loop3A_709 = arith.cmpf ogt, %parallel_loop3A_702, %parallel_loop3A_705 : vector<16xf32>
      %parallel_loop3A_710 = arith.maximumf %parallel_loop3A_705, %parallel_loop3A_702 : vector<16xf32>
      %parallel_loop3A_711 = arith.select %parallel_loop3A_709, %parallel_loop3A_703, %parallel_loop3A_706 : vector<16xi1>, vector<16xi32>
      %parallel_loop3A_712 = arith.minimumf %parallel_loop3A_705, %parallel_loop3A_702 : vector<16xf32>
      %parallel_loop3A_713 = arith.select %parallel_loop3A_709, %parallel_loop3A_706, %parallel_loop3A_703 : vector<16xi1>, vector<16xi32>
      %parallel_loop3A_714 = arith.cmpf ogt, %parallel_loop3A_695, %parallel_loop3A_700 : vector<16xf32>
      %parallel_loop3A_715 = arith.maximumf %parallel_loop3A_700, %parallel_loop3A_695 : vector<16xf32>
      %parallel_loop3A_716 = arith.select %parallel_loop3A_714, %parallel_loop3A_696, %parallel_loop3A_701 : vector<16xi1>, vector<16xi32>
      %parallel_loop3A_717 = arith.minimumf %parallel_loop3A_700, %parallel_loop3A_695 : vector<16xf32>
      %parallel_loop3A_718 = arith.select %parallel_loop3A_714, %parallel_loop3A_701, %parallel_loop3A_696 : vector<16xi1>, vector<16xi32>
      %parallel_loop3A_719 = arith.cmpf ogt, %parallel_loop3A_697, %parallel_loop3A_710 : vector<16xf32>
      %parallel_loop3A_720 = arith.maximumf %parallel_loop3A_710, %parallel_loop3A_697 : vector<16xf32>
      %parallel_loop3A_721 = arith.select %parallel_loop3A_719, %parallel_loop3A_698, %parallel_loop3A_711 : vector<16xi1>, vector<16xi32>
      %parallel_loop3A_722 = arith.minimumf %parallel_loop3A_710, %parallel_loop3A_697 : vector<16xf32>
      %parallel_loop3A_723 = arith.select %parallel_loop3A_719, %parallel_loop3A_711, %parallel_loop3A_698 : vector<16xi1>, vector<16xi32>
      %parallel_loop3A_724 = arith.cmpf ogt, %parallel_loop3A_692, %parallel_loop3A_712 : vector<16xf32>
      %parallel_loop3A_725 = arith.maximumf %parallel_loop3A_712, %parallel_loop3A_692 : vector<16xf32>
      %parallel_loop3A_726 = arith.select %parallel_loop3A_724, %parallel_loop3A_693, %parallel_loop3A_713 : vector<16xi1>, vector<16xi32>
      %parallel_loop3A_727 = arith.minimumf %parallel_loop3A_712, %parallel_loop3A_692 : vector<16xf32>
      %parallel_loop3A_728 = arith.select %parallel_loop3A_724, %parallel_loop3A_713, %parallel_loop3A_693 : vector<16xi1>, vector<16xi32>
      %parallel_loop3A_729 = arith.constant 24 : i32
      %parallel_loop3A_730 = arith.index_cast %parallel_loop3A_729 : i32 to index
      %parallel_loop3A_731 = arith.index_cast %parallel_loop3A_7 : i32 to index
      %parallel_loop3A_732 = tpu.vector_load %arg5[%parallel_loop3A_730, %parallel_loop3A_731] {strides = array<i32>} : memref<64x512xf32, #tpu.memory_space<vmem>>, vector<16xf32>,
      %parallel_loop3A_733 = math.exp %parallel_loop3A_732 : vector<16xf32>
      %parallel_loop3A_734 = arith.addf %parallel_loop3A_661, %parallel_loop3A_733 : vector<16xf32>
      %parallel_loop3A_735 = arith.constant 24 : i32
      %parallel_loop3A_736 = vector.broadcast %parallel_loop3A_735 : i32 to vector<16xi32>
      %parallel_loop3A_737 = arith.constant 25 : i32
      %parallel_loop3A_738 = arith.index_cast %parallel_loop3A_737 : i32 to index
      %parallel_loop3A_739 = arith.index_cast %parallel_loop3A_7 : i32 to index
      %parallel_loop3A_740 = tpu.vector_load %arg5[%parallel_loop3A_738, %parallel_loop3A_739] {strides = array<i32>} : memref<64x512xf32, #tpu.memory_space<vmem>>, vector<16xf32>,
      %parallel_loop3A_741 = math.exp %parallel_loop3A_740 : vector<16xf32>
      %parallel_loop3A_742 = arith.addf %parallel_loop3A_734, %parallel_loop3A_741 : vector<16xf32>
      %parallel_loop3A_743 = arith.constant 25 : i32
      %parallel_loop3A_744 = vector.broadcast %parallel_loop3A_743 : i32 to vector<16xi32>
      %parallel_loop3A_745 = arith.cmpf ogt, %parallel_loop3A_740, %parallel_loop3A_732 : vector<16xf32>
      %parallel_loop3A_746 = arith.maximumf %parallel_loop3A_732, %parallel_loop3A_740 : vector<16xf32>
      %parallel_loop3A_747 = arith.select %parallel_loop3A_745, %parallel_loop3A_744, %parallel_loop3A_736 : vector<16xi1>, vector<16xi32>
      %parallel_loop3A_748 = arith.minimumf %parallel_loop3A_732, %parallel_loop3A_740 : vector<16xf32>
      %parallel_loop3A_749 = arith.select %parallel_loop3A_745, %parallel_loop3A_736, %parallel_loop3A_744 : vector<16xi1>, vector<16xi32>
      %parallel_loop3A_750 = arith.constant 26 : i32
      %parallel_loop3A_751 = arith.index_cast %parallel_loop3A_750 : i32 to index
      %parallel_loop3A_752 = arith.index_cast %parallel_loop3A_7 : i32 to index
      %parallel_loop3A_753 = tpu.vector_load %arg5[%parallel_loop3A_751, %parallel_loop3A_752] {strides = array<i32>} : memref<64x512xf32, #tpu.memory_space<vmem>>, vector<16xf32>,
      %parallel_loop3A_754 = math.exp %parallel_loop3A_753 : vector<16xf32>
      %parallel_loop3A_755 = arith.addf %parallel_loop3A_742, %parallel_loop3A_754 : vector<16xf32>
      %parallel_loop3A_756 = arith.constant 26 : i32
      %parallel_loop3A_757 = vector.broadcast %parallel_loop3A_756 : i32 to vector<16xi32>
      %parallel_loop3A_758 = arith.constant 27 : i32
      %parallel_loop3A_759 = arith.index_cast %parallel_loop3A_758 : i32 to index
      %parallel_loop3A_760 = arith.index_cast %parallel_loop3A_7 : i32 to index
      %parallel_loop3A_761 = tpu.vector_load %arg5[%parallel_loop3A_759, %parallel_loop3A_760] {strides = array<i32>} : memref<64x512xf32, #tpu.memory_space<vmem>>, vector<16xf32>,
      %parallel_loop3A_762 = math.exp %parallel_loop3A_761 : vector<16xf32>
      %parallel_loop3A_763 = arith.addf %parallel_loop3A_755, %parallel_loop3A_762 : vector<16xf32>
      %parallel_loop3A_764 = arith.constant 27 : i32
      %parallel_loop3A_765 = vector.broadcast %parallel_loop3A_764 : i32 to vector<16xi32>
      %parallel_loop3A_766 = arith.cmpf ogt, %parallel_loop3A_761, %parallel_loop3A_753 : vector<16xf32>
      %parallel_loop3A_767 = arith.maximumf %parallel_loop3A_753, %parallel_loop3A_761 : vector<16xf32>
      %parallel_loop3A_768 = arith.select %parallel_loop3A_766, %parallel_loop3A_765, %parallel_loop3A_757 : vector<16xi1>, vector<16xi32>
      %parallel_loop3A_769 = arith.minimumf %parallel_loop3A_753, %parallel_loop3A_761 : vector<16xf32>
      %parallel_loop3A_770 = arith.select %parallel_loop3A_766, %parallel_loop3A_757, %parallel_loop3A_765 : vector<16xi1>, vector<16xi32>
      %parallel_loop3A_771 = arith.cmpf ogt, %parallel_loop3A_767, %parallel_loop3A_746 : vector<16xf32>
      %parallel_loop3A_772 = arith.maximumf %parallel_loop3A_746, %parallel_loop3A_767 : vector<16xf32>
      %parallel_loop3A_773 = arith.select %parallel_loop3A_771, %parallel_loop3A_768, %parallel_loop3A_747 : vector<16xi1>, vector<16xi32>
      %parallel_loop3A_774 = arith.minimumf %parallel_loop3A_746, %parallel_loop3A_767 : vector<16xf32>
      %parallel_loop3A_775 = arith.select %parallel_loop3A_771, %parallel_loop3A_747, %parallel_loop3A_768 : vector<16xi1>, vector<16xi32>
      %parallel_loop3A_776 = arith.cmpf ogt, %parallel_loop3A_769, %parallel_loop3A_748 : vector<16xf32>
      %parallel_loop3A_777 = arith.maximumf %parallel_loop3A_748, %parallel_loop3A_769 : vector<16xf32>
      %parallel_loop3A_778 = arith.select %parallel_loop3A_776, %parallel_loop3A_770, %parallel_loop3A_749 : vector<16xi1>, vector<16xi32>
      %parallel_loop3A_779 = arith.minimumf %parallel_loop3A_748, %parallel_loop3A_769 : vector<16xf32>
      %parallel_loop3A_780 = arith.select %parallel_loop3A_776, %parallel_loop3A_749, %parallel_loop3A_770 : vector<16xi1>, vector<16xi32>
      %parallel_loop3A_781 = arith.cmpf ogt, %parallel_loop3A_774, %parallel_loop3A_777 : vector<16xf32>
      %parallel_loop3A_782 = arith.maximumf %parallel_loop3A_777, %parallel_loop3A_774 : vector<16xf32>
      %parallel_loop3A_783 = arith.select %parallel_loop3A_781, %parallel_loop3A_775, %parallel_loop3A_778 : vector<16xi1>, vector<16xi32>
      %parallel_loop3A_784 = arith.minimumf %parallel_loop3A_777, %parallel_loop3A_774 : vector<16xf32>
      %parallel_loop3A_785 = arith.select %parallel_loop3A_781, %parallel_loop3A_778, %parallel_loop3A_775 : vector<16xi1>, vector<16xi32>
      %parallel_loop3A_786 = arith.constant 28 : i32
      %parallel_loop3A_787 = arith.index_cast %parallel_loop3A_786 : i32 to index
      %parallel_loop3A_788 = arith.index_cast %parallel_loop3A_7 : i32 to index
      %parallel_loop3A_789 = tpu.vector_load %arg5[%parallel_loop3A_787, %parallel_loop3A_788] {strides = array<i32>} : memref<64x512xf32, #tpu.memory_space<vmem>>, vector<16xf32>,
      %parallel_loop3A_790 = math.exp %parallel_loop3A_789 : vector<16xf32>
      %parallel_loop3A_791 = arith.addf %parallel_loop3A_763, %parallel_loop3A_790 : vector<16xf32>
      %parallel_loop3A_792 = arith.constant 28 : i32
      %parallel_loop3A_793 = vector.broadcast %parallel_loop3A_792 : i32 to vector<16xi32>
      %parallel_loop3A_794 = arith.constant 29 : i32
      %parallel_loop3A_795 = arith.index_cast %parallel_loop3A_794 : i32 to index
      %parallel_loop3A_796 = arith.index_cast %parallel_loop3A_7 : i32 to index
      %parallel_loop3A_797 = tpu.vector_load %arg5[%parallel_loop3A_795, %parallel_loop3A_796] {strides = array<i32>} : memref<64x512xf32, #tpu.memory_space<vmem>>, vector<16xf32>,
      %parallel_loop3A_798 = math.exp %parallel_loop3A_797 : vector<16xf32>
      %parallel_loop3A_799 = arith.addf %parallel_loop3A_791, %parallel_loop3A_798 : vector<16xf32>
      %parallel_loop3A_800 = arith.constant 29 : i32
      %parallel_loop3A_801 = vector.broadcast %parallel_loop3A_800 : i32 to vector<16xi32>
      %parallel_loop3A_802 = arith.cmpf ogt, %parallel_loop3A_797, %parallel_loop3A_789 : vector<16xf32>
      %parallel_loop3A_803 = arith.maximumf %parallel_loop3A_789, %parallel_loop3A_797 : vector<16xf32>
      %parallel_loop3A_804 = arith.select %parallel_loop3A_802, %parallel_loop3A_801, %parallel_loop3A_793 : vector<16xi1>, vector<16xi32>
      %parallel_loop3A_805 = arith.minimumf %parallel_loop3A_789, %parallel_loop3A_797 : vector<16xf32>
      %parallel_loop3A_806 = arith.select %parallel_loop3A_802, %parallel_loop3A_793, %parallel_loop3A_801 : vector<16xi1>, vector<16xi32>
      %parallel_loop3A_807 = arith.constant 30 : i32
      %parallel_loop3A_808 = arith.index_cast %parallel_loop3A_807 : i32 to index
      %parallel_loop3A_809 = arith.index_cast %parallel_loop3A_7 : i32 to index
      %parallel_loop3A_810 = tpu.vector_load %arg5[%parallel_loop3A_808, %parallel_loop3A_809] {strides = array<i32>} : memref<64x512xf32, #tpu.memory_space<vmem>>, vector<16xf32>,
      %parallel_loop3A_811 = math.exp %parallel_loop3A_810 : vector<16xf32>
      %parallel_loop3A_812 = arith.addf %parallel_loop3A_799, %parallel_loop3A_811 : vector<16xf32>
      %parallel_loop3A_813 = arith.constant 30 : i32
      %parallel_loop3A_814 = vector.broadcast %parallel_loop3A_813 : i32 to vector<16xi32>
      %parallel_loop3A_815 = arith.constant 31 : i32
      %parallel_loop3A_816 = arith.index_cast %parallel_loop3A_815 : i32 to index
      %parallel_loop3A_817 = arith.index_cast %parallel_loop3A_7 : i32 to index
      %parallel_loop3A_818 = tpu.vector_load %arg5[%parallel_loop3A_816, %parallel_loop3A_817] {strides = array<i32>} : memref<64x512xf32, #tpu.memory_space<vmem>>, vector<16xf32>,
      %parallel_loop3A_819 = math.exp %parallel_loop3A_818 : vector<16xf32>
      %parallel_loop3A_820 = arith.addf %parallel_loop3A_812, %parallel_loop3A_819 : vector<16xf32>
      %parallel_loop3A_821 = arith.constant 31 : i32
      %parallel_loop3A_822 = vector.broadcast %parallel_loop3A_821 : i32 to vector<16xi32>
      %parallel_loop3A_823 = arith.cmpf ogt, %parallel_loop3A_818, %parallel_loop3A_810 : vector<16xf32>
      %parallel_loop3A_824 = arith.maximumf %parallel_loop3A_810, %parallel_loop3A_818 : vector<16xf32>
      %parallel_loop3A_825 = arith.select %parallel_loop3A_823, %parallel_loop3A_822, %parallel_loop3A_814 : vector<16xi1>, vector<16xi32>
      %parallel_loop3A_826 = arith.minimumf %parallel_loop3A_810, %parallel_loop3A_818 : vector<16xf32>
      %parallel_loop3A_827 = arith.select %parallel_loop3A_823, %parallel_loop3A_814, %parallel_loop3A_822 : vector<16xi1>, vector<16xi32>
      %parallel_loop3A_828 = arith.cmpf ogt, %parallel_loop3A_824, %parallel_loop3A_803 : vector<16xf32>
      %parallel_loop3A_829 = arith.maximumf %parallel_loop3A_803, %parallel_loop3A_824 : vector<16xf32>
      %parallel_loop3A_830 = arith.select %parallel_loop3A_828, %parallel_loop3A_825, %parallel_loop3A_804 : vector<16xi1>, vector<16xi32>
      %parallel_loop3A_831 = arith.minimumf %parallel_loop3A_803, %parallel_loop3A_824 : vector<16xf32>
      %parallel_loop3A_832 = arith.select %parallel_loop3A_828, %parallel_loop3A_804, %parallel_loop3A_825 : vector<16xi1>, vector<16xi32>
      %parallel_loop3A_833 = arith.cmpf ogt, %parallel_loop3A_826, %parallel_loop3A_805 : vector<16xf32>
      %parallel_loop3A_834 = arith.maximumf %parallel_loop3A_805, %parallel_loop3A_826 : vector<16xf32>
      %parallel_loop3A_835 = arith.select %parallel_loop3A_833, %parallel_loop3A_827, %parallel_loop3A_806 : vector<16xi1>, vector<16xi32>
      %parallel_loop3A_836 = arith.minimumf %parallel_loop3A_805, %parallel_loop3A_826 : vector<16xf32>
      %parallel_loop3A_837 = arith.select %parallel_loop3A_833, %parallel_loop3A_806, %parallel_loop3A_827 : vector<16xi1>, vector<16xi32>
      %parallel_loop3A_838 = arith.cmpf ogt, %parallel_loop3A_831, %parallel_loop3A_834 : vector<16xf32>
      %parallel_loop3A_839 = arith.maximumf %parallel_loop3A_834, %parallel_loop3A_831 : vector<16xf32>
      %parallel_loop3A_840 = arith.select %parallel_loop3A_838, %parallel_loop3A_832, %parallel_loop3A_835 : vector<16xi1>, vector<16xi32>
      %parallel_loop3A_841 = arith.minimumf %parallel_loop3A_834, %parallel_loop3A_831 : vector<16xf32>
      %parallel_loop3A_842 = arith.select %parallel_loop3A_838, %parallel_loop3A_835, %parallel_loop3A_832 : vector<16xi1>, vector<16xi32>
      %parallel_loop3A_843 = arith.cmpf ogt, %parallel_loop3A_829, %parallel_loop3A_772 : vector<16xf32>
      %parallel_loop3A_844 = arith.maximumf %parallel_loop3A_772, %parallel_loop3A_829 : vector<16xf32>
      %parallel_loop3A_845 = arith.select %parallel_loop3A_843, %parallel_loop3A_830, %parallel_loop3A_773 : vector<16xi1>, vector<16xi32>
      %parallel_loop3A_846 = arith.minimumf %parallel_loop3A_772, %parallel_loop3A_829 : vector<16xf32>
      %parallel_loop3A_847 = arith.select %parallel_loop3A_843, %parallel_loop3A_773, %parallel_loop3A_830 : vector<16xi1>, vector<16xi32>
      %parallel_loop3A_848 = arith.cmpf ogt, %parallel_loop3A_841, %parallel_loop3A_784 : vector<16xf32>
      %parallel_loop3A_849 = arith.maximumf %parallel_loop3A_784, %parallel_loop3A_841 : vector<16xf32>
      %parallel_loop3A_850 = arith.select %parallel_loop3A_848, %parallel_loop3A_842, %parallel_loop3A_785 : vector<16xi1>, vector<16xi32>
      %parallel_loop3A_851 = arith.minimumf %parallel_loop3A_784, %parallel_loop3A_841 : vector<16xf32>
      %parallel_loop3A_852 = arith.select %parallel_loop3A_848, %parallel_loop3A_785, %parallel_loop3A_842 : vector<16xi1>, vector<16xi32>
      %parallel_loop3A_853 = arith.cmpf ogt, %parallel_loop3A_846, %parallel_loop3A_849 : vector<16xf32>
      %parallel_loop3A_854 = arith.maximumf %parallel_loop3A_849, %parallel_loop3A_846 : vector<16xf32>
      %parallel_loop3A_855 = arith.select %parallel_loop3A_853, %parallel_loop3A_847, %parallel_loop3A_850 : vector<16xi1>, vector<16xi32>
      %parallel_loop3A_856 = arith.minimumf %parallel_loop3A_849, %parallel_loop3A_846 : vector<16xf32>
      %parallel_loop3A_857 = arith.select %parallel_loop3A_853, %parallel_loop3A_850, %parallel_loop3A_847 : vector<16xi1>, vector<16xi32>
      %parallel_loop3A_858 = arith.cmpf ogt, %parallel_loop3A_839, %parallel_loop3A_782 : vector<16xf32>
      %parallel_loop3A_859 = arith.maximumf %parallel_loop3A_782, %parallel_loop3A_839 : vector<16xf32>
      %parallel_loop3A_860 = arith.select %parallel_loop3A_858, %parallel_loop3A_840, %parallel_loop3A_783 : vector<16xi1>, vector<16xi32>
      %parallel_loop3A_861 = arith.minimumf %parallel_loop3A_782, %parallel_loop3A_839 : vector<16xf32>
      %parallel_loop3A_862 = arith.select %parallel_loop3A_858, %parallel_loop3A_783, %parallel_loop3A_840 : vector<16xi1>, vector<16xi32>
      %parallel_loop3A_863 = arith.cmpf ogt, %parallel_loop3A_836, %parallel_loop3A_779 : vector<16xf32>
      %parallel_loop3A_864 = arith.maximumf %parallel_loop3A_779, %parallel_loop3A_836 : vector<16xf32>
      %parallel_loop3A_865 = arith.select %parallel_loop3A_863, %parallel_loop3A_837, %parallel_loop3A_780 : vector<16xi1>, vector<16xi32>
      %parallel_loop3A_866 = arith.minimumf %parallel_loop3A_779, %parallel_loop3A_836 : vector<16xf32>
      %parallel_loop3A_867 = arith.select %parallel_loop3A_863, %parallel_loop3A_780, %parallel_loop3A_837 : vector<16xi1>, vector<16xi32>
      %parallel_loop3A_868 = arith.cmpf ogt, %parallel_loop3A_861, %parallel_loop3A_864 : vector<16xf32>
      %parallel_loop3A_869 = arith.maximumf %parallel_loop3A_864, %parallel_loop3A_861 : vector<16xf32>
      %parallel_loop3A_870 = arith.select %parallel_loop3A_868, %parallel_loop3A_862, %parallel_loop3A_865 : vector<16xi1>, vector<16xi32>
      %parallel_loop3A_871 = arith.minimumf %parallel_loop3A_864, %parallel_loop3A_861 : vector<16xf32>
      %parallel_loop3A_872 = arith.select %parallel_loop3A_868, %parallel_loop3A_865, %parallel_loop3A_862 : vector<16xi1>, vector<16xi32>
      %parallel_loop3A_873 = arith.cmpf ogt, %parallel_loop3A_854, %parallel_loop3A_859 : vector<16xf32>
      %parallel_loop3A_874 = arith.maximumf %parallel_loop3A_859, %parallel_loop3A_854 : vector<16xf32>
      %parallel_loop3A_875 = arith.select %parallel_loop3A_873, %parallel_loop3A_855, %parallel_loop3A_860 : vector<16xi1>, vector<16xi32>
      %parallel_loop3A_876 = arith.minimumf %parallel_loop3A_859, %parallel_loop3A_854 : vector<16xf32>
      %parallel_loop3A_877 = arith.select %parallel_loop3A_873, %parallel_loop3A_860, %parallel_loop3A_855 : vector<16xi1>, vector<16xi32>
      %parallel_loop3A_878 = arith.cmpf ogt, %parallel_loop3A_856, %parallel_loop3A_869 : vector<16xf32>
      %parallel_loop3A_879 = arith.maximumf %parallel_loop3A_869, %parallel_loop3A_856 : vector<16xf32>
      %parallel_loop3A_880 = arith.select %parallel_loop3A_878, %parallel_loop3A_857, %parallel_loop3A_870 : vector<16xi1>, vector<16xi32>
      %parallel_loop3A_881 = arith.minimumf %parallel_loop3A_869, %parallel_loop3A_856 : vector<16xf32>
      %parallel_loop3A_882 = arith.select %parallel_loop3A_878, %parallel_loop3A_870, %parallel_loop3A_857 : vector<16xi1>, vector<16xi32>
      %parallel_loop3A_883 = arith.cmpf ogt, %parallel_loop3A_851, %parallel_loop3A_871 : vector<16xf32>
      %parallel_loop3A_884 = arith.maximumf %parallel_loop3A_871, %parallel_loop3A_851 : vector<16xf32>
      %parallel_loop3A_885 = arith.select %parallel_loop3A_883, %parallel_loop3A_852, %parallel_loop3A_872 : vector<16xi1>, vector<16xi32>
      %parallel_loop3A_886 = arith.minimumf %parallel_loop3A_871, %parallel_loop3A_851 : vector<16xf32>
      %parallel_loop3A_887 = arith.select %parallel_loop3A_883, %parallel_loop3A_872, %parallel_loop3A_852 : vector<16xi1>, vector<16xi32>
      %parallel_loop3A_888 = arith.cmpf ogt, %parallel_loop3A_844, %parallel_loop3A_685 : vector<16xf32>
      %parallel_loop3A_889 = arith.maximumf %parallel_loop3A_685, %parallel_loop3A_844 : vector<16xf32>
      %parallel_loop3A_890 = arith.select %parallel_loop3A_888, %parallel_loop3A_845, %parallel_loop3A_686 : vector<16xi1>, vector<16xi32>
      %parallel_loop3A_891 = arith.minimumf %parallel_loop3A_685, %parallel_loop3A_844 : vector<16xf32>
      %parallel_loop3A_892 = arith.select %parallel_loop3A_888, %parallel_loop3A_686, %parallel_loop3A_845 : vector<16xi1>, vector<16xi32>
      %parallel_loop3A_893 = arith.cmpf ogt, %parallel_loop3A_881, %parallel_loop3A_722 : vector<16xf32>
      %parallel_loop3A_894 = arith.maximumf %parallel_loop3A_722, %parallel_loop3A_881 : vector<16xf32>
      %parallel_loop3A_895 = arith.select %parallel_loop3A_893, %parallel_loop3A_882, %parallel_loop3A_723 : vector<16xi1>, vector<16xi32>
      %parallel_loop3A_896 = arith.minimumf %parallel_loop3A_722, %parallel_loop3A_881 : vector<16xf32>
      %parallel_loop3A_897 = arith.select %parallel_loop3A_893, %parallel_loop3A_723, %parallel_loop3A_882 : vector<16xi1>, vector<16xi32>
      %parallel_loop3A_898 = arith.cmpf ogt, %parallel_loop3A_891, %parallel_loop3A_894 : vector<16xf32>
      %parallel_loop3A_899 = arith.maximumf %parallel_loop3A_894, %parallel_loop3A_891 : vector<16xf32>
      %parallel_loop3A_900 = arith.select %parallel_loop3A_898, %parallel_loop3A_892, %parallel_loop3A_895 : vector<16xi1>, vector<16xi32>
      %parallel_loop3A_901 = arith.minimumf %parallel_loop3A_894, %parallel_loop3A_891 : vector<16xf32>
      %parallel_loop3A_902 = arith.select %parallel_loop3A_898, %parallel_loop3A_895, %parallel_loop3A_892 : vector<16xi1>, vector<16xi32>
      %parallel_loop3A_903 = arith.cmpf ogt, %parallel_loop3A_876, %parallel_loop3A_717 : vector<16xf32>
      %parallel_loop3A_904 = arith.maximumf %parallel_loop3A_717, %parallel_loop3A_876 : vector<16xf32>
      %parallel_loop3A_905 = arith.select %parallel_loop3A_903, %parallel_loop3A_877, %parallel_loop3A_718 : vector<16xi1>, vector<16xi32>
      %parallel_loop3A_906 = arith.minimumf %parallel_loop3A_717, %parallel_loop3A_876 : vector<16xf32>
      %parallel_loop3A_907 = arith.select %parallel_loop3A_903, %parallel_loop3A_718, %parallel_loop3A_877 : vector<16xi1>, vector<16xi32>
      %parallel_loop3A_908 = arith.cmpf ogt, %parallel_loop3A_886, %parallel_loop3A_727 : vector<16xf32>
      %parallel_loop3A_909 = arith.maximumf %parallel_loop3A_727, %parallel_loop3A_886 : vector<16xf32>
      %parallel_loop3A_910 = arith.select %parallel_loop3A_908, %parallel_loop3A_887, %parallel_loop3A_728 : vector<16xi1>, vector<16xi32>
      %parallel_loop3A_911 = arith.minimumf %parallel_loop3A_727, %parallel_loop3A_886 : vector<16xf32>
      %parallel_loop3A_912 = arith.select %parallel_loop3A_908, %parallel_loop3A_728, %parallel_loop3A_887 : vector<16xi1>, vector<16xi32>
      %parallel_loop3A_913 = arith.cmpf ogt, %parallel_loop3A_906, %parallel_loop3A_909 : vector<16xf32>
      %parallel_loop3A_914 = arith.maximumf %parallel_loop3A_909, %parallel_loop3A_906 : vector<16xf32>
      %parallel_loop3A_915 = arith.select %parallel_loop3A_913, %parallel_loop3A_907, %parallel_loop3A_910 : vector<16xi1>, vector<16xi32>
      %parallel_loop3A_916 = arith.minimumf %parallel_loop3A_909, %parallel_loop3A_906 : vector<16xf32>
      %parallel_loop3A_917 = arith.select %parallel_loop3A_913, %parallel_loop3A_910, %parallel_loop3A_907 : vector<16xi1>, vector<16xi32>
      %parallel_loop3A_918 = arith.cmpf ogt, %parallel_loop3A_899, %parallel_loop3A_904 : vector<16xf32>
      %parallel_loop3A_919 = arith.maximumf %parallel_loop3A_904, %parallel_loop3A_899 : vector<16xf32>
      %parallel_loop3A_920 = arith.select %parallel_loop3A_918, %parallel_loop3A_900, %parallel_loop3A_905 : vector<16xi1>, vector<16xi32>
      %parallel_loop3A_921 = arith.minimumf %parallel_loop3A_904, %parallel_loop3A_899 : vector<16xf32>
      %parallel_loop3A_922 = arith.select %parallel_loop3A_918, %parallel_loop3A_905, %parallel_loop3A_900 : vector<16xi1>, vector<16xi32>
      %parallel_loop3A_923 = arith.cmpf ogt, %parallel_loop3A_901, %parallel_loop3A_914 : vector<16xf32>
      %parallel_loop3A_924 = arith.maximumf %parallel_loop3A_914, %parallel_loop3A_901 : vector<16xf32>
      %parallel_loop3A_925 = arith.select %parallel_loop3A_923, %parallel_loop3A_902, %parallel_loop3A_915 : vector<16xi1>, vector<16xi32>
      %parallel_loop3A_926 = arith.minimumf %parallel_loop3A_914, %parallel_loop3A_901 : vector<16xf32>
      %parallel_loop3A_927 = arith.select %parallel_loop3A_923, %parallel_loop3A_915, %parallel_loop3A_902 : vector<16xi1>, vector<16xi32>
      %parallel_loop3A_928 = arith.cmpf ogt, %parallel_loop3A_896, %parallel_loop3A_916 : vector<16xf32>
      %parallel_loop3A_929 = arith.maximumf %parallel_loop3A_916, %parallel_loop3A_896 : vector<16xf32>
      %parallel_loop3A_930 = arith.select %parallel_loop3A_928, %parallel_loop3A_897, %parallel_loop3A_917 : vector<16xi1>, vector<16xi32>
      %parallel_loop3A_931 = arith.minimumf %parallel_loop3A_916, %parallel_loop3A_896 : vector<16xf32>
      %parallel_loop3A_932 = arith.select %parallel_loop3A_928, %parallel_loop3A_917, %parallel_loop3A_897 : vector<16xi1>, vector<16xi32>
      %parallel_loop3A_933 = arith.cmpf ogt, %parallel_loop3A_874, %parallel_loop3A_715 : vector<16xf32>
      %parallel_loop3A_934 = arith.maximumf %parallel_loop3A_715, %parallel_loop3A_874 : vector<16xf32>
      %parallel_loop3A_935 = arith.select %parallel_loop3A_933, %parallel_loop3A_875, %parallel_loop3A_716 : vector<16xi1>, vector<16xi32>
      %parallel_loop3A_936 = arith.minimumf %parallel_loop3A_715, %parallel_loop3A_874 : vector<16xf32>
      %parallel_loop3A_937 = arith.select %parallel_loop3A_933, %parallel_loop3A_716, %parallel_loop3A_875 : vector<16xi1>, vector<16xi32>
      %parallel_loop3A_938 = arith.cmpf ogt, %parallel_loop3A_884, %parallel_loop3A_725 : vector<16xf32>
      %parallel_loop3A_939 = arith.maximumf %parallel_loop3A_725, %parallel_loop3A_884 : vector<16xf32>
      %parallel_loop3A_940 = arith.select %parallel_loop3A_938, %parallel_loop3A_885, %parallel_loop3A_726 : vector<16xi1>, vector<16xi32>
      %parallel_loop3A_941 = arith.minimumf %parallel_loop3A_725, %parallel_loop3A_884 : vector<16xf32>
      %parallel_loop3A_942 = arith.select %parallel_loop3A_938, %parallel_loop3A_726, %parallel_loop3A_885 : vector<16xi1>, vector<16xi32>
      %parallel_loop3A_943 = arith.cmpf ogt, %parallel_loop3A_936, %parallel_loop3A_939 : vector<16xf32>
      %parallel_loop3A_944 = arith.maximumf %parallel_loop3A_939, %parallel_loop3A_936 : vector<16xf32>
      %parallel_loop3A_945 = arith.select %parallel_loop3A_943, %parallel_loop3A_937, %parallel_loop3A_940 : vector<16xi1>, vector<16xi32>
      %parallel_loop3A_946 = arith.minimumf %parallel_loop3A_939, %parallel_loop3A_936 : vector<16xf32>
      %parallel_loop3A_947 = arith.select %parallel_loop3A_943, %parallel_loop3A_940, %parallel_loop3A_937 : vector<16xi1>, vector<16xi32>
      %parallel_loop3A_948 = arith.cmpf ogt, %parallel_loop3A_879, %parallel_loop3A_720 : vector<16xf32>
      %parallel_loop3A_949 = arith.maximumf %parallel_loop3A_720, %parallel_loop3A_879 : vector<16xf32>
      %parallel_loop3A_950 = arith.select %parallel_loop3A_948, %parallel_loop3A_880, %parallel_loop3A_721 : vector<16xi1>, vector<16xi32>
      %parallel_loop3A_951 = arith.minimumf %parallel_loop3A_720, %parallel_loop3A_879 : vector<16xf32>
      %parallel_loop3A_952 = arith.select %parallel_loop3A_948, %parallel_loop3A_721, %parallel_loop3A_880 : vector<16xi1>, vector<16xi32>
      %parallel_loop3A_953 = arith.cmpf ogt, %parallel_loop3A_866, %parallel_loop3A_707 : vector<16xf32>
      %parallel_loop3A_954 = arith.maximumf %parallel_loop3A_707, %parallel_loop3A_866 : vector<16xf32>
      %parallel_loop3A_955 = arith.select %parallel_loop3A_953, %parallel_loop3A_867, %parallel_loop3A_708 : vector<16xi1>, vector<16xi32>
      %parallel_loop3A_956 = arith.minimumf %parallel_loop3A_707, %parallel_loop3A_866 : vector<16xf32>
      %parallel_loop3A_957 = arith.select %parallel_loop3A_953, %parallel_loop3A_708, %parallel_loop3A_867 : vector<16xi1>, vector<16xi32>
      %parallel_loop3A_958 = arith.cmpf ogt, %parallel_loop3A_951, %parallel_loop3A_954 : vector<16xf32>
      %parallel_loop3A_959 = arith.maximumf %parallel_loop3A_954, %parallel_loop3A_951 : vector<16xf32>
      %parallel_loop3A_960 = arith.select %parallel_loop3A_958, %parallel_loop3A_952, %parallel_loop3A_955 : vector<16xi1>, vector<16xi32>
      %parallel_loop3A_961 = arith.minimumf %parallel_loop3A_954, %parallel_loop3A_951 : vector<16xf32>
      %parallel_loop3A_962 = arith.select %parallel_loop3A_958, %parallel_loop3A_955, %parallel_loop3A_952 : vector<16xi1>, vector<16xi32>
      %parallel_loop3A_963 = arith.cmpf ogt, %parallel_loop3A_944, %parallel_loop3A_949 : vector<16xf32>
      %parallel_loop3A_964 = arith.maximumf %parallel_loop3A_949, %parallel_loop3A_944 : vector<16xf32>
      %parallel_loop3A_965 = arith.select %parallel_loop3A_963, %parallel_loop3A_945, %parallel_loop3A_950 : vector<16xi1>, vector<16xi32>
      %parallel_loop3A_966 = arith.minimumf %parallel_loop3A_949, %parallel_loop3A_944 : vector<16xf32>
      %parallel_loop3A_967 = arith.select %parallel_loop3A_963, %parallel_loop3A_950, %parallel_loop3A_945 : vector<16xi1>, vector<16xi32>
      %parallel_loop3A_968 = arith.cmpf ogt, %parallel_loop3A_946, %parallel_loop3A_959 : vector<16xf32>
      %parallel_loop3A_969 = arith.maximumf %parallel_loop3A_959, %parallel_loop3A_946 : vector<16xf32>
      %parallel_loop3A_970 = arith.select %parallel_loop3A_968, %parallel_loop3A_947, %parallel_loop3A_960 : vector<16xi1>, vector<16xi32>
      %parallel_loop3A_971 = arith.minimumf %parallel_loop3A_959, %parallel_loop3A_946 : vector<16xf32>
      %parallel_loop3A_972 = arith.select %parallel_loop3A_968, %parallel_loop3A_960, %parallel_loop3A_947 : vector<16xi1>, vector<16xi32>
      %parallel_loop3A_973 = arith.cmpf ogt, %parallel_loop3A_941, %parallel_loop3A_961 : vector<16xf32>
      %parallel_loop3A_974 = arith.maximumf %parallel_loop3A_961, %parallel_loop3A_941 : vector<16xf32>
      %parallel_loop3A_975 = arith.select %parallel_loop3A_973, %parallel_loop3A_942, %parallel_loop3A_962 : vector<16xi1>, vector<16xi32>
      %parallel_loop3A_976 = arith.minimumf %parallel_loop3A_961, %parallel_loop3A_941 : vector<16xf32>
      %parallel_loop3A_977 = arith.select %parallel_loop3A_973, %parallel_loop3A_962, %parallel_loop3A_942 : vector<16xi1>, vector<16xi32>
      %parallel_loop3A_978 = arith.cmpf ogt, %parallel_loop3A_919, %parallel_loop3A_934 : vector<16xf32>
      %parallel_loop3A_979 = arith.maximumf %parallel_loop3A_934, %parallel_loop3A_919 : vector<16xf32>
      %parallel_loop3A_980 = arith.select %parallel_loop3A_978, %parallel_loop3A_920, %parallel_loop3A_935 : vector<16xi1>, vector<16xi32>
      %parallel_loop3A_981 = arith.minimumf %parallel_loop3A_934, %parallel_loop3A_919 : vector<16xf32>
      %parallel_loop3A_982 = arith.select %parallel_loop3A_978, %parallel_loop3A_935, %parallel_loop3A_920 : vector<16xi1>, vector<16xi32>
      %parallel_loop3A_983 = arith.cmpf ogt, %parallel_loop3A_921, %parallel_loop3A_964 : vector<16xf32>
      %parallel_loop3A_984 = arith.maximumf %parallel_loop3A_964, %parallel_loop3A_921 : vector<16xf32>
      %parallel_loop3A_985 = arith.select %parallel_loop3A_983, %parallel_loop3A_922, %parallel_loop3A_965 : vector<16xi1>, vector<16xi32>
      %parallel_loop3A_986 = arith.minimumf %parallel_loop3A_964, %parallel_loop3A_921 : vector<16xf32>
      %parallel_loop3A_987 = arith.select %parallel_loop3A_983, %parallel_loop3A_965, %parallel_loop3A_922 : vector<16xi1>, vector<16xi32>
      %parallel_loop3A_988 = arith.cmpf ogt, %parallel_loop3A_924, %parallel_loop3A_966 : vector<16xf32>
      %parallel_loop3A_989 = arith.maximumf %parallel_loop3A_966, %parallel_loop3A_924 : vector<16xf32>
      %parallel_loop3A_990 = arith.select %parallel_loop3A_988, %parallel_loop3A_925, %parallel_loop3A_967 : vector<16xi1>, vector<16xi32>
      %parallel_loop3A_991 = arith.minimumf %parallel_loop3A_966, %parallel_loop3A_924 : vector<16xf32>
      %parallel_loop3A_992 = arith.select %parallel_loop3A_988, %parallel_loop3A_967, %parallel_loop3A_925 : vector<16xi1>, vector<16xi32>
      %parallel_loop3A_993 = arith.cmpf ogt, %parallel_loop3A_926, %parallel_loop3A_969 : vector<16xf32>
      %parallel_loop3A_994 = arith.maximumf %parallel_loop3A_969, %parallel_loop3A_926 : vector<16xf32>
      %parallel_loop3A_995 = arith.select %parallel_loop3A_993, %parallel_loop3A_927, %parallel_loop3A_970 : vector<16xi1>, vector<16xi32>
      %parallel_loop3A_996 = arith.minimumf %parallel_loop3A_969, %parallel_loop3A_926 : vector<16xf32>
      %parallel_loop3A_997 = arith.select %parallel_loop3A_993, %parallel_loop3A_970, %parallel_loop3A_927 : vector<16xi1>, vector<16xi32>
      %parallel_loop3A_998 = arith.cmpf ogt, %parallel_loop3A_929, %parallel_loop3A_971 : vector<16xf32>
      %parallel_loop3A_999 = arith.maximumf %parallel_loop3A_971, %parallel_loop3A_929 : vector<16xf32>
      %parallel_loop3A_1000 = arith.select %parallel_loop3A_998, %parallel_loop3A_930, %parallel_loop3A_972 : vector<16xi1>, vector<16xi32>
      %parallel_loop3A_1001 = arith.minimumf %parallel_loop3A_971, %parallel_loop3A_929 : vector<16xf32>
      %parallel_loop3A_1002 = arith.select %parallel_loop3A_998, %parallel_loop3A_972, %parallel_loop3A_930 : vector<16xi1>, vector<16xi32>
      %parallel_loop3A_1003 = arith.cmpf ogt, %parallel_loop3A_931, %parallel_loop3A_974 : vector<16xf32>
      %parallel_loop3A_1004 = arith.maximumf %parallel_loop3A_974, %parallel_loop3A_931 : vector<16xf32>
      %parallel_loop3A_1005 = arith.select %parallel_loop3A_1003, %parallel_loop3A_932, %parallel_loop3A_975 : vector<16xi1>, vector<16xi32>
      %parallel_loop3A_1006 = arith.minimumf %parallel_loop3A_974, %parallel_loop3A_931 : vector<16xf32>
      %parallel_loop3A_1007 = arith.select %parallel_loop3A_1003, %parallel_loop3A_975, %parallel_loop3A_932 : vector<16xi1>, vector<16xi32>
      %parallel_loop3A_1008 = arith.cmpf ogt, %parallel_loop3A_911, %parallel_loop3A_976 : vector<16xf32>
      %parallel_loop3A_1009 = arith.maximumf %parallel_loop3A_976, %parallel_loop3A_911 : vector<16xf32>
      %parallel_loop3A_1010 = arith.select %parallel_loop3A_1008, %parallel_loop3A_912, %parallel_loop3A_977 : vector<16xi1>, vector<16xi32>
      %parallel_loop3A_1011 = arith.minimumf %parallel_loop3A_976, %parallel_loop3A_911 : vector<16xf32>
      %parallel_loop3A_1012 = arith.select %parallel_loop3A_1008, %parallel_loop3A_977, %parallel_loop3A_912 : vector<16xi1>, vector<16xi32>
      %parallel_loop3A_1013 = arith.cmpf oeq, %parallel_loop3A_889, %parallel_loop3A_979 : vector<16xf32>
      %parallel_loop3A_1014 = arith.cmpf oeq, %parallel_loop3A_979, %parallel_loop3A_981 : vector<16xf32>
      %parallel_loop3A_1015 = arith.cmpf oeq, %parallel_loop3A_981, %parallel_loop3A_984 : vector<16xf32>
      %parallel_loop3A_1016 = arith.cmpf oeq, %parallel_loop3A_984, %parallel_loop3A_986 : vector<16xf32>
      %parallel_loop3A_1017 = arith.cmpf oeq, %parallel_loop3A_986, %parallel_loop3A_989 : vector<16xf32>
      %parallel_loop3A_1018 = arith.cmpf oeq, %parallel_loop3A_989, %parallel_loop3A_991 : vector<16xf32>
      %parallel_loop3A_1019 = arith.cmpf oeq, %parallel_loop3A_991, %parallel_loop3A_994 : vector<16xf32>
      %parallel_loop3A_1020 = arith.cmpf oeq, %parallel_loop3A_994, %parallel_loop3A_996 : vector<16xf32>
      %parallel_loop3A_1021 = arith.cmpf oeq, %parallel_loop3A_996, %parallel_loop3A_999 : vector<16xf32>
      %parallel_loop3A_1022 = arith.cmpf oeq, %parallel_loop3A_999, %parallel_loop3A_1001 : vector<16xf32>
      %parallel_loop3A_1023 = arith.cmpf oeq, %parallel_loop3A_1001, %parallel_loop3A_1004 : vector<16xf32>
      %parallel_loop3A_1024 = arith.cmpf oeq, %parallel_loop3A_1004, %parallel_loop3A_1006 : vector<16xf32>
      %parallel_loop3A_1025 = arith.cmpf oeq, %parallel_loop3A_1006, %parallel_loop3A_1009 : vector<16xf32>
      %parallel_loop3A_1026 = arith.cmpf oeq, %parallel_loop3A_1009, %parallel_loop3A_1011 : vector<16xf32>
      %parallel_loop3A_1027 = arith.cmpf oeq, %parallel_loop3A_1011, %parallel_loop3A_956 : vector<16xf32>
      %parallel_loop3A_1028 = arith.minsi %parallel_loop3A_890, %parallel_loop3A_980 : vector<16xi32>
      %parallel_loop3A_1029 = arith.select %parallel_loop3A_1013, %parallel_loop3A_1028, %parallel_loop3A_890 : vector<16xi1>, vector<16xi32>
      %parallel_loop3A_1030 = arith.minsi %parallel_loop3A_980, %parallel_loop3A_982 : vector<16xi32>
      %parallel_loop3A_1031 = arith.select %parallel_loop3A_1014, %parallel_loop3A_1030, %parallel_loop3A_980 : vector<16xi1>, vector<16xi32>
      %parallel_loop3A_1032 = arith.constant dense<true> : vector<16xi1>
      %parallel_loop3A_1033 = arith.xori %parallel_loop3A_1014, %parallel_loop3A_1032 : vector<16xi1>
      %parallel_loop3A_1034 = arith.andi %parallel_loop3A_1013, %parallel_loop3A_1033 : vector<16xi1>
      %parallel_loop3A_1035 = arith.maxsi %parallel_loop3A_980, %parallel_loop3A_890 : vector<16xi32>
      %parallel_loop3A_1036 = arith.select %parallel_loop3A_1034, %parallel_loop3A_1035, %parallel_loop3A_1031 : vector<16xi1>, vector<16xi32>
      %parallel_loop3A_1037 = arith.minsi %parallel_loop3A_982, %parallel_loop3A_985 : vector<16xi32>
      %parallel_loop3A_1038 = arith.select %parallel_loop3A_1015, %parallel_loop3A_1037, %parallel_loop3A_982 : vector<16xi1>, vector<16xi32>
      %parallel_loop3A_1039 = arith.constant dense<true> : vector<16xi1>
      %parallel_loop3A_1040 = arith.xori %parallel_loop3A_1015, %parallel_loop3A_1039 : vector<16xi1>
      %parallel_loop3A_1041 = arith.andi %parallel_loop3A_1014, %parallel_loop3A_1040 : vector<16xi1>
      %parallel_loop3A_1042 = arith.maxsi %parallel_loop3A_982, %parallel_loop3A_980 : vector<16xi32>
      %parallel_loop3A_1043 = arith.select %parallel_loop3A_1041, %parallel_loop3A_1042, %parallel_loop3A_1038 : vector<16xi1>, vector<16xi32>
      %parallel_loop3A_1044 = arith.minsi %parallel_loop3A_985, %parallel_loop3A_987 : vector<16xi32>
      %parallel_loop3A_1045 = arith.select %parallel_loop3A_1016, %parallel_loop3A_1044, %parallel_loop3A_985 : vector<16xi1>, vector<16xi32>
      %parallel_loop3A_1046 = arith.constant dense<true> : vector<16xi1>
      %parallel_loop3A_1047 = arith.xori %parallel_loop3A_1016, %parallel_loop3A_1046 : vector<16xi1>
      %parallel_loop3A_1048 = arith.andi %parallel_loop3A_1015, %parallel_loop3A_1047 : vector<16xi1>
      %parallel_loop3A_1049 = arith.maxsi %parallel_loop3A_985, %parallel_loop3A_982 : vector<16xi32>
      %parallel_loop3A_1050 = arith.select %parallel_loop3A_1048, %parallel_loop3A_1049, %parallel_loop3A_1045 : vector<16xi1>, vector<16xi32>
      %parallel_loop3A_1051 = arith.minsi %parallel_loop3A_987, %parallel_loop3A_990 : vector<16xi32>
      %parallel_loop3A_1052 = arith.select %parallel_loop3A_1017, %parallel_loop3A_1051, %parallel_loop3A_987 : vector<16xi1>, vector<16xi32>
      %parallel_loop3A_1053 = arith.constant dense<true> : vector<16xi1>
      %parallel_loop3A_1054 = arith.xori %parallel_loop3A_1017, %parallel_loop3A_1053 : vector<16xi1>
      %parallel_loop3A_1055 = arith.andi %parallel_loop3A_1016, %parallel_loop3A_1054 : vector<16xi1>
      %parallel_loop3A_1056 = arith.maxsi %parallel_loop3A_987, %parallel_loop3A_985 : vector<16xi32>
      %parallel_loop3A_1057 = arith.select %parallel_loop3A_1055, %parallel_loop3A_1056, %parallel_loop3A_1052 : vector<16xi1>, vector<16xi32>
      %parallel_loop3A_1058 = arith.minsi %parallel_loop3A_990, %parallel_loop3A_992 : vector<16xi32>
      %parallel_loop3A_1059 = arith.select %parallel_loop3A_1018, %parallel_loop3A_1058, %parallel_loop3A_990 : vector<16xi1>, vector<16xi32>
      %parallel_loop3A_1060 = arith.constant dense<true> : vector<16xi1>
      %parallel_loop3A_1061 = arith.xori %parallel_loop3A_1018, %parallel_loop3A_1060 : vector<16xi1>
      %parallel_loop3A_1062 = arith.andi %parallel_loop3A_1017, %parallel_loop3A_1061 : vector<16xi1>
      %parallel_loop3A_1063 = arith.maxsi %parallel_loop3A_990, %parallel_loop3A_987 : vector<16xi32>
      %parallel_loop3A_1064 = arith.select %parallel_loop3A_1062, %parallel_loop3A_1063, %parallel_loop3A_1059 : vector<16xi1>, vector<16xi32>
      %parallel_loop3A_1065 = arith.minsi %parallel_loop3A_992, %parallel_loop3A_995 : vector<16xi32>
      %parallel_loop3A_1066 = arith.select %parallel_loop3A_1019, %parallel_loop3A_1065, %parallel_loop3A_992 : vector<16xi1>, vector<16xi32>
      %parallel_loop3A_1067 = arith.constant dense<true> : vector<16xi1>
      %parallel_loop3A_1068 = arith.xori %parallel_loop3A_1019, %parallel_loop3A_1067 : vector<16xi1>
      %parallel_loop3A_1069 = arith.andi %parallel_loop3A_1018, %parallel_loop3A_1068 : vector<16xi1>
      %parallel_loop3A_1070 = arith.maxsi %parallel_loop3A_992, %parallel_loop3A_990 : vector<16xi32>
      %parallel_loop3A_1071 = arith.select %parallel_loop3A_1069, %parallel_loop3A_1070, %parallel_loop3A_1066 : vector<16xi1>, vector<16xi32>
      %parallel_loop3A_1072 = arith.minsi %parallel_loop3A_995, %parallel_loop3A_997 : vector<16xi32>
      %parallel_loop3A_1073 = arith.select %parallel_loop3A_1020, %parallel_loop3A_1072, %parallel_loop3A_995 : vector<16xi1>, vector<16xi32>
      %parallel_loop3A_1074 = arith.constant dense<true> : vector<16xi1>
      %parallel_loop3A_1075 = arith.xori %parallel_loop3A_1020, %parallel_loop3A_1074 : vector<16xi1>
      %parallel_loop3A_1076 = arith.andi %parallel_loop3A_1019, %parallel_loop3A_1075 : vector<16xi1>
      %parallel_loop3A_1077 = arith.maxsi %parallel_loop3A_995, %parallel_loop3A_992 : vector<16xi32>
      %parallel_loop3A_1078 = arith.select %parallel_loop3A_1076, %parallel_loop3A_1077, %parallel_loop3A_1073 : vector<16xi1>, vector<16xi32>
      %parallel_loop3A_1079 = arith.minsi %parallel_loop3A_997, %parallel_loop3A_1000 : vector<16xi32>
      %parallel_loop3A_1080 = arith.select %parallel_loop3A_1021, %parallel_loop3A_1079, %parallel_loop3A_997 : vector<16xi1>, vector<16xi32>
      %parallel_loop3A_1081 = arith.constant dense<true> : vector<16xi1>
      %parallel_loop3A_1082 = arith.xori %parallel_loop3A_1021, %parallel_loop3A_1081 : vector<16xi1>
      %parallel_loop3A_1083 = arith.andi %parallel_loop3A_1020, %parallel_loop3A_1082 : vector<16xi1>
      %parallel_loop3A_1084 = arith.maxsi %parallel_loop3A_997, %parallel_loop3A_995 : vector<16xi32>
      %parallel_loop3A_1085 = arith.select %parallel_loop3A_1083, %parallel_loop3A_1084, %parallel_loop3A_1080 : vector<16xi1>, vector<16xi32>
      %parallel_loop3A_1086 = arith.minsi %parallel_loop3A_1000, %parallel_loop3A_1002 : vector<16xi32>
      %parallel_loop3A_1087 = arith.select %parallel_loop3A_1022, %parallel_loop3A_1086, %parallel_loop3A_1000 : vector<16xi1>, vector<16xi32>
      %parallel_loop3A_1088 = arith.constant dense<true> : vector<16xi1>
      %parallel_loop3A_1089 = arith.xori %parallel_loop3A_1022, %parallel_loop3A_1088 : vector<16xi1>
      %parallel_loop3A_1090 = arith.andi %parallel_loop3A_1021, %parallel_loop3A_1089 : vector<16xi1>
      %parallel_loop3A_1091 = arith.maxsi %parallel_loop3A_1000, %parallel_loop3A_997 : vector<16xi32>
      %parallel_loop3A_1092 = arith.select %parallel_loop3A_1090, %parallel_loop3A_1091, %parallel_loop3A_1087 : vector<16xi1>, vector<16xi32>
      %parallel_loop3A_1093 = arith.minsi %parallel_loop3A_1002, %parallel_loop3A_1005 : vector<16xi32>
      %parallel_loop3A_1094 = arith.select %parallel_loop3A_1023, %parallel_loop3A_1093, %parallel_loop3A_1002 : vector<16xi1>, vector<16xi32>
      %parallel_loop3A_1095 = arith.constant dense<true> : vector<16xi1>
      %parallel_loop3A_1096 = arith.xori %parallel_loop3A_1023, %parallel_loop3A_1095 : vector<16xi1>
      %parallel_loop3A_1097 = arith.andi %parallel_loop3A_1022, %parallel_loop3A_1096 : vector<16xi1>
      %parallel_loop3A_1098 = arith.maxsi %parallel_loop3A_1002, %parallel_loop3A_1000 : vector<16xi32>
      %parallel_loop3A_1099 = arith.select %parallel_loop3A_1097, %parallel_loop3A_1098, %parallel_loop3A_1094 : vector<16xi1>, vector<16xi32>
      %parallel_loop3A_1100 = arith.minsi %parallel_loop3A_1005, %parallel_loop3A_1007 : vector<16xi32>
      %parallel_loop3A_1101 = arith.select %parallel_loop3A_1024, %parallel_loop3A_1100, %parallel_loop3A_1005 : vector<16xi1>, vector<16xi32>
      %parallel_loop3A_1102 = arith.constant dense<true> : vector<16xi1>
      %parallel_loop3A_1103 = arith.xori %parallel_loop3A_1024, %parallel_loop3A_1102 : vector<16xi1>
      %parallel_loop3A_1104 = arith.andi %parallel_loop3A_1023, %parallel_loop3A_1103 : vector<16xi1>
      %parallel_loop3A_1105 = arith.maxsi %parallel_loop3A_1005, %parallel_loop3A_1002 : vector<16xi32>
      %parallel_loop3A_1106 = arith.select %parallel_loop3A_1104, %parallel_loop3A_1105, %parallel_loop3A_1101 : vector<16xi1>, vector<16xi32>
      %parallel_loop3A_1107 = arith.minsi %parallel_loop3A_1007, %parallel_loop3A_1010 : vector<16xi32>
      %parallel_loop3A_1108 = arith.select %parallel_loop3A_1025, %parallel_loop3A_1107, %parallel_loop3A_1007 : vector<16xi1>, vector<16xi32>
      %parallel_loop3A_1109 = arith.constant dense<true> : vector<16xi1>
      %parallel_loop3A_1110 = arith.xori %parallel_loop3A_1025, %parallel_loop3A_1109 : vector<16xi1>
      %parallel_loop3A_1111 = arith.andi %parallel_loop3A_1024, %parallel_loop3A_1110 : vector<16xi1>
      %parallel_loop3A_1112 = arith.maxsi %parallel_loop3A_1007, %parallel_loop3A_1005 : vector<16xi32>
      %parallel_loop3A_1113 = arith.select %parallel_loop3A_1111, %parallel_loop3A_1112, %parallel_loop3A_1108 : vector<16xi1>, vector<16xi32>
      %parallel_loop3A_1114 = arith.minsi %parallel_loop3A_1010, %parallel_loop3A_1012 : vector<16xi32>
      %parallel_loop3A_1115 = arith.select %parallel_loop3A_1026, %parallel_loop3A_1114, %parallel_loop3A_1010 : vector<16xi1>, vector<16xi32>
      %parallel_loop3A_1116 = arith.constant dense<true> : vector<16xi1>
      %parallel_loop3A_1117 = arith.xori %parallel_loop3A_1026, %parallel_loop3A_1116 : vector<16xi1>
      %parallel_loop3A_1118 = arith.andi %parallel_loop3A_1025, %parallel_loop3A_1117 : vector<16xi1>
      %parallel_loop3A_1119 = arith.maxsi %parallel_loop3A_1010, %parallel_loop3A_1007 : vector<16xi32>
      %parallel_loop3A_1120 = arith.select %parallel_loop3A_1118, %parallel_loop3A_1119, %parallel_loop3A_1115 : vector<16xi1>, vector<16xi32>
      %parallel_loop3A_1121 = arith.minsi %parallel_loop3A_1012, %parallel_loop3A_957 : vector<16xi32>
      %parallel_loop3A_1122 = arith.select %parallel_loop3A_1027, %parallel_loop3A_1121, %parallel_loop3A_1012 : vector<16xi1>, vector<16xi32>
      %parallel_loop3A_1123 = arith.constant dense<true> : vector<16xi1>
      %parallel_loop3A_1124 = arith.xori %parallel_loop3A_1027, %parallel_loop3A_1123 : vector<16xi1>
      %parallel_loop3A_1125 = arith.andi %parallel_loop3A_1026, %parallel_loop3A_1124 : vector<16xi1>
      %parallel_loop3A_1126 = arith.maxsi %parallel_loop3A_1012, %parallel_loop3A_1010 : vector<16xi32>
      %parallel_loop3A_1127 = arith.select %parallel_loop3A_1125, %parallel_loop3A_1126, %parallel_loop3A_1122 : vector<16xi1>, vector<16xi32>
      %parallel_loop3A_1128 = arith.maxsi %parallel_loop3A_957, %parallel_loop3A_1012 : vector<16xi32>
      %parallel_loop3A_1129 = arith.select %parallel_loop3A_1027, %parallel_loop3A_1128, %parallel_loop3A_957 : vector<16xi1>, vector<16xi32>
      %parallel_loop3A_1130 = arith.cmpf ogt, %parallel_loop3A_889, %parallel_loop3A_329 : vector<16xf32>
      %parallel_loop3A_1131 = arith.maximumf %parallel_loop3A_329, %parallel_loop3A_889 : vector<16xf32>
      %parallel_loop3A_1132 = arith.select %parallel_loop3A_1130, %parallel_loop3A_1029, %parallel_loop3A_469 : vector<16xi1>, vector<16xi32>
      %parallel_loop3A_1133 = arith.minimumf %parallel_loop3A_329, %parallel_loop3A_889 : vector<16xf32>
      %parallel_loop3A_1134 = arith.select %parallel_loop3A_1130, %parallel_loop3A_469, %parallel_loop3A_1029 : vector<16xi1>, vector<16xi32>
      %parallel_loop3A_1135 = arith.cmpf ogt, %parallel_loop3A_986, %parallel_loop3A_426 : vector<16xf32>
      %parallel_loop3A_1136 = arith.maximumf %parallel_loop3A_426, %parallel_loop3A_986 : vector<16xf32>
      %parallel_loop3A_1137 = arith.select %parallel_loop3A_1135, %parallel_loop3A_1057, %parallel_loop3A_497 : vector<16xi1>, vector<16xi32>
      %parallel_loop3A_1138 = arith.minimumf %parallel_loop3A_426, %parallel_loop3A_986 : vector<16xf32>
      %parallel_loop3A_1139 = arith.select %parallel_loop3A_1135, %parallel_loop3A_497, %parallel_loop3A_1057 : vector<16xi1>, vector<16xi32>
      %parallel_loop3A_1140 = arith.cmpf ogt, %parallel_loop3A_1133, %parallel_loop3A_1136 : vector<16xf32>
      %parallel_loop3A_1141 = arith.maximumf %parallel_loop3A_1136, %parallel_loop3A_1133 : vector<16xf32>
      %parallel_loop3A_1142 = arith.select %parallel_loop3A_1140, %parallel_loop3A_1134, %parallel_loop3A_1137 : vector<16xi1>, vector<16xi32>
      %parallel_loop3A_1143 = arith.minimumf %parallel_loop3A_1136, %parallel_loop3A_1133 : vector<16xf32>
      %parallel_loop3A_1144 = arith.select %parallel_loop3A_1140, %parallel_loop3A_1137, %parallel_loop3A_1134 : vector<16xi1>, vector<16xi32>
      %parallel_loop3A_1145 = arith.cmpf ogt, %parallel_loop3A_981, %parallel_loop3A_421 : vector<16xf32>
      %parallel_loop3A_1146 = arith.maximumf %parallel_loop3A_421, %parallel_loop3A_981 : vector<16xf32>
      %parallel_loop3A_1147 = arith.select %parallel_loop3A_1145, %parallel_loop3A_1043, %parallel_loop3A_483 : vector<16xi1>, vector<16xi32>
      %parallel_loop3A_1148 = arith.minimumf %parallel_loop3A_421, %parallel_loop3A_981 : vector<16xf32>
      %parallel_loop3A_1149 = arith.select %parallel_loop3A_1145, %parallel_loop3A_483, %parallel_loop3A_1043 : vector<16xi1>, vector<16xi32>
      %parallel_loop3A_1150 = arith.cmpf ogt, %parallel_loop3A_991, %parallel_loop3A_431 : vector<16xf32>
      %parallel_loop3A_1151 = arith.maximumf %parallel_loop3A_431, %parallel_loop3A_991 : vector<16xf32>
      %parallel_loop3A_1152 = arith.select %parallel_loop3A_1150, %parallel_loop3A_1071, %parallel_loop3A_511 : vector<16xi1>, vector<16xi32>
      %parallel_loop3A_1153 = arith.minimumf %parallel_loop3A_431, %parallel_loop3A_991 : vector<16xf32>
      %parallel_loop3A_1154 = arith.select %parallel_loop3A_1150, %parallel_loop3A_511, %parallel_loop3A_1071 : vector<16xi1>, vector<16xi32>
      %parallel_loop3A_1155 = arith.cmpf ogt, %parallel_loop3A_1148, %parallel_loop3A_1151 : vector<16xf32>
      %parallel_loop3A_1156 = arith.maximumf %parallel_loop3A_1151, %parallel_loop3A_1148 : vector<16xf32>
      %parallel_loop3A_1157 = arith.select %parallel_loop3A_1155, %parallel_loop3A_1149, %parallel_loop3A_1152 : vector<16xi1>, vector<16xi32>
      %parallel_loop3A_1158 = arith.minimumf %parallel_loop3A_1151, %parallel_loop3A_1148 : vector<16xf32>
      %parallel_loop3A_1159 = arith.select %parallel_loop3A_1155, %parallel_loop3A_1152, %parallel_loop3A_1149 : vector<16xi1>, vector<16xi32>
      %parallel_loop3A_1160 = arith.cmpf ogt, %parallel_loop3A_1141, %parallel_loop3A_1146 : vector<16xf32>
      %parallel_loop3A_1161 = arith.maximumf %parallel_loop3A_1146, %parallel_loop3A_1141 : vector<16xf32>
      %parallel_loop3A_1162 = arith.select %parallel_loop3A_1160, %parallel_loop3A_1142, %parallel_loop3A_1147 : vector<16xi1>, vector<16xi32>
      %parallel_loop3A_1163 = arith.minimumf %parallel_loop3A_1146, %parallel_loop3A_1141 : vector<16xf32>
      %parallel_loop3A_1164 = arith.select %parallel_loop3A_1160, %parallel_loop3A_1147, %parallel_loop3A_1142 : vector<16xi1>, vector<16xi32>
      %parallel_loop3A_1165 = arith.cmpf ogt, %parallel_loop3A_1143, %parallel_loop3A_1156 : vector<16xf32>
      %parallel_loop3A_1166 = arith.maximumf %parallel_loop3A_1156, %parallel_loop3A_1143 : vector<16xf32>
      %parallel_loop3A_1167 = arith.select %parallel_loop3A_1165, %parallel_loop3A_1144, %parallel_loop3A_1157 : vector<16xi1>, vector<16xi32>
      %parallel_loop3A_1168 = arith.minimumf %parallel_loop3A_1156, %parallel_loop3A_1143 : vector<16xf32>
      %parallel_loop3A_1169 = arith.select %parallel_loop3A_1165, %parallel_loop3A_1157, %parallel_loop3A_1144 : vector<16xi1>, vector<16xi32>
      %parallel_loop3A_1170 = arith.cmpf ogt, %parallel_loop3A_1138, %parallel_loop3A_1158 : vector<16xf32>
      %parallel_loop3A_1171 = arith.maximumf %parallel_loop3A_1158, %parallel_loop3A_1138 : vector<16xf32>
      %parallel_loop3A_1172 = arith.select %parallel_loop3A_1170, %parallel_loop3A_1139, %parallel_loop3A_1159 : vector<16xi1>, vector<16xi32>
      %parallel_loop3A_1173 = arith.minimumf %parallel_loop3A_1158, %parallel_loop3A_1138 : vector<16xf32>
      %parallel_loop3A_1174 = arith.select %parallel_loop3A_1170, %parallel_loop3A_1159, %parallel_loop3A_1139 : vector<16xi1>, vector<16xi32>
      %parallel_loop3A_1175 = arith.cmpf ogt, %parallel_loop3A_979, %parallel_loop3A_419 : vector<16xf32>
      %parallel_loop3A_1176 = arith.maximumf %parallel_loop3A_419, %parallel_loop3A_979 : vector<16xf32>
      %parallel_loop3A_1177 = arith.select %parallel_loop3A_1175, %parallel_loop3A_1036, %parallel_loop3A_476 : vector<16xi1>, vector<16xi32>
      %parallel_loop3A_1178 = arith.minimumf %parallel_loop3A_419, %parallel_loop3A_979 : vector<16xf32>
      %parallel_loop3A_1179 = arith.select %parallel_loop3A_1175, %parallel_loop3A_476, %parallel_loop3A_1036 : vector<16xi1>, vector<16xi32>
      %parallel_loop3A_1180 = arith.cmpf ogt, %parallel_loop3A_989, %parallel_loop3A_429 : vector<16xf32>
      %parallel_loop3A_1181 = arith.maximumf %parallel_loop3A_429, %parallel_loop3A_989 : vector<16xf32>
      %parallel_loop3A_1182 = arith.select %parallel_loop3A_1180, %parallel_loop3A_1064, %parallel_loop3A_504 : vector<16xi1>, vector<16xi32>
      %parallel_loop3A_1183 = arith.minimumf %parallel_loop3A_429, %parallel_loop3A_989 : vector<16xf32>
      %parallel_loop3A_1184 = arith.select %parallel_loop3A_1180, %parallel_loop3A_504, %parallel_loop3A_1064 : vector<16xi1>, vector<16xi32>
      %parallel_loop3A_1185 = arith.cmpf ogt, %parallel_loop3A_1178, %parallel_loop3A_1181 : vector<16xf32>
      %parallel_loop3A_1186 = arith.maximumf %parallel_loop3A_1181, %parallel_loop3A_1178 : vector<16xf32>
      %parallel_loop3A_1187 = arith.select %parallel_loop3A_1185, %parallel_loop3A_1179, %parallel_loop3A_1182 : vector<16xi1>, vector<16xi32>
      %parallel_loop3A_1188 = arith.minimumf %parallel_loop3A_1181, %parallel_loop3A_1178 : vector<16xf32>
      %parallel_loop3A_1189 = arith.select %parallel_loop3A_1185, %parallel_loop3A_1182, %parallel_loop3A_1179 : vector<16xi1>, vector<16xi32>
      %parallel_loop3A_1190 = arith.cmpf ogt, %parallel_loop3A_984, %parallel_loop3A_424 : vector<16xf32>
      %parallel_loop3A_1191 = arith.maximumf %parallel_loop3A_424, %parallel_loop3A_984 : vector<16xf32>
      %parallel_loop3A_1192 = arith.select %parallel_loop3A_1190, %parallel_loop3A_1050, %parallel_loop3A_490 : vector<16xi1>, vector<16xi32>
      %parallel_loop3A_1193 = arith.minimumf %parallel_loop3A_424, %parallel_loop3A_984 : vector<16xf32>
      %parallel_loop3A_1194 = arith.select %parallel_loop3A_1190, %parallel_loop3A_490, %parallel_loop3A_1050 : vector<16xi1>, vector<16xi32>
      %parallel_loop3A_1195 = arith.cmpf ogt, %parallel_loop3A_994, %parallel_loop3A_434 : vector<16xf32>
      %parallel_loop3A_1196 = arith.maximumf %parallel_loop3A_434, %parallel_loop3A_994 : vector<16xf32>
      %parallel_loop3A_1197 = arith.select %parallel_loop3A_1195, %parallel_loop3A_1078, %parallel_loop3A_518 : vector<16xi1>, vector<16xi32>
      %parallel_loop3A_1198 = arith.minimumf %parallel_loop3A_434, %parallel_loop3A_994 : vector<16xf32>
      %parallel_loop3A_1199 = arith.select %parallel_loop3A_1195, %parallel_loop3A_518, %parallel_loop3A_1078 : vector<16xi1>, vector<16xi32>
      %parallel_loop3A_1200 = arith.cmpf ogt, %parallel_loop3A_1193, %parallel_loop3A_1196 : vector<16xf32>
      %parallel_loop3A_1201 = arith.maximumf %parallel_loop3A_1196, %parallel_loop3A_1193 : vector<16xf32>
      %parallel_loop3A_1202 = arith.select %parallel_loop3A_1200, %parallel_loop3A_1194, %parallel_loop3A_1197 : vector<16xi1>, vector<16xi32>
      %parallel_loop3A_1203 = arith.minimumf %parallel_loop3A_1196, %parallel_loop3A_1193 : vector<16xf32>
      %parallel_loop3A_1204 = arith.select %parallel_loop3A_1200, %parallel_loop3A_1197, %parallel_loop3A_1194 : vector<16xi1>, vector<16xi32>
      %parallel_loop3A_1205 = arith.cmpf ogt, %parallel_loop3A_1186, %parallel_loop3A_1191 : vector<16xf32>
      %parallel_loop3A_1206 = arith.maximumf %parallel_loop3A_1191, %parallel_loop3A_1186 : vector<16xf32>
      %parallel_loop3A_1207 = arith.select %parallel_loop3A_1205, %parallel_loop3A_1187, %parallel_loop3A_1192 : vector<16xi1>, vector<16xi32>
      %parallel_loop3A_1208 = arith.minimumf %parallel_loop3A_1191, %parallel_loop3A_1186 : vector<16xf32>
      %parallel_loop3A_1209 = arith.select %parallel_loop3A_1205, %parallel_loop3A_1192, %parallel_loop3A_1187 : vector<16xi1>, vector<16xi32>
      %parallel_loop3A_1210 = arith.cmpf ogt, %parallel_loop3A_1188, %parallel_loop3A_1201 : vector<16xf32>
      %parallel_loop3A_1211 = arith.maximumf %parallel_loop3A_1201, %parallel_loop3A_1188 : vector<16xf32>
      %parallel_loop3A_1212 = arith.select %parallel_loop3A_1210, %parallel_loop3A_1189, %parallel_loop3A_1202 : vector<16xi1>, vector<16xi32>
      %parallel_loop3A_1213 = arith.minimumf %parallel_loop3A_1201, %parallel_loop3A_1188 : vector<16xf32>
      %parallel_loop3A_1214 = arith.select %parallel_loop3A_1210, %parallel_loop3A_1202, %parallel_loop3A_1189 : vector<16xi1>, vector<16xi32>
      %parallel_loop3A_1215 = arith.cmpf ogt, %parallel_loop3A_1183, %parallel_loop3A_1203 : vector<16xf32>
      %parallel_loop3A_1216 = arith.maximumf %parallel_loop3A_1203, %parallel_loop3A_1183 : vector<16xf32>
      %parallel_loop3A_1217 = arith.select %parallel_loop3A_1215, %parallel_loop3A_1184, %parallel_loop3A_1204 : vector<16xi1>, vector<16xi32>
      %parallel_loop3A_1218 = arith.minimumf %parallel_loop3A_1203, %parallel_loop3A_1183 : vector<16xf32>
      %parallel_loop3A_1219 = arith.select %parallel_loop3A_1215, %parallel_loop3A_1204, %parallel_loop3A_1184 : vector<16xi1>, vector<16xi32>
      %parallel_loop3A_1220 = arith.cmpf ogt, %parallel_loop3A_1161, %parallel_loop3A_1176 : vector<16xf32>
      %parallel_loop3A_1221 = arith.maximumf %parallel_loop3A_1176, %parallel_loop3A_1161 : vector<16xf32>
      %parallel_loop3A_1222 = arith.select %parallel_loop3A_1220, %parallel_loop3A_1162, %parallel_loop3A_1177 : vector<16xi1>, vector<16xi32>
      %parallel_loop3A_1223 = arith.minimumf %parallel_loop3A_1176, %parallel_loop3A_1161 : vector<16xf32>
      %parallel_loop3A_1224 = arith.select %parallel_loop3A_1220, %parallel_loop3A_1177, %parallel_loop3A_1162 : vector<16xi1>, vector<16xi32>
      %parallel_loop3A_1225 = arith.cmpf ogt, %parallel_loop3A_1163, %parallel_loop3A_1206 : vector<16xf32>
      %parallel_loop3A_1226 = arith.maximumf %parallel_loop3A_1206, %parallel_loop3A_1163 : vector<16xf32>
      %parallel_loop3A_1227 = arith.select %parallel_loop3A_1225, %parallel_loop3A_1164, %parallel_loop3A_1207 : vector<16xi1>, vector<16xi32>
      %parallel_loop3A_1228 = arith.minimumf %parallel_loop3A_1206, %parallel_loop3A_1163 : vector<16xf32>
      %parallel_loop3A_1229 = arith.select %parallel_loop3A_1225, %parallel_loop3A_1207, %parallel_loop3A_1164 : vector<16xi1>, vector<16xi32>
      %parallel_loop3A_1230 = arith.cmpf ogt, %parallel_loop3A_1166, %parallel_loop3A_1208 : vector<16xf32>
      %parallel_loop3A_1231 = arith.maximumf %parallel_loop3A_1208, %parallel_loop3A_1166 : vector<16xf32>
      %parallel_loop3A_1232 = arith.select %parallel_loop3A_1230, %parallel_loop3A_1167, %parallel_loop3A_1209 : vector<16xi1>, vector<16xi32>
      %parallel_loop3A_1233 = arith.minimumf %parallel_loop3A_1208, %parallel_loop3A_1166 : vector<16xf32>
      %parallel_loop3A_1234 = arith.select %parallel_loop3A_1230, %parallel_loop3A_1209, %parallel_loop3A_1167 : vector<16xi1>, vector<16xi32>
      %parallel_loop3A_1235 = arith.cmpf ogt, %parallel_loop3A_1168, %parallel_loop3A_1211 : vector<16xf32>
      %parallel_loop3A_1236 = arith.maximumf %parallel_loop3A_1211, %parallel_loop3A_1168 : vector<16xf32>
      %parallel_loop3A_1237 = arith.select %parallel_loop3A_1235, %parallel_loop3A_1169, %parallel_loop3A_1212 : vector<16xi1>, vector<16xi32>
      %parallel_loop3A_1238 = arith.minimumf %parallel_loop3A_1211, %parallel_loop3A_1168 : vector<16xf32>
      %parallel_loop3A_1239 = arith.select %parallel_loop3A_1235, %parallel_loop3A_1212, %parallel_loop3A_1169 : vector<16xi1>, vector<16xi32>
      %parallel_loop3A_1240 = arith.cmpf ogt, %parallel_loop3A_1171, %parallel_loop3A_1213 : vector<16xf32>
      %parallel_loop3A_1241 = arith.maximumf %parallel_loop3A_1213, %parallel_loop3A_1171 : vector<16xf32>
      %parallel_loop3A_1242 = arith.select %parallel_loop3A_1240, %parallel_loop3A_1172, %parallel_loop3A_1214 : vector<16xi1>, vector<16xi32>
      %parallel_loop3A_1243 = arith.minimumf %parallel_loop3A_1213, %parallel_loop3A_1171 : vector<16xf32>
      %parallel_loop3A_1244 = arith.select %parallel_loop3A_1240, %parallel_loop3A_1214, %parallel_loop3A_1172 : vector<16xi1>, vector<16xi32>
      %parallel_loop3A_1245 = arith.cmpf ogt, %parallel_loop3A_1173, %parallel_loop3A_1216 : vector<16xf32>
      %parallel_loop3A_1246 = arith.maximumf %parallel_loop3A_1216, %parallel_loop3A_1173 : vector<16xf32>
      %parallel_loop3A_1247 = arith.select %parallel_loop3A_1245, %parallel_loop3A_1174, %parallel_loop3A_1217 : vector<16xi1>, vector<16xi32>
      %parallel_loop3A_1248 = arith.minimumf %parallel_loop3A_1216, %parallel_loop3A_1173 : vector<16xf32>
      %parallel_loop3A_1249 = arith.select %parallel_loop3A_1245, %parallel_loop3A_1217, %parallel_loop3A_1174 : vector<16xi1>, vector<16xi32>
      %parallel_loop3A_1250 = arith.cmpf ogt, %parallel_loop3A_1153, %parallel_loop3A_1218 : vector<16xf32>
      %parallel_loop3A_1251 = arith.maximumf %parallel_loop3A_1218, %parallel_loop3A_1153 : vector<16xf32>
      %parallel_loop3A_1252 = arith.select %parallel_loop3A_1250, %parallel_loop3A_1154, %parallel_loop3A_1219 : vector<16xi1>, vector<16xi32>
      %parallel_loop3A_1253 = arith.minimumf %parallel_loop3A_1218, %parallel_loop3A_1153 : vector<16xf32>
      %parallel_loop3A_1254 = arith.select %parallel_loop3A_1250, %parallel_loop3A_1219, %parallel_loop3A_1154 : vector<16xi1>, vector<16xi32>
      %parallel_loop3A_1255 = arith.cmpf oeq, %parallel_loop3A_1131, %parallel_loop3A_1221 : vector<16xf32>
      %parallel_loop3A_1256 = arith.cmpf oeq, %parallel_loop3A_1221, %parallel_loop3A_1223 : vector<16xf32>
      %parallel_loop3A_1257 = arith.cmpf oeq, %parallel_loop3A_1223, %parallel_loop3A_1226 : vector<16xf32>
      %parallel_loop3A_1258 = arith.cmpf oeq, %parallel_loop3A_1226, %parallel_loop3A_1228 : vector<16xf32>
      %parallel_loop3A_1259 = arith.cmpf oeq, %parallel_loop3A_1228, %parallel_loop3A_1231 : vector<16xf32>
      %parallel_loop3A_1260 = arith.cmpf oeq, %parallel_loop3A_1231, %parallel_loop3A_1233 : vector<16xf32>
      %parallel_loop3A_1261 = arith.cmpf oeq, %parallel_loop3A_1233, %parallel_loop3A_1236 : vector<16xf32>
      %parallel_loop3A_1262 = arith.cmpf oeq, %parallel_loop3A_1236, %parallel_loop3A_1238 : vector<16xf32>
      %parallel_loop3A_1263 = arith.cmpf oeq, %parallel_loop3A_1238, %parallel_loop3A_1241 : vector<16xf32>
      %parallel_loop3A_1264 = arith.cmpf oeq, %parallel_loop3A_1241, %parallel_loop3A_1243 : vector<16xf32>
      %parallel_loop3A_1265 = arith.cmpf oeq, %parallel_loop3A_1243, %parallel_loop3A_1246 : vector<16xf32>
      %parallel_loop3A_1266 = arith.cmpf oeq, %parallel_loop3A_1246, %parallel_loop3A_1248 : vector<16xf32>
      %parallel_loop3A_1267 = arith.cmpf oeq, %parallel_loop3A_1248, %parallel_loop3A_1251 : vector<16xf32>
      %parallel_loop3A_1268 = arith.cmpf oeq, %parallel_loop3A_1251, %parallel_loop3A_1253 : vector<16xf32>
      %parallel_loop3A_1269 = arith.cmpf oeq, %parallel_loop3A_1253, %parallel_loop3A_1198 : vector<16xf32>
      %parallel_loop3A_1270 = arith.minsi %parallel_loop3A_1132, %parallel_loop3A_1222 : vector<16xi32>
      %parallel_loop3A_1271 = arith.select %parallel_loop3A_1255, %parallel_loop3A_1270, %parallel_loop3A_1132 : vector<16xi1>, vector<16xi32>
      %parallel_loop3A_1272 = arith.minsi %parallel_loop3A_1222, %parallel_loop3A_1224 : vector<16xi32>
      %parallel_loop3A_1273 = arith.select %parallel_loop3A_1256, %parallel_loop3A_1272, %parallel_loop3A_1222 : vector<16xi1>, vector<16xi32>
      %parallel_loop3A_1274 = arith.constant dense<true> : vector<16xi1>
      %parallel_loop3A_1275 = arith.xori %parallel_loop3A_1256, %parallel_loop3A_1274 : vector<16xi1>
      %parallel_loop3A_1276 = arith.andi %parallel_loop3A_1255, %parallel_loop3A_1275 : vector<16xi1>
      %parallel_loop3A_1277 = arith.maxsi %parallel_loop3A_1222, %parallel_loop3A_1132 : vector<16xi32>
      %parallel_loop3A_1278 = arith.select %parallel_loop3A_1276, %parallel_loop3A_1277, %parallel_loop3A_1273 : vector<16xi1>, vector<16xi32>
      %parallel_loop3A_1279 = arith.minsi %parallel_loop3A_1224, %parallel_loop3A_1227 : vector<16xi32>
      %parallel_loop3A_1280 = arith.select %parallel_loop3A_1257, %parallel_loop3A_1279, %parallel_loop3A_1224 : vector<16xi1>, vector<16xi32>
      %parallel_loop3A_1281 = arith.constant dense<true> : vector<16xi1>
      %parallel_loop3A_1282 = arith.xori %parallel_loop3A_1257, %parallel_loop3A_1281 : vector<16xi1>
      %parallel_loop3A_1283 = arith.andi %parallel_loop3A_1256, %parallel_loop3A_1282 : vector<16xi1>
      %parallel_loop3A_1284 = arith.maxsi %parallel_loop3A_1224, %parallel_loop3A_1222 : vector<16xi32>
      %parallel_loop3A_1285 = arith.select %parallel_loop3A_1283, %parallel_loop3A_1284, %parallel_loop3A_1280 : vector<16xi1>, vector<16xi32>
      %parallel_loop3A_1286 = arith.minsi %parallel_loop3A_1227, %parallel_loop3A_1229 : vector<16xi32>
      %parallel_loop3A_1287 = arith.select %parallel_loop3A_1258, %parallel_loop3A_1286, %parallel_loop3A_1227 : vector<16xi1>, vector<16xi32>
      %parallel_loop3A_1288 = arith.constant dense<true> : vector<16xi1>
      %parallel_loop3A_1289 = arith.xori %parallel_loop3A_1258, %parallel_loop3A_1288 : vector<16xi1>
      %parallel_loop3A_1290 = arith.andi %parallel_loop3A_1257, %parallel_loop3A_1289 : vector<16xi1>
      %parallel_loop3A_1291 = arith.maxsi %parallel_loop3A_1227, %parallel_loop3A_1224 : vector<16xi32>
      %parallel_loop3A_1292 = arith.select %parallel_loop3A_1290, %parallel_loop3A_1291, %parallel_loop3A_1287 : vector<16xi1>, vector<16xi32>
      %parallel_loop3A_1293 = arith.minsi %parallel_loop3A_1229, %parallel_loop3A_1232 : vector<16xi32>
      %parallel_loop3A_1294 = arith.select %parallel_loop3A_1259, %parallel_loop3A_1293, %parallel_loop3A_1229 : vector<16xi1>, vector<16xi32>
      %parallel_loop3A_1295 = arith.constant dense<true> : vector<16xi1>
      %parallel_loop3A_1296 = arith.xori %parallel_loop3A_1259, %parallel_loop3A_1295 : vector<16xi1>
      %parallel_loop3A_1297 = arith.andi %parallel_loop3A_1258, %parallel_loop3A_1296 : vector<16xi1>
      %parallel_loop3A_1298 = arith.maxsi %parallel_loop3A_1229, %parallel_loop3A_1227 : vector<16xi32>
      %parallel_loop3A_1299 = arith.select %parallel_loop3A_1297, %parallel_loop3A_1298, %parallel_loop3A_1294 : vector<16xi1>, vector<16xi32>
      %parallel_loop3A_1300 = arith.minsi %parallel_loop3A_1232, %parallel_loop3A_1234 : vector<16xi32>
      %parallel_loop3A_1301 = arith.select %parallel_loop3A_1260, %parallel_loop3A_1300, %parallel_loop3A_1232 : vector<16xi1>, vector<16xi32>
      %parallel_loop3A_1302 = arith.constant dense<true> : vector<16xi1>
      %parallel_loop3A_1303 = arith.xori %parallel_loop3A_1260, %parallel_loop3A_1302 : vector<16xi1>
      %parallel_loop3A_1304 = arith.andi %parallel_loop3A_1259, %parallel_loop3A_1303 : vector<16xi1>
      %parallel_loop3A_1305 = arith.maxsi %parallel_loop3A_1232, %parallel_loop3A_1229 : vector<16xi32>
      %parallel_loop3A_1306 = arith.select %parallel_loop3A_1304, %parallel_loop3A_1305, %parallel_loop3A_1301 : vector<16xi1>, vector<16xi32>
      %parallel_loop3A_1307 = arith.minsi %parallel_loop3A_1234, %parallel_loop3A_1237 : vector<16xi32>
      %parallel_loop3A_1308 = arith.select %parallel_loop3A_1261, %parallel_loop3A_1307, %parallel_loop3A_1234 : vector<16xi1>, vector<16xi32>
      %parallel_loop3A_1309 = arith.constant dense<true> : vector<16xi1>
      %parallel_loop3A_1310 = arith.xori %parallel_loop3A_1261, %parallel_loop3A_1309 : vector<16xi1>
      %parallel_loop3A_1311 = arith.andi %parallel_loop3A_1260, %parallel_loop3A_1310 : vector<16xi1>
      %parallel_loop3A_1312 = arith.maxsi %parallel_loop3A_1234, %parallel_loop3A_1232 : vector<16xi32>
      %parallel_loop3A_1313 = arith.select %parallel_loop3A_1311, %parallel_loop3A_1312, %parallel_loop3A_1308 : vector<16xi1>, vector<16xi32>
      %parallel_loop3A_1314 = arith.minsi %parallel_loop3A_1237, %parallel_loop3A_1239 : vector<16xi32>
      %parallel_loop3A_1315 = arith.select %parallel_loop3A_1262, %parallel_loop3A_1314, %parallel_loop3A_1237 : vector<16xi1>, vector<16xi32>
      %parallel_loop3A_1316 = arith.constant dense<true> : vector<16xi1>
      %parallel_loop3A_1317 = arith.xori %parallel_loop3A_1262, %parallel_loop3A_1316 : vector<16xi1>
      %parallel_loop3A_1318 = arith.andi %parallel_loop3A_1261, %parallel_loop3A_1317 : vector<16xi1>
      %parallel_loop3A_1319 = arith.maxsi %parallel_loop3A_1237, %parallel_loop3A_1234 : vector<16xi32>
      %parallel_loop3A_1320 = arith.select %parallel_loop3A_1318, %parallel_loop3A_1319, %parallel_loop3A_1315 : vector<16xi1>, vector<16xi32>
      %parallel_loop3A_1321 = arith.minsi %parallel_loop3A_1239, %parallel_loop3A_1242 : vector<16xi32>
      %parallel_loop3A_1322 = arith.select %parallel_loop3A_1263, %parallel_loop3A_1321, %parallel_loop3A_1239 : vector<16xi1>, vector<16xi32>
      %parallel_loop3A_1323 = arith.constant dense<true> : vector<16xi1>
      %parallel_loop3A_1324 = arith.xori %parallel_loop3A_1263, %parallel_loop3A_1323 : vector<16xi1>
      %parallel_loop3A_1325 = arith.andi %parallel_loop3A_1262, %parallel_loop3A_1324 : vector<16xi1>
      %parallel_loop3A_1326 = arith.maxsi %parallel_loop3A_1239, %parallel_loop3A_1237 : vector<16xi32>
      %parallel_loop3A_1327 = arith.select %parallel_loop3A_1325, %parallel_loop3A_1326, %parallel_loop3A_1322 : vector<16xi1>, vector<16xi32>
      %parallel_loop3A_1328 = arith.minsi %parallel_loop3A_1242, %parallel_loop3A_1244 : vector<16xi32>
      %parallel_loop3A_1329 = arith.select %parallel_loop3A_1264, %parallel_loop3A_1328, %parallel_loop3A_1242 : vector<16xi1>, vector<16xi32>
      %parallel_loop3A_1330 = arith.constant dense<true> : vector<16xi1>
      %parallel_loop3A_1331 = arith.xori %parallel_loop3A_1264, %parallel_loop3A_1330 : vector<16xi1>
      %parallel_loop3A_1332 = arith.andi %parallel_loop3A_1263, %parallel_loop3A_1331 : vector<16xi1>
      %parallel_loop3A_1333 = arith.maxsi %parallel_loop3A_1242, %parallel_loop3A_1239 : vector<16xi32>
      %parallel_loop3A_1334 = arith.select %parallel_loop3A_1332, %parallel_loop3A_1333, %parallel_loop3A_1329 : vector<16xi1>, vector<16xi32>
      %parallel_loop3A_1335 = arith.minsi %parallel_loop3A_1244, %parallel_loop3A_1247 : vector<16xi32>
      %parallel_loop3A_1336 = arith.select %parallel_loop3A_1265, %parallel_loop3A_1335, %parallel_loop3A_1244 : vector<16xi1>, vector<16xi32>
      %parallel_loop3A_1337 = arith.constant dense<true> : vector<16xi1>
      %parallel_loop3A_1338 = arith.xori %parallel_loop3A_1265, %parallel_loop3A_1337 : vector<16xi1>
      %parallel_loop3A_1339 = arith.andi %parallel_loop3A_1264, %parallel_loop3A_1338 : vector<16xi1>
      %parallel_loop3A_1340 = arith.maxsi %parallel_loop3A_1244, %parallel_loop3A_1242 : vector<16xi32>
      %parallel_loop3A_1341 = arith.select %parallel_loop3A_1339, %parallel_loop3A_1340, %parallel_loop3A_1336 : vector<16xi1>, vector<16xi32>
      %parallel_loop3A_1342 = arith.minsi %parallel_loop3A_1247, %parallel_loop3A_1249 : vector<16xi32>
      %parallel_loop3A_1343 = arith.select %parallel_loop3A_1266, %parallel_loop3A_1342, %parallel_loop3A_1247 : vector<16xi1>, vector<16xi32>
      %parallel_loop3A_1344 = arith.constant dense<true> : vector<16xi1>
      %parallel_loop3A_1345 = arith.xori %parallel_loop3A_1266, %parallel_loop3A_1344 : vector<16xi1>
      %parallel_loop3A_1346 = arith.andi %parallel_loop3A_1265, %parallel_loop3A_1345 : vector<16xi1>
      %parallel_loop3A_1347 = arith.maxsi %parallel_loop3A_1247, %parallel_loop3A_1244 : vector<16xi32>
      %parallel_loop3A_1348 = arith.select %parallel_loop3A_1346, %parallel_loop3A_1347, %parallel_loop3A_1343 : vector<16xi1>, vector<16xi32>
      %parallel_loop3A_1349 = arith.minsi %parallel_loop3A_1249, %parallel_loop3A_1252 : vector<16xi32>
      %parallel_loop3A_1350 = arith.select %parallel_loop3A_1267, %parallel_loop3A_1349, %parallel_loop3A_1249 : vector<16xi1>, vector<16xi32>
      %parallel_loop3A_1351 = arith.constant dense<true> : vector<16xi1>
      %parallel_loop3A_1352 = arith.xori %parallel_loop3A_1267, %parallel_loop3A_1351 : vector<16xi1>
      %parallel_loop3A_1353 = arith.andi %parallel_loop3A_1266, %parallel_loop3A_1352 : vector<16xi1>
      %parallel_loop3A_1354 = arith.maxsi %parallel_loop3A_1249, %parallel_loop3A_1247 : vector<16xi32>
      %parallel_loop3A_1355 = arith.select %parallel_loop3A_1353, %parallel_loop3A_1354, %parallel_loop3A_1350 : vector<16xi1>, vector<16xi32>
      %parallel_loop3A_1356 = arith.minsi %parallel_loop3A_1252, %parallel_loop3A_1254 : vector<16xi32>
      %parallel_loop3A_1357 = arith.select %parallel_loop3A_1268, %parallel_loop3A_1356, %parallel_loop3A_1252 : vector<16xi1>, vector<16xi32>
      %parallel_loop3A_1358 = arith.constant dense<true> : vector<16xi1>
      %parallel_loop3A_1359 = arith.xori %parallel_loop3A_1268, %parallel_loop3A_1358 : vector<16xi1>
      %parallel_loop3A_1360 = arith.andi %parallel_loop3A_1267, %parallel_loop3A_1359 : vector<16xi1>
      %parallel_loop3A_1361 = arith.maxsi %parallel_loop3A_1252, %parallel_loop3A_1249 : vector<16xi32>
      %parallel_loop3A_1362 = arith.select %parallel_loop3A_1360, %parallel_loop3A_1361, %parallel_loop3A_1357 : vector<16xi1>, vector<16xi32>
      %parallel_loop3A_1363 = arith.minsi %parallel_loop3A_1254, %parallel_loop3A_1199 : vector<16xi32>
      %parallel_loop3A_1364 = arith.select %parallel_loop3A_1269, %parallel_loop3A_1363, %parallel_loop3A_1254 : vector<16xi1>, vector<16xi32>
      %parallel_loop3A_1365 = arith.constant dense<true> : vector<16xi1>
      %parallel_loop3A_1366 = arith.xori %parallel_loop3A_1269, %parallel_loop3A_1365 : vector<16xi1>
      %parallel_loop3A_1367 = arith.andi %parallel_loop3A_1268, %parallel_loop3A_1366 : vector<16xi1>
      %parallel_loop3A_1368 = arith.maxsi %parallel_loop3A_1254, %parallel_loop3A_1252 : vector<16xi32>
      %parallel_loop3A_1369 = arith.select %parallel_loop3A_1367, %parallel_loop3A_1368, %parallel_loop3A_1364 : vector<16xi1>, vector<16xi32>
      %parallel_loop3A_1370 = arith.maxsi %parallel_loop3A_1199, %parallel_loop3A_1254 : vector<16xi32>
      %parallel_loop3A_1371 = arith.select %parallel_loop3A_1269, %parallel_loop3A_1370, %parallel_loop3A_1199 : vector<16xi1>, vector<16xi32>
      %parallel_loop3A_1372 = arith.constant 32 : i32
      %parallel_loop3A_1373 = arith.index_cast %parallel_loop3A_1372 : i32 to index
      %parallel_loop3A_1374 = arith.index_cast %parallel_loop3A_7 : i32 to index
      %parallel_loop3A_1375 = tpu.vector_load %arg5[%parallel_loop3A_1373, %parallel_loop3A_1374] {strides = array<i32>} : memref<64x512xf32, #tpu.memory_space<vmem>>, vector<16xf32>,
      %parallel_loop3A_1376 = math.exp %parallel_loop3A_1375 : vector<16xf32>
      %parallel_loop3A_1377 = arith.addf %parallel_loop3A_820, %parallel_loop3A_1376 : vector<16xf32>
      %parallel_loop3A_1378 = arith.constant 32 : i32
      %parallel_loop3A_1379 = vector.broadcast %parallel_loop3A_1378 : i32 to vector<16xi32>
      %parallel_loop3A_1380 = arith.constant 33 : i32
      %parallel_loop3A_1381 = arith.index_cast %parallel_loop3A_1380 : i32 to index
      %parallel_loop3A_1382 = arith.index_cast %parallel_loop3A_7 : i32 to index
      %parallel_loop3A_1383 = tpu.vector_load %arg5[%parallel_loop3A_1381, %parallel_loop3A_1382] {strides = array<i32>} : memref<64x512xf32, #tpu.memory_space<vmem>>, vector<16xf32>,
      %parallel_loop3A_1384 = math.exp %parallel_loop3A_1383 : vector<16xf32>
      %parallel_loop3A_1385 = arith.addf %parallel_loop3A_1377, %parallel_loop3A_1384 : vector<16xf32>
      %parallel_loop3A_1386 = arith.constant 33 : i32
      %parallel_loop3A_1387 = vector.broadcast %parallel_loop3A_1386 : i32 to vector<16xi32>
      %parallel_loop3A_1388 = arith.cmpf ogt, %parallel_loop3A_1383, %parallel_loop3A_1375 : vector<16xf32>
      %parallel_loop3A_1389 = arith.maximumf %parallel_loop3A_1375, %parallel_loop3A_1383 : vector<16xf32>
      %parallel_loop3A_1390 = arith.select %parallel_loop3A_1388, %parallel_loop3A_1387, %parallel_loop3A_1379 : vector<16xi1>, vector<16xi32>
      %parallel_loop3A_1391 = arith.minimumf %parallel_loop3A_1375, %parallel_loop3A_1383 : vector<16xf32>
      %parallel_loop3A_1392 = arith.select %parallel_loop3A_1388, %parallel_loop3A_1379, %parallel_loop3A_1387 : vector<16xi1>, vector<16xi32>
      %parallel_loop3A_1393 = arith.constant 34 : i32
      %parallel_loop3A_1394 = arith.index_cast %parallel_loop3A_1393 : i32 to index
      %parallel_loop3A_1395 = arith.index_cast %parallel_loop3A_7 : i32 to index
      %parallel_loop3A_1396 = tpu.vector_load %arg5[%parallel_loop3A_1394, %parallel_loop3A_1395] {strides = array<i32>} : memref<64x512xf32, #tpu.memory_space<vmem>>, vector<16xf32>,
      %parallel_loop3A_1397 = math.exp %parallel_loop3A_1396 : vector<16xf32>
      %parallel_loop3A_1398 = arith.addf %parallel_loop3A_1385, %parallel_loop3A_1397 : vector<16xf32>
      %parallel_loop3A_1399 = arith.constant 34 : i32
      %parallel_loop3A_1400 = vector.broadcast %parallel_loop3A_1399 : i32 to vector<16xi32>
      %parallel_loop3A_1401 = arith.constant 35 : i32
      %parallel_loop3A_1402 = arith.index_cast %parallel_loop3A_1401 : i32 to index
      %parallel_loop3A_1403 = arith.index_cast %parallel_loop3A_7 : i32 to index
      %parallel_loop3A_1404 = tpu.vector_load %arg5[%parallel_loop3A_1402, %parallel_loop3A_1403] {strides = array<i32>} : memref<64x512xf32, #tpu.memory_space<vmem>>, vector<16xf32>,
      %parallel_loop3A_1405 = math.exp %parallel_loop3A_1404 : vector<16xf32>
      %parallel_loop3A_1406 = arith.addf %parallel_loop3A_1398, %parallel_loop3A_1405 : vector<16xf32>
      %parallel_loop3A_1407 = arith.constant 35 : i32
      %parallel_loop3A_1408 = vector.broadcast %parallel_loop3A_1407 : i32 to vector<16xi32>
      %parallel_loop3A_1409 = arith.cmpf ogt, %parallel_loop3A_1404, %parallel_loop3A_1396 : vector<16xf32>
      %parallel_loop3A_1410 = arith.maximumf %parallel_loop3A_1396, %parallel_loop3A_1404 : vector<16xf32>
      %parallel_loop3A_1411 = arith.select %parallel_loop3A_1409, %parallel_loop3A_1408, %parallel_loop3A_1400 : vector<16xi1>, vector<16xi32>
      %parallel_loop3A_1412 = arith.minimumf %parallel_loop3A_1396, %parallel_loop3A_1404 : vector<16xf32>
      %parallel_loop3A_1413 = arith.select %parallel_loop3A_1409, %parallel_loop3A_1400, %parallel_loop3A_1408 : vector<16xi1>, vector<16xi32>
      %parallel_loop3A_1414 = arith.cmpf ogt, %parallel_loop3A_1410, %parallel_loop3A_1389 : vector<16xf32>
      %parallel_loop3A_1415 = arith.maximumf %parallel_loop3A_1389, %parallel_loop3A_1410 : vector<16xf32>
      %parallel_loop3A_1416 = arith.select %parallel_loop3A_1414, %parallel_loop3A_1411, %parallel_loop3A_1390 : vector<16xi1>, vector<16xi32>
      %parallel_loop3A_1417 = arith.minimumf %parallel_loop3A_1389, %parallel_loop3A_1410 : vector<16xf32>
      %parallel_loop3A_1418 = arith.select %parallel_loop3A_1414, %parallel_loop3A_1390, %parallel_loop3A_1411 : vector<16xi1>, vector<16xi32>
      %parallel_loop3A_1419 = arith.cmpf ogt, %parallel_loop3A_1412, %parallel_loop3A_1391 : vector<16xf32>
      %parallel_loop3A_1420 = arith.maximumf %parallel_loop3A_1391, %parallel_loop3A_1412 : vector<16xf32>
      %parallel_loop3A_1421 = arith.select %parallel_loop3A_1419, %parallel_loop3A_1413, %parallel_loop3A_1392 : vector<16xi1>, vector<16xi32>
      %parallel_loop3A_1422 = arith.minimumf %parallel_loop3A_1391, %parallel_loop3A_1412 : vector<16xf32>
      %parallel_loop3A_1423 = arith.select %parallel_loop3A_1419, %parallel_loop3A_1392, %parallel_loop3A_1413 : vector<16xi1>, vector<16xi32>
      %parallel_loop3A_1424 = arith.cmpf ogt, %parallel_loop3A_1417, %parallel_loop3A_1420 : vector<16xf32>
      %parallel_loop3A_1425 = arith.maximumf %parallel_loop3A_1420, %parallel_loop3A_1417 : vector<16xf32>
      %parallel_loop3A_1426 = arith.select %parallel_loop3A_1424, %parallel_loop3A_1418, %parallel_loop3A_1421 : vector<16xi1>, vector<16xi32>
      %parallel_loop3A_1427 = arith.minimumf %parallel_loop3A_1420, %parallel_loop3A_1417 : vector<16xf32>
      %parallel_loop3A_1428 = arith.select %parallel_loop3A_1424, %parallel_loop3A_1421, %parallel_loop3A_1418 : vector<16xi1>, vector<16xi32>
      %parallel_loop3A_1429 = arith.constant 36 : i32
      %parallel_loop3A_1430 = arith.index_cast %parallel_loop3A_1429 : i32 to index
      %parallel_loop3A_1431 = arith.index_cast %parallel_loop3A_7 : i32 to index
      %parallel_loop3A_1432 = tpu.vector_load %arg5[%parallel_loop3A_1430, %parallel_loop3A_1431] {strides = array<i32>} : memref<64x512xf32, #tpu.memory_space<vmem>>, vector<16xf32>,
      %parallel_loop3A_1433 = math.exp %parallel_loop3A_1432 : vector<16xf32>
      %parallel_loop3A_1434 = arith.addf %parallel_loop3A_1406, %parallel_loop3A_1433 : vector<16xf32>
      %parallel_loop3A_1435 = arith.constant 36 : i32
      %parallel_loop3A_1436 = vector.broadcast %parallel_loop3A_1435 : i32 to vector<16xi32>
      %parallel_loop3A_1437 = arith.constant 37 : i32
      %parallel_loop3A_1438 = arith.index_cast %parallel_loop3A_1437 : i32 to index
      %parallel_loop3A_1439 = arith.index_cast %parallel_loop3A_7 : i32 to index
      %parallel_loop3A_1440 = tpu.vector_load %arg5[%parallel_loop3A_1438, %parallel_loop3A_1439] {strides = array<i32>} : memref<64x512xf32, #tpu.memory_space<vmem>>, vector<16xf32>,
      %parallel_loop3A_1441 = math.exp %parallel_loop3A_1440 : vector<16xf32>
      %parallel_loop3A_1442 = arith.addf %parallel_loop3A_1434, %parallel_loop3A_1441 : vector<16xf32>
      %parallel_loop3A_1443 = arith.constant 37 : i32
      %parallel_loop3A_1444 = vector.broadcast %parallel_loop3A_1443 : i32 to vector<16xi32>
      %parallel_loop3A_1445 = arith.cmpf ogt, %parallel_loop3A_1440, %parallel_loop3A_1432 : vector<16xf32>
      %parallel_loop3A_1446 = arith.maximumf %parallel_loop3A_1432, %parallel_loop3A_1440 : vector<16xf32>
      %parallel_loop3A_1447 = arith.select %parallel_loop3A_1445, %parallel_loop3A_1444, %parallel_loop3A_1436 : vector<16xi1>, vector<16xi32>
      %parallel_loop3A_1448 = arith.minimumf %parallel_loop3A_1432, %parallel_loop3A_1440 : vector<16xf32>
      %parallel_loop3A_1449 = arith.select %parallel_loop3A_1445, %parallel_loop3A_1436, %parallel_loop3A_1444 : vector<16xi1>, vector<16xi32>
      %parallel_loop3A_1450 = arith.constant 38 : i32
      %parallel_loop3A_1451 = arith.index_cast %parallel_loop3A_1450 : i32 to index
      %parallel_loop3A_1452 = arith.index_cast %parallel_loop3A_7 : i32 to index
      %parallel_loop3A_1453 = tpu.vector_load %arg5[%parallel_loop3A_1451, %parallel_loop3A_1452] {strides = array<i32>} : memref<64x512xf32, #tpu.memory_space<vmem>>, vector<16xf32>,
      %parallel_loop3A_1454 = math.exp %parallel_loop3A_1453 : vector<16xf32>
      %parallel_loop3A_1455 = arith.addf %parallel_loop3A_1442, %parallel_loop3A_1454 : vector<16xf32>
      %parallel_loop3A_1456 = arith.constant 38 : i32
      %parallel_loop3A_1457 = vector.broadcast %parallel_loop3A_1456 : i32 to vector<16xi32>
      %parallel_loop3A_1458 = arith.constant 39 : i32
      %parallel_loop3A_1459 = arith.index_cast %parallel_loop3A_1458 : i32 to index
      %parallel_loop3A_1460 = arith.index_cast %parallel_loop3A_7 : i32 to index
      %parallel_loop3A_1461 = tpu.vector_load %arg5[%parallel_loop3A_1459, %parallel_loop3A_1460] {strides = array<i32>} : memref<64x512xf32, #tpu.memory_space<vmem>>, vector<16xf32>,
      %parallel_loop3A_1462 = math.exp %parallel_loop3A_1461 : vector<16xf32>
      %parallel_loop3A_1463 = arith.addf %parallel_loop3A_1455, %parallel_loop3A_1462 : vector<16xf32>
      %parallel_loop3A_1464 = arith.constant 39 : i32
      %parallel_loop3A_1465 = vector.broadcast %parallel_loop3A_1464 : i32 to vector<16xi32>
      %parallel_loop3A_1466 = arith.cmpf ogt, %parallel_loop3A_1461, %parallel_loop3A_1453 : vector<16xf32>
      %parallel_loop3A_1467 = arith.maximumf %parallel_loop3A_1453, %parallel_loop3A_1461 : vector<16xf32>
      %parallel_loop3A_1468 = arith.select %parallel_loop3A_1466, %parallel_loop3A_1465, %parallel_loop3A_1457 : vector<16xi1>, vector<16xi32>
      %parallel_loop3A_1469 = arith.minimumf %parallel_loop3A_1453, %parallel_loop3A_1461 : vector<16xf32>
      %parallel_loop3A_1470 = arith.select %parallel_loop3A_1466, %parallel_loop3A_1457, %parallel_loop3A_1465 : vector<16xi1>, vector<16xi32>
      %parallel_loop3A_1471 = arith.cmpf ogt, %parallel_loop3A_1467, %parallel_loop3A_1446 : vector<16xf32>
      %parallel_loop3A_1472 = arith.maximumf %parallel_loop3A_1446, %parallel_loop3A_1467 : vector<16xf32>
      %parallel_loop3A_1473 = arith.select %parallel_loop3A_1471, %parallel_loop3A_1468, %parallel_loop3A_1447 : vector<16xi1>, vector<16xi32>
      %parallel_loop3A_1474 = arith.minimumf %parallel_loop3A_1446, %parallel_loop3A_1467 : vector<16xf32>
      %parallel_loop3A_1475 = arith.select %parallel_loop3A_1471, %parallel_loop3A_1447, %parallel_loop3A_1468 : vector<16xi1>, vector<16xi32>
      %parallel_loop3A_1476 = arith.cmpf ogt, %parallel_loop3A_1469, %parallel_loop3A_1448 : vector<16xf32>
      %parallel_loop3A_1477 = arith.maximumf %parallel_loop3A_1448, %parallel_loop3A_1469 : vector<16xf32>
      %parallel_loop3A_1478 = arith.select %parallel_loop3A_1476, %parallel_loop3A_1470, %parallel_loop3A_1449 : vector<16xi1>, vector<16xi32>
      %parallel_loop3A_1479 = arith.minimumf %parallel_loop3A_1448, %parallel_loop3A_1469 : vector<16xf32>
      %parallel_loop3A_1480 = arith.select %parallel_loop3A_1476, %parallel_loop3A_1449, %parallel_loop3A_1470 : vector<16xi1>, vector<16xi32>
      %parallel_loop3A_1481 = arith.cmpf ogt, %parallel_loop3A_1474, %parallel_loop3A_1477 : vector<16xf32>
      %parallel_loop3A_1482 = arith.maximumf %parallel_loop3A_1477, %parallel_loop3A_1474 : vector<16xf32>
      %parallel_loop3A_1483 = arith.select %parallel_loop3A_1481, %parallel_loop3A_1475, %parallel_loop3A_1478 : vector<16xi1>, vector<16xi32>
      %parallel_loop3A_1484 = arith.minimumf %parallel_loop3A_1477, %parallel_loop3A_1474 : vector<16xf32>
      %parallel_loop3A_1485 = arith.select %parallel_loop3A_1481, %parallel_loop3A_1478, %parallel_loop3A_1475 : vector<16xi1>, vector<16xi32>
      %parallel_loop3A_1486 = arith.cmpf ogt, %parallel_loop3A_1472, %parallel_loop3A_1415 : vector<16xf32>
      %parallel_loop3A_1487 = arith.maximumf %parallel_loop3A_1415, %parallel_loop3A_1472 : vector<16xf32>
      %parallel_loop3A_1488 = arith.select %parallel_loop3A_1486, %parallel_loop3A_1473, %parallel_loop3A_1416 : vector<16xi1>, vector<16xi32>
      %parallel_loop3A_1489 = arith.minimumf %parallel_loop3A_1415, %parallel_loop3A_1472 : vector<16xf32>
      %parallel_loop3A_1490 = arith.select %parallel_loop3A_1486, %parallel_loop3A_1416, %parallel_loop3A_1473 : vector<16xi1>, vector<16xi32>
      %parallel_loop3A_1491 = arith.cmpf ogt, %parallel_loop3A_1484, %parallel_loop3A_1427 : vector<16xf32>
      %parallel_loop3A_1492 = arith.maximumf %parallel_loop3A_1427, %parallel_loop3A_1484 : vector<16xf32>
      %parallel_loop3A_1493 = arith.select %parallel_loop3A_1491, %parallel_loop3A_1485, %parallel_loop3A_1428 : vector<16xi1>, vector<16xi32>
      %parallel_loop3A_1494 = arith.minimumf %parallel_loop3A_1427, %parallel_loop3A_1484 : vector<16xf32>
      %parallel_loop3A_1495 = arith.select %parallel_loop3A_1491, %parallel_loop3A_1428, %parallel_loop3A_1485 : vector<16xi1>, vector<16xi32>
      %parallel_loop3A_1496 = arith.cmpf ogt, %parallel_loop3A_1489, %parallel_loop3A_1492 : vector<16xf32>
      %parallel_loop3A_1497 = arith.maximumf %parallel_loop3A_1492, %parallel_loop3A_1489 : vector<16xf32>
      %parallel_loop3A_1498 = arith.select %parallel_loop3A_1496, %parallel_loop3A_1490, %parallel_loop3A_1493 : vector<16xi1>, vector<16xi32>
      %parallel_loop3A_1499 = arith.minimumf %parallel_loop3A_1492, %parallel_loop3A_1489 : vector<16xf32>
      %parallel_loop3A_1500 = arith.select %parallel_loop3A_1496, %parallel_loop3A_1493, %parallel_loop3A_1490 : vector<16xi1>, vector<16xi32>
      %parallel_loop3A_1501 = arith.cmpf ogt, %parallel_loop3A_1482, %parallel_loop3A_1425 : vector<16xf32>
      %parallel_loop3A_1502 = arith.maximumf %parallel_loop3A_1425, %parallel_loop3A_1482 : vector<16xf32>
      %parallel_loop3A_1503 = arith.select %parallel_loop3A_1501, %parallel_loop3A_1483, %parallel_loop3A_1426 : vector<16xi1>, vector<16xi32>
      %parallel_loop3A_1504 = arith.minimumf %parallel_loop3A_1425, %parallel_loop3A_1482 : vector<16xf32>
      %parallel_loop3A_1505 = arith.select %parallel_loop3A_1501, %parallel_loop3A_1426, %parallel_loop3A_1483 : vector<16xi1>, vector<16xi32>
      %parallel_loop3A_1506 = arith.cmpf ogt, %parallel_loop3A_1479, %parallel_loop3A_1422 : vector<16xf32>
      %parallel_loop3A_1507 = arith.maximumf %parallel_loop3A_1422, %parallel_loop3A_1479 : vector<16xf32>
      %parallel_loop3A_1508 = arith.select %parallel_loop3A_1506, %parallel_loop3A_1480, %parallel_loop3A_1423 : vector<16xi1>, vector<16xi32>
      %parallel_loop3A_1509 = arith.minimumf %parallel_loop3A_1422, %parallel_loop3A_1479 : vector<16xf32>
      %parallel_loop3A_1510 = arith.select %parallel_loop3A_1506, %parallel_loop3A_1423, %parallel_loop3A_1480 : vector<16xi1>, vector<16xi32>
      %parallel_loop3A_1511 = arith.cmpf ogt, %parallel_loop3A_1504, %parallel_loop3A_1507 : vector<16xf32>
      %parallel_loop3A_1512 = arith.maximumf %parallel_loop3A_1507, %parallel_loop3A_1504 : vector<16xf32>
      %parallel_loop3A_1513 = arith.select %parallel_loop3A_1511, %parallel_loop3A_1505, %parallel_loop3A_1508 : vector<16xi1>, vector<16xi32>
      %parallel_loop3A_1514 = arith.minimumf %parallel_loop3A_1507, %parallel_loop3A_1504 : vector<16xf32>
      %parallel_loop3A_1515 = arith.select %parallel_loop3A_1511, %parallel_loop3A_1508, %parallel_loop3A_1505 : vector<16xi1>, vector<16xi32>
      %parallel_loop3A_1516 = arith.cmpf ogt, %parallel_loop3A_1497, %parallel_loop3A_1502 : vector<16xf32>
      %parallel_loop3A_1517 = arith.maximumf %parallel_loop3A_1502, %parallel_loop3A_1497 : vector<16xf32>
      %parallel_loop3A_1518 = arith.select %parallel_loop3A_1516, %parallel_loop3A_1498, %parallel_loop3A_1503 : vector<16xi1>, vector<16xi32>
      %parallel_loop3A_1519 = arith.minimumf %parallel_loop3A_1502, %parallel_loop3A_1497 : vector<16xf32>
      %parallel_loop3A_1520 = arith.select %parallel_loop3A_1516, %parallel_loop3A_1503, %parallel_loop3A_1498 : vector<16xi1>, vector<16xi32>
      %parallel_loop3A_1521 = arith.cmpf ogt, %parallel_loop3A_1499, %parallel_loop3A_1512 : vector<16xf32>
      %parallel_loop3A_1522 = arith.maximumf %parallel_loop3A_1512, %parallel_loop3A_1499 : vector<16xf32>
      %parallel_loop3A_1523 = arith.select %parallel_loop3A_1521, %parallel_loop3A_1500, %parallel_loop3A_1513 : vector<16xi1>, vector<16xi32>
      %parallel_loop3A_1524 = arith.minimumf %parallel_loop3A_1512, %parallel_loop3A_1499 : vector<16xf32>
      %parallel_loop3A_1525 = arith.select %parallel_loop3A_1521, %parallel_loop3A_1513, %parallel_loop3A_1500 : vector<16xi1>, vector<16xi32>
      %parallel_loop3A_1526 = arith.cmpf ogt, %parallel_loop3A_1494, %parallel_loop3A_1514 : vector<16xf32>
      %parallel_loop3A_1527 = arith.maximumf %parallel_loop3A_1514, %parallel_loop3A_1494 : vector<16xf32>
      %parallel_loop3A_1528 = arith.select %parallel_loop3A_1526, %parallel_loop3A_1495, %parallel_loop3A_1515 : vector<16xi1>, vector<16xi32>
      %parallel_loop3A_1529 = arith.minimumf %parallel_loop3A_1514, %parallel_loop3A_1494 : vector<16xf32>
      %parallel_loop3A_1530 = arith.select %parallel_loop3A_1526, %parallel_loop3A_1515, %parallel_loop3A_1495 : vector<16xi1>, vector<16xi32>
      %parallel_loop3A_1531 = arith.constant 40 : i32
      %parallel_loop3A_1532 = arith.index_cast %parallel_loop3A_1531 : i32 to index
      %parallel_loop3A_1533 = arith.index_cast %parallel_loop3A_7 : i32 to index
      %parallel_loop3A_1534 = tpu.vector_load %arg5[%parallel_loop3A_1532, %parallel_loop3A_1533] {strides = array<i32>} : memref<64x512xf32, #tpu.memory_space<vmem>>, vector<16xf32>,
      %parallel_loop3A_1535 = math.exp %parallel_loop3A_1534 : vector<16xf32>
      %parallel_loop3A_1536 = arith.addf %parallel_loop3A_1463, %parallel_loop3A_1535 : vector<16xf32>
      %parallel_loop3A_1537 = arith.constant 40 : i32
      %parallel_loop3A_1538 = vector.broadcast %parallel_loop3A_1537 : i32 to vector<16xi32>
      %parallel_loop3A_1539 = arith.constant 41 : i32
      %parallel_loop3A_1540 = arith.index_cast %parallel_loop3A_1539 : i32 to index
      %parallel_loop3A_1541 = arith.index_cast %parallel_loop3A_7 : i32 to index
      %parallel_loop3A_1542 = tpu.vector_load %arg5[%parallel_loop3A_1540, %parallel_loop3A_1541] {strides = array<i32>} : memref<64x512xf32, #tpu.memory_space<vmem>>, vector<16xf32>,
      %parallel_loop3A_1543 = math.exp %parallel_loop3A_1542 : vector<16xf32>
      %parallel_loop3A_1544 = arith.addf %parallel_loop3A_1536, %parallel_loop3A_1543 : vector<16xf32>
      %parallel_loop3A_1545 = arith.constant 41 : i32
      %parallel_loop3A_1546 = vector.broadcast %parallel_loop3A_1545 : i32 to vector<16xi32>
      %parallel_loop3A_1547 = arith.cmpf ogt, %parallel_loop3A_1542, %parallel_loop3A_1534 : vector<16xf32>
      %parallel_loop3A_1548 = arith.maximumf %parallel_loop3A_1534, %parallel_loop3A_1542 : vector<16xf32>
      %parallel_loop3A_1549 = arith.select %parallel_loop3A_1547, %parallel_loop3A_1546, %parallel_loop3A_1538 : vector<16xi1>, vector<16xi32>
      %parallel_loop3A_1550 = arith.minimumf %parallel_loop3A_1534, %parallel_loop3A_1542 : vector<16xf32>
      %parallel_loop3A_1551 = arith.select %parallel_loop3A_1547, %parallel_loop3A_1538, %parallel_loop3A_1546 : vector<16xi1>, vector<16xi32>
      %parallel_loop3A_1552 = arith.constant 42 : i32
      %parallel_loop3A_1553 = arith.index_cast %parallel_loop3A_1552 : i32 to index
      %parallel_loop3A_1554 = arith.index_cast %parallel_loop3A_7 : i32 to index
      %parallel_loop3A_1555 = tpu.vector_load %arg5[%parallel_loop3A_1553, %parallel_loop3A_1554] {strides = array<i32>} : memref<64x512xf32, #tpu.memory_space<vmem>>, vector<16xf32>,
      %parallel_loop3A_1556 = math.exp %parallel_loop3A_1555 : vector<16xf32>
      %parallel_loop3A_1557 = arith.addf %parallel_loop3A_1544, %parallel_loop3A_1556 : vector<16xf32>
      %parallel_loop3A_1558 = arith.constant 42 : i32
      %parallel_loop3A_1559 = vector.broadcast %parallel_loop3A_1558 : i32 to vector<16xi32>
      %parallel_loop3A_1560 = arith.constant 43 : i32
      %parallel_loop3A_1561 = arith.index_cast %parallel_loop3A_1560 : i32 to index
      %parallel_loop3A_1562 = arith.index_cast %parallel_loop3A_7 : i32 to index
      %parallel_loop3A_1563 = tpu.vector_load %arg5[%parallel_loop3A_1561, %parallel_loop3A_1562] {strides = array<i32>} : memref<64x512xf32, #tpu.memory_space<vmem>>, vector<16xf32>,
      %parallel_loop3A_1564 = math.exp %parallel_loop3A_1563 : vector<16xf32>
      %parallel_loop3A_1565 = arith.addf %parallel_loop3A_1557, %parallel_loop3A_1564 : vector<16xf32>
      %parallel_loop3A_1566 = arith.constant 43 : i32
      %parallel_loop3A_1567 = vector.broadcast %parallel_loop3A_1566 : i32 to vector<16xi32>
      %parallel_loop3A_1568 = arith.cmpf ogt, %parallel_loop3A_1563, %parallel_loop3A_1555 : vector<16xf32>
      %parallel_loop3A_1569 = arith.maximumf %parallel_loop3A_1555, %parallel_loop3A_1563 : vector<16xf32>
      %parallel_loop3A_1570 = arith.select %parallel_loop3A_1568, %parallel_loop3A_1567, %parallel_loop3A_1559 : vector<16xi1>, vector<16xi32>
      %parallel_loop3A_1571 = arith.minimumf %parallel_loop3A_1555, %parallel_loop3A_1563 : vector<16xf32>
      %parallel_loop3A_1572 = arith.select %parallel_loop3A_1568, %parallel_loop3A_1559, %parallel_loop3A_1567 : vector<16xi1>, vector<16xi32>
      %parallel_loop3A_1573 = arith.cmpf ogt, %parallel_loop3A_1569, %parallel_loop3A_1548 : vector<16xf32>
      %parallel_loop3A_1574 = arith.maximumf %parallel_loop3A_1548, %parallel_loop3A_1569 : vector<16xf32>
      %parallel_loop3A_1575 = arith.select %parallel_loop3A_1573, %parallel_loop3A_1570, %parallel_loop3A_1549 : vector<16xi1>, vector<16xi32>
      %parallel_loop3A_1576 = arith.minimumf %parallel_loop3A_1548, %parallel_loop3A_1569 : vector<16xf32>
      %parallel_loop3A_1577 = arith.select %parallel_loop3A_1573, %parallel_loop3A_1549, %parallel_loop3A_1570 : vector<16xi1>, vector<16xi32>
      %parallel_loop3A_1578 = arith.cmpf ogt, %parallel_loop3A_1571, %parallel_loop3A_1550 : vector<16xf32>
      %parallel_loop3A_1579 = arith.maximumf %parallel_loop3A_1550, %parallel_loop3A_1571 : vector<16xf32>
      %parallel_loop3A_1580 = arith.select %parallel_loop3A_1578, %parallel_loop3A_1572, %parallel_loop3A_1551 : vector<16xi1>, vector<16xi32>
      %parallel_loop3A_1581 = arith.minimumf %parallel_loop3A_1550, %parallel_loop3A_1571 : vector<16xf32>
      %parallel_loop3A_1582 = arith.select %parallel_loop3A_1578, %parallel_loop3A_1551, %parallel_loop3A_1572 : vector<16xi1>, vector<16xi32>
      %parallel_loop3A_1583 = arith.cmpf ogt, %parallel_loop3A_1576, %parallel_loop3A_1579 : vector<16xf32>
      %parallel_loop3A_1584 = arith.maximumf %parallel_loop3A_1579, %parallel_loop3A_1576 : vector<16xf32>
      %parallel_loop3A_1585 = arith.select %parallel_loop3A_1583, %parallel_loop3A_1577, %parallel_loop3A_1580 : vector<16xi1>, vector<16xi32>
      %parallel_loop3A_1586 = arith.minimumf %parallel_loop3A_1579, %parallel_loop3A_1576 : vector<16xf32>
      %parallel_loop3A_1587 = arith.select %parallel_loop3A_1583, %parallel_loop3A_1580, %parallel_loop3A_1577 : vector<16xi1>, vector<16xi32>
      %parallel_loop3A_1588 = arith.constant 44 : i32
      %parallel_loop3A_1589 = arith.index_cast %parallel_loop3A_1588 : i32 to index
      %parallel_loop3A_1590 = arith.index_cast %parallel_loop3A_7 : i32 to index
      %parallel_loop3A_1591 = tpu.vector_load %arg5[%parallel_loop3A_1589, %parallel_loop3A_1590] {strides = array<i32>} : memref<64x512xf32, #tpu.memory_space<vmem>>, vector<16xf32>,
      %parallel_loop3A_1592 = math.exp %parallel_loop3A_1591 : vector<16xf32>
      %parallel_loop3A_1593 = arith.addf %parallel_loop3A_1565, %parallel_loop3A_1592 : vector<16xf32>
      %parallel_loop3A_1594 = arith.constant 44 : i32
      %parallel_loop3A_1595 = vector.broadcast %parallel_loop3A_1594 : i32 to vector<16xi32>
      %parallel_loop3A_1596 = arith.constant 45 : i32
      %parallel_loop3A_1597 = arith.index_cast %parallel_loop3A_1596 : i32 to index
      %parallel_loop3A_1598 = arith.index_cast %parallel_loop3A_7 : i32 to index
      %parallel_loop3A_1599 = tpu.vector_load %arg5[%parallel_loop3A_1597, %parallel_loop3A_1598] {strides = array<i32>} : memref<64x512xf32, #tpu.memory_space<vmem>>, vector<16xf32>,
      %parallel_loop3A_1600 = math.exp %parallel_loop3A_1599 : vector<16xf32>
      %parallel_loop3A_1601 = arith.addf %parallel_loop3A_1593, %parallel_loop3A_1600 : vector<16xf32>
      %parallel_loop3A_1602 = arith.constant 45 : i32
      %parallel_loop3A_1603 = vector.broadcast %parallel_loop3A_1602 : i32 to vector<16xi32>
      %parallel_loop3A_1604 = arith.cmpf ogt, %parallel_loop3A_1599, %parallel_loop3A_1591 : vector<16xf32>
      %parallel_loop3A_1605 = arith.maximumf %parallel_loop3A_1591, %parallel_loop3A_1599 : vector<16xf32>
      %parallel_loop3A_1606 = arith.select %parallel_loop3A_1604, %parallel_loop3A_1603, %parallel_loop3A_1595 : vector<16xi1>, vector<16xi32>
      %parallel_loop3A_1607 = arith.minimumf %parallel_loop3A_1591, %parallel_loop3A_1599 : vector<16xf32>
      %parallel_loop3A_1608 = arith.select %parallel_loop3A_1604, %parallel_loop3A_1595, %parallel_loop3A_1603 : vector<16xi1>, vector<16xi32>
      %parallel_loop3A_1609 = arith.constant 46 : i32
      %parallel_loop3A_1610 = arith.index_cast %parallel_loop3A_1609 : i32 to index
      %parallel_loop3A_1611 = arith.index_cast %parallel_loop3A_7 : i32 to index
      %parallel_loop3A_1612 = tpu.vector_load %arg5[%parallel_loop3A_1610, %parallel_loop3A_1611] {strides = array<i32>} : memref<64x512xf32, #tpu.memory_space<vmem>>, vector<16xf32>,
      %parallel_loop3A_1613 = math.exp %parallel_loop3A_1612 : vector<16xf32>
      %parallel_loop3A_1614 = arith.addf %parallel_loop3A_1601, %parallel_loop3A_1613 : vector<16xf32>
      %parallel_loop3A_1615 = arith.constant 46 : i32
      %parallel_loop3A_1616 = vector.broadcast %parallel_loop3A_1615 : i32 to vector<16xi32>
      %parallel_loop3A_1617 = arith.constant 47 : i32
      %parallel_loop3A_1618 = arith.index_cast %parallel_loop3A_1617 : i32 to index
      %parallel_loop3A_1619 = arith.index_cast %parallel_loop3A_7 : i32 to index
      %parallel_loop3A_1620 = tpu.vector_load %arg5[%parallel_loop3A_1618, %parallel_loop3A_1619] {strides = array<i32>} : memref<64x512xf32, #tpu.memory_space<vmem>>, vector<16xf32>,
      %parallel_loop3A_1621 = math.exp %parallel_loop3A_1620 : vector<16xf32>
      %parallel_loop3A_1622 = arith.addf %parallel_loop3A_1614, %parallel_loop3A_1621 : vector<16xf32>
      %parallel_loop3A_1623 = arith.constant 47 : i32
      %parallel_loop3A_1624 = vector.broadcast %parallel_loop3A_1623 : i32 to vector<16xi32>
      %parallel_loop3A_1625 = arith.cmpf ogt, %parallel_loop3A_1620, %parallel_loop3A_1612 : vector<16xf32>
      %parallel_loop3A_1626 = arith.maximumf %parallel_loop3A_1612, %parallel_loop3A_1620 : vector<16xf32>
      %parallel_loop3A_1627 = arith.select %parallel_loop3A_1625, %parallel_loop3A_1624, %parallel_loop3A_1616 : vector<16xi1>, vector<16xi32>
      %parallel_loop3A_1628 = arith.minimumf %parallel_loop3A_1612, %parallel_loop3A_1620 : vector<16xf32>
      %parallel_loop3A_1629 = arith.select %parallel_loop3A_1625, %parallel_loop3A_1616, %parallel_loop3A_1624 : vector<16xi1>, vector<16xi32>
      %parallel_loop3A_1630 = arith.cmpf ogt, %parallel_loop3A_1626, %parallel_loop3A_1605 : vector<16xf32>
      %parallel_loop3A_1631 = arith.maximumf %parallel_loop3A_1605, %parallel_loop3A_1626 : vector<16xf32>
      %parallel_loop3A_1632 = arith.select %parallel_loop3A_1630, %parallel_loop3A_1627, %parallel_loop3A_1606 : vector<16xi1>, vector<16xi32>
      %parallel_loop3A_1633 = arith.minimumf %parallel_loop3A_1605, %parallel_loop3A_1626 : vector<16xf32>
      %parallel_loop3A_1634 = arith.select %parallel_loop3A_1630, %parallel_loop3A_1606, %parallel_loop3A_1627 : vector<16xi1>, vector<16xi32>
      %parallel_loop3A_1635 = arith.cmpf ogt, %parallel_loop3A_1628, %parallel_loop3A_1607 : vector<16xf32>
      %parallel_loop3A_1636 = arith.maximumf %parallel_loop3A_1607, %parallel_loop3A_1628 : vector<16xf32>
      %parallel_loop3A_1637 = arith.select %parallel_loop3A_1635, %parallel_loop3A_1629, %parallel_loop3A_1608 : vector<16xi1>, vector<16xi32>
      %parallel_loop3A_1638 = arith.minimumf %parallel_loop3A_1607, %parallel_loop3A_1628 : vector<16xf32>
      %parallel_loop3A_1639 = arith.select %parallel_loop3A_1635, %parallel_loop3A_1608, %parallel_loop3A_1629 : vector<16xi1>, vector<16xi32>
      %parallel_loop3A_1640 = arith.cmpf ogt, %parallel_loop3A_1633, %parallel_loop3A_1636 : vector<16xf32>
      %parallel_loop3A_1641 = arith.maximumf %parallel_loop3A_1636, %parallel_loop3A_1633 : vector<16xf32>
      %parallel_loop3A_1642 = arith.select %parallel_loop3A_1640, %parallel_loop3A_1634, %parallel_loop3A_1637 : vector<16xi1>, vector<16xi32>
      %parallel_loop3A_1643 = arith.minimumf %parallel_loop3A_1636, %parallel_loop3A_1633 : vector<16xf32>
      %parallel_loop3A_1644 = arith.select %parallel_loop3A_1640, %parallel_loop3A_1637, %parallel_loop3A_1634 : vector<16xi1>, vector<16xi32>
      %parallel_loop3A_1645 = arith.cmpf ogt, %parallel_loop3A_1631, %parallel_loop3A_1574 : vector<16xf32>
      %parallel_loop3A_1646 = arith.maximumf %parallel_loop3A_1574, %parallel_loop3A_1631 : vector<16xf32>
      %parallel_loop3A_1647 = arith.select %parallel_loop3A_1645, %parallel_loop3A_1632, %parallel_loop3A_1575 : vector<16xi1>, vector<16xi32>
      %parallel_loop3A_1648 = arith.minimumf %parallel_loop3A_1574, %parallel_loop3A_1631 : vector<16xf32>
      %parallel_loop3A_1649 = arith.select %parallel_loop3A_1645, %parallel_loop3A_1575, %parallel_loop3A_1632 : vector<16xi1>, vector<16xi32>
      %parallel_loop3A_1650 = arith.cmpf ogt, %parallel_loop3A_1643, %parallel_loop3A_1586 : vector<16xf32>
      %parallel_loop3A_1651 = arith.maximumf %parallel_loop3A_1586, %parallel_loop3A_1643 : vector<16xf32>
      %parallel_loop3A_1652 = arith.select %parallel_loop3A_1650, %parallel_loop3A_1644, %parallel_loop3A_1587 : vector<16xi1>, vector<16xi32>
      %parallel_loop3A_1653 = arith.minimumf %parallel_loop3A_1586, %parallel_loop3A_1643 : vector<16xf32>
      %parallel_loop3A_1654 = arith.select %parallel_loop3A_1650, %parallel_loop3A_1587, %parallel_loop3A_1644 : vector<16xi1>, vector<16xi32>
      %parallel_loop3A_1655 = arith.cmpf ogt, %parallel_loop3A_1648, %parallel_loop3A_1651 : vector<16xf32>
      %parallel_loop3A_1656 = arith.maximumf %parallel_loop3A_1651, %parallel_loop3A_1648 : vector<16xf32>
      %parallel_loop3A_1657 = arith.select %parallel_loop3A_1655, %parallel_loop3A_1649, %parallel_loop3A_1652 : vector<16xi1>, vector<16xi32>
      %parallel_loop3A_1658 = arith.minimumf %parallel_loop3A_1651, %parallel_loop3A_1648 : vector<16xf32>
      %parallel_loop3A_1659 = arith.select %parallel_loop3A_1655, %parallel_loop3A_1652, %parallel_loop3A_1649 : vector<16xi1>, vector<16xi32>
      %parallel_loop3A_1660 = arith.cmpf ogt, %parallel_loop3A_1641, %parallel_loop3A_1584 : vector<16xf32>
      %parallel_loop3A_1661 = arith.maximumf %parallel_loop3A_1584, %parallel_loop3A_1641 : vector<16xf32>
      %parallel_loop3A_1662 = arith.select %parallel_loop3A_1660, %parallel_loop3A_1642, %parallel_loop3A_1585 : vector<16xi1>, vector<16xi32>
      %parallel_loop3A_1663 = arith.minimumf %parallel_loop3A_1584, %parallel_loop3A_1641 : vector<16xf32>
      %parallel_loop3A_1664 = arith.select %parallel_loop3A_1660, %parallel_loop3A_1585, %parallel_loop3A_1642 : vector<16xi1>, vector<16xi32>
      %parallel_loop3A_1665 = arith.cmpf ogt, %parallel_loop3A_1638, %parallel_loop3A_1581 : vector<16xf32>
      %parallel_loop3A_1666 = arith.maximumf %parallel_loop3A_1581, %parallel_loop3A_1638 : vector<16xf32>
      %parallel_loop3A_1667 = arith.select %parallel_loop3A_1665, %parallel_loop3A_1639, %parallel_loop3A_1582 : vector<16xi1>, vector<16xi32>
      %parallel_loop3A_1668 = arith.minimumf %parallel_loop3A_1581, %parallel_loop3A_1638 : vector<16xf32>
      %parallel_loop3A_1669 = arith.select %parallel_loop3A_1665, %parallel_loop3A_1582, %parallel_loop3A_1639 : vector<16xi1>, vector<16xi32>
      %parallel_loop3A_1670 = arith.cmpf ogt, %parallel_loop3A_1663, %parallel_loop3A_1666 : vector<16xf32>
      %parallel_loop3A_1671 = arith.maximumf %parallel_loop3A_1666, %parallel_loop3A_1663 : vector<16xf32>
      %parallel_loop3A_1672 = arith.select %parallel_loop3A_1670, %parallel_loop3A_1664, %parallel_loop3A_1667 : vector<16xi1>, vector<16xi32>
      %parallel_loop3A_1673 = arith.minimumf %parallel_loop3A_1666, %parallel_loop3A_1663 : vector<16xf32>
      %parallel_loop3A_1674 = arith.select %parallel_loop3A_1670, %parallel_loop3A_1667, %parallel_loop3A_1664 : vector<16xi1>, vector<16xi32>
      %parallel_loop3A_1675 = arith.cmpf ogt, %parallel_loop3A_1656, %parallel_loop3A_1661 : vector<16xf32>
      %parallel_loop3A_1676 = arith.maximumf %parallel_loop3A_1661, %parallel_loop3A_1656 : vector<16xf32>
      %parallel_loop3A_1677 = arith.select %parallel_loop3A_1675, %parallel_loop3A_1657, %parallel_loop3A_1662 : vector<16xi1>, vector<16xi32>
      %parallel_loop3A_1678 = arith.minimumf %parallel_loop3A_1661, %parallel_loop3A_1656 : vector<16xf32>
      %parallel_loop3A_1679 = arith.select %parallel_loop3A_1675, %parallel_loop3A_1662, %parallel_loop3A_1657 : vector<16xi1>, vector<16xi32>
      %parallel_loop3A_1680 = arith.cmpf ogt, %parallel_loop3A_1658, %parallel_loop3A_1671 : vector<16xf32>
      %parallel_loop3A_1681 = arith.maximumf %parallel_loop3A_1671, %parallel_loop3A_1658 : vector<16xf32>
      %parallel_loop3A_1682 = arith.select %parallel_loop3A_1680, %parallel_loop3A_1659, %parallel_loop3A_1672 : vector<16xi1>, vector<16xi32>
      %parallel_loop3A_1683 = arith.minimumf %parallel_loop3A_1671, %parallel_loop3A_1658 : vector<16xf32>
      %parallel_loop3A_1684 = arith.select %parallel_loop3A_1680, %parallel_loop3A_1672, %parallel_loop3A_1659 : vector<16xi1>, vector<16xi32>
      %parallel_loop3A_1685 = arith.cmpf ogt, %parallel_loop3A_1653, %parallel_loop3A_1673 : vector<16xf32>
      %parallel_loop3A_1686 = arith.maximumf %parallel_loop3A_1673, %parallel_loop3A_1653 : vector<16xf32>
      %parallel_loop3A_1687 = arith.select %parallel_loop3A_1685, %parallel_loop3A_1654, %parallel_loop3A_1674 : vector<16xi1>, vector<16xi32>
      %parallel_loop3A_1688 = arith.minimumf %parallel_loop3A_1673, %parallel_loop3A_1653 : vector<16xf32>
      %parallel_loop3A_1689 = arith.select %parallel_loop3A_1685, %parallel_loop3A_1674, %parallel_loop3A_1654 : vector<16xi1>, vector<16xi32>
      %parallel_loop3A_1690 = arith.cmpf ogt, %parallel_loop3A_1646, %parallel_loop3A_1487 : vector<16xf32>
      %parallel_loop3A_1691 = arith.maximumf %parallel_loop3A_1487, %parallel_loop3A_1646 : vector<16xf32>
      %parallel_loop3A_1692 = arith.select %parallel_loop3A_1690, %parallel_loop3A_1647, %parallel_loop3A_1488 : vector<16xi1>, vector<16xi32>
      %parallel_loop3A_1693 = arith.minimumf %parallel_loop3A_1487, %parallel_loop3A_1646 : vector<16xf32>
      %parallel_loop3A_1694 = arith.select %parallel_loop3A_1690, %parallel_loop3A_1488, %parallel_loop3A_1647 : vector<16xi1>, vector<16xi32>
      %parallel_loop3A_1695 = arith.cmpf ogt, %parallel_loop3A_1683, %parallel_loop3A_1524 : vector<16xf32>
      %parallel_loop3A_1696 = arith.maximumf %parallel_loop3A_1524, %parallel_loop3A_1683 : vector<16xf32>
      %parallel_loop3A_1697 = arith.select %parallel_loop3A_1695, %parallel_loop3A_1684, %parallel_loop3A_1525 : vector<16xi1>, vector<16xi32>
      %parallel_loop3A_1698 = arith.minimumf %parallel_loop3A_1524, %parallel_loop3A_1683 : vector<16xf32>
      %parallel_loop3A_1699 = arith.select %parallel_loop3A_1695, %parallel_loop3A_1525, %parallel_loop3A_1684 : vector<16xi1>, vector<16xi32>
      %parallel_loop3A_1700 = arith.cmpf ogt, %parallel_loop3A_1693, %parallel_loop3A_1696 : vector<16xf32>
      %parallel_loop3A_1701 = arith.maximumf %parallel_loop3A_1696, %parallel_loop3A_1693 : vector<16xf32>
      %parallel_loop3A_1702 = arith.select %parallel_loop3A_1700, %parallel_loop3A_1694, %parallel_loop3A_1697 : vector<16xi1>, vector<16xi32>
      %parallel_loop3A_1703 = arith.minimumf %parallel_loop3A_1696, %parallel_loop3A_1693 : vector<16xf32>
      %parallel_loop3A_1704 = arith.select %parallel_loop3A_1700, %parallel_loop3A_1697, %parallel_loop3A_1694 : vector<16xi1>, vector<16xi32>
      %parallel_loop3A_1705 = arith.cmpf ogt, %parallel_loop3A_1678, %parallel_loop3A_1519 : vector<16xf32>
      %parallel_loop3A_1706 = arith.maximumf %parallel_loop3A_1519, %parallel_loop3A_1678 : vector<16xf32>
      %parallel_loop3A_1707 = arith.select %parallel_loop3A_1705, %parallel_loop3A_1679, %parallel_loop3A_1520 : vector<16xi1>, vector<16xi32>
      %parallel_loop3A_1708 = arith.minimumf %parallel_loop3A_1519, %parallel_loop3A_1678 : vector<16xf32>
      %parallel_loop3A_1709 = arith.select %parallel_loop3A_1705, %parallel_loop3A_1520, %parallel_loop3A_1679 : vector<16xi1>, vector<16xi32>
      %parallel_loop3A_1710 = arith.cmpf ogt, %parallel_loop3A_1688, %parallel_loop3A_1529 : vector<16xf32>
      %parallel_loop3A_1711 = arith.maximumf %parallel_loop3A_1529, %parallel_loop3A_1688 : vector<16xf32>
      %parallel_loop3A_1712 = arith.select %parallel_loop3A_1710, %parallel_loop3A_1689, %parallel_loop3A_1530 : vector<16xi1>, vector<16xi32>
      %parallel_loop3A_1713 = arith.minimumf %parallel_loop3A_1529, %parallel_loop3A_1688 : vector<16xf32>
      %parallel_loop3A_1714 = arith.select %parallel_loop3A_1710, %parallel_loop3A_1530, %parallel_loop3A_1689 : vector<16xi1>, vector<16xi32>
      %parallel_loop3A_1715 = arith.cmpf ogt, %parallel_loop3A_1708, %parallel_loop3A_1711 : vector<16xf32>
      %parallel_loop3A_1716 = arith.maximumf %parallel_loop3A_1711, %parallel_loop3A_1708 : vector<16xf32>
      %parallel_loop3A_1717 = arith.select %parallel_loop3A_1715, %parallel_loop3A_1709, %parallel_loop3A_1712 : vector<16xi1>, vector<16xi32>
      %parallel_loop3A_1718 = arith.minimumf %parallel_loop3A_1711, %parallel_loop3A_1708 : vector<16xf32>
      %parallel_loop3A_1719 = arith.select %parallel_loop3A_1715, %parallel_loop3A_1712, %parallel_loop3A_1709 : vector<16xi1>, vector<16xi32>
      %parallel_loop3A_1720 = arith.cmpf ogt, %parallel_loop3A_1701, %parallel_loop3A_1706 : vector<16xf32>
      %parallel_loop3A_1721 = arith.maximumf %parallel_loop3A_1706, %parallel_loop3A_1701 : vector<16xf32>
      %parallel_loop3A_1722 = arith.select %parallel_loop3A_1720, %parallel_loop3A_1702, %parallel_loop3A_1707 : vector<16xi1>, vector<16xi32>
      %parallel_loop3A_1723 = arith.minimumf %parallel_loop3A_1706, %parallel_loop3A_1701 : vector<16xf32>
      %parallel_loop3A_1724 = arith.select %parallel_loop3A_1720, %parallel_loop3A_1707, %parallel_loop3A_1702 : vector<16xi1>, vector<16xi32>
      %parallel_loop3A_1725 = arith.cmpf ogt, %parallel_loop3A_1703, %parallel_loop3A_1716 : vector<16xf32>
      %parallel_loop3A_1726 = arith.maximumf %parallel_loop3A_1716, %parallel_loop3A_1703 : vector<16xf32>
      %parallel_loop3A_1727 = arith.select %parallel_loop3A_1725, %parallel_loop3A_1704, %parallel_loop3A_1717 : vector<16xi1>, vector<16xi32>
      %parallel_loop3A_1728 = arith.minimumf %parallel_loop3A_1716, %parallel_loop3A_1703 : vector<16xf32>
      %parallel_loop3A_1729 = arith.select %parallel_loop3A_1725, %parallel_loop3A_1717, %parallel_loop3A_1704 : vector<16xi1>, vector<16xi32>
      %parallel_loop3A_1730 = arith.cmpf ogt, %parallel_loop3A_1698, %parallel_loop3A_1718 : vector<16xf32>
      %parallel_loop3A_1731 = arith.maximumf %parallel_loop3A_1718, %parallel_loop3A_1698 : vector<16xf32>
      %parallel_loop3A_1732 = arith.select %parallel_loop3A_1730, %parallel_loop3A_1699, %parallel_loop3A_1719 : vector<16xi1>, vector<16xi32>
      %parallel_loop3A_1733 = arith.minimumf %parallel_loop3A_1718, %parallel_loop3A_1698 : vector<16xf32>
      %parallel_loop3A_1734 = arith.select %parallel_loop3A_1730, %parallel_loop3A_1719, %parallel_loop3A_1699 : vector<16xi1>, vector<16xi32>
      %parallel_loop3A_1735 = arith.cmpf ogt, %parallel_loop3A_1676, %parallel_loop3A_1517 : vector<16xf32>
      %parallel_loop3A_1736 = arith.maximumf %parallel_loop3A_1517, %parallel_loop3A_1676 : vector<16xf32>
      %parallel_loop3A_1737 = arith.select %parallel_loop3A_1735, %parallel_loop3A_1677, %parallel_loop3A_1518 : vector<16xi1>, vector<16xi32>
      %parallel_loop3A_1738 = arith.minimumf %parallel_loop3A_1517, %parallel_loop3A_1676 : vector<16xf32>
      %parallel_loop3A_1739 = arith.select %parallel_loop3A_1735, %parallel_loop3A_1518, %parallel_loop3A_1677 : vector<16xi1>, vector<16xi32>
      %parallel_loop3A_1740 = arith.cmpf ogt, %parallel_loop3A_1686, %parallel_loop3A_1527 : vector<16xf32>
      %parallel_loop3A_1741 = arith.maximumf %parallel_loop3A_1527, %parallel_loop3A_1686 : vector<16xf32>
      %parallel_loop3A_1742 = arith.select %parallel_loop3A_1740, %parallel_loop3A_1687, %parallel_loop3A_1528 : vector<16xi1>, vector<16xi32>
      %parallel_loop3A_1743 = arith.minimumf %parallel_loop3A_1527, %parallel_loop3A_1686 : vector<16xf32>
      %parallel_loop3A_1744 = arith.select %parallel_loop3A_1740, %parallel_loop3A_1528, %parallel_loop3A_1687 : vector<16xi1>, vector<16xi32>
      %parallel_loop3A_1745 = arith.cmpf ogt, %parallel_loop3A_1738, %parallel_loop3A_1741 : vector<16xf32>
      %parallel_loop3A_1746 = arith.maximumf %parallel_loop3A_1741, %parallel_loop3A_1738 : vector<16xf32>
      %parallel_loop3A_1747 = arith.select %parallel_loop3A_1745, %parallel_loop3A_1739, %parallel_loop3A_1742 : vector<16xi1>, vector<16xi32>
      %parallel_loop3A_1748 = arith.minimumf %parallel_loop3A_1741, %parallel_loop3A_1738 : vector<16xf32>
      %parallel_loop3A_1749 = arith.select %parallel_loop3A_1745, %parallel_loop3A_1742, %parallel_loop3A_1739 : vector<16xi1>, vector<16xi32>
      %parallel_loop3A_1750 = arith.cmpf ogt, %parallel_loop3A_1681, %parallel_loop3A_1522 : vector<16xf32>
      %parallel_loop3A_1751 = arith.maximumf %parallel_loop3A_1522, %parallel_loop3A_1681 : vector<16xf32>
      %parallel_loop3A_1752 = arith.select %parallel_loop3A_1750, %parallel_loop3A_1682, %parallel_loop3A_1523 : vector<16xi1>, vector<16xi32>
      %parallel_loop3A_1753 = arith.minimumf %parallel_loop3A_1522, %parallel_loop3A_1681 : vector<16xf32>
      %parallel_loop3A_1754 = arith.select %parallel_loop3A_1750, %parallel_loop3A_1523, %parallel_loop3A_1682 : vector<16xi1>, vector<16xi32>
      %parallel_loop3A_1755 = arith.cmpf ogt, %parallel_loop3A_1668, %parallel_loop3A_1509 : vector<16xf32>
      %parallel_loop3A_1756 = arith.maximumf %parallel_loop3A_1509, %parallel_loop3A_1668 : vector<16xf32>
      %parallel_loop3A_1757 = arith.select %parallel_loop3A_1755, %parallel_loop3A_1669, %parallel_loop3A_1510 : vector<16xi1>, vector<16xi32>
      %parallel_loop3A_1758 = arith.minimumf %parallel_loop3A_1509, %parallel_loop3A_1668 : vector<16xf32>
      %parallel_loop3A_1759 = arith.select %parallel_loop3A_1755, %parallel_loop3A_1510, %parallel_loop3A_1669 : vector<16xi1>, vector<16xi32>
      %parallel_loop3A_1760 = arith.cmpf ogt, %parallel_loop3A_1753, %parallel_loop3A_1756 : vector<16xf32>
      %parallel_loop3A_1761 = arith.maximumf %parallel_loop3A_1756, %parallel_loop3A_1753 : vector<16xf32>
      %parallel_loop3A_1762 = arith.select %parallel_loop3A_1760, %parallel_loop3A_1754, %parallel_loop3A_1757 : vector<16xi1>, vector<16xi32>
      %parallel_loop3A_1763 = arith.minimumf %parallel_loop3A_1756, %parallel_loop3A_1753 : vector<16xf32>
      %parallel_loop3A_1764 = arith.select %parallel_loop3A_1760, %parallel_loop3A_1757, %parallel_loop3A_1754 : vector<16xi1>, vector<16xi32>
      %parallel_loop3A_1765 = arith.cmpf ogt, %parallel_loop3A_1746, %parallel_loop3A_1751 : vector<16xf32>
      %parallel_loop3A_1766 = arith.maximumf %parallel_loop3A_1751, %parallel_loop3A_1746 : vector<16xf32>
      %parallel_loop3A_1767 = arith.select %parallel_loop3A_1765, %parallel_loop3A_1747, %parallel_loop3A_1752 : vector<16xi1>, vector<16xi32>
      %parallel_loop3A_1768 = arith.minimumf %parallel_loop3A_1751, %parallel_loop3A_1746 : vector<16xf32>
      %parallel_loop3A_1769 = arith.select %parallel_loop3A_1765, %parallel_loop3A_1752, %parallel_loop3A_1747 : vector<16xi1>, vector<16xi32>
      %parallel_loop3A_1770 = arith.cmpf ogt, %parallel_loop3A_1748, %parallel_loop3A_1761 : vector<16xf32>
      %parallel_loop3A_1771 = arith.maximumf %parallel_loop3A_1761, %parallel_loop3A_1748 : vector<16xf32>
      %parallel_loop3A_1772 = arith.select %parallel_loop3A_1770, %parallel_loop3A_1749, %parallel_loop3A_1762 : vector<16xi1>, vector<16xi32>
      %parallel_loop3A_1773 = arith.minimumf %parallel_loop3A_1761, %parallel_loop3A_1748 : vector<16xf32>
      %parallel_loop3A_1774 = arith.select %parallel_loop3A_1770, %parallel_loop3A_1762, %parallel_loop3A_1749 : vector<16xi1>, vector<16xi32>
      %parallel_loop3A_1775 = arith.cmpf ogt, %parallel_loop3A_1743, %parallel_loop3A_1763 : vector<16xf32>
      %parallel_loop3A_1776 = arith.maximumf %parallel_loop3A_1763, %parallel_loop3A_1743 : vector<16xf32>
      %parallel_loop3A_1777 = arith.select %parallel_loop3A_1775, %parallel_loop3A_1744, %parallel_loop3A_1764 : vector<16xi1>, vector<16xi32>
      %parallel_loop3A_1778 = arith.minimumf %parallel_loop3A_1763, %parallel_loop3A_1743 : vector<16xf32>
      %parallel_loop3A_1779 = arith.select %parallel_loop3A_1775, %parallel_loop3A_1764, %parallel_loop3A_1744 : vector<16xi1>, vector<16xi32>
      %parallel_loop3A_1780 = arith.cmpf ogt, %parallel_loop3A_1721, %parallel_loop3A_1736 : vector<16xf32>
      %parallel_loop3A_1781 = arith.maximumf %parallel_loop3A_1736, %parallel_loop3A_1721 : vector<16xf32>
      %parallel_loop3A_1782 = arith.select %parallel_loop3A_1780, %parallel_loop3A_1722, %parallel_loop3A_1737 : vector<16xi1>, vector<16xi32>
      %parallel_loop3A_1783 = arith.minimumf %parallel_loop3A_1736, %parallel_loop3A_1721 : vector<16xf32>
      %parallel_loop3A_1784 = arith.select %parallel_loop3A_1780, %parallel_loop3A_1737, %parallel_loop3A_1722 : vector<16xi1>, vector<16xi32>
      %parallel_loop3A_1785 = arith.cmpf ogt, %parallel_loop3A_1723, %parallel_loop3A_1766 : vector<16xf32>
      %parallel_loop3A_1786 = arith.maximumf %parallel_loop3A_1766, %parallel_loop3A_1723 : vector<16xf32>
      %parallel_loop3A_1787 = arith.select %parallel_loop3A_1785, %parallel_loop3A_1724, %parallel_loop3A_1767 : vector<16xi1>, vector<16xi32>
      %parallel_loop3A_1788 = arith.minimumf %parallel_loop3A_1766, %parallel_loop3A_1723 : vector<16xf32>
      %parallel_loop3A_1789 = arith.select %parallel_loop3A_1785, %parallel_loop3A_1767, %parallel_loop3A_1724 : vector<16xi1>, vector<16xi32>
      %parallel_loop3A_1790 = arith.cmpf ogt, %parallel_loop3A_1726, %parallel_loop3A_1768 : vector<16xf32>
      %parallel_loop3A_1791 = arith.maximumf %parallel_loop3A_1768, %parallel_loop3A_1726 : vector<16xf32>
      %parallel_loop3A_1792 = arith.select %parallel_loop3A_1790, %parallel_loop3A_1727, %parallel_loop3A_1769 : vector<16xi1>, vector<16xi32>
      %parallel_loop3A_1793 = arith.minimumf %parallel_loop3A_1768, %parallel_loop3A_1726 : vector<16xf32>
      %parallel_loop3A_1794 = arith.select %parallel_loop3A_1790, %parallel_loop3A_1769, %parallel_loop3A_1727 : vector<16xi1>, vector<16xi32>
      %parallel_loop3A_1795 = arith.cmpf ogt, %parallel_loop3A_1728, %parallel_loop3A_1771 : vector<16xf32>
      %parallel_loop3A_1796 = arith.maximumf %parallel_loop3A_1771, %parallel_loop3A_1728 : vector<16xf32>
      %parallel_loop3A_1797 = arith.select %parallel_loop3A_1795, %parallel_loop3A_1729, %parallel_loop3A_1772 : vector<16xi1>, vector<16xi32>
      %parallel_loop3A_1798 = arith.minimumf %parallel_loop3A_1771, %parallel_loop3A_1728 : vector<16xf32>
      %parallel_loop3A_1799 = arith.select %parallel_loop3A_1795, %parallel_loop3A_1772, %parallel_loop3A_1729 : vector<16xi1>, vector<16xi32>
      %parallel_loop3A_1800 = arith.cmpf ogt, %parallel_loop3A_1731, %parallel_loop3A_1773 : vector<16xf32>
      %parallel_loop3A_1801 = arith.maximumf %parallel_loop3A_1773, %parallel_loop3A_1731 : vector<16xf32>
      %parallel_loop3A_1802 = arith.select %parallel_loop3A_1800, %parallel_loop3A_1732, %parallel_loop3A_1774 : vector<16xi1>, vector<16xi32>
      %parallel_loop3A_1803 = arith.minimumf %parallel_loop3A_1773, %parallel_loop3A_1731 : vector<16xf32>
      %parallel_loop3A_1804 = arith.select %parallel_loop3A_1800, %parallel_loop3A_1774, %parallel_loop3A_1732 : vector<16xi1>, vector<16xi32>
      %parallel_loop3A_1805 = arith.cmpf ogt, %parallel_loop3A_1733, %parallel_loop3A_1776 : vector<16xf32>
      %parallel_loop3A_1806 = arith.maximumf %parallel_loop3A_1776, %parallel_loop3A_1733 : vector<16xf32>
      %parallel_loop3A_1807 = arith.select %parallel_loop3A_1805, %parallel_loop3A_1734, %parallel_loop3A_1777 : vector<16xi1>, vector<16xi32>
      %parallel_loop3A_1808 = arith.minimumf %parallel_loop3A_1776, %parallel_loop3A_1733 : vector<16xf32>
      %parallel_loop3A_1809 = arith.select %parallel_loop3A_1805, %parallel_loop3A_1777, %parallel_loop3A_1734 : vector<16xi1>, vector<16xi32>
      %parallel_loop3A_1810 = arith.cmpf ogt, %parallel_loop3A_1713, %parallel_loop3A_1778 : vector<16xf32>
      %parallel_loop3A_1811 = arith.maximumf %parallel_loop3A_1778, %parallel_loop3A_1713 : vector<16xf32>
      %parallel_loop3A_1812 = arith.select %parallel_loop3A_1810, %parallel_loop3A_1714, %parallel_loop3A_1779 : vector<16xi1>, vector<16xi32>
      %parallel_loop3A_1813 = arith.minimumf %parallel_loop3A_1778, %parallel_loop3A_1713 : vector<16xf32>
      %parallel_loop3A_1814 = arith.select %parallel_loop3A_1810, %parallel_loop3A_1779, %parallel_loop3A_1714 : vector<16xi1>, vector<16xi32>
      %parallel_loop3A_1815 = arith.cmpf oeq, %parallel_loop3A_1691, %parallel_loop3A_1781 : vector<16xf32>
      %parallel_loop3A_1816 = arith.cmpf oeq, %parallel_loop3A_1781, %parallel_loop3A_1783 : vector<16xf32>
      %parallel_loop3A_1817 = arith.cmpf oeq, %parallel_loop3A_1783, %parallel_loop3A_1786 : vector<16xf32>
      %parallel_loop3A_1818 = arith.cmpf oeq, %parallel_loop3A_1786, %parallel_loop3A_1788 : vector<16xf32>
      %parallel_loop3A_1819 = arith.cmpf oeq, %parallel_loop3A_1788, %parallel_loop3A_1791 : vector<16xf32>
      %parallel_loop3A_1820 = arith.cmpf oeq, %parallel_loop3A_1791, %parallel_loop3A_1793 : vector<16xf32>
      %parallel_loop3A_1821 = arith.cmpf oeq, %parallel_loop3A_1793, %parallel_loop3A_1796 : vector<16xf32>
      %parallel_loop3A_1822 = arith.cmpf oeq, %parallel_loop3A_1796, %parallel_loop3A_1798 : vector<16xf32>
      %parallel_loop3A_1823 = arith.cmpf oeq, %parallel_loop3A_1798, %parallel_loop3A_1801 : vector<16xf32>
      %parallel_loop3A_1824 = arith.cmpf oeq, %parallel_loop3A_1801, %parallel_loop3A_1803 : vector<16xf32>
      %parallel_loop3A_1825 = arith.cmpf oeq, %parallel_loop3A_1803, %parallel_loop3A_1806 : vector<16xf32>
      %parallel_loop3A_1826 = arith.cmpf oeq, %parallel_loop3A_1806, %parallel_loop3A_1808 : vector<16xf32>
      %parallel_loop3A_1827 = arith.cmpf oeq, %parallel_loop3A_1808, %parallel_loop3A_1811 : vector<16xf32>
      %parallel_loop3A_1828 = arith.cmpf oeq, %parallel_loop3A_1811, %parallel_loop3A_1813 : vector<16xf32>
      %parallel_loop3A_1829 = arith.cmpf oeq, %parallel_loop3A_1813, %parallel_loop3A_1758 : vector<16xf32>
      %parallel_loop3A_1830 = arith.minsi %parallel_loop3A_1692, %parallel_loop3A_1782 : vector<16xi32>
      %parallel_loop3A_1831 = arith.select %parallel_loop3A_1815, %parallel_loop3A_1830, %parallel_loop3A_1692 : vector<16xi1>, vector<16xi32>
      %parallel_loop3A_1832 = arith.minsi %parallel_loop3A_1782, %parallel_loop3A_1784 : vector<16xi32>
      %parallel_loop3A_1833 = arith.select %parallel_loop3A_1816, %parallel_loop3A_1832, %parallel_loop3A_1782 : vector<16xi1>, vector<16xi32>
      %parallel_loop3A_1834 = arith.constant dense<true> : vector<16xi1>
      %parallel_loop3A_1835 = arith.xori %parallel_loop3A_1816, %parallel_loop3A_1834 : vector<16xi1>
      %parallel_loop3A_1836 = arith.andi %parallel_loop3A_1815, %parallel_loop3A_1835 : vector<16xi1>
      %parallel_loop3A_1837 = arith.maxsi %parallel_loop3A_1782, %parallel_loop3A_1692 : vector<16xi32>
      %parallel_loop3A_1838 = arith.select %parallel_loop3A_1836, %parallel_loop3A_1837, %parallel_loop3A_1833 : vector<16xi1>, vector<16xi32>
      %parallel_loop3A_1839 = arith.minsi %parallel_loop3A_1784, %parallel_loop3A_1787 : vector<16xi32>
      %parallel_loop3A_1840 = arith.select %parallel_loop3A_1817, %parallel_loop3A_1839, %parallel_loop3A_1784 : vector<16xi1>, vector<16xi32>
      %parallel_loop3A_1841 = arith.constant dense<true> : vector<16xi1>
      %parallel_loop3A_1842 = arith.xori %parallel_loop3A_1817, %parallel_loop3A_1841 : vector<16xi1>
      %parallel_loop3A_1843 = arith.andi %parallel_loop3A_1816, %parallel_loop3A_1842 : vector<16xi1>
      %parallel_loop3A_1844 = arith.maxsi %parallel_loop3A_1784, %parallel_loop3A_1782 : vector<16xi32>
      %parallel_loop3A_1845 = arith.select %parallel_loop3A_1843, %parallel_loop3A_1844, %parallel_loop3A_1840 : vector<16xi1>, vector<16xi32>
      %parallel_loop3A_1846 = arith.minsi %parallel_loop3A_1787, %parallel_loop3A_1789 : vector<16xi32>
      %parallel_loop3A_1847 = arith.select %parallel_loop3A_1818, %parallel_loop3A_1846, %parallel_loop3A_1787 : vector<16xi1>, vector<16xi32>
      %parallel_loop3A_1848 = arith.constant dense<true> : vector<16xi1>
      %parallel_loop3A_1849 = arith.xori %parallel_loop3A_1818, %parallel_loop3A_1848 : vector<16xi1>
      %parallel_loop3A_1850 = arith.andi %parallel_loop3A_1817, %parallel_loop3A_1849 : vector<16xi1>
      %parallel_loop3A_1851 = arith.maxsi %parallel_loop3A_1787, %parallel_loop3A_1784 : vector<16xi32>
      %parallel_loop3A_1852 = arith.select %parallel_loop3A_1850, %parallel_loop3A_1851, %parallel_loop3A_1847 : vector<16xi1>, vector<16xi32>
      %parallel_loop3A_1853 = arith.minsi %parallel_loop3A_1789, %parallel_loop3A_1792 : vector<16xi32>
      %parallel_loop3A_1854 = arith.select %parallel_loop3A_1819, %parallel_loop3A_1853, %parallel_loop3A_1789 : vector<16xi1>, vector<16xi32>
      %parallel_loop3A_1855 = arith.constant dense<true> : vector<16xi1>
      %parallel_loop3A_1856 = arith.xori %parallel_loop3A_1819, %parallel_loop3A_1855 : vector<16xi1>
      %parallel_loop3A_1857 = arith.andi %parallel_loop3A_1818, %parallel_loop3A_1856 : vector<16xi1>
      %parallel_loop3A_1858 = arith.maxsi %parallel_loop3A_1789, %parallel_loop3A_1787 : vector<16xi32>
      %parallel_loop3A_1859 = arith.select %parallel_loop3A_1857, %parallel_loop3A_1858, %parallel_loop3A_1854 : vector<16xi1>, vector<16xi32>
      %parallel_loop3A_1860 = arith.minsi %parallel_loop3A_1792, %parallel_loop3A_1794 : vector<16xi32>
      %parallel_loop3A_1861 = arith.select %parallel_loop3A_1820, %parallel_loop3A_1860, %parallel_loop3A_1792 : vector<16xi1>, vector<16xi32>
      %parallel_loop3A_1862 = arith.constant dense<true> : vector<16xi1>
      %parallel_loop3A_1863 = arith.xori %parallel_loop3A_1820, %parallel_loop3A_1862 : vector<16xi1>
      %parallel_loop3A_1864 = arith.andi %parallel_loop3A_1819, %parallel_loop3A_1863 : vector<16xi1>
      %parallel_loop3A_1865 = arith.maxsi %parallel_loop3A_1792, %parallel_loop3A_1789 : vector<16xi32>
      %parallel_loop3A_1866 = arith.select %parallel_loop3A_1864, %parallel_loop3A_1865, %parallel_loop3A_1861 : vector<16xi1>, vector<16xi32>
      %parallel_loop3A_1867 = arith.minsi %parallel_loop3A_1794, %parallel_loop3A_1797 : vector<16xi32>
      %parallel_loop3A_1868 = arith.select %parallel_loop3A_1821, %parallel_loop3A_1867, %parallel_loop3A_1794 : vector<16xi1>, vector<16xi32>
      %parallel_loop3A_1869 = arith.constant dense<true> : vector<16xi1>
      %parallel_loop3A_1870 = arith.xori %parallel_loop3A_1821, %parallel_loop3A_1869 : vector<16xi1>
      %parallel_loop3A_1871 = arith.andi %parallel_loop3A_1820, %parallel_loop3A_1870 : vector<16xi1>
      %parallel_loop3A_1872 = arith.maxsi %parallel_loop3A_1794, %parallel_loop3A_1792 : vector<16xi32>
      %parallel_loop3A_1873 = arith.select %parallel_loop3A_1871, %parallel_loop3A_1872, %parallel_loop3A_1868 : vector<16xi1>, vector<16xi32>
      %parallel_loop3A_1874 = arith.minsi %parallel_loop3A_1797, %parallel_loop3A_1799 : vector<16xi32>
      %parallel_loop3A_1875 = arith.select %parallel_loop3A_1822, %parallel_loop3A_1874, %parallel_loop3A_1797 : vector<16xi1>, vector<16xi32>
      %parallel_loop3A_1876 = arith.constant dense<true> : vector<16xi1>
      %parallel_loop3A_1877 = arith.xori %parallel_loop3A_1822, %parallel_loop3A_1876 : vector<16xi1>
      %parallel_loop3A_1878 = arith.andi %parallel_loop3A_1821, %parallel_loop3A_1877 : vector<16xi1>
      %parallel_loop3A_1879 = arith.maxsi %parallel_loop3A_1797, %parallel_loop3A_1794 : vector<16xi32>
      %parallel_loop3A_1880 = arith.select %parallel_loop3A_1878, %parallel_loop3A_1879, %parallel_loop3A_1875 : vector<16xi1>, vector<16xi32>
      %parallel_loop3A_1881 = arith.minsi %parallel_loop3A_1799, %parallel_loop3A_1802 : vector<16xi32>
      %parallel_loop3A_1882 = arith.select %parallel_loop3A_1823, %parallel_loop3A_1881, %parallel_loop3A_1799 : vector<16xi1>, vector<16xi32>
      %parallel_loop3A_1883 = arith.constant dense<true> : vector<16xi1>
      %parallel_loop3A_1884 = arith.xori %parallel_loop3A_1823, %parallel_loop3A_1883 : vector<16xi1>
      %parallel_loop3A_1885 = arith.andi %parallel_loop3A_1822, %parallel_loop3A_1884 : vector<16xi1>
      %parallel_loop3A_1886 = arith.maxsi %parallel_loop3A_1799, %parallel_loop3A_1797 : vector<16xi32>
      %parallel_loop3A_1887 = arith.select %parallel_loop3A_1885, %parallel_loop3A_1886, %parallel_loop3A_1882 : vector<16xi1>, vector<16xi32>
      %parallel_loop3A_1888 = arith.minsi %parallel_loop3A_1802, %parallel_loop3A_1804 : vector<16xi32>
      %parallel_loop3A_1889 = arith.select %parallel_loop3A_1824, %parallel_loop3A_1888, %parallel_loop3A_1802 : vector<16xi1>, vector<16xi32>
      %parallel_loop3A_1890 = arith.constant dense<true> : vector<16xi1>
      %parallel_loop3A_1891 = arith.xori %parallel_loop3A_1824, %parallel_loop3A_1890 : vector<16xi1>
      %parallel_loop3A_1892 = arith.andi %parallel_loop3A_1823, %parallel_loop3A_1891 : vector<16xi1>
      %parallel_loop3A_1893 = arith.maxsi %parallel_loop3A_1802, %parallel_loop3A_1799 : vector<16xi32>
      %parallel_loop3A_1894 = arith.select %parallel_loop3A_1892, %parallel_loop3A_1893, %parallel_loop3A_1889 : vector<16xi1>, vector<16xi32>
      %parallel_loop3A_1895 = arith.minsi %parallel_loop3A_1804, %parallel_loop3A_1807 : vector<16xi32>
      %parallel_loop3A_1896 = arith.select %parallel_loop3A_1825, %parallel_loop3A_1895, %parallel_loop3A_1804 : vector<16xi1>, vector<16xi32>
      %parallel_loop3A_1897 = arith.constant dense<true> : vector<16xi1>
      %parallel_loop3A_1898 = arith.xori %parallel_loop3A_1825, %parallel_loop3A_1897 : vector<16xi1>
      %parallel_loop3A_1899 = arith.andi %parallel_loop3A_1824, %parallel_loop3A_1898 : vector<16xi1>
      %parallel_loop3A_1900 = arith.maxsi %parallel_loop3A_1804, %parallel_loop3A_1802 : vector<16xi32>
      %parallel_loop3A_1901 = arith.select %parallel_loop3A_1899, %parallel_loop3A_1900, %parallel_loop3A_1896 : vector<16xi1>, vector<16xi32>
      %parallel_loop3A_1902 = arith.minsi %parallel_loop3A_1807, %parallel_loop3A_1809 : vector<16xi32>
      %parallel_loop3A_1903 = arith.select %parallel_loop3A_1826, %parallel_loop3A_1902, %parallel_loop3A_1807 : vector<16xi1>, vector<16xi32>
      %parallel_loop3A_1904 = arith.constant dense<true> : vector<16xi1>
      %parallel_loop3A_1905 = arith.xori %parallel_loop3A_1826, %parallel_loop3A_1904 : vector<16xi1>
      %parallel_loop3A_1906 = arith.andi %parallel_loop3A_1825, %parallel_loop3A_1905 : vector<16xi1>
      %parallel_loop3A_1907 = arith.maxsi %parallel_loop3A_1807, %parallel_loop3A_1804 : vector<16xi32>
      %parallel_loop3A_1908 = arith.select %parallel_loop3A_1906, %parallel_loop3A_1907, %parallel_loop3A_1903 : vector<16xi1>, vector<16xi32>
      %parallel_loop3A_1909 = arith.minsi %parallel_loop3A_1809, %parallel_loop3A_1812 : vector<16xi32>
      %parallel_loop3A_1910 = arith.select %parallel_loop3A_1827, %parallel_loop3A_1909, %parallel_loop3A_1809 : vector<16xi1>, vector<16xi32>
      %parallel_loop3A_1911 = arith.constant dense<true> : vector<16xi1>
      %parallel_loop3A_1912 = arith.xori %parallel_loop3A_1827, %parallel_loop3A_1911 : vector<16xi1>
      %parallel_loop3A_1913 = arith.andi %parallel_loop3A_1826, %parallel_loop3A_1912 : vector<16xi1>
      %parallel_loop3A_1914 = arith.maxsi %parallel_loop3A_1809, %parallel_loop3A_1807 : vector<16xi32>
      %parallel_loop3A_1915 = arith.select %parallel_loop3A_1913, %parallel_loop3A_1914, %parallel_loop3A_1910 : vector<16xi1>, vector<16xi32>
      %parallel_loop3A_1916 = arith.minsi %parallel_loop3A_1812, %parallel_loop3A_1814 : vector<16xi32>
      %parallel_loop3A_1917 = arith.select %parallel_loop3A_1828, %parallel_loop3A_1916, %parallel_loop3A_1812 : vector<16xi1>, vector<16xi32>
      %parallel_loop3A_1918 = arith.constant dense<true> : vector<16xi1>
      %parallel_loop3A_1919 = arith.xori %parallel_loop3A_1828, %parallel_loop3A_1918 : vector<16xi1>
      %parallel_loop3A_1920 = arith.andi %parallel_loop3A_1827, %parallel_loop3A_1919 : vector<16xi1>
      %parallel_loop3A_1921 = arith.maxsi %parallel_loop3A_1812, %parallel_loop3A_1809 : vector<16xi32>
      %parallel_loop3A_1922 = arith.select %parallel_loop3A_1920, %parallel_loop3A_1921, %parallel_loop3A_1917 : vector<16xi1>, vector<16xi32>
      %parallel_loop3A_1923 = arith.minsi %parallel_loop3A_1814, %parallel_loop3A_1759 : vector<16xi32>
      %parallel_loop3A_1924 = arith.select %parallel_loop3A_1829, %parallel_loop3A_1923, %parallel_loop3A_1814 : vector<16xi1>, vector<16xi32>
      %parallel_loop3A_1925 = arith.constant dense<true> : vector<16xi1>
      %parallel_loop3A_1926 = arith.xori %parallel_loop3A_1829, %parallel_loop3A_1925 : vector<16xi1>
      %parallel_loop3A_1927 = arith.andi %parallel_loop3A_1828, %parallel_loop3A_1926 : vector<16xi1>
      %parallel_loop3A_1928 = arith.maxsi %parallel_loop3A_1814, %parallel_loop3A_1812 : vector<16xi32>
      %parallel_loop3A_1929 = arith.select %parallel_loop3A_1927, %parallel_loop3A_1928, %parallel_loop3A_1924 : vector<16xi1>, vector<16xi32>
      %parallel_loop3A_1930 = arith.maxsi %parallel_loop3A_1759, %parallel_loop3A_1814 : vector<16xi32>
      %parallel_loop3A_1931 = arith.select %parallel_loop3A_1829, %parallel_loop3A_1930, %parallel_loop3A_1759 : vector<16xi1>, vector<16xi32>
      %parallel_loop3A_1932 = arith.constant 48 : i32
      %parallel_loop3A_1933 = arith.index_cast %parallel_loop3A_1932 : i32 to index
      %parallel_loop3A_1934 = arith.index_cast %parallel_loop3A_7 : i32 to index
      %parallel_loop3A_1935 = tpu.vector_load %arg5[%parallel_loop3A_1933, %parallel_loop3A_1934] {strides = array<i32>} : memref<64x512xf32, #tpu.memory_space<vmem>>, vector<16xf32>,
      %parallel_loop3A_1936 = math.exp %parallel_loop3A_1935 : vector<16xf32>
      %parallel_loop3A_1937 = arith.addf %parallel_loop3A_1622, %parallel_loop3A_1936 : vector<16xf32>
      %parallel_loop3A_1938 = arith.constant 48 : i32
      %parallel_loop3A_1939 = vector.broadcast %parallel_loop3A_1938 : i32 to vector<16xi32>
      %parallel_loop3A_1940 = arith.constant 49 : i32
      %parallel_loop3A_1941 = arith.index_cast %parallel_loop3A_1940 : i32 to index
      %parallel_loop3A_1942 = arith.index_cast %parallel_loop3A_7 : i32 to index
      %parallel_loop3A_1943 = tpu.vector_load %arg5[%parallel_loop3A_1941, %parallel_loop3A_1942] {strides = array<i32>} : memref<64x512xf32, #tpu.memory_space<vmem>>, vector<16xf32>,
      %parallel_loop3A_1944 = math.exp %parallel_loop3A_1943 : vector<16xf32>
      %parallel_loop3A_1945 = arith.addf %parallel_loop3A_1937, %parallel_loop3A_1944 : vector<16xf32>
      %parallel_loop3A_1946 = arith.constant 49 : i32
      %parallel_loop3A_1947 = vector.broadcast %parallel_loop3A_1946 : i32 to vector<16xi32>
      %parallel_loop3A_1948 = arith.cmpf ogt, %parallel_loop3A_1943, %parallel_loop3A_1935 : vector<16xf32>
      %parallel_loop3A_1949 = arith.maximumf %parallel_loop3A_1935, %parallel_loop3A_1943 : vector<16xf32>
      %parallel_loop3A_1950 = arith.select %parallel_loop3A_1948, %parallel_loop3A_1947, %parallel_loop3A_1939 : vector<16xi1>, vector<16xi32>
      %parallel_loop3A_1951 = arith.minimumf %parallel_loop3A_1935, %parallel_loop3A_1943 : vector<16xf32>
      %parallel_loop3A_1952 = arith.select %parallel_loop3A_1948, %parallel_loop3A_1939, %parallel_loop3A_1947 : vector<16xi1>, vector<16xi32>
      %parallel_loop3A_1953 = arith.constant 50 : i32
      %parallel_loop3A_1954 = arith.index_cast %parallel_loop3A_1953 : i32 to index
      %parallel_loop3A_1955 = arith.index_cast %parallel_loop3A_7 : i32 to index
      %parallel_loop3A_1956 = tpu.vector_load %arg5[%parallel_loop3A_1954, %parallel_loop3A_1955] {strides = array<i32>} : memref<64x512xf32, #tpu.memory_space<vmem>>, vector<16xf32>,
      %parallel_loop3A_1957 = math.exp %parallel_loop3A_1956 : vector<16xf32>
      %parallel_loop3A_1958 = arith.addf %parallel_loop3A_1945, %parallel_loop3A_1957 : vector<16xf32>
      %parallel_loop3A_1959 = arith.constant 50 : i32
      %parallel_loop3A_1960 = vector.broadcast %parallel_loop3A_1959 : i32 to vector<16xi32>
      %parallel_loop3A_1961 = arith.constant 51 : i32
      %parallel_loop3A_1962 = arith.index_cast %parallel_loop3A_1961 : i32 to index
      %parallel_loop3A_1963 = arith.index_cast %parallel_loop3A_7 : i32 to index
      %parallel_loop3A_1964 = tpu.vector_load %arg5[%parallel_loop3A_1962, %parallel_loop3A_1963] {strides = array<i32>} : memref<64x512xf32, #tpu.memory_space<vmem>>, vector<16xf32>,
      %parallel_loop3A_1965 = math.exp %parallel_loop3A_1964 : vector<16xf32>
      %parallel_loop3A_1966 = arith.addf %parallel_loop3A_1958, %parallel_loop3A_1965 : vector<16xf32>
      %parallel_loop3A_1967 = arith.constant 51 : i32
      %parallel_loop3A_1968 = vector.broadcast %parallel_loop3A_1967 : i32 to vector<16xi32>
      %parallel_loop3A_1969 = arith.cmpf ogt, %parallel_loop3A_1964, %parallel_loop3A_1956 : vector<16xf32>
      %parallel_loop3A_1970 = arith.maximumf %parallel_loop3A_1956, %parallel_loop3A_1964 : vector<16xf32>
      %parallel_loop3A_1971 = arith.select %parallel_loop3A_1969, %parallel_loop3A_1968, %parallel_loop3A_1960 : vector<16xi1>, vector<16xi32>
      %parallel_loop3A_1972 = arith.minimumf %parallel_loop3A_1956, %parallel_loop3A_1964 : vector<16xf32>
      %parallel_loop3A_1973 = arith.select %parallel_loop3A_1969, %parallel_loop3A_1960, %parallel_loop3A_1968 : vector<16xi1>, vector<16xi32>
      %parallel_loop3A_1974 = arith.cmpf ogt, %parallel_loop3A_1970, %parallel_loop3A_1949 : vector<16xf32>
      %parallel_loop3A_1975 = arith.maximumf %parallel_loop3A_1949, %parallel_loop3A_1970 : vector<16xf32>
      %parallel_loop3A_1976 = arith.select %parallel_loop3A_1974, %parallel_loop3A_1971, %parallel_loop3A_1950 : vector<16xi1>, vector<16xi32>
      %parallel_loop3A_1977 = arith.minimumf %parallel_loop3A_1949, %parallel_loop3A_1970 : vector<16xf32>
      %parallel_loop3A_1978 = arith.select %parallel_loop3A_1974, %parallel_loop3A_1950, %parallel_loop3A_1971 : vector<16xi1>, vector<16xi32>
      %parallel_loop3A_1979 = arith.cmpf ogt, %parallel_loop3A_1972, %parallel_loop3A_1951 : vector<16xf32>
      %parallel_loop3A_1980 = arith.maximumf %parallel_loop3A_1951, %parallel_loop3A_1972 : vector<16xf32>
      %parallel_loop3A_1981 = arith.select %parallel_loop3A_1979, %parallel_loop3A_1973, %parallel_loop3A_1952 : vector<16xi1>, vector<16xi32>
      %parallel_loop3A_1982 = arith.minimumf %parallel_loop3A_1951, %parallel_loop3A_1972 : vector<16xf32>
      %parallel_loop3A_1983 = arith.select %parallel_loop3A_1979, %parallel_loop3A_1952, %parallel_loop3A_1973 : vector<16xi1>, vector<16xi32>
      %parallel_loop3A_1984 = arith.cmpf ogt, %parallel_loop3A_1977, %parallel_loop3A_1980 : vector<16xf32>
      %parallel_loop3A_1985 = arith.maximumf %parallel_loop3A_1980, %parallel_loop3A_1977 : vector<16xf32>
      %parallel_loop3A_1986 = arith.select %parallel_loop3A_1984, %parallel_loop3A_1978, %parallel_loop3A_1981 : vector<16xi1>, vector<16xi32>
      %parallel_loop3A_1987 = arith.minimumf %parallel_loop3A_1980, %parallel_loop3A_1977 : vector<16xf32>
      %parallel_loop3A_1988 = arith.select %parallel_loop3A_1984, %parallel_loop3A_1981, %parallel_loop3A_1978 : vector<16xi1>, vector<16xi32>
      %parallel_loop3A_1989 = arith.constant 52 : i32
      %parallel_loop3A_1990 = arith.index_cast %parallel_loop3A_1989 : i32 to index
      %parallel_loop3A_1991 = arith.index_cast %parallel_loop3A_7 : i32 to index
      %parallel_loop3A_1992 = tpu.vector_load %arg5[%parallel_loop3A_1990, %parallel_loop3A_1991] {strides = array<i32>} : memref<64x512xf32, #tpu.memory_space<vmem>>, vector<16xf32>,
      %parallel_loop3A_1993 = math.exp %parallel_loop3A_1992 : vector<16xf32>
      %parallel_loop3A_1994 = arith.addf %parallel_loop3A_1966, %parallel_loop3A_1993 : vector<16xf32>
      %parallel_loop3A_1995 = arith.constant 52 : i32
      %parallel_loop3A_1996 = vector.broadcast %parallel_loop3A_1995 : i32 to vector<16xi32>
      %parallel_loop3A_1997 = arith.constant 53 : i32
      %parallel_loop3A_1998 = arith.index_cast %parallel_loop3A_1997 : i32 to index
      %parallel_loop3A_1999 = arith.index_cast %parallel_loop3A_7 : i32 to index
      %parallel_loop3A_2000 = tpu.vector_load %arg5[%parallel_loop3A_1998, %parallel_loop3A_1999] {strides = array<i32>} : memref<64x512xf32, #tpu.memory_space<vmem>>, vector<16xf32>,
      %parallel_loop3A_2001 = math.exp %parallel_loop3A_2000 : vector<16xf32>
      %parallel_loop3A_2002 = arith.addf %parallel_loop3A_1994, %parallel_loop3A_2001 : vector<16xf32>
      %parallel_loop3A_2003 = arith.constant 53 : i32
      %parallel_loop3A_2004 = vector.broadcast %parallel_loop3A_2003 : i32 to vector<16xi32>
      %parallel_loop3A_2005 = arith.cmpf ogt, %parallel_loop3A_2000, %parallel_loop3A_1992 : vector<16xf32>
      %parallel_loop3A_2006 = arith.maximumf %parallel_loop3A_1992, %parallel_loop3A_2000 : vector<16xf32>
      %parallel_loop3A_2007 = arith.select %parallel_loop3A_2005, %parallel_loop3A_2004, %parallel_loop3A_1996 : vector<16xi1>, vector<16xi32>
      %parallel_loop3A_2008 = arith.minimumf %parallel_loop3A_1992, %parallel_loop3A_2000 : vector<16xf32>
      %parallel_loop3A_2009 = arith.select %parallel_loop3A_2005, %parallel_loop3A_1996, %parallel_loop3A_2004 : vector<16xi1>, vector<16xi32>
      %parallel_loop3A_2010 = arith.constant 54 : i32
      %parallel_loop3A_2011 = arith.index_cast %parallel_loop3A_2010 : i32 to index
      %parallel_loop3A_2012 = arith.index_cast %parallel_loop3A_7 : i32 to index
      %parallel_loop3A_2013 = tpu.vector_load %arg5[%parallel_loop3A_2011, %parallel_loop3A_2012] {strides = array<i32>} : memref<64x512xf32, #tpu.memory_space<vmem>>, vector<16xf32>,
      %parallel_loop3A_2014 = math.exp %parallel_loop3A_2013 : vector<16xf32>
      %parallel_loop3A_2015 = arith.addf %parallel_loop3A_2002, %parallel_loop3A_2014 : vector<16xf32>
      %parallel_loop3A_2016 = arith.constant 54 : i32
      %parallel_loop3A_2017 = vector.broadcast %parallel_loop3A_2016 : i32 to vector<16xi32>
      %parallel_loop3A_2018 = arith.constant 55 : i32
      %parallel_loop3A_2019 = arith.index_cast %parallel_loop3A_2018 : i32 to index
      %parallel_loop3A_2020 = arith.index_cast %parallel_loop3A_7 : i32 to index
      %parallel_loop3A_2021 = tpu.vector_load %arg5[%parallel_loop3A_2019, %parallel_loop3A_2020] {strides = array<i32>} : memref<64x512xf32, #tpu.memory_space<vmem>>, vector<16xf32>,
      %parallel_loop3A_2022 = math.exp %parallel_loop3A_2021 : vector<16xf32>
      %parallel_loop3A_2023 = arith.addf %parallel_loop3A_2015, %parallel_loop3A_2022 : vector<16xf32>
      %parallel_loop3A_2024 = arith.constant 55 : i32
      %parallel_loop3A_2025 = vector.broadcast %parallel_loop3A_2024 : i32 to vector<16xi32>
      %parallel_loop3A_2026 = arith.cmpf ogt, %parallel_loop3A_2021, %parallel_loop3A_2013 : vector<16xf32>
      %parallel_loop3A_2027 = arith.maximumf %parallel_loop3A_2013, %parallel_loop3A_2021 : vector<16xf32>
      %parallel_loop3A_2028 = arith.select %parallel_loop3A_2026, %parallel_loop3A_2025, %parallel_loop3A_2017 : vector<16xi1>, vector<16xi32>
      %parallel_loop3A_2029 = arith.minimumf %parallel_loop3A_2013, %parallel_loop3A_2021 : vector<16xf32>
      %parallel_loop3A_2030 = arith.select %parallel_loop3A_2026, %parallel_loop3A_2017, %parallel_loop3A_2025 : vector<16xi1>, vector<16xi32>
      %parallel_loop3A_2031 = arith.cmpf ogt, %parallel_loop3A_2027, %parallel_loop3A_2006 : vector<16xf32>
      %parallel_loop3A_2032 = arith.maximumf %parallel_loop3A_2006, %parallel_loop3A_2027 : vector<16xf32>
      %parallel_loop3A_2033 = arith.select %parallel_loop3A_2031, %parallel_loop3A_2028, %parallel_loop3A_2007 : vector<16xi1>, vector<16xi32>
      %parallel_loop3A_2034 = arith.minimumf %parallel_loop3A_2006, %parallel_loop3A_2027 : vector<16xf32>
      %parallel_loop3A_2035 = arith.select %parallel_loop3A_2031, %parallel_loop3A_2007, %parallel_loop3A_2028 : vector<16xi1>, vector<16xi32>
      %parallel_loop3A_2036 = arith.cmpf ogt, %parallel_loop3A_2029, %parallel_loop3A_2008 : vector<16xf32>
      %parallel_loop3A_2037 = arith.maximumf %parallel_loop3A_2008, %parallel_loop3A_2029 : vector<16xf32>
      %parallel_loop3A_2038 = arith.select %parallel_loop3A_2036, %parallel_loop3A_2030, %parallel_loop3A_2009 : vector<16xi1>, vector<16xi32>
      %parallel_loop3A_2039 = arith.minimumf %parallel_loop3A_2008, %parallel_loop3A_2029 : vector<16xf32>
      %parallel_loop3A_2040 = arith.select %parallel_loop3A_2036, %parallel_loop3A_2009, %parallel_loop3A_2030 : vector<16xi1>, vector<16xi32>
      %parallel_loop3A_2041 = arith.cmpf ogt, %parallel_loop3A_2034, %parallel_loop3A_2037 : vector<16xf32>
      %parallel_loop3A_2042 = arith.maximumf %parallel_loop3A_2037, %parallel_loop3A_2034 : vector<16xf32>
      %parallel_loop3A_2043 = arith.select %parallel_loop3A_2041, %parallel_loop3A_2035, %parallel_loop3A_2038 : vector<16xi1>, vector<16xi32>
      %parallel_loop3A_2044 = arith.minimumf %parallel_loop3A_2037, %parallel_loop3A_2034 : vector<16xf32>
      %parallel_loop3A_2045 = arith.select %parallel_loop3A_2041, %parallel_loop3A_2038, %parallel_loop3A_2035 : vector<16xi1>, vector<16xi32>
      %parallel_loop3A_2046 = arith.cmpf ogt, %parallel_loop3A_2032, %parallel_loop3A_1975 : vector<16xf32>
      %parallel_loop3A_2047 = arith.maximumf %parallel_loop3A_1975, %parallel_loop3A_2032 : vector<16xf32>
      %parallel_loop3A_2048 = arith.select %parallel_loop3A_2046, %parallel_loop3A_2033, %parallel_loop3A_1976 : vector<16xi1>, vector<16xi32>
      %parallel_loop3A_2049 = arith.minimumf %parallel_loop3A_1975, %parallel_loop3A_2032 : vector<16xf32>
      %parallel_loop3A_2050 = arith.select %parallel_loop3A_2046, %parallel_loop3A_1976, %parallel_loop3A_2033 : vector<16xi1>, vector<16xi32>
      %parallel_loop3A_2051 = arith.cmpf ogt, %parallel_loop3A_2044, %parallel_loop3A_1987 : vector<16xf32>
      %parallel_loop3A_2052 = arith.maximumf %parallel_loop3A_1987, %parallel_loop3A_2044 : vector<16xf32>
      %parallel_loop3A_2053 = arith.select %parallel_loop3A_2051, %parallel_loop3A_2045, %parallel_loop3A_1988 : vector<16xi1>, vector<16xi32>
      %parallel_loop3A_2054 = arith.minimumf %parallel_loop3A_1987, %parallel_loop3A_2044 : vector<16xf32>
      %parallel_loop3A_2055 = arith.select %parallel_loop3A_2051, %parallel_loop3A_1988, %parallel_loop3A_2045 : vector<16xi1>, vector<16xi32>
      %parallel_loop3A_2056 = arith.cmpf ogt, %parallel_loop3A_2049, %parallel_loop3A_2052 : vector<16xf32>
      %parallel_loop3A_2057 = arith.maximumf %parallel_loop3A_2052, %parallel_loop3A_2049 : vector<16xf32>
      %parallel_loop3A_2058 = arith.select %parallel_loop3A_2056, %parallel_loop3A_2050, %parallel_loop3A_2053 : vector<16xi1>, vector<16xi32>
      %parallel_loop3A_2059 = arith.minimumf %parallel_loop3A_2052, %parallel_loop3A_2049 : vector<16xf32>
      %parallel_loop3A_2060 = arith.select %parallel_loop3A_2056, %parallel_loop3A_2053, %parallel_loop3A_2050 : vector<16xi1>, vector<16xi32>
      %parallel_loop3A_2061 = arith.cmpf ogt, %parallel_loop3A_2042, %parallel_loop3A_1985 : vector<16xf32>
      %parallel_loop3A_2062 = arith.maximumf %parallel_loop3A_1985, %parallel_loop3A_2042 : vector<16xf32>
      %parallel_loop3A_2063 = arith.select %parallel_loop3A_2061, %parallel_loop3A_2043, %parallel_loop3A_1986 : vector<16xi1>, vector<16xi32>
      %parallel_loop3A_2064 = arith.minimumf %parallel_loop3A_1985, %parallel_loop3A_2042 : vector<16xf32>
      %parallel_loop3A_2065 = arith.select %parallel_loop3A_2061, %parallel_loop3A_1986, %parallel_loop3A_2043 : vector<16xi1>, vector<16xi32>
      %parallel_loop3A_2066 = arith.cmpf ogt, %parallel_loop3A_2039, %parallel_loop3A_1982 : vector<16xf32>
      %parallel_loop3A_2067 = arith.maximumf %parallel_loop3A_1982, %parallel_loop3A_2039 : vector<16xf32>
      %parallel_loop3A_2068 = arith.select %parallel_loop3A_2066, %parallel_loop3A_2040, %parallel_loop3A_1983 : vector<16xi1>, vector<16xi32>
      %parallel_loop3A_2069 = arith.minimumf %parallel_loop3A_1982, %parallel_loop3A_2039 : vector<16xf32>
      %parallel_loop3A_2070 = arith.select %parallel_loop3A_2066, %parallel_loop3A_1983, %parallel_loop3A_2040 : vector<16xi1>, vector<16xi32>
      %parallel_loop3A_2071 = arith.cmpf ogt, %parallel_loop3A_2064, %parallel_loop3A_2067 : vector<16xf32>
      %parallel_loop3A_2072 = arith.maximumf %parallel_loop3A_2067, %parallel_loop3A_2064 : vector<16xf32>
      %parallel_loop3A_2073 = arith.select %parallel_loop3A_2071, %parallel_loop3A_2065, %parallel_loop3A_2068 : vector<16xi1>, vector<16xi32>
      %parallel_loop3A_2074 = arith.minimumf %parallel_loop3A_2067, %parallel_loop3A_2064 : vector<16xf32>
      %parallel_loop3A_2075 = arith.select %parallel_loop3A_2071, %parallel_loop3A_2068, %parallel_loop3A_2065 : vector<16xi1>, vector<16xi32>
      %parallel_loop3A_2076 = arith.cmpf ogt, %parallel_loop3A_2057, %parallel_loop3A_2062 : vector<16xf32>
      %parallel_loop3A_2077 = arith.maximumf %parallel_loop3A_2062, %parallel_loop3A_2057 : vector<16xf32>
      %parallel_loop3A_2078 = arith.select %parallel_loop3A_2076, %parallel_loop3A_2058, %parallel_loop3A_2063 : vector<16xi1>, vector<16xi32>
      %parallel_loop3A_2079 = arith.minimumf %parallel_loop3A_2062, %parallel_loop3A_2057 : vector<16xf32>
      %parallel_loop3A_2080 = arith.select %parallel_loop3A_2076, %parallel_loop3A_2063, %parallel_loop3A_2058 : vector<16xi1>, vector<16xi32>
      %parallel_loop3A_2081 = arith.cmpf ogt, %parallel_loop3A_2059, %parallel_loop3A_2072 : vector<16xf32>
      %parallel_loop3A_2082 = arith.maximumf %parallel_loop3A_2072, %parallel_loop3A_2059 : vector<16xf32>
      %parallel_loop3A_2083 = arith.select %parallel_loop3A_2081, %parallel_loop3A_2060, %parallel_loop3A_2073 : vector<16xi1>, vector<16xi32>
      %parallel_loop3A_2084 = arith.minimumf %parallel_loop3A_2072, %parallel_loop3A_2059 : vector<16xf32>
      %parallel_loop3A_2085 = arith.select %parallel_loop3A_2081, %parallel_loop3A_2073, %parallel_loop3A_2060 : vector<16xi1>, vector<16xi32>
      %parallel_loop3A_2086 = arith.cmpf ogt, %parallel_loop3A_2054, %parallel_loop3A_2074 : vector<16xf32>
      %parallel_loop3A_2087 = arith.maximumf %parallel_loop3A_2074, %parallel_loop3A_2054 : vector<16xf32>
      %parallel_loop3A_2088 = arith.select %parallel_loop3A_2086, %parallel_loop3A_2055, %parallel_loop3A_2075 : vector<16xi1>, vector<16xi32>
      %parallel_loop3A_2089 = arith.minimumf %parallel_loop3A_2074, %parallel_loop3A_2054 : vector<16xf32>
      %parallel_loop3A_2090 = arith.select %parallel_loop3A_2086, %parallel_loop3A_2075, %parallel_loop3A_2055 : vector<16xi1>, vector<16xi32>
      %parallel_loop3A_2091 = arith.constant 56 : i32
      %parallel_loop3A_2092 = arith.index_cast %parallel_loop3A_2091 : i32 to index
      %parallel_loop3A_2093 = arith.index_cast %parallel_loop3A_7 : i32 to index
      %parallel_loop3A_2094 = tpu.vector_load %arg5[%parallel_loop3A_2092, %parallel_loop3A_2093] {strides = array<i32>} : memref<64x512xf32, #tpu.memory_space<vmem>>, vector<16xf32>,
      %parallel_loop3A_2095 = math.exp %parallel_loop3A_2094 : vector<16xf32>
      %parallel_loop3A_2096 = arith.addf %parallel_loop3A_2023, %parallel_loop3A_2095 : vector<16xf32>
      %parallel_loop3A_2097 = arith.constant 56 : i32
      %parallel_loop3A_2098 = vector.broadcast %parallel_loop3A_2097 : i32 to vector<16xi32>
      %parallel_loop3A_2099 = arith.constant 57 : i32
      %parallel_loop3A_2100 = arith.index_cast %parallel_loop3A_2099 : i32 to index
      %parallel_loop3A_2101 = arith.index_cast %parallel_loop3A_7 : i32 to index
      %parallel_loop3A_2102 = tpu.vector_load %arg5[%parallel_loop3A_2100, %parallel_loop3A_2101] {strides = array<i32>} : memref<64x512xf32, #tpu.memory_space<vmem>>, vector<16xf32>,
      %parallel_loop3A_2103 = math.exp %parallel_loop3A_2102 : vector<16xf32>
      %parallel_loop3A_2104 = arith.addf %parallel_loop3A_2096, %parallel_loop3A_2103 : vector<16xf32>
      %parallel_loop3A_2105 = arith.constant 57 : i32
      %parallel_loop3A_2106 = vector.broadcast %parallel_loop3A_2105 : i32 to vector<16xi32>
      %parallel_loop3A_2107 = arith.cmpf ogt, %parallel_loop3A_2102, %parallel_loop3A_2094 : vector<16xf32>
      %parallel_loop3A_2108 = arith.maximumf %parallel_loop3A_2094, %parallel_loop3A_2102 : vector<16xf32>
      %parallel_loop3A_2109 = arith.select %parallel_loop3A_2107, %parallel_loop3A_2106, %parallel_loop3A_2098 : vector<16xi1>, vector<16xi32>
      %parallel_loop3A_2110 = arith.minimumf %parallel_loop3A_2094, %parallel_loop3A_2102 : vector<16xf32>
      %parallel_loop3A_2111 = arith.select %parallel_loop3A_2107, %parallel_loop3A_2098, %parallel_loop3A_2106 : vector<16xi1>, vector<16xi32>
      %parallel_loop3A_2112 = arith.constant 58 : i32
      %parallel_loop3A_2113 = arith.index_cast %parallel_loop3A_2112 : i32 to index
      %parallel_loop3A_2114 = arith.index_cast %parallel_loop3A_7 : i32 to index
      %parallel_loop3A_2115 = tpu.vector_load %arg5[%parallel_loop3A_2113, %parallel_loop3A_2114] {strides = array<i32>} : memref<64x512xf32, #tpu.memory_space<vmem>>, vector<16xf32>,
      %parallel_loop3A_2116 = math.exp %parallel_loop3A_2115 : vector<16xf32>
      %parallel_loop3A_2117 = arith.addf %parallel_loop3A_2104, %parallel_loop3A_2116 : vector<16xf32>
      %parallel_loop3A_2118 = arith.constant 58 : i32
      %parallel_loop3A_2119 = vector.broadcast %parallel_loop3A_2118 : i32 to vector<16xi32>
      %parallel_loop3A_2120 = arith.constant 59 : i32
      %parallel_loop3A_2121 = arith.index_cast %parallel_loop3A_2120 : i32 to index
      %parallel_loop3A_2122 = arith.index_cast %parallel_loop3A_7 : i32 to index
      %parallel_loop3A_2123 = tpu.vector_load %arg5[%parallel_loop3A_2121, %parallel_loop3A_2122] {strides = array<i32>} : memref<64x512xf32, #tpu.memory_space<vmem>>, vector<16xf32>,
      %parallel_loop3A_2124 = math.exp %parallel_loop3A_2123 : vector<16xf32>
      %parallel_loop3A_2125 = arith.addf %parallel_loop3A_2117, %parallel_loop3A_2124 : vector<16xf32>
      %parallel_loop3A_2126 = arith.constant 59 : i32
      %parallel_loop3A_2127 = vector.broadcast %parallel_loop3A_2126 : i32 to vector<16xi32>
      %parallel_loop3A_2128 = arith.cmpf ogt, %parallel_loop3A_2123, %parallel_loop3A_2115 : vector<16xf32>
      %parallel_loop3A_2129 = arith.maximumf %parallel_loop3A_2115, %parallel_loop3A_2123 : vector<16xf32>
      %parallel_loop3A_2130 = arith.select %parallel_loop3A_2128, %parallel_loop3A_2127, %parallel_loop3A_2119 : vector<16xi1>, vector<16xi32>
      %parallel_loop3A_2131 = arith.minimumf %parallel_loop3A_2115, %parallel_loop3A_2123 : vector<16xf32>
      %parallel_loop3A_2132 = arith.select %parallel_loop3A_2128, %parallel_loop3A_2119, %parallel_loop3A_2127 : vector<16xi1>, vector<16xi32>
      %parallel_loop3A_2133 = arith.cmpf ogt, %parallel_loop3A_2129, %parallel_loop3A_2108 : vector<16xf32>
      %parallel_loop3A_2134 = arith.maximumf %parallel_loop3A_2108, %parallel_loop3A_2129 : vector<16xf32>
      %parallel_loop3A_2135 = arith.select %parallel_loop3A_2133, %parallel_loop3A_2130, %parallel_loop3A_2109 : vector<16xi1>, vector<16xi32>
      %parallel_loop3A_2136 = arith.minimumf %parallel_loop3A_2108, %parallel_loop3A_2129 : vector<16xf32>
      %parallel_loop3A_2137 = arith.select %parallel_loop3A_2133, %parallel_loop3A_2109, %parallel_loop3A_2130 : vector<16xi1>, vector<16xi32>
      %parallel_loop3A_2138 = arith.cmpf ogt, %parallel_loop3A_2131, %parallel_loop3A_2110 : vector<16xf32>
      %parallel_loop3A_2139 = arith.maximumf %parallel_loop3A_2110, %parallel_loop3A_2131 : vector<16xf32>
      %parallel_loop3A_2140 = arith.select %parallel_loop3A_2138, %parallel_loop3A_2132, %parallel_loop3A_2111 : vector<16xi1>, vector<16xi32>
      %parallel_loop3A_2141 = arith.minimumf %parallel_loop3A_2110, %parallel_loop3A_2131 : vector<16xf32>
      %parallel_loop3A_2142 = arith.select %parallel_loop3A_2138, %parallel_loop3A_2111, %parallel_loop3A_2132 : vector<16xi1>, vector<16xi32>
      %parallel_loop3A_2143 = arith.cmpf ogt, %parallel_loop3A_2136, %parallel_loop3A_2139 : vector<16xf32>
      %parallel_loop3A_2144 = arith.maximumf %parallel_loop3A_2139, %parallel_loop3A_2136 : vector<16xf32>
      %parallel_loop3A_2145 = arith.select %parallel_loop3A_2143, %parallel_loop3A_2137, %parallel_loop3A_2140 : vector<16xi1>, vector<16xi32>
      %parallel_loop3A_2146 = arith.minimumf %parallel_loop3A_2139, %parallel_loop3A_2136 : vector<16xf32>
      %parallel_loop3A_2147 = arith.select %parallel_loop3A_2143, %parallel_loop3A_2140, %parallel_loop3A_2137 : vector<16xi1>, vector<16xi32>
      %parallel_loop3A_2148 = arith.constant 60 : i32
      %parallel_loop3A_2149 = arith.index_cast %parallel_loop3A_2148 : i32 to index
      %parallel_loop3A_2150 = arith.index_cast %parallel_loop3A_7 : i32 to index
      %parallel_loop3A_2151 = tpu.vector_load %arg5[%parallel_loop3A_2149, %parallel_loop3A_2150] {strides = array<i32>} : memref<64x512xf32, #tpu.memory_space<vmem>>, vector<16xf32>,
      %parallel_loop3A_2152 = math.exp %parallel_loop3A_2151 : vector<16xf32>
      %parallel_loop3A_2153 = arith.addf %parallel_loop3A_2125, %parallel_loop3A_2152 : vector<16xf32>
      %parallel_loop3A_2154 = arith.constant 60 : i32
      %parallel_loop3A_2155 = vector.broadcast %parallel_loop3A_2154 : i32 to vector<16xi32>
      %parallel_loop3A_2156 = arith.constant 61 : i32
      %parallel_loop3A_2157 = arith.index_cast %parallel_loop3A_2156 : i32 to index
      %parallel_loop3A_2158 = arith.index_cast %parallel_loop3A_7 : i32 to index
      %parallel_loop3A_2159 = tpu.vector_load %arg5[%parallel_loop3A_2157, %parallel_loop3A_2158] {strides = array<i32>} : memref<64x512xf32, #tpu.memory_space<vmem>>, vector<16xf32>,
      %parallel_loop3A_2160 = math.exp %parallel_loop3A_2159 : vector<16xf32>
      %parallel_loop3A_2161 = arith.addf %parallel_loop3A_2153, %parallel_loop3A_2160 : vector<16xf32>
      %parallel_loop3A_2162 = arith.constant 61 : i32
      %parallel_loop3A_2163 = vector.broadcast %parallel_loop3A_2162 : i32 to vector<16xi32>
      %parallel_loop3A_2164 = arith.cmpf ogt, %parallel_loop3A_2159, %parallel_loop3A_2151 : vector<16xf32>
      %parallel_loop3A_2165 = arith.maximumf %parallel_loop3A_2151, %parallel_loop3A_2159 : vector<16xf32>
      %parallel_loop3A_2166 = arith.select %parallel_loop3A_2164, %parallel_loop3A_2163, %parallel_loop3A_2155 : vector<16xi1>, vector<16xi32>
      %parallel_loop3A_2167 = arith.minimumf %parallel_loop3A_2151, %parallel_loop3A_2159 : vector<16xf32>
      %parallel_loop3A_2168 = arith.select %parallel_loop3A_2164, %parallel_loop3A_2155, %parallel_loop3A_2163 : vector<16xi1>, vector<16xi32>
      %parallel_loop3A_2169 = arith.constant 62 : i32
      %parallel_loop3A_2170 = arith.index_cast %parallel_loop3A_2169 : i32 to index
      %parallel_loop3A_2171 = arith.index_cast %parallel_loop3A_7 : i32 to index
      %parallel_loop3A_2172 = tpu.vector_load %arg5[%parallel_loop3A_2170, %parallel_loop3A_2171] {strides = array<i32>} : memref<64x512xf32, #tpu.memory_space<vmem>>, vector<16xf32>,
      %parallel_loop3A_2173 = math.exp %parallel_loop3A_2172 : vector<16xf32>
      %parallel_loop3A_2174 = arith.addf %parallel_loop3A_2161, %parallel_loop3A_2173 : vector<16xf32>
      %parallel_loop3A_2175 = arith.constant 62 : i32
      %parallel_loop3A_2176 = vector.broadcast %parallel_loop3A_2175 : i32 to vector<16xi32>
      %parallel_loop3A_2177 = arith.constant 63 : i32
      %parallel_loop3A_2178 = arith.index_cast %parallel_loop3A_2177 : i32 to index
      %parallel_loop3A_2179 = arith.index_cast %parallel_loop3A_7 : i32 to index
      %parallel_loop3A_2180 = tpu.vector_load %arg5[%parallel_loop3A_2178, %parallel_loop3A_2179] {strides = array<i32>} : memref<64x512xf32, #tpu.memory_space<vmem>>, vector<16xf32>,
      %parallel_loop3A_2181 = math.exp %parallel_loop3A_2180 : vector<16xf32>
      %parallel_loop3A_2182 = arith.addf %parallel_loop3A_2174, %parallel_loop3A_2181 : vector<16xf32>
      %parallel_loop3A_2183 = arith.constant 63 : i32
      %parallel_loop3A_2184 = vector.broadcast %parallel_loop3A_2183 : i32 to vector<16xi32>
      %parallel_loop3A_2185 = arith.cmpf ogt, %parallel_loop3A_2180, %parallel_loop3A_2172 : vector<16xf32>
      %parallel_loop3A_2186 = arith.maximumf %parallel_loop3A_2172, %parallel_loop3A_2180 : vector<16xf32>
      %parallel_loop3A_2187 = arith.select %parallel_loop3A_2185, %parallel_loop3A_2184, %parallel_loop3A_2176 : vector<16xi1>, vector<16xi32>
      %parallel_loop3A_2188 = arith.minimumf %parallel_loop3A_2172, %parallel_loop3A_2180 : vector<16xf32>
      %parallel_loop3A_2189 = arith.select %parallel_loop3A_2185, %parallel_loop3A_2176, %parallel_loop3A_2184 : vector<16xi1>, vector<16xi32>
      %parallel_loop3A_2190 = arith.cmpf ogt, %parallel_loop3A_2186, %parallel_loop3A_2165 : vector<16xf32>
      %parallel_loop3A_2191 = arith.maximumf %parallel_loop3A_2165, %parallel_loop3A_2186 : vector<16xf32>
      %parallel_loop3A_2192 = arith.select %parallel_loop3A_2190, %parallel_loop3A_2187, %parallel_loop3A_2166 : vector<16xi1>, vector<16xi32>
      %parallel_loop3A_2193 = arith.minimumf %parallel_loop3A_2165, %parallel_loop3A_2186 : vector<16xf32>
      %parallel_loop3A_2194 = arith.select %parallel_loop3A_2190, %parallel_loop3A_2166, %parallel_loop3A_2187 : vector<16xi1>, vector<16xi32>
      %parallel_loop3A_2195 = arith.cmpf ogt, %parallel_loop3A_2188, %parallel_loop3A_2167 : vector<16xf32>
      %parallel_loop3A_2196 = arith.maximumf %parallel_loop3A_2167, %parallel_loop3A_2188 : vector<16xf32>
      %parallel_loop3A_2197 = arith.select %parallel_loop3A_2195, %parallel_loop3A_2189, %parallel_loop3A_2168 : vector<16xi1>, vector<16xi32>
      %parallel_loop3A_2198 = arith.minimumf %parallel_loop3A_2167, %parallel_loop3A_2188 : vector<16xf32>
      %parallel_loop3A_2199 = arith.select %parallel_loop3A_2195, %parallel_loop3A_2168, %parallel_loop3A_2189 : vector<16xi1>, vector<16xi32>
      %parallel_loop3A_2200 = arith.cmpf ogt, %parallel_loop3A_2193, %parallel_loop3A_2196 : vector<16xf32>
      %parallel_loop3A_2201 = arith.maximumf %parallel_loop3A_2196, %parallel_loop3A_2193 : vector<16xf32>
      %parallel_loop3A_2202 = arith.select %parallel_loop3A_2200, %parallel_loop3A_2194, %parallel_loop3A_2197 : vector<16xi1>, vector<16xi32>
      %parallel_loop3A_2203 = arith.minimumf %parallel_loop3A_2196, %parallel_loop3A_2193 : vector<16xf32>
      %parallel_loop3A_2204 = arith.select %parallel_loop3A_2200, %parallel_loop3A_2197, %parallel_loop3A_2194 : vector<16xi1>, vector<16xi32>
      %parallel_loop3A_2205 = arith.cmpf ogt, %parallel_loop3A_2191, %parallel_loop3A_2134 : vector<16xf32>
      %parallel_loop3A_2206 = arith.maximumf %parallel_loop3A_2134, %parallel_loop3A_2191 : vector<16xf32>
      %parallel_loop3A_2207 = arith.select %parallel_loop3A_2205, %parallel_loop3A_2192, %parallel_loop3A_2135 : vector<16xi1>, vector<16xi32>
      %parallel_loop3A_2208 = arith.minimumf %parallel_loop3A_2134, %parallel_loop3A_2191 : vector<16xf32>
      %parallel_loop3A_2209 = arith.select %parallel_loop3A_2205, %parallel_loop3A_2135, %parallel_loop3A_2192 : vector<16xi1>, vector<16xi32>
      %parallel_loop3A_2210 = arith.cmpf ogt, %parallel_loop3A_2203, %parallel_loop3A_2146 : vector<16xf32>
      %parallel_loop3A_2211 = arith.maximumf %parallel_loop3A_2146, %parallel_loop3A_2203 : vector<16xf32>
      %parallel_loop3A_2212 = arith.select %parallel_loop3A_2210, %parallel_loop3A_2204, %parallel_loop3A_2147 : vector<16xi1>, vector<16xi32>
      %parallel_loop3A_2213 = arith.minimumf %parallel_loop3A_2146, %parallel_loop3A_2203 : vector<16xf32>
      %parallel_loop3A_2214 = arith.select %parallel_loop3A_2210, %parallel_loop3A_2147, %parallel_loop3A_2204 : vector<16xi1>, vector<16xi32>
      %parallel_loop3A_2215 = arith.cmpf ogt, %parallel_loop3A_2208, %parallel_loop3A_2211 : vector<16xf32>
      %parallel_loop3A_2216 = arith.maximumf %parallel_loop3A_2211, %parallel_loop3A_2208 : vector<16xf32>
      %parallel_loop3A_2217 = arith.select %parallel_loop3A_2215, %parallel_loop3A_2209, %parallel_loop3A_2212 : vector<16xi1>, vector<16xi32>
      %parallel_loop3A_2218 = arith.minimumf %parallel_loop3A_2211, %parallel_loop3A_2208 : vector<16xf32>
      %parallel_loop3A_2219 = arith.select %parallel_loop3A_2215, %parallel_loop3A_2212, %parallel_loop3A_2209 : vector<16xi1>, vector<16xi32>
      %parallel_loop3A_2220 = arith.cmpf ogt, %parallel_loop3A_2201, %parallel_loop3A_2144 : vector<16xf32>
      %parallel_loop3A_2221 = arith.maximumf %parallel_loop3A_2144, %parallel_loop3A_2201 : vector<16xf32>
      %parallel_loop3A_2222 = arith.select %parallel_loop3A_2220, %parallel_loop3A_2202, %parallel_loop3A_2145 : vector<16xi1>, vector<16xi32>
      %parallel_loop3A_2223 = arith.minimumf %parallel_loop3A_2144, %parallel_loop3A_2201 : vector<16xf32>
      %parallel_loop3A_2224 = arith.select %parallel_loop3A_2220, %parallel_loop3A_2145, %parallel_loop3A_2202 : vector<16xi1>, vector<16xi32>
      %parallel_loop3A_2225 = arith.cmpf ogt, %parallel_loop3A_2198, %parallel_loop3A_2141 : vector<16xf32>
      %parallel_loop3A_2226 = arith.maximumf %parallel_loop3A_2141, %parallel_loop3A_2198 : vector<16xf32>
      %parallel_loop3A_2227 = arith.select %parallel_loop3A_2225, %parallel_loop3A_2199, %parallel_loop3A_2142 : vector<16xi1>, vector<16xi32>
      %parallel_loop3A_2228 = arith.minimumf %parallel_loop3A_2141, %parallel_loop3A_2198 : vector<16xf32>
      %parallel_loop3A_2229 = arith.select %parallel_loop3A_2225, %parallel_loop3A_2142, %parallel_loop3A_2199 : vector<16xi1>, vector<16xi32>
      %parallel_loop3A_2230 = arith.cmpf ogt, %parallel_loop3A_2223, %parallel_loop3A_2226 : vector<16xf32>
      %parallel_loop3A_2231 = arith.maximumf %parallel_loop3A_2226, %parallel_loop3A_2223 : vector<16xf32>
      %parallel_loop3A_2232 = arith.select %parallel_loop3A_2230, %parallel_loop3A_2224, %parallel_loop3A_2227 : vector<16xi1>, vector<16xi32>
      %parallel_loop3A_2233 = arith.minimumf %parallel_loop3A_2226, %parallel_loop3A_2223 : vector<16xf32>
      %parallel_loop3A_2234 = arith.select %parallel_loop3A_2230, %parallel_loop3A_2227, %parallel_loop3A_2224 : vector<16xi1>, vector<16xi32>
      %parallel_loop3A_2235 = arith.cmpf ogt, %parallel_loop3A_2216, %parallel_loop3A_2221 : vector<16xf32>
      %parallel_loop3A_2236 = arith.maximumf %parallel_loop3A_2221, %parallel_loop3A_2216 : vector<16xf32>
      %parallel_loop3A_2237 = arith.select %parallel_loop3A_2235, %parallel_loop3A_2217, %parallel_loop3A_2222 : vector<16xi1>, vector<16xi32>
      %parallel_loop3A_2238 = arith.minimumf %parallel_loop3A_2221, %parallel_loop3A_2216 : vector<16xf32>
      %parallel_loop3A_2239 = arith.select %parallel_loop3A_2235, %parallel_loop3A_2222, %parallel_loop3A_2217 : vector<16xi1>, vector<16xi32>
      %parallel_loop3A_2240 = arith.cmpf ogt, %parallel_loop3A_2218, %parallel_loop3A_2231 : vector<16xf32>
      %parallel_loop3A_2241 = arith.maximumf %parallel_loop3A_2231, %parallel_loop3A_2218 : vector<16xf32>
      %parallel_loop3A_2242 = arith.select %parallel_loop3A_2240, %parallel_loop3A_2219, %parallel_loop3A_2232 : vector<16xi1>, vector<16xi32>
      %parallel_loop3A_2243 = arith.minimumf %parallel_loop3A_2231, %parallel_loop3A_2218 : vector<16xf32>
      %parallel_loop3A_2244 = arith.select %parallel_loop3A_2240, %parallel_loop3A_2232, %parallel_loop3A_2219 : vector<16xi1>, vector<16xi32>
      %parallel_loop3A_2245 = arith.cmpf ogt, %parallel_loop3A_2213, %parallel_loop3A_2233 : vector<16xf32>
      %parallel_loop3A_2246 = arith.maximumf %parallel_loop3A_2233, %parallel_loop3A_2213 : vector<16xf32>
      %parallel_loop3A_2247 = arith.select %parallel_loop3A_2245, %parallel_loop3A_2214, %parallel_loop3A_2234 : vector<16xi1>, vector<16xi32>
      %parallel_loop3A_2248 = arith.minimumf %parallel_loop3A_2233, %parallel_loop3A_2213 : vector<16xf32>
      %parallel_loop3A_2249 = arith.select %parallel_loop3A_2245, %parallel_loop3A_2234, %parallel_loop3A_2214 : vector<16xi1>, vector<16xi32>
      %parallel_loop3A_2250 = arith.cmpf ogt, %parallel_loop3A_2206, %parallel_loop3A_2047 : vector<16xf32>
      %parallel_loop3A_2251 = arith.maximumf %parallel_loop3A_2047, %parallel_loop3A_2206 : vector<16xf32>
      %parallel_loop3A_2252 = arith.select %parallel_loop3A_2250, %parallel_loop3A_2207, %parallel_loop3A_2048 : vector<16xi1>, vector<16xi32>
      %parallel_loop3A_2253 = arith.minimumf %parallel_loop3A_2047, %parallel_loop3A_2206 : vector<16xf32>
      %parallel_loop3A_2254 = arith.select %parallel_loop3A_2250, %parallel_loop3A_2048, %parallel_loop3A_2207 : vector<16xi1>, vector<16xi32>
      %parallel_loop3A_2255 = arith.cmpf ogt, %parallel_loop3A_2243, %parallel_loop3A_2084 : vector<16xf32>
      %parallel_loop3A_2256 = arith.maximumf %parallel_loop3A_2084, %parallel_loop3A_2243 : vector<16xf32>
      %parallel_loop3A_2257 = arith.select %parallel_loop3A_2255, %parallel_loop3A_2244, %parallel_loop3A_2085 : vector<16xi1>, vector<16xi32>
      %parallel_loop3A_2258 = arith.minimumf %parallel_loop3A_2084, %parallel_loop3A_2243 : vector<16xf32>
      %parallel_loop3A_2259 = arith.select %parallel_loop3A_2255, %parallel_loop3A_2085, %parallel_loop3A_2244 : vector<16xi1>, vector<16xi32>
      %parallel_loop3A_2260 = arith.cmpf ogt, %parallel_loop3A_2253, %parallel_loop3A_2256 : vector<16xf32>
      %parallel_loop3A_2261 = arith.maximumf %parallel_loop3A_2256, %parallel_loop3A_2253 : vector<16xf32>
      %parallel_loop3A_2262 = arith.select %parallel_loop3A_2260, %parallel_loop3A_2254, %parallel_loop3A_2257 : vector<16xi1>, vector<16xi32>
      %parallel_loop3A_2263 = arith.minimumf %parallel_loop3A_2256, %parallel_loop3A_2253 : vector<16xf32>
      %parallel_loop3A_2264 = arith.select %parallel_loop3A_2260, %parallel_loop3A_2257, %parallel_loop3A_2254 : vector<16xi1>, vector<16xi32>
      %parallel_loop3A_2265 = arith.cmpf ogt, %parallel_loop3A_2238, %parallel_loop3A_2079 : vector<16xf32>
      %parallel_loop3A_2266 = arith.maximumf %parallel_loop3A_2079, %parallel_loop3A_2238 : vector<16xf32>
      %parallel_loop3A_2267 = arith.select %parallel_loop3A_2265, %parallel_loop3A_2239, %parallel_loop3A_2080 : vector<16xi1>, vector<16xi32>
      %parallel_loop3A_2268 = arith.minimumf %parallel_loop3A_2079, %parallel_loop3A_2238 : vector<16xf32>
      %parallel_loop3A_2269 = arith.select %parallel_loop3A_2265, %parallel_loop3A_2080, %parallel_loop3A_2239 : vector<16xi1>, vector<16xi32>
      %parallel_loop3A_2270 = arith.cmpf ogt, %parallel_loop3A_2248, %parallel_loop3A_2089 : vector<16xf32>
      %parallel_loop3A_2271 = arith.maximumf %parallel_loop3A_2089, %parallel_loop3A_2248 : vector<16xf32>
      %parallel_loop3A_2272 = arith.select %parallel_loop3A_2270, %parallel_loop3A_2249, %parallel_loop3A_2090 : vector<16xi1>, vector<16xi32>
      %parallel_loop3A_2273 = arith.minimumf %parallel_loop3A_2089, %parallel_loop3A_2248 : vector<16xf32>
      %parallel_loop3A_2274 = arith.select %parallel_loop3A_2270, %parallel_loop3A_2090, %parallel_loop3A_2249 : vector<16xi1>, vector<16xi32>
      %parallel_loop3A_2275 = arith.cmpf ogt, %parallel_loop3A_2268, %parallel_loop3A_2271 : vector<16xf32>
      %parallel_loop3A_2276 = arith.maximumf %parallel_loop3A_2271, %parallel_loop3A_2268 : vector<16xf32>
      %parallel_loop3A_2277 = arith.select %parallel_loop3A_2275, %parallel_loop3A_2269, %parallel_loop3A_2272 : vector<16xi1>, vector<16xi32>
      %parallel_loop3A_2278 = arith.minimumf %parallel_loop3A_2271, %parallel_loop3A_2268 : vector<16xf32>
      %parallel_loop3A_2279 = arith.select %parallel_loop3A_2275, %parallel_loop3A_2272, %parallel_loop3A_2269 : vector<16xi1>, vector<16xi32>
      %parallel_loop3A_2280 = arith.cmpf ogt, %parallel_loop3A_2261, %parallel_loop3A_2266 : vector<16xf32>
      %parallel_loop3A_2281 = arith.maximumf %parallel_loop3A_2266, %parallel_loop3A_2261 : vector<16xf32>
      %parallel_loop3A_2282 = arith.select %parallel_loop3A_2280, %parallel_loop3A_2262, %parallel_loop3A_2267 : vector<16xi1>, vector<16xi32>
      %parallel_loop3A_2283 = arith.minimumf %parallel_loop3A_2266, %parallel_loop3A_2261 : vector<16xf32>
      %parallel_loop3A_2284 = arith.select %parallel_loop3A_2280, %parallel_loop3A_2267, %parallel_loop3A_2262 : vector<16xi1>, vector<16xi32>
      %parallel_loop3A_2285 = arith.cmpf ogt, %parallel_loop3A_2263, %parallel_loop3A_2276 : vector<16xf32>
      %parallel_loop3A_2286 = arith.maximumf %parallel_loop3A_2276, %parallel_loop3A_2263 : vector<16xf32>
      %parallel_loop3A_2287 = arith.select %parallel_loop3A_2285, %parallel_loop3A_2264, %parallel_loop3A_2277 : vector<16xi1>, vector<16xi32>
      %parallel_loop3A_2288 = arith.minimumf %parallel_loop3A_2276, %parallel_loop3A_2263 : vector<16xf32>
      %parallel_loop3A_2289 = arith.select %parallel_loop3A_2285, %parallel_loop3A_2277, %parallel_loop3A_2264 : vector<16xi1>, vector<16xi32>
      %parallel_loop3A_2290 = arith.cmpf ogt, %parallel_loop3A_2258, %parallel_loop3A_2278 : vector<16xf32>
      %parallel_loop3A_2291 = arith.maximumf %parallel_loop3A_2278, %parallel_loop3A_2258 : vector<16xf32>
      %parallel_loop3A_2292 = arith.select %parallel_loop3A_2290, %parallel_loop3A_2259, %parallel_loop3A_2279 : vector<16xi1>, vector<16xi32>
      %parallel_loop3A_2293 = arith.minimumf %parallel_loop3A_2278, %parallel_loop3A_2258 : vector<16xf32>
      %parallel_loop3A_2294 = arith.select %parallel_loop3A_2290, %parallel_loop3A_2279, %parallel_loop3A_2259 : vector<16xi1>, vector<16xi32>
      %parallel_loop3A_2295 = arith.cmpf ogt, %parallel_loop3A_2236, %parallel_loop3A_2077 : vector<16xf32>
      %parallel_loop3A_2296 = arith.maximumf %parallel_loop3A_2077, %parallel_loop3A_2236 : vector<16xf32>
      %parallel_loop3A_2297 = arith.select %parallel_loop3A_2295, %parallel_loop3A_2237, %parallel_loop3A_2078 : vector<16xi1>, vector<16xi32>
      %parallel_loop3A_2298 = arith.minimumf %parallel_loop3A_2077, %parallel_loop3A_2236 : vector<16xf32>
      %parallel_loop3A_2299 = arith.select %parallel_loop3A_2295, %parallel_loop3A_2078, %parallel_loop3A_2237 : vector<16xi1>, vector<16xi32>
      %parallel_loop3A_2300 = arith.cmpf ogt, %parallel_loop3A_2246, %parallel_loop3A_2087 : vector<16xf32>
      %parallel_loop3A_2301 = arith.maximumf %parallel_loop3A_2087, %parallel_loop3A_2246 : vector<16xf32>
      %parallel_loop3A_2302 = arith.select %parallel_loop3A_2300, %parallel_loop3A_2247, %parallel_loop3A_2088 : vector<16xi1>, vector<16xi32>
      %parallel_loop3A_2303 = arith.minimumf %parallel_loop3A_2087, %parallel_loop3A_2246 : vector<16xf32>
      %parallel_loop3A_2304 = arith.select %parallel_loop3A_2300, %parallel_loop3A_2088, %parallel_loop3A_2247 : vector<16xi1>, vector<16xi32>
      %parallel_loop3A_2305 = arith.cmpf ogt, %parallel_loop3A_2298, %parallel_loop3A_2301 : vector<16xf32>
      %parallel_loop3A_2306 = arith.maximumf %parallel_loop3A_2301, %parallel_loop3A_2298 : vector<16xf32>
      %parallel_loop3A_2307 = arith.select %parallel_loop3A_2305, %parallel_loop3A_2299, %parallel_loop3A_2302 : vector<16xi1>, vector<16xi32>
      %parallel_loop3A_2308 = arith.minimumf %parallel_loop3A_2301, %parallel_loop3A_2298 : vector<16xf32>
      %parallel_loop3A_2309 = arith.select %parallel_loop3A_2305, %parallel_loop3A_2302, %parallel_loop3A_2299 : vector<16xi1>, vector<16xi32>
      %parallel_loop3A_2310 = arith.cmpf ogt, %parallel_loop3A_2241, %parallel_loop3A_2082 : vector<16xf32>
      %parallel_loop3A_2311 = arith.maximumf %parallel_loop3A_2082, %parallel_loop3A_2241 : vector<16xf32>
      %parallel_loop3A_2312 = arith.select %parallel_loop3A_2310, %parallel_loop3A_2242, %parallel_loop3A_2083 : vector<16xi1>, vector<16xi32>
      %parallel_loop3A_2313 = arith.minimumf %parallel_loop3A_2082, %parallel_loop3A_2241 : vector<16xf32>
      %parallel_loop3A_2314 = arith.select %parallel_loop3A_2310, %parallel_loop3A_2083, %parallel_loop3A_2242 : vector<16xi1>, vector<16xi32>
      %parallel_loop3A_2315 = arith.cmpf ogt, %parallel_loop3A_2228, %parallel_loop3A_2069 : vector<16xf32>
      %parallel_loop3A_2316 = arith.maximumf %parallel_loop3A_2069, %parallel_loop3A_2228 : vector<16xf32>
      %parallel_loop3A_2317 = arith.select %parallel_loop3A_2315, %parallel_loop3A_2229, %parallel_loop3A_2070 : vector<16xi1>, vector<16xi32>
      %parallel_loop3A_2318 = arith.minimumf %parallel_loop3A_2069, %parallel_loop3A_2228 : vector<16xf32>
      %parallel_loop3A_2319 = arith.select %parallel_loop3A_2315, %parallel_loop3A_2070, %parallel_loop3A_2229 : vector<16xi1>, vector<16xi32>
      %parallel_loop3A_2320 = arith.cmpf ogt, %parallel_loop3A_2313, %parallel_loop3A_2316 : vector<16xf32>
      %parallel_loop3A_2321 = arith.maximumf %parallel_loop3A_2316, %parallel_loop3A_2313 : vector<16xf32>
      %parallel_loop3A_2322 = arith.select %parallel_loop3A_2320, %parallel_loop3A_2314, %parallel_loop3A_2317 : vector<16xi1>, vector<16xi32>
      %parallel_loop3A_2323 = arith.minimumf %parallel_loop3A_2316, %parallel_loop3A_2313 : vector<16xf32>
      %parallel_loop3A_2324 = arith.select %parallel_loop3A_2320, %parallel_loop3A_2317, %parallel_loop3A_2314 : vector<16xi1>, vector<16xi32>
      %parallel_loop3A_2325 = arith.cmpf ogt, %parallel_loop3A_2306, %parallel_loop3A_2311 : vector<16xf32>
      %parallel_loop3A_2326 = arith.maximumf %parallel_loop3A_2311, %parallel_loop3A_2306 : vector<16xf32>
      %parallel_loop3A_2327 = arith.select %parallel_loop3A_2325, %parallel_loop3A_2307, %parallel_loop3A_2312 : vector<16xi1>, vector<16xi32>
      %parallel_loop3A_2328 = arith.minimumf %parallel_loop3A_2311, %parallel_loop3A_2306 : vector<16xf32>
      %parallel_loop3A_2329 = arith.select %parallel_loop3A_2325, %parallel_loop3A_2312, %parallel_loop3A_2307 : vector<16xi1>, vector<16xi32>
      %parallel_loop3A_2330 = arith.cmpf ogt, %parallel_loop3A_2308, %parallel_loop3A_2321 : vector<16xf32>
      %parallel_loop3A_2331 = arith.maximumf %parallel_loop3A_2321, %parallel_loop3A_2308 : vector<16xf32>
      %parallel_loop3A_2332 = arith.select %parallel_loop3A_2330, %parallel_loop3A_2309, %parallel_loop3A_2322 : vector<16xi1>, vector<16xi32>
      %parallel_loop3A_2333 = arith.minimumf %parallel_loop3A_2321, %parallel_loop3A_2308 : vector<16xf32>
      %parallel_loop3A_2334 = arith.select %parallel_loop3A_2330, %parallel_loop3A_2322, %parallel_loop3A_2309 : vector<16xi1>, vector<16xi32>
      %parallel_loop3A_2335 = arith.cmpf ogt, %parallel_loop3A_2303, %parallel_loop3A_2323 : vector<16xf32>
      %parallel_loop3A_2336 = arith.maximumf %parallel_loop3A_2323, %parallel_loop3A_2303 : vector<16xf32>
      %parallel_loop3A_2337 = arith.select %parallel_loop3A_2335, %parallel_loop3A_2304, %parallel_loop3A_2324 : vector<16xi1>, vector<16xi32>
      %parallel_loop3A_2338 = arith.minimumf %parallel_loop3A_2323, %parallel_loop3A_2303 : vector<16xf32>
      %parallel_loop3A_2339 = arith.select %parallel_loop3A_2335, %parallel_loop3A_2324, %parallel_loop3A_2304 : vector<16xi1>, vector<16xi32>
      %parallel_loop3A_2340 = arith.cmpf ogt, %parallel_loop3A_2281, %parallel_loop3A_2296 : vector<16xf32>
      %parallel_loop3A_2341 = arith.maximumf %parallel_loop3A_2296, %parallel_loop3A_2281 : vector<16xf32>
      %parallel_loop3A_2342 = arith.select %parallel_loop3A_2340, %parallel_loop3A_2282, %parallel_loop3A_2297 : vector<16xi1>, vector<16xi32>
      %parallel_loop3A_2343 = arith.minimumf %parallel_loop3A_2296, %parallel_loop3A_2281 : vector<16xf32>
      %parallel_loop3A_2344 = arith.select %parallel_loop3A_2340, %parallel_loop3A_2297, %parallel_loop3A_2282 : vector<16xi1>, vector<16xi32>
      %parallel_loop3A_2345 = arith.cmpf ogt, %parallel_loop3A_2283, %parallel_loop3A_2326 : vector<16xf32>
      %parallel_loop3A_2346 = arith.maximumf %parallel_loop3A_2326, %parallel_loop3A_2283 : vector<16xf32>
      %parallel_loop3A_2347 = arith.select %parallel_loop3A_2345, %parallel_loop3A_2284, %parallel_loop3A_2327 : vector<16xi1>, vector<16xi32>
      %parallel_loop3A_2348 = arith.minimumf %parallel_loop3A_2326, %parallel_loop3A_2283 : vector<16xf32>
      %parallel_loop3A_2349 = arith.select %parallel_loop3A_2345, %parallel_loop3A_2327, %parallel_loop3A_2284 : vector<16xi1>, vector<16xi32>
      %parallel_loop3A_2350 = arith.cmpf ogt, %parallel_loop3A_2286, %parallel_loop3A_2328 : vector<16xf32>
      %parallel_loop3A_2351 = arith.maximumf %parallel_loop3A_2328, %parallel_loop3A_2286 : vector<16xf32>
      %parallel_loop3A_2352 = arith.select %parallel_loop3A_2350, %parallel_loop3A_2287, %parallel_loop3A_2329 : vector<16xi1>, vector<16xi32>
      %parallel_loop3A_2353 = arith.minimumf %parallel_loop3A_2328, %parallel_loop3A_2286 : vector<16xf32>
      %parallel_loop3A_2354 = arith.select %parallel_loop3A_2350, %parallel_loop3A_2329, %parallel_loop3A_2287 : vector<16xi1>, vector<16xi32>
      %parallel_loop3A_2355 = arith.cmpf ogt, %parallel_loop3A_2288, %parallel_loop3A_2331 : vector<16xf32>
      %parallel_loop3A_2356 = arith.maximumf %parallel_loop3A_2331, %parallel_loop3A_2288 : vector<16xf32>
      %parallel_loop3A_2357 = arith.select %parallel_loop3A_2355, %parallel_loop3A_2289, %parallel_loop3A_2332 : vector<16xi1>, vector<16xi32>
      %parallel_loop3A_2358 = arith.minimumf %parallel_loop3A_2331, %parallel_loop3A_2288 : vector<16xf32>
      %parallel_loop3A_2359 = arith.select %parallel_loop3A_2355, %parallel_loop3A_2332, %parallel_loop3A_2289 : vector<16xi1>, vector<16xi32>
      %parallel_loop3A_2360 = arith.cmpf ogt, %parallel_loop3A_2291, %parallel_loop3A_2333 : vector<16xf32>
      %parallel_loop3A_2361 = arith.maximumf %parallel_loop3A_2333, %parallel_loop3A_2291 : vector<16xf32>
      %parallel_loop3A_2362 = arith.select %parallel_loop3A_2360, %parallel_loop3A_2292, %parallel_loop3A_2334 : vector<16xi1>, vector<16xi32>
      %parallel_loop3A_2363 = arith.minimumf %parallel_loop3A_2333, %parallel_loop3A_2291 : vector<16xf32>
      %parallel_loop3A_2364 = arith.select %parallel_loop3A_2360, %parallel_loop3A_2334, %parallel_loop3A_2292 : vector<16xi1>, vector<16xi32>
      %parallel_loop3A_2365 = arith.cmpf ogt, %parallel_loop3A_2293, %parallel_loop3A_2336 : vector<16xf32>
      %parallel_loop3A_2366 = arith.maximumf %parallel_loop3A_2336, %parallel_loop3A_2293 : vector<16xf32>
      %parallel_loop3A_2367 = arith.select %parallel_loop3A_2365, %parallel_loop3A_2294, %parallel_loop3A_2337 : vector<16xi1>, vector<16xi32>
      %parallel_loop3A_2368 = arith.minimumf %parallel_loop3A_2336, %parallel_loop3A_2293 : vector<16xf32>
      %parallel_loop3A_2369 = arith.select %parallel_loop3A_2365, %parallel_loop3A_2337, %parallel_loop3A_2294 : vector<16xi1>, vector<16xi32>
      %parallel_loop3A_2370 = arith.cmpf ogt, %parallel_loop3A_2273, %parallel_loop3A_2338 : vector<16xf32>
      %parallel_loop3A_2371 = arith.maximumf %parallel_loop3A_2338, %parallel_loop3A_2273 : vector<16xf32>
      %parallel_loop3A_2372 = arith.select %parallel_loop3A_2370, %parallel_loop3A_2274, %parallel_loop3A_2339 : vector<16xi1>, vector<16xi32>
      %parallel_loop3A_2373 = arith.minimumf %parallel_loop3A_2338, %parallel_loop3A_2273 : vector<16xf32>
      %parallel_loop3A_2374 = arith.select %parallel_loop3A_2370, %parallel_loop3A_2339, %parallel_loop3A_2274 : vector<16xi1>, vector<16xi32>
      %parallel_loop3A_2375 = arith.cmpf oeq, %parallel_loop3A_2251, %parallel_loop3A_2341 : vector<16xf32>
      %parallel_loop3A_2376 = arith.cmpf oeq, %parallel_loop3A_2341, %parallel_loop3A_2343 : vector<16xf32>
      %parallel_loop3A_2377 = arith.cmpf oeq, %parallel_loop3A_2343, %parallel_loop3A_2346 : vector<16xf32>
      %parallel_loop3A_2378 = arith.cmpf oeq, %parallel_loop3A_2346, %parallel_loop3A_2348 : vector<16xf32>
      %parallel_loop3A_2379 = arith.cmpf oeq, %parallel_loop3A_2348, %parallel_loop3A_2351 : vector<16xf32>
      %parallel_loop3A_2380 = arith.cmpf oeq, %parallel_loop3A_2351, %parallel_loop3A_2353 : vector<16xf32>
      %parallel_loop3A_2381 = arith.cmpf oeq, %parallel_loop3A_2353, %parallel_loop3A_2356 : vector<16xf32>
      %parallel_loop3A_2382 = arith.cmpf oeq, %parallel_loop3A_2356, %parallel_loop3A_2358 : vector<16xf32>
      %parallel_loop3A_2383 = arith.cmpf oeq, %parallel_loop3A_2358, %parallel_loop3A_2361 : vector<16xf32>
      %parallel_loop3A_2384 = arith.cmpf oeq, %parallel_loop3A_2361, %parallel_loop3A_2363 : vector<16xf32>
      %parallel_loop3A_2385 = arith.cmpf oeq, %parallel_loop3A_2363, %parallel_loop3A_2366 : vector<16xf32>
      %parallel_loop3A_2386 = arith.cmpf oeq, %parallel_loop3A_2366, %parallel_loop3A_2368 : vector<16xf32>
      %parallel_loop3A_2387 = arith.cmpf oeq, %parallel_loop3A_2368, %parallel_loop3A_2371 : vector<16xf32>
      %parallel_loop3A_2388 = arith.cmpf oeq, %parallel_loop3A_2371, %parallel_loop3A_2373 : vector<16xf32>
      %parallel_loop3A_2389 = arith.cmpf oeq, %parallel_loop3A_2373, %parallel_loop3A_2318 : vector<16xf32>
      %parallel_loop3A_2390 = arith.minsi %parallel_loop3A_2252, %parallel_loop3A_2342 : vector<16xi32>
      %parallel_loop3A_2391 = arith.select %parallel_loop3A_2375, %parallel_loop3A_2390, %parallel_loop3A_2252 : vector<16xi1>, vector<16xi32>
      %parallel_loop3A_2392 = arith.minsi %parallel_loop3A_2342, %parallel_loop3A_2344 : vector<16xi32>
      %parallel_loop3A_2393 = arith.select %parallel_loop3A_2376, %parallel_loop3A_2392, %parallel_loop3A_2342 : vector<16xi1>, vector<16xi32>
      %parallel_loop3A_2394 = arith.constant dense<true> : vector<16xi1>
      %parallel_loop3A_2395 = arith.xori %parallel_loop3A_2376, %parallel_loop3A_2394 : vector<16xi1>
      %parallel_loop3A_2396 = arith.andi %parallel_loop3A_2375, %parallel_loop3A_2395 : vector<16xi1>
      %parallel_loop3A_2397 = arith.maxsi %parallel_loop3A_2342, %parallel_loop3A_2252 : vector<16xi32>
      %parallel_loop3A_2398 = arith.select %parallel_loop3A_2396, %parallel_loop3A_2397, %parallel_loop3A_2393 : vector<16xi1>, vector<16xi32>
      %parallel_loop3A_2399 = arith.minsi %parallel_loop3A_2344, %parallel_loop3A_2347 : vector<16xi32>
      %parallel_loop3A_2400 = arith.select %parallel_loop3A_2377, %parallel_loop3A_2399, %parallel_loop3A_2344 : vector<16xi1>, vector<16xi32>
      %parallel_loop3A_2401 = arith.constant dense<true> : vector<16xi1>
      %parallel_loop3A_2402 = arith.xori %parallel_loop3A_2377, %parallel_loop3A_2401 : vector<16xi1>
      %parallel_loop3A_2403 = arith.andi %parallel_loop3A_2376, %parallel_loop3A_2402 : vector<16xi1>
      %parallel_loop3A_2404 = arith.maxsi %parallel_loop3A_2344, %parallel_loop3A_2342 : vector<16xi32>
      %parallel_loop3A_2405 = arith.select %parallel_loop3A_2403, %parallel_loop3A_2404, %parallel_loop3A_2400 : vector<16xi1>, vector<16xi32>
      %parallel_loop3A_2406 = arith.minsi %parallel_loop3A_2347, %parallel_loop3A_2349 : vector<16xi32>
      %parallel_loop3A_2407 = arith.select %parallel_loop3A_2378, %parallel_loop3A_2406, %parallel_loop3A_2347 : vector<16xi1>, vector<16xi32>
      %parallel_loop3A_2408 = arith.constant dense<true> : vector<16xi1>
      %parallel_loop3A_2409 = arith.xori %parallel_loop3A_2378, %parallel_loop3A_2408 : vector<16xi1>
      %parallel_loop3A_2410 = arith.andi %parallel_loop3A_2377, %parallel_loop3A_2409 : vector<16xi1>
      %parallel_loop3A_2411 = arith.maxsi %parallel_loop3A_2347, %parallel_loop3A_2344 : vector<16xi32>
      %parallel_loop3A_2412 = arith.select %parallel_loop3A_2410, %parallel_loop3A_2411, %parallel_loop3A_2407 : vector<16xi1>, vector<16xi32>
      %parallel_loop3A_2413 = arith.minsi %parallel_loop3A_2349, %parallel_loop3A_2352 : vector<16xi32>
      %parallel_loop3A_2414 = arith.select %parallel_loop3A_2379, %parallel_loop3A_2413, %parallel_loop3A_2349 : vector<16xi1>, vector<16xi32>
      %parallel_loop3A_2415 = arith.constant dense<true> : vector<16xi1>
      %parallel_loop3A_2416 = arith.xori %parallel_loop3A_2379, %parallel_loop3A_2415 : vector<16xi1>
      %parallel_loop3A_2417 = arith.andi %parallel_loop3A_2378, %parallel_loop3A_2416 : vector<16xi1>
      %parallel_loop3A_2418 = arith.maxsi %parallel_loop3A_2349, %parallel_loop3A_2347 : vector<16xi32>
      %parallel_loop3A_2419 = arith.select %parallel_loop3A_2417, %parallel_loop3A_2418, %parallel_loop3A_2414 : vector<16xi1>, vector<16xi32>
      %parallel_loop3A_2420 = arith.minsi %parallel_loop3A_2352, %parallel_loop3A_2354 : vector<16xi32>
      %parallel_loop3A_2421 = arith.select %parallel_loop3A_2380, %parallel_loop3A_2420, %parallel_loop3A_2352 : vector<16xi1>, vector<16xi32>
      %parallel_loop3A_2422 = arith.constant dense<true> : vector<16xi1>
      %parallel_loop3A_2423 = arith.xori %parallel_loop3A_2380, %parallel_loop3A_2422 : vector<16xi1>
      %parallel_loop3A_2424 = arith.andi %parallel_loop3A_2379, %parallel_loop3A_2423 : vector<16xi1>
      %parallel_loop3A_2425 = arith.maxsi %parallel_loop3A_2352, %parallel_loop3A_2349 : vector<16xi32>
      %parallel_loop3A_2426 = arith.select %parallel_loop3A_2424, %parallel_loop3A_2425, %parallel_loop3A_2421 : vector<16xi1>, vector<16xi32>
      %parallel_loop3A_2427 = arith.minsi %parallel_loop3A_2354, %parallel_loop3A_2357 : vector<16xi32>
      %parallel_loop3A_2428 = arith.select %parallel_loop3A_2381, %parallel_loop3A_2427, %parallel_loop3A_2354 : vector<16xi1>, vector<16xi32>
      %parallel_loop3A_2429 = arith.constant dense<true> : vector<16xi1>
      %parallel_loop3A_2430 = arith.xori %parallel_loop3A_2381, %parallel_loop3A_2429 : vector<16xi1>
      %parallel_loop3A_2431 = arith.andi %parallel_loop3A_2380, %parallel_loop3A_2430 : vector<16xi1>
      %parallel_loop3A_2432 = arith.maxsi %parallel_loop3A_2354, %parallel_loop3A_2352 : vector<16xi32>
      %parallel_loop3A_2433 = arith.select %parallel_loop3A_2431, %parallel_loop3A_2432, %parallel_loop3A_2428 : vector<16xi1>, vector<16xi32>
      %parallel_loop3A_2434 = arith.minsi %parallel_loop3A_2357, %parallel_loop3A_2359 : vector<16xi32>
      %parallel_loop3A_2435 = arith.select %parallel_loop3A_2382, %parallel_loop3A_2434, %parallel_loop3A_2357 : vector<16xi1>, vector<16xi32>
      %parallel_loop3A_2436 = arith.constant dense<true> : vector<16xi1>
      %parallel_loop3A_2437 = arith.xori %parallel_loop3A_2382, %parallel_loop3A_2436 : vector<16xi1>
      %parallel_loop3A_2438 = arith.andi %parallel_loop3A_2381, %parallel_loop3A_2437 : vector<16xi1>
      %parallel_loop3A_2439 = arith.maxsi %parallel_loop3A_2357, %parallel_loop3A_2354 : vector<16xi32>
      %parallel_loop3A_2440 = arith.select %parallel_loop3A_2438, %parallel_loop3A_2439, %parallel_loop3A_2435 : vector<16xi1>, vector<16xi32>
      %parallel_loop3A_2441 = arith.minsi %parallel_loop3A_2359, %parallel_loop3A_2362 : vector<16xi32>
      %parallel_loop3A_2442 = arith.select %parallel_loop3A_2383, %parallel_loop3A_2441, %parallel_loop3A_2359 : vector<16xi1>, vector<16xi32>
      %parallel_loop3A_2443 = arith.constant dense<true> : vector<16xi1>
      %parallel_loop3A_2444 = arith.xori %parallel_loop3A_2383, %parallel_loop3A_2443 : vector<16xi1>
      %parallel_loop3A_2445 = arith.andi %parallel_loop3A_2382, %parallel_loop3A_2444 : vector<16xi1>
      %parallel_loop3A_2446 = arith.maxsi %parallel_loop3A_2359, %parallel_loop3A_2357 : vector<16xi32>
      %parallel_loop3A_2447 = arith.select %parallel_loop3A_2445, %parallel_loop3A_2446, %parallel_loop3A_2442 : vector<16xi1>, vector<16xi32>
      %parallel_loop3A_2448 = arith.minsi %parallel_loop3A_2362, %parallel_loop3A_2364 : vector<16xi32>
      %parallel_loop3A_2449 = arith.select %parallel_loop3A_2384, %parallel_loop3A_2448, %parallel_loop3A_2362 : vector<16xi1>, vector<16xi32>
      %parallel_loop3A_2450 = arith.constant dense<true> : vector<16xi1>
      %parallel_loop3A_2451 = arith.xori %parallel_loop3A_2384, %parallel_loop3A_2450 : vector<16xi1>
      %parallel_loop3A_2452 = arith.andi %parallel_loop3A_2383, %parallel_loop3A_2451 : vector<16xi1>
      %parallel_loop3A_2453 = arith.maxsi %parallel_loop3A_2362, %parallel_loop3A_2359 : vector<16xi32>
      %parallel_loop3A_2454 = arith.select %parallel_loop3A_2452, %parallel_loop3A_2453, %parallel_loop3A_2449 : vector<16xi1>, vector<16xi32>
      %parallel_loop3A_2455 = arith.minsi %parallel_loop3A_2364, %parallel_loop3A_2367 : vector<16xi32>
      %parallel_loop3A_2456 = arith.select %parallel_loop3A_2385, %parallel_loop3A_2455, %parallel_loop3A_2364 : vector<16xi1>, vector<16xi32>
      %parallel_loop3A_2457 = arith.constant dense<true> : vector<16xi1>
      %parallel_loop3A_2458 = arith.xori %parallel_loop3A_2385, %parallel_loop3A_2457 : vector<16xi1>
      %parallel_loop3A_2459 = arith.andi %parallel_loop3A_2384, %parallel_loop3A_2458 : vector<16xi1>
      %parallel_loop3A_2460 = arith.maxsi %parallel_loop3A_2364, %parallel_loop3A_2362 : vector<16xi32>
      %parallel_loop3A_2461 = arith.select %parallel_loop3A_2459, %parallel_loop3A_2460, %parallel_loop3A_2456 : vector<16xi1>, vector<16xi32>
      %parallel_loop3A_2462 = arith.minsi %parallel_loop3A_2367, %parallel_loop3A_2369 : vector<16xi32>
      %parallel_loop3A_2463 = arith.select %parallel_loop3A_2386, %parallel_loop3A_2462, %parallel_loop3A_2367 : vector<16xi1>, vector<16xi32>
      %parallel_loop3A_2464 = arith.constant dense<true> : vector<16xi1>
      %parallel_loop3A_2465 = arith.xori %parallel_loop3A_2386, %parallel_loop3A_2464 : vector<16xi1>
      %parallel_loop3A_2466 = arith.andi %parallel_loop3A_2385, %parallel_loop3A_2465 : vector<16xi1>
      %parallel_loop3A_2467 = arith.maxsi %parallel_loop3A_2367, %parallel_loop3A_2364 : vector<16xi32>
      %parallel_loop3A_2468 = arith.select %parallel_loop3A_2466, %parallel_loop3A_2467, %parallel_loop3A_2463 : vector<16xi1>, vector<16xi32>
      %parallel_loop3A_2469 = arith.minsi %parallel_loop3A_2369, %parallel_loop3A_2372 : vector<16xi32>
      %parallel_loop3A_2470 = arith.select %parallel_loop3A_2387, %parallel_loop3A_2469, %parallel_loop3A_2369 : vector<16xi1>, vector<16xi32>
      %parallel_loop3A_2471 = arith.constant dense<true> : vector<16xi1>
      %parallel_loop3A_2472 = arith.xori %parallel_loop3A_2387, %parallel_loop3A_2471 : vector<16xi1>
      %parallel_loop3A_2473 = arith.andi %parallel_loop3A_2386, %parallel_loop3A_2472 : vector<16xi1>
      %parallel_loop3A_2474 = arith.maxsi %parallel_loop3A_2369, %parallel_loop3A_2367 : vector<16xi32>
      %parallel_loop3A_2475 = arith.select %parallel_loop3A_2473, %parallel_loop3A_2474, %parallel_loop3A_2470 : vector<16xi1>, vector<16xi32>
      %parallel_loop3A_2476 = arith.minsi %parallel_loop3A_2372, %parallel_loop3A_2374 : vector<16xi32>
      %parallel_loop3A_2477 = arith.select %parallel_loop3A_2388, %parallel_loop3A_2476, %parallel_loop3A_2372 : vector<16xi1>, vector<16xi32>
      %parallel_loop3A_2478 = arith.constant dense<true> : vector<16xi1>
      %parallel_loop3A_2479 = arith.xori %parallel_loop3A_2388, %parallel_loop3A_2478 : vector<16xi1>
      %parallel_loop3A_2480 = arith.andi %parallel_loop3A_2387, %parallel_loop3A_2479 : vector<16xi1>
      %parallel_loop3A_2481 = arith.maxsi %parallel_loop3A_2372, %parallel_loop3A_2369 : vector<16xi32>
      %parallel_loop3A_2482 = arith.select %parallel_loop3A_2480, %parallel_loop3A_2481, %parallel_loop3A_2477 : vector<16xi1>, vector<16xi32>
      %parallel_loop3A_2483 = arith.minsi %parallel_loop3A_2374, %parallel_loop3A_2319 : vector<16xi32>
      %parallel_loop3A_2484 = arith.select %parallel_loop3A_2389, %parallel_loop3A_2483, %parallel_loop3A_2374 : vector<16xi1>, vector<16xi32>
      %parallel_loop3A_2485 = arith.constant dense<true> : vector<16xi1>
      %parallel_loop3A_2486 = arith.xori %parallel_loop3A_2389, %parallel_loop3A_2485 : vector<16xi1>
      %parallel_loop3A_2487 = arith.andi %parallel_loop3A_2388, %parallel_loop3A_2486 : vector<16xi1>
      %parallel_loop3A_2488 = arith.maxsi %parallel_loop3A_2374, %parallel_loop3A_2372 : vector<16xi32>
      %parallel_loop3A_2489 = arith.select %parallel_loop3A_2487, %parallel_loop3A_2488, %parallel_loop3A_2484 : vector<16xi1>, vector<16xi32>
      %parallel_loop3A_2490 = arith.maxsi %parallel_loop3A_2319, %parallel_loop3A_2374 : vector<16xi32>
      %parallel_loop3A_2491 = arith.select %parallel_loop3A_2389, %parallel_loop3A_2490, %parallel_loop3A_2319 : vector<16xi1>, vector<16xi32>
      %parallel_loop3A_2492 = arith.cmpf ogt, %parallel_loop3A_2251, %parallel_loop3A_1691 : vector<16xf32>
      %parallel_loop3A_2493 = arith.maximumf %parallel_loop3A_1691, %parallel_loop3A_2251 : vector<16xf32>
      %parallel_loop3A_2494 = arith.select %parallel_loop3A_2492, %parallel_loop3A_2391, %parallel_loop3A_1831 : vector<16xi1>, vector<16xi32>
      %parallel_loop3A_2495 = arith.minimumf %parallel_loop3A_1691, %parallel_loop3A_2251 : vector<16xf32>
      %parallel_loop3A_2496 = arith.select %parallel_loop3A_2492, %parallel_loop3A_1831, %parallel_loop3A_2391 : vector<16xi1>, vector<16xi32>
      %parallel_loop3A_2497 = arith.cmpf ogt, %parallel_loop3A_2348, %parallel_loop3A_1788 : vector<16xf32>
      %parallel_loop3A_2498 = arith.maximumf %parallel_loop3A_1788, %parallel_loop3A_2348 : vector<16xf32>
      %parallel_loop3A_2499 = arith.select %parallel_loop3A_2497, %parallel_loop3A_2419, %parallel_loop3A_1859 : vector<16xi1>, vector<16xi32>
      %parallel_loop3A_2500 = arith.minimumf %parallel_loop3A_1788, %parallel_loop3A_2348 : vector<16xf32>
      %parallel_loop3A_2501 = arith.select %parallel_loop3A_2497, %parallel_loop3A_1859, %parallel_loop3A_2419 : vector<16xi1>, vector<16xi32>
      %parallel_loop3A_2502 = arith.cmpf ogt, %parallel_loop3A_2495, %parallel_loop3A_2498 : vector<16xf32>
      %parallel_loop3A_2503 = arith.maximumf %parallel_loop3A_2498, %parallel_loop3A_2495 : vector<16xf32>
      %parallel_loop3A_2504 = arith.select %parallel_loop3A_2502, %parallel_loop3A_2496, %parallel_loop3A_2499 : vector<16xi1>, vector<16xi32>
      %parallel_loop3A_2505 = arith.minimumf %parallel_loop3A_2498, %parallel_loop3A_2495 : vector<16xf32>
      %parallel_loop3A_2506 = arith.select %parallel_loop3A_2502, %parallel_loop3A_2499, %parallel_loop3A_2496 : vector<16xi1>, vector<16xi32>
      %parallel_loop3A_2507 = arith.cmpf ogt, %parallel_loop3A_2343, %parallel_loop3A_1783 : vector<16xf32>
      %parallel_loop3A_2508 = arith.maximumf %parallel_loop3A_1783, %parallel_loop3A_2343 : vector<16xf32>
      %parallel_loop3A_2509 = arith.select %parallel_loop3A_2507, %parallel_loop3A_2405, %parallel_loop3A_1845 : vector<16xi1>, vector<16xi32>
      %parallel_loop3A_2510 = arith.minimumf %parallel_loop3A_1783, %parallel_loop3A_2343 : vector<16xf32>
      %parallel_loop3A_2511 = arith.select %parallel_loop3A_2507, %parallel_loop3A_1845, %parallel_loop3A_2405 : vector<16xi1>, vector<16xi32>
      %parallel_loop3A_2512 = arith.cmpf ogt, %parallel_loop3A_2353, %parallel_loop3A_1793 : vector<16xf32>
      %parallel_loop3A_2513 = arith.maximumf %parallel_loop3A_1793, %parallel_loop3A_2353 : vector<16xf32>
      %parallel_loop3A_2514 = arith.select %parallel_loop3A_2512, %parallel_loop3A_2433, %parallel_loop3A_1873 : vector<16xi1>, vector<16xi32>
      %parallel_loop3A_2515 = arith.minimumf %parallel_loop3A_1793, %parallel_loop3A_2353 : vector<16xf32>
      %parallel_loop3A_2516 = arith.select %parallel_loop3A_2512, %parallel_loop3A_1873, %parallel_loop3A_2433 : vector<16xi1>, vector<16xi32>
      %parallel_loop3A_2517 = arith.cmpf ogt, %parallel_loop3A_2510, %parallel_loop3A_2513 : vector<16xf32>
      %parallel_loop3A_2518 = arith.maximumf %parallel_loop3A_2513, %parallel_loop3A_2510 : vector<16xf32>
      %parallel_loop3A_2519 = arith.select %parallel_loop3A_2517, %parallel_loop3A_2511, %parallel_loop3A_2514 : vector<16xi1>, vector<16xi32>
      %parallel_loop3A_2520 = arith.minimumf %parallel_loop3A_2513, %parallel_loop3A_2510 : vector<16xf32>
      %parallel_loop3A_2521 = arith.select %parallel_loop3A_2517, %parallel_loop3A_2514, %parallel_loop3A_2511 : vector<16xi1>, vector<16xi32>
      %parallel_loop3A_2522 = arith.cmpf ogt, %parallel_loop3A_2503, %parallel_loop3A_2508 : vector<16xf32>
      %parallel_loop3A_2523 = arith.maximumf %parallel_loop3A_2508, %parallel_loop3A_2503 : vector<16xf32>
      %parallel_loop3A_2524 = arith.select %parallel_loop3A_2522, %parallel_loop3A_2504, %parallel_loop3A_2509 : vector<16xi1>, vector<16xi32>
      %parallel_loop3A_2525 = arith.minimumf %parallel_loop3A_2508, %parallel_loop3A_2503 : vector<16xf32>
      %parallel_loop3A_2526 = arith.select %parallel_loop3A_2522, %parallel_loop3A_2509, %parallel_loop3A_2504 : vector<16xi1>, vector<16xi32>
      %parallel_loop3A_2527 = arith.cmpf ogt, %parallel_loop3A_2505, %parallel_loop3A_2518 : vector<16xf32>
      %parallel_loop3A_2528 = arith.maximumf %parallel_loop3A_2518, %parallel_loop3A_2505 : vector<16xf32>
      %parallel_loop3A_2529 = arith.select %parallel_loop3A_2527, %parallel_loop3A_2506, %parallel_loop3A_2519 : vector<16xi1>, vector<16xi32>
      %parallel_loop3A_2530 = arith.minimumf %parallel_loop3A_2518, %parallel_loop3A_2505 : vector<16xf32>
      %parallel_loop3A_2531 = arith.select %parallel_loop3A_2527, %parallel_loop3A_2519, %parallel_loop3A_2506 : vector<16xi1>, vector<16xi32>
      %parallel_loop3A_2532 = arith.cmpf ogt, %parallel_loop3A_2500, %parallel_loop3A_2520 : vector<16xf32>
      %parallel_loop3A_2533 = arith.maximumf %parallel_loop3A_2520, %parallel_loop3A_2500 : vector<16xf32>
      %parallel_loop3A_2534 = arith.select %parallel_loop3A_2532, %parallel_loop3A_2501, %parallel_loop3A_2521 : vector<16xi1>, vector<16xi32>
      %parallel_loop3A_2535 = arith.minimumf %parallel_loop3A_2520, %parallel_loop3A_2500 : vector<16xf32>
      %parallel_loop3A_2536 = arith.select %parallel_loop3A_2532, %parallel_loop3A_2521, %parallel_loop3A_2501 : vector<16xi1>, vector<16xi32>
      %parallel_loop3A_2537 = arith.cmpf ogt, %parallel_loop3A_2341, %parallel_loop3A_1781 : vector<16xf32>
      %parallel_loop3A_2538 = arith.maximumf %parallel_loop3A_1781, %parallel_loop3A_2341 : vector<16xf32>
      %parallel_loop3A_2539 = arith.select %parallel_loop3A_2537, %parallel_loop3A_2398, %parallel_loop3A_1838 : vector<16xi1>, vector<16xi32>
      %parallel_loop3A_2540 = arith.minimumf %parallel_loop3A_1781, %parallel_loop3A_2341 : vector<16xf32>
      %parallel_loop3A_2541 = arith.select %parallel_loop3A_2537, %parallel_loop3A_1838, %parallel_loop3A_2398 : vector<16xi1>, vector<16xi32>
      %parallel_loop3A_2542 = arith.cmpf ogt, %parallel_loop3A_2351, %parallel_loop3A_1791 : vector<16xf32>
      %parallel_loop3A_2543 = arith.maximumf %parallel_loop3A_1791, %parallel_loop3A_2351 : vector<16xf32>
      %parallel_loop3A_2544 = arith.select %parallel_loop3A_2542, %parallel_loop3A_2426, %parallel_loop3A_1866 : vector<16xi1>, vector<16xi32>
      %parallel_loop3A_2545 = arith.minimumf %parallel_loop3A_1791, %parallel_loop3A_2351 : vector<16xf32>
      %parallel_loop3A_2546 = arith.select %parallel_loop3A_2542, %parallel_loop3A_1866, %parallel_loop3A_2426 : vector<16xi1>, vector<16xi32>
      %parallel_loop3A_2547 = arith.cmpf ogt, %parallel_loop3A_2540, %parallel_loop3A_2543 : vector<16xf32>
      %parallel_loop3A_2548 = arith.maximumf %parallel_loop3A_2543, %parallel_loop3A_2540 : vector<16xf32>
      %parallel_loop3A_2549 = arith.select %parallel_loop3A_2547, %parallel_loop3A_2541, %parallel_loop3A_2544 : vector<16xi1>, vector<16xi32>
      %parallel_loop3A_2550 = arith.minimumf %parallel_loop3A_2543, %parallel_loop3A_2540 : vector<16xf32>
      %parallel_loop3A_2551 = arith.select %parallel_loop3A_2547, %parallel_loop3A_2544, %parallel_loop3A_2541 : vector<16xi1>, vector<16xi32>
      %parallel_loop3A_2552 = arith.cmpf ogt, %parallel_loop3A_2346, %parallel_loop3A_1786 : vector<16xf32>
      %parallel_loop3A_2553 = arith.maximumf %parallel_loop3A_1786, %parallel_loop3A_2346 : vector<16xf32>
      %parallel_loop3A_2554 = arith.select %parallel_loop3A_2552, %parallel_loop3A_2412, %parallel_loop3A_1852 : vector<16xi1>, vector<16xi32>
      %parallel_loop3A_2555 = arith.minimumf %parallel_loop3A_1786, %parallel_loop3A_2346 : vector<16xf32>
      %parallel_loop3A_2556 = arith.select %parallel_loop3A_2552, %parallel_loop3A_1852, %parallel_loop3A_2412 : vector<16xi1>, vector<16xi32>
      %parallel_loop3A_2557 = arith.cmpf ogt, %parallel_loop3A_2356, %parallel_loop3A_1796 : vector<16xf32>
      %parallel_loop3A_2558 = arith.maximumf %parallel_loop3A_1796, %parallel_loop3A_2356 : vector<16xf32>
      %parallel_loop3A_2559 = arith.select %parallel_loop3A_2557, %parallel_loop3A_2440, %parallel_loop3A_1880 : vector<16xi1>, vector<16xi32>
      %parallel_loop3A_2560 = arith.minimumf %parallel_loop3A_1796, %parallel_loop3A_2356 : vector<16xf32>
      %parallel_loop3A_2561 = arith.select %parallel_loop3A_2557, %parallel_loop3A_1880, %parallel_loop3A_2440 : vector<16xi1>, vector<16xi32>
      %parallel_loop3A_2562 = arith.cmpf ogt, %parallel_loop3A_2555, %parallel_loop3A_2558 : vector<16xf32>
      %parallel_loop3A_2563 = arith.maximumf %parallel_loop3A_2558, %parallel_loop3A_2555 : vector<16xf32>
      %parallel_loop3A_2564 = arith.select %parallel_loop3A_2562, %parallel_loop3A_2556, %parallel_loop3A_2559 : vector<16xi1>, vector<16xi32>
      %parallel_loop3A_2565 = arith.minimumf %parallel_loop3A_2558, %parallel_loop3A_2555 : vector<16xf32>
      %parallel_loop3A_2566 = arith.select %parallel_loop3A_2562, %parallel_loop3A_2559, %parallel_loop3A_2556 : vector<16xi1>, vector<16xi32>
      %parallel_loop3A_2567 = arith.cmpf ogt, %parallel_loop3A_2548, %parallel_loop3A_2553 : vector<16xf32>
      %parallel_loop3A_2568 = arith.maximumf %parallel_loop3A_2553, %parallel_loop3A_2548 : vector<16xf32>
      %parallel_loop3A_2569 = arith.select %parallel_loop3A_2567, %parallel_loop3A_2549, %parallel_loop3A_2554 : vector<16xi1>, vector<16xi32>
      %parallel_loop3A_2570 = arith.minimumf %parallel_loop3A_2553, %parallel_loop3A_2548 : vector<16xf32>
      %parallel_loop3A_2571 = arith.select %parallel_loop3A_2567, %parallel_loop3A_2554, %parallel_loop3A_2549 : vector<16xi1>, vector<16xi32>
      %parallel_loop3A_2572 = arith.cmpf ogt, %parallel_loop3A_2550, %parallel_loop3A_2563 : vector<16xf32>
      %parallel_loop3A_2573 = arith.maximumf %parallel_loop3A_2563, %parallel_loop3A_2550 : vector<16xf32>
      %parallel_loop3A_2574 = arith.select %parallel_loop3A_2572, %parallel_loop3A_2551, %parallel_loop3A_2564 : vector<16xi1>, vector<16xi32>
      %parallel_loop3A_2575 = arith.minimumf %parallel_loop3A_2563, %parallel_loop3A_2550 : vector<16xf32>
      %parallel_loop3A_2576 = arith.select %parallel_loop3A_2572, %parallel_loop3A_2564, %parallel_loop3A_2551 : vector<16xi1>, vector<16xi32>
      %parallel_loop3A_2577 = arith.cmpf ogt, %parallel_loop3A_2545, %parallel_loop3A_2565 : vector<16xf32>
      %parallel_loop3A_2578 = arith.maximumf %parallel_loop3A_2565, %parallel_loop3A_2545 : vector<16xf32>
      %parallel_loop3A_2579 = arith.select %parallel_loop3A_2577, %parallel_loop3A_2546, %parallel_loop3A_2566 : vector<16xi1>, vector<16xi32>
      %parallel_loop3A_2580 = arith.minimumf %parallel_loop3A_2565, %parallel_loop3A_2545 : vector<16xf32>
      %parallel_loop3A_2581 = arith.select %parallel_loop3A_2577, %parallel_loop3A_2566, %parallel_loop3A_2546 : vector<16xi1>, vector<16xi32>
      %parallel_loop3A_2582 = arith.cmpf ogt, %parallel_loop3A_2523, %parallel_loop3A_2538 : vector<16xf32>
      %parallel_loop3A_2583 = arith.maximumf %parallel_loop3A_2538, %parallel_loop3A_2523 : vector<16xf32>
      %parallel_loop3A_2584 = arith.select %parallel_loop3A_2582, %parallel_loop3A_2524, %parallel_loop3A_2539 : vector<16xi1>, vector<16xi32>
      %parallel_loop3A_2585 = arith.minimumf %parallel_loop3A_2538, %parallel_loop3A_2523 : vector<16xf32>
      %parallel_loop3A_2586 = arith.select %parallel_loop3A_2582, %parallel_loop3A_2539, %parallel_loop3A_2524 : vector<16xi1>, vector<16xi32>
      %parallel_loop3A_2587 = arith.cmpf ogt, %parallel_loop3A_2525, %parallel_loop3A_2568 : vector<16xf32>
      %parallel_loop3A_2588 = arith.maximumf %parallel_loop3A_2568, %parallel_loop3A_2525 : vector<16xf32>
      %parallel_loop3A_2589 = arith.select %parallel_loop3A_2587, %parallel_loop3A_2526, %parallel_loop3A_2569 : vector<16xi1>, vector<16xi32>
      %parallel_loop3A_2590 = arith.minimumf %parallel_loop3A_2568, %parallel_loop3A_2525 : vector<16xf32>
      %parallel_loop3A_2591 = arith.select %parallel_loop3A_2587, %parallel_loop3A_2569, %parallel_loop3A_2526 : vector<16xi1>, vector<16xi32>
      %parallel_loop3A_2592 = arith.cmpf ogt, %parallel_loop3A_2528, %parallel_loop3A_2570 : vector<16xf32>
      %parallel_loop3A_2593 = arith.maximumf %parallel_loop3A_2570, %parallel_loop3A_2528 : vector<16xf32>
      %parallel_loop3A_2594 = arith.select %parallel_loop3A_2592, %parallel_loop3A_2529, %parallel_loop3A_2571 : vector<16xi1>, vector<16xi32>
      %parallel_loop3A_2595 = arith.minimumf %parallel_loop3A_2570, %parallel_loop3A_2528 : vector<16xf32>
      %parallel_loop3A_2596 = arith.select %parallel_loop3A_2592, %parallel_loop3A_2571, %parallel_loop3A_2529 : vector<16xi1>, vector<16xi32>
      %parallel_loop3A_2597 = arith.cmpf ogt, %parallel_loop3A_2530, %parallel_loop3A_2573 : vector<16xf32>
      %parallel_loop3A_2598 = arith.maximumf %parallel_loop3A_2573, %parallel_loop3A_2530 : vector<16xf32>
      %parallel_loop3A_2599 = arith.select %parallel_loop3A_2597, %parallel_loop3A_2531, %parallel_loop3A_2574 : vector<16xi1>, vector<16xi32>
      %parallel_loop3A_2600 = arith.minimumf %parallel_loop3A_2573, %parallel_loop3A_2530 : vector<16xf32>
      %parallel_loop3A_2601 = arith.select %parallel_loop3A_2597, %parallel_loop3A_2574, %parallel_loop3A_2531 : vector<16xi1>, vector<16xi32>
      %parallel_loop3A_2602 = arith.cmpf ogt, %parallel_loop3A_2533, %parallel_loop3A_2575 : vector<16xf32>
      %parallel_loop3A_2603 = arith.maximumf %parallel_loop3A_2575, %parallel_loop3A_2533 : vector<16xf32>
      %parallel_loop3A_2604 = arith.select %parallel_loop3A_2602, %parallel_loop3A_2534, %parallel_loop3A_2576 : vector<16xi1>, vector<16xi32>
      %parallel_loop3A_2605 = arith.minimumf %parallel_loop3A_2575, %parallel_loop3A_2533 : vector<16xf32>
      %parallel_loop3A_2606 = arith.select %parallel_loop3A_2602, %parallel_loop3A_2576, %parallel_loop3A_2534 : vector<16xi1>, vector<16xi32>
      %parallel_loop3A_2607 = arith.cmpf ogt, %parallel_loop3A_2535, %parallel_loop3A_2578 : vector<16xf32>
      %parallel_loop3A_2608 = arith.maximumf %parallel_loop3A_2578, %parallel_loop3A_2535 : vector<16xf32>
      %parallel_loop3A_2609 = arith.select %parallel_loop3A_2607, %parallel_loop3A_2536, %parallel_loop3A_2579 : vector<16xi1>, vector<16xi32>
      %parallel_loop3A_2610 = arith.minimumf %parallel_loop3A_2578, %parallel_loop3A_2535 : vector<16xf32>
      %parallel_loop3A_2611 = arith.select %parallel_loop3A_2607, %parallel_loop3A_2579, %parallel_loop3A_2536 : vector<16xi1>, vector<16xi32>
      %parallel_loop3A_2612 = arith.cmpf ogt, %parallel_loop3A_2515, %parallel_loop3A_2580 : vector<16xf32>
      %parallel_loop3A_2613 = arith.maximumf %parallel_loop3A_2580, %parallel_loop3A_2515 : vector<16xf32>
      %parallel_loop3A_2614 = arith.select %parallel_loop3A_2612, %parallel_loop3A_2516, %parallel_loop3A_2581 : vector<16xi1>, vector<16xi32>
      %parallel_loop3A_2615 = arith.minimumf %parallel_loop3A_2580, %parallel_loop3A_2515 : vector<16xf32>
      %parallel_loop3A_2616 = arith.select %parallel_loop3A_2612, %parallel_loop3A_2581, %parallel_loop3A_2516 : vector<16xi1>, vector<16xi32>
      %parallel_loop3A_2617 = arith.cmpf oeq, %parallel_loop3A_2493, %parallel_loop3A_2583 : vector<16xf32>
      %parallel_loop3A_2618 = arith.cmpf oeq, %parallel_loop3A_2583, %parallel_loop3A_2585 : vector<16xf32>
      %parallel_loop3A_2619 = arith.cmpf oeq, %parallel_loop3A_2585, %parallel_loop3A_2588 : vector<16xf32>
      %parallel_loop3A_2620 = arith.cmpf oeq, %parallel_loop3A_2588, %parallel_loop3A_2590 : vector<16xf32>
      %parallel_loop3A_2621 = arith.cmpf oeq, %parallel_loop3A_2590, %parallel_loop3A_2593 : vector<16xf32>
      %parallel_loop3A_2622 = arith.cmpf oeq, %parallel_loop3A_2593, %parallel_loop3A_2595 : vector<16xf32>
      %parallel_loop3A_2623 = arith.cmpf oeq, %parallel_loop3A_2595, %parallel_loop3A_2598 : vector<16xf32>
      %parallel_loop3A_2624 = arith.cmpf oeq, %parallel_loop3A_2598, %parallel_loop3A_2600 : vector<16xf32>
      %parallel_loop3A_2625 = arith.cmpf oeq, %parallel_loop3A_2600, %parallel_loop3A_2603 : vector<16xf32>
      %parallel_loop3A_2626 = arith.cmpf oeq, %parallel_loop3A_2603, %parallel_loop3A_2605 : vector<16xf32>
      %parallel_loop3A_2627 = arith.cmpf oeq, %parallel_loop3A_2605, %parallel_loop3A_2608 : vector<16xf32>
      %parallel_loop3A_2628 = arith.cmpf oeq, %parallel_loop3A_2608, %parallel_loop3A_2610 : vector<16xf32>
      %parallel_loop3A_2629 = arith.cmpf oeq, %parallel_loop3A_2610, %parallel_loop3A_2613 : vector<16xf32>
      %parallel_loop3A_2630 = arith.cmpf oeq, %parallel_loop3A_2613, %parallel_loop3A_2615 : vector<16xf32>
      %parallel_loop3A_2631 = arith.cmpf oeq, %parallel_loop3A_2615, %parallel_loop3A_2560 : vector<16xf32>
      %parallel_loop3A_2632 = arith.minsi %parallel_loop3A_2494, %parallel_loop3A_2584 : vector<16xi32>
      %parallel_loop3A_2633 = arith.select %parallel_loop3A_2617, %parallel_loop3A_2632, %parallel_loop3A_2494 : vector<16xi1>, vector<16xi32>
      %parallel_loop3A_2634 = arith.minsi %parallel_loop3A_2584, %parallel_loop3A_2586 : vector<16xi32>
      %parallel_loop3A_2635 = arith.select %parallel_loop3A_2618, %parallel_loop3A_2634, %parallel_loop3A_2584 : vector<16xi1>, vector<16xi32>
      %parallel_loop3A_2636 = arith.constant dense<true> : vector<16xi1>
      %parallel_loop3A_2637 = arith.xori %parallel_loop3A_2618, %parallel_loop3A_2636 : vector<16xi1>
      %parallel_loop3A_2638 = arith.andi %parallel_loop3A_2617, %parallel_loop3A_2637 : vector<16xi1>
      %parallel_loop3A_2639 = arith.maxsi %parallel_loop3A_2584, %parallel_loop3A_2494 : vector<16xi32>
      %parallel_loop3A_2640 = arith.select %parallel_loop3A_2638, %parallel_loop3A_2639, %parallel_loop3A_2635 : vector<16xi1>, vector<16xi32>
      %parallel_loop3A_2641 = arith.minsi %parallel_loop3A_2586, %parallel_loop3A_2589 : vector<16xi32>
      %parallel_loop3A_2642 = arith.select %parallel_loop3A_2619, %parallel_loop3A_2641, %parallel_loop3A_2586 : vector<16xi1>, vector<16xi32>
      %parallel_loop3A_2643 = arith.constant dense<true> : vector<16xi1>
      %parallel_loop3A_2644 = arith.xori %parallel_loop3A_2619, %parallel_loop3A_2643 : vector<16xi1>
      %parallel_loop3A_2645 = arith.andi %parallel_loop3A_2618, %parallel_loop3A_2644 : vector<16xi1>
      %parallel_loop3A_2646 = arith.maxsi %parallel_loop3A_2586, %parallel_loop3A_2584 : vector<16xi32>
      %parallel_loop3A_2647 = arith.select %parallel_loop3A_2645, %parallel_loop3A_2646, %parallel_loop3A_2642 : vector<16xi1>, vector<16xi32>
      %parallel_loop3A_2648 = arith.minsi %parallel_loop3A_2589, %parallel_loop3A_2591 : vector<16xi32>
      %parallel_loop3A_2649 = arith.select %parallel_loop3A_2620, %parallel_loop3A_2648, %parallel_loop3A_2589 : vector<16xi1>, vector<16xi32>
      %parallel_loop3A_2650 = arith.constant dense<true> : vector<16xi1>
      %parallel_loop3A_2651 = arith.xori %parallel_loop3A_2620, %parallel_loop3A_2650 : vector<16xi1>
      %parallel_loop3A_2652 = arith.andi %parallel_loop3A_2619, %parallel_loop3A_2651 : vector<16xi1>
      %parallel_loop3A_2653 = arith.maxsi %parallel_loop3A_2589, %parallel_loop3A_2586 : vector<16xi32>
      %parallel_loop3A_2654 = arith.select %parallel_loop3A_2652, %parallel_loop3A_2653, %parallel_loop3A_2649 : vector<16xi1>, vector<16xi32>
      %parallel_loop3A_2655 = arith.minsi %parallel_loop3A_2591, %parallel_loop3A_2594 : vector<16xi32>
      %parallel_loop3A_2656 = arith.select %parallel_loop3A_2621, %parallel_loop3A_2655, %parallel_loop3A_2591 : vector<16xi1>, vector<16xi32>
      %parallel_loop3A_2657 = arith.constant dense<true> : vector<16xi1>
      %parallel_loop3A_2658 = arith.xori %parallel_loop3A_2621, %parallel_loop3A_2657 : vector<16xi1>
      %parallel_loop3A_2659 = arith.andi %parallel_loop3A_2620, %parallel_loop3A_2658 : vector<16xi1>
      %parallel_loop3A_2660 = arith.maxsi %parallel_loop3A_2591, %parallel_loop3A_2589 : vector<16xi32>
      %parallel_loop3A_2661 = arith.select %parallel_loop3A_2659, %parallel_loop3A_2660, %parallel_loop3A_2656 : vector<16xi1>, vector<16xi32>
      %parallel_loop3A_2662 = arith.minsi %parallel_loop3A_2594, %parallel_loop3A_2596 : vector<16xi32>
      %parallel_loop3A_2663 = arith.select %parallel_loop3A_2622, %parallel_loop3A_2662, %parallel_loop3A_2594 : vector<16xi1>, vector<16xi32>
      %parallel_loop3A_2664 = arith.constant dense<true> : vector<16xi1>
      %parallel_loop3A_2665 = arith.xori %parallel_loop3A_2622, %parallel_loop3A_2664 : vector<16xi1>
      %parallel_loop3A_2666 = arith.andi %parallel_loop3A_2621, %parallel_loop3A_2665 : vector<16xi1>
      %parallel_loop3A_2667 = arith.maxsi %parallel_loop3A_2594, %parallel_loop3A_2591 : vector<16xi32>
      %parallel_loop3A_2668 = arith.select %parallel_loop3A_2666, %parallel_loop3A_2667, %parallel_loop3A_2663 : vector<16xi1>, vector<16xi32>
      %parallel_loop3A_2669 = arith.minsi %parallel_loop3A_2596, %parallel_loop3A_2599 : vector<16xi32>
      %parallel_loop3A_2670 = arith.select %parallel_loop3A_2623, %parallel_loop3A_2669, %parallel_loop3A_2596 : vector<16xi1>, vector<16xi32>
      %parallel_loop3A_2671 = arith.constant dense<true> : vector<16xi1>
      %parallel_loop3A_2672 = arith.xori %parallel_loop3A_2623, %parallel_loop3A_2671 : vector<16xi1>
      %parallel_loop3A_2673 = arith.andi %parallel_loop3A_2622, %parallel_loop3A_2672 : vector<16xi1>
      %parallel_loop3A_2674 = arith.maxsi %parallel_loop3A_2596, %parallel_loop3A_2594 : vector<16xi32>
      %parallel_loop3A_2675 = arith.select %parallel_loop3A_2673, %parallel_loop3A_2674, %parallel_loop3A_2670 : vector<16xi1>, vector<16xi32>
      %parallel_loop3A_2676 = arith.minsi %parallel_loop3A_2599, %parallel_loop3A_2601 : vector<16xi32>
      %parallel_loop3A_2677 = arith.select %parallel_loop3A_2624, %parallel_loop3A_2676, %parallel_loop3A_2599 : vector<16xi1>, vector<16xi32>
      %parallel_loop3A_2678 = arith.constant dense<true> : vector<16xi1>
      %parallel_loop3A_2679 = arith.xori %parallel_loop3A_2624, %parallel_loop3A_2678 : vector<16xi1>
      %parallel_loop3A_2680 = arith.andi %parallel_loop3A_2623, %parallel_loop3A_2679 : vector<16xi1>
      %parallel_loop3A_2681 = arith.maxsi %parallel_loop3A_2599, %parallel_loop3A_2596 : vector<16xi32>
      %parallel_loop3A_2682 = arith.select %parallel_loop3A_2680, %parallel_loop3A_2681, %parallel_loop3A_2677 : vector<16xi1>, vector<16xi32>
      %parallel_loop3A_2683 = arith.minsi %parallel_loop3A_2601, %parallel_loop3A_2604 : vector<16xi32>
      %parallel_loop3A_2684 = arith.select %parallel_loop3A_2625, %parallel_loop3A_2683, %parallel_loop3A_2601 : vector<16xi1>, vector<16xi32>
      %parallel_loop3A_2685 = arith.constant dense<true> : vector<16xi1>
      %parallel_loop3A_2686 = arith.xori %parallel_loop3A_2625, %parallel_loop3A_2685 : vector<16xi1>
      %parallel_loop3A_2687 = arith.andi %parallel_loop3A_2624, %parallel_loop3A_2686 : vector<16xi1>
      %parallel_loop3A_2688 = arith.maxsi %parallel_loop3A_2601, %parallel_loop3A_2599 : vector<16xi32>
      %parallel_loop3A_2689 = arith.select %parallel_loop3A_2687, %parallel_loop3A_2688, %parallel_loop3A_2684 : vector<16xi1>, vector<16xi32>
      %parallel_loop3A_2690 = arith.minsi %parallel_loop3A_2604, %parallel_loop3A_2606 : vector<16xi32>
      %parallel_loop3A_2691 = arith.select %parallel_loop3A_2626, %parallel_loop3A_2690, %parallel_loop3A_2604 : vector<16xi1>, vector<16xi32>
      %parallel_loop3A_2692 = arith.constant dense<true> : vector<16xi1>
      %parallel_loop3A_2693 = arith.xori %parallel_loop3A_2626, %parallel_loop3A_2692 : vector<16xi1>
      %parallel_loop3A_2694 = arith.andi %parallel_loop3A_2625, %parallel_loop3A_2693 : vector<16xi1>
      %parallel_loop3A_2695 = arith.maxsi %parallel_loop3A_2604, %parallel_loop3A_2601 : vector<16xi32>
      %parallel_loop3A_2696 = arith.select %parallel_loop3A_2694, %parallel_loop3A_2695, %parallel_loop3A_2691 : vector<16xi1>, vector<16xi32>
      %parallel_loop3A_2697 = arith.minsi %parallel_loop3A_2606, %parallel_loop3A_2609 : vector<16xi32>
      %parallel_loop3A_2698 = arith.select %parallel_loop3A_2627, %parallel_loop3A_2697, %parallel_loop3A_2606 : vector<16xi1>, vector<16xi32>
      %parallel_loop3A_2699 = arith.constant dense<true> : vector<16xi1>
      %parallel_loop3A_2700 = arith.xori %parallel_loop3A_2627, %parallel_loop3A_2699 : vector<16xi1>
      %parallel_loop3A_2701 = arith.andi %parallel_loop3A_2626, %parallel_loop3A_2700 : vector<16xi1>
      %parallel_loop3A_2702 = arith.maxsi %parallel_loop3A_2606, %parallel_loop3A_2604 : vector<16xi32>
      %parallel_loop3A_2703 = arith.select %parallel_loop3A_2701, %parallel_loop3A_2702, %parallel_loop3A_2698 : vector<16xi1>, vector<16xi32>
      %parallel_loop3A_2704 = arith.minsi %parallel_loop3A_2609, %parallel_loop3A_2611 : vector<16xi32>
      %parallel_loop3A_2705 = arith.select %parallel_loop3A_2628, %parallel_loop3A_2704, %parallel_loop3A_2609 : vector<16xi1>, vector<16xi32>
      %parallel_loop3A_2706 = arith.constant dense<true> : vector<16xi1>
      %parallel_loop3A_2707 = arith.xori %parallel_loop3A_2628, %parallel_loop3A_2706 : vector<16xi1>
      %parallel_loop3A_2708 = arith.andi %parallel_loop3A_2627, %parallel_loop3A_2707 : vector<16xi1>
      %parallel_loop3A_2709 = arith.maxsi %parallel_loop3A_2609, %parallel_loop3A_2606 : vector<16xi32>
      %parallel_loop3A_2710 = arith.select %parallel_loop3A_2708, %parallel_loop3A_2709, %parallel_loop3A_2705 : vector<16xi1>, vector<16xi32>
      %parallel_loop3A_2711 = arith.minsi %parallel_loop3A_2611, %parallel_loop3A_2614 : vector<16xi32>
      %parallel_loop3A_2712 = arith.select %parallel_loop3A_2629, %parallel_loop3A_2711, %parallel_loop3A_2611 : vector<16xi1>, vector<16xi32>
      %parallel_loop3A_2713 = arith.constant dense<true> : vector<16xi1>
      %parallel_loop3A_2714 = arith.xori %parallel_loop3A_2629, %parallel_loop3A_2713 : vector<16xi1>
      %parallel_loop3A_2715 = arith.andi %parallel_loop3A_2628, %parallel_loop3A_2714 : vector<16xi1>
      %parallel_loop3A_2716 = arith.maxsi %parallel_loop3A_2611, %parallel_loop3A_2609 : vector<16xi32>
      %parallel_loop3A_2717 = arith.select %parallel_loop3A_2715, %parallel_loop3A_2716, %parallel_loop3A_2712 : vector<16xi1>, vector<16xi32>
      %parallel_loop3A_2718 = arith.minsi %parallel_loop3A_2614, %parallel_loop3A_2616 : vector<16xi32>
      %parallel_loop3A_2719 = arith.select %parallel_loop3A_2630, %parallel_loop3A_2718, %parallel_loop3A_2614 : vector<16xi1>, vector<16xi32>
      %parallel_loop3A_2720 = arith.constant dense<true> : vector<16xi1>
      %parallel_loop3A_2721 = arith.xori %parallel_loop3A_2630, %parallel_loop3A_2720 : vector<16xi1>
      %parallel_loop3A_2722 = arith.andi %parallel_loop3A_2629, %parallel_loop3A_2721 : vector<16xi1>
      %parallel_loop3A_2723 = arith.maxsi %parallel_loop3A_2614, %parallel_loop3A_2611 : vector<16xi32>
      %parallel_loop3A_2724 = arith.select %parallel_loop3A_2722, %parallel_loop3A_2723, %parallel_loop3A_2719 : vector<16xi1>, vector<16xi32>
      %parallel_loop3A_2725 = arith.minsi %parallel_loop3A_2616, %parallel_loop3A_2561 : vector<16xi32>
      %parallel_loop3A_2726 = arith.select %parallel_loop3A_2631, %parallel_loop3A_2725, %parallel_loop3A_2616 : vector<16xi1>, vector<16xi32>
      %parallel_loop3A_2727 = arith.constant dense<true> : vector<16xi1>
      %parallel_loop3A_2728 = arith.xori %parallel_loop3A_2631, %parallel_loop3A_2727 : vector<16xi1>
      %parallel_loop3A_2729 = arith.andi %parallel_loop3A_2630, %parallel_loop3A_2728 : vector<16xi1>
      %parallel_loop3A_2730 = arith.maxsi %parallel_loop3A_2616, %parallel_loop3A_2614 : vector<16xi32>
      %parallel_loop3A_2731 = arith.select %parallel_loop3A_2729, %parallel_loop3A_2730, %parallel_loop3A_2726 : vector<16xi1>, vector<16xi32>
      %parallel_loop3A_2732 = arith.maxsi %parallel_loop3A_2561, %parallel_loop3A_2616 : vector<16xi32>
      %parallel_loop3A_2733 = arith.select %parallel_loop3A_2631, %parallel_loop3A_2732, %parallel_loop3A_2561 : vector<16xi1>, vector<16xi32>
      %parallel_loop3A_2734 = arith.cmpf ogt, %parallel_loop3A_2493, %parallel_loop3A_1131 : vector<16xf32>
      %parallel_loop3A_2735 = arith.maximumf %parallel_loop3A_1131, %parallel_loop3A_2493 : vector<16xf32>
      %parallel_loop3A_2736 = arith.select %parallel_loop3A_2734, %parallel_loop3A_2633, %parallel_loop3A_1271 : vector<16xi1>, vector<16xi32>
      %parallel_loop3A_2737 = arith.minimumf %parallel_loop3A_1131, %parallel_loop3A_2493 : vector<16xf32>
      %parallel_loop3A_2738 = arith.select %parallel_loop3A_2734, %parallel_loop3A_1271, %parallel_loop3A_2633 : vector<16xi1>, vector<16xi32>
      %parallel_loop3A_2739 = arith.cmpf ogt, %parallel_loop3A_2590, %parallel_loop3A_1228 : vector<16xf32>
      %parallel_loop3A_2740 = arith.maximumf %parallel_loop3A_1228, %parallel_loop3A_2590 : vector<16xf32>
      %parallel_loop3A_2741 = arith.select %parallel_loop3A_2739, %parallel_loop3A_2661, %parallel_loop3A_1299 : vector<16xi1>, vector<16xi32>
      %parallel_loop3A_2742 = arith.minimumf %parallel_loop3A_1228, %parallel_loop3A_2590 : vector<16xf32>
      %parallel_loop3A_2743 = arith.select %parallel_loop3A_2739, %parallel_loop3A_1299, %parallel_loop3A_2661 : vector<16xi1>, vector<16xi32>
      %parallel_loop3A_2744 = arith.cmpf ogt, %parallel_loop3A_2737, %parallel_loop3A_2740 : vector<16xf32>
      %parallel_loop3A_2745 = arith.maximumf %parallel_loop3A_2740, %parallel_loop3A_2737 : vector<16xf32>
      %parallel_loop3A_2746 = arith.select %parallel_loop3A_2744, %parallel_loop3A_2738, %parallel_loop3A_2741 : vector<16xi1>, vector<16xi32>
      %parallel_loop3A_2747 = arith.minimumf %parallel_loop3A_2740, %parallel_loop3A_2737 : vector<16xf32>
      %parallel_loop3A_2748 = arith.select %parallel_loop3A_2744, %parallel_loop3A_2741, %parallel_loop3A_2738 : vector<16xi1>, vector<16xi32>
      %parallel_loop3A_2749 = arith.cmpf ogt, %parallel_loop3A_2585, %parallel_loop3A_1223 : vector<16xf32>
      %parallel_loop3A_2750 = arith.maximumf %parallel_loop3A_1223, %parallel_loop3A_2585 : vector<16xf32>
      %parallel_loop3A_2751 = arith.select %parallel_loop3A_2749, %parallel_loop3A_2647, %parallel_loop3A_1285 : vector<16xi1>, vector<16xi32>
      %parallel_loop3A_2752 = arith.minimumf %parallel_loop3A_1223, %parallel_loop3A_2585 : vector<16xf32>
      %parallel_loop3A_2753 = arith.select %parallel_loop3A_2749, %parallel_loop3A_1285, %parallel_loop3A_2647 : vector<16xi1>, vector<16xi32>
      %parallel_loop3A_2754 = arith.cmpf ogt, %parallel_loop3A_2595, %parallel_loop3A_1233 : vector<16xf32>
      %parallel_loop3A_2755 = arith.maximumf %parallel_loop3A_1233, %parallel_loop3A_2595 : vector<16xf32>
      %parallel_loop3A_2756 = arith.select %parallel_loop3A_2754, %parallel_loop3A_2675, %parallel_loop3A_1313 : vector<16xi1>, vector<16xi32>
      %parallel_loop3A_2757 = arith.minimumf %parallel_loop3A_1233, %parallel_loop3A_2595 : vector<16xf32>
      %parallel_loop3A_2758 = arith.select %parallel_loop3A_2754, %parallel_loop3A_1313, %parallel_loop3A_2675 : vector<16xi1>, vector<16xi32>
      %parallel_loop3A_2759 = arith.cmpf ogt, %parallel_loop3A_2752, %parallel_loop3A_2755 : vector<16xf32>
      %parallel_loop3A_2760 = arith.maximumf %parallel_loop3A_2755, %parallel_loop3A_2752 : vector<16xf32>
      %parallel_loop3A_2761 = arith.select %parallel_loop3A_2759, %parallel_loop3A_2753, %parallel_loop3A_2756 : vector<16xi1>, vector<16xi32>
      %parallel_loop3A_2762 = arith.minimumf %parallel_loop3A_2755, %parallel_loop3A_2752 : vector<16xf32>
      %parallel_loop3A_2763 = arith.select %parallel_loop3A_2759, %parallel_loop3A_2756, %parallel_loop3A_2753 : vector<16xi1>, vector<16xi32>
      %parallel_loop3A_2764 = arith.cmpf ogt, %parallel_loop3A_2745, %parallel_loop3A_2750 : vector<16xf32>
      %parallel_loop3A_2765 = arith.maximumf %parallel_loop3A_2750, %parallel_loop3A_2745 : vector<16xf32>
      %parallel_loop3A_2766 = arith.select %parallel_loop3A_2764, %parallel_loop3A_2746, %parallel_loop3A_2751 : vector<16xi1>, vector<16xi32>
      %parallel_loop3A_2767 = arith.minimumf %parallel_loop3A_2750, %parallel_loop3A_2745 : vector<16xf32>
      %parallel_loop3A_2768 = arith.select %parallel_loop3A_2764, %parallel_loop3A_2751, %parallel_loop3A_2746 : vector<16xi1>, vector<16xi32>
      %parallel_loop3A_2769 = arith.cmpf ogt, %parallel_loop3A_2747, %parallel_loop3A_2760 : vector<16xf32>
      %parallel_loop3A_2770 = arith.maximumf %parallel_loop3A_2760, %parallel_loop3A_2747 : vector<16xf32>
      %parallel_loop3A_2771 = arith.select %parallel_loop3A_2769, %parallel_loop3A_2748, %parallel_loop3A_2761 : vector<16xi1>, vector<16xi32>
      %parallel_loop3A_2772 = arith.minimumf %parallel_loop3A_2760, %parallel_loop3A_2747 : vector<16xf32>
      %parallel_loop3A_2773 = arith.select %parallel_loop3A_2769, %parallel_loop3A_2761, %parallel_loop3A_2748 : vector<16xi1>, vector<16xi32>
      %parallel_loop3A_2774 = arith.cmpf ogt, %parallel_loop3A_2742, %parallel_loop3A_2762 : vector<16xf32>
      %parallel_loop3A_2775 = arith.maximumf %parallel_loop3A_2762, %parallel_loop3A_2742 : vector<16xf32>
      %parallel_loop3A_2776 = arith.select %parallel_loop3A_2774, %parallel_loop3A_2743, %parallel_loop3A_2763 : vector<16xi1>, vector<16xi32>
      %parallel_loop3A_2777 = arith.minimumf %parallel_loop3A_2762, %parallel_loop3A_2742 : vector<16xf32>
      %parallel_loop3A_2778 = arith.select %parallel_loop3A_2774, %parallel_loop3A_2763, %parallel_loop3A_2743 : vector<16xi1>, vector<16xi32>
      %parallel_loop3A_2779 = arith.cmpf ogt, %parallel_loop3A_2583, %parallel_loop3A_1221 : vector<16xf32>
      %parallel_loop3A_2780 = arith.maximumf %parallel_loop3A_1221, %parallel_loop3A_2583 : vector<16xf32>
      %parallel_loop3A_2781 = arith.select %parallel_loop3A_2779, %parallel_loop3A_2640, %parallel_loop3A_1278 : vector<16xi1>, vector<16xi32>
      %parallel_loop3A_2782 = arith.minimumf %parallel_loop3A_1221, %parallel_loop3A_2583 : vector<16xf32>
      %parallel_loop3A_2783 = arith.select %parallel_loop3A_2779, %parallel_loop3A_1278, %parallel_loop3A_2640 : vector<16xi1>, vector<16xi32>
      %parallel_loop3A_2784 = arith.cmpf ogt, %parallel_loop3A_2593, %parallel_loop3A_1231 : vector<16xf32>
      %parallel_loop3A_2785 = arith.maximumf %parallel_loop3A_1231, %parallel_loop3A_2593 : vector<16xf32>
      %parallel_loop3A_2786 = arith.select %parallel_loop3A_2784, %parallel_loop3A_2668, %parallel_loop3A_1306 : vector<16xi1>, vector<16xi32>
      %parallel_loop3A_2787 = arith.minimumf %parallel_loop3A_1231, %parallel_loop3A_2593 : vector<16xf32>
      %parallel_loop3A_2788 = arith.select %parallel_loop3A_2784, %parallel_loop3A_1306, %parallel_loop3A_2668 : vector<16xi1>, vector<16xi32>
      %parallel_loop3A_2789 = arith.cmpf ogt, %parallel_loop3A_2782, %parallel_loop3A_2785 : vector<16xf32>
      %parallel_loop3A_2790 = arith.maximumf %parallel_loop3A_2785, %parallel_loop3A_2782 : vector<16xf32>
      %parallel_loop3A_2791 = arith.select %parallel_loop3A_2789, %parallel_loop3A_2783, %parallel_loop3A_2786 : vector<16xi1>, vector<16xi32>
      %parallel_loop3A_2792 = arith.minimumf %parallel_loop3A_2785, %parallel_loop3A_2782 : vector<16xf32>
      %parallel_loop3A_2793 = arith.select %parallel_loop3A_2789, %parallel_loop3A_2786, %parallel_loop3A_2783 : vector<16xi1>, vector<16xi32>
      %parallel_loop3A_2794 = arith.cmpf ogt, %parallel_loop3A_2588, %parallel_loop3A_1226 : vector<16xf32>
      %parallel_loop3A_2795 = arith.maximumf %parallel_loop3A_1226, %parallel_loop3A_2588 : vector<16xf32>
      %parallel_loop3A_2796 = arith.select %parallel_loop3A_2794, %parallel_loop3A_2654, %parallel_loop3A_1292 : vector<16xi1>, vector<16xi32>
      %parallel_loop3A_2797 = arith.minimumf %parallel_loop3A_1226, %parallel_loop3A_2588 : vector<16xf32>
      %parallel_loop3A_2798 = arith.select %parallel_loop3A_2794, %parallel_loop3A_1292, %parallel_loop3A_2654 : vector<16xi1>, vector<16xi32>
      %parallel_loop3A_2799 = arith.cmpf ogt, %parallel_loop3A_2598, %parallel_loop3A_1236 : vector<16xf32>
      %parallel_loop3A_2800 = arith.maximumf %parallel_loop3A_1236, %parallel_loop3A_2598 : vector<16xf32>
      %parallel_loop3A_2801 = arith.select %parallel_loop3A_2799, %parallel_loop3A_2682, %parallel_loop3A_1320 : vector<16xi1>, vector<16xi32>
      %parallel_loop3A_2802 = arith.minimumf %parallel_loop3A_1236, %parallel_loop3A_2598 : vector<16xf32>
      %parallel_loop3A_2803 = arith.select %parallel_loop3A_2799, %parallel_loop3A_1320, %parallel_loop3A_2682 : vector<16xi1>, vector<16xi32>
      %parallel_loop3A_2804 = arith.cmpf ogt, %parallel_loop3A_2797, %parallel_loop3A_2800 : vector<16xf32>
      %parallel_loop3A_2805 = arith.maximumf %parallel_loop3A_2800, %parallel_loop3A_2797 : vector<16xf32>
      %parallel_loop3A_2806 = arith.select %parallel_loop3A_2804, %parallel_loop3A_2798, %parallel_loop3A_2801 : vector<16xi1>, vector<16xi32>
      %parallel_loop3A_2807 = arith.minimumf %parallel_loop3A_2800, %parallel_loop3A_2797 : vector<16xf32>
      %parallel_loop3A_2808 = arith.select %parallel_loop3A_2804, %parallel_loop3A_2801, %parallel_loop3A_2798 : vector<16xi1>, vector<16xi32>
      %parallel_loop3A_2809 = arith.cmpf ogt, %parallel_loop3A_2790, %parallel_loop3A_2795 : vector<16xf32>
      %parallel_loop3A_2810 = arith.maximumf %parallel_loop3A_2795, %parallel_loop3A_2790 : vector<16xf32>
      %parallel_loop3A_2811 = arith.select %parallel_loop3A_2809, %parallel_loop3A_2791, %parallel_loop3A_2796 : vector<16xi1>, vector<16xi32>
      %parallel_loop3A_2812 = arith.minimumf %parallel_loop3A_2795, %parallel_loop3A_2790 : vector<16xf32>
      %parallel_loop3A_2813 = arith.select %parallel_loop3A_2809, %parallel_loop3A_2796, %parallel_loop3A_2791 : vector<16xi1>, vector<16xi32>
      %parallel_loop3A_2814 = arith.cmpf ogt, %parallel_loop3A_2792, %parallel_loop3A_2805 : vector<16xf32>
      %parallel_loop3A_2815 = arith.maximumf %parallel_loop3A_2805, %parallel_loop3A_2792 : vector<16xf32>
      %parallel_loop3A_2816 = arith.select %parallel_loop3A_2814, %parallel_loop3A_2793, %parallel_loop3A_2806 : vector<16xi1>, vector<16xi32>
      %parallel_loop3A_2817 = arith.minimumf %parallel_loop3A_2805, %parallel_loop3A_2792 : vector<16xf32>
      %parallel_loop3A_2818 = arith.select %parallel_loop3A_2814, %parallel_loop3A_2806, %parallel_loop3A_2793 : vector<16xi1>, vector<16xi32>
      %parallel_loop3A_2819 = arith.cmpf ogt, %parallel_loop3A_2787, %parallel_loop3A_2807 : vector<16xf32>
      %parallel_loop3A_2820 = arith.maximumf %parallel_loop3A_2807, %parallel_loop3A_2787 : vector<16xf32>
      %parallel_loop3A_2821 = arith.select %parallel_loop3A_2819, %parallel_loop3A_2788, %parallel_loop3A_2808 : vector<16xi1>, vector<16xi32>
      %parallel_loop3A_2822 = arith.minimumf %parallel_loop3A_2807, %parallel_loop3A_2787 : vector<16xf32>
      %parallel_loop3A_2823 = arith.select %parallel_loop3A_2819, %parallel_loop3A_2808, %parallel_loop3A_2788 : vector<16xi1>, vector<16xi32>
      %parallel_loop3A_2824 = arith.cmpf ogt, %parallel_loop3A_2765, %parallel_loop3A_2780 : vector<16xf32>
      %parallel_loop3A_2825 = arith.maximumf %parallel_loop3A_2780, %parallel_loop3A_2765 : vector<16xf32>
      %parallel_loop3A_2826 = arith.select %parallel_loop3A_2824, %parallel_loop3A_2766, %parallel_loop3A_2781 : vector<16xi1>, vector<16xi32>
      %parallel_loop3A_2827 = arith.minimumf %parallel_loop3A_2780, %parallel_loop3A_2765 : vector<16xf32>
      %parallel_loop3A_2828 = arith.select %parallel_loop3A_2824, %parallel_loop3A_2781, %parallel_loop3A_2766 : vector<16xi1>, vector<16xi32>
      %parallel_loop3A_2829 = arith.cmpf ogt, %parallel_loop3A_2767, %parallel_loop3A_2810 : vector<16xf32>
      %parallel_loop3A_2830 = arith.maximumf %parallel_loop3A_2810, %parallel_loop3A_2767 : vector<16xf32>
      %parallel_loop3A_2831 = arith.select %parallel_loop3A_2829, %parallel_loop3A_2768, %parallel_loop3A_2811 : vector<16xi1>, vector<16xi32>
      %parallel_loop3A_2832 = arith.minimumf %parallel_loop3A_2810, %parallel_loop3A_2767 : vector<16xf32>
      %parallel_loop3A_2833 = arith.select %parallel_loop3A_2829, %parallel_loop3A_2811, %parallel_loop3A_2768 : vector<16xi1>, vector<16xi32>
      %parallel_loop3A_2834 = arith.cmpf ogt, %parallel_loop3A_2770, %parallel_loop3A_2812 : vector<16xf32>
      %parallel_loop3A_2835 = arith.maximumf %parallel_loop3A_2812, %parallel_loop3A_2770 : vector<16xf32>
      %parallel_loop3A_2836 = arith.select %parallel_loop3A_2834, %parallel_loop3A_2771, %parallel_loop3A_2813 : vector<16xi1>, vector<16xi32>
      %parallel_loop3A_2837 = arith.minimumf %parallel_loop3A_2812, %parallel_loop3A_2770 : vector<16xf32>
      %parallel_loop3A_2838 = arith.select %parallel_loop3A_2834, %parallel_loop3A_2813, %parallel_loop3A_2771 : vector<16xi1>, vector<16xi32>
      %parallel_loop3A_2839 = arith.cmpf ogt, %parallel_loop3A_2772, %parallel_loop3A_2815 : vector<16xf32>
      %parallel_loop3A_2840 = arith.maximumf %parallel_loop3A_2815, %parallel_loop3A_2772 : vector<16xf32>
      %parallel_loop3A_2841 = arith.select %parallel_loop3A_2839, %parallel_loop3A_2773, %parallel_loop3A_2816 : vector<16xi1>, vector<16xi32>
      %parallel_loop3A_2842 = arith.minimumf %parallel_loop3A_2815, %parallel_loop3A_2772 : vector<16xf32>
      %parallel_loop3A_2843 = arith.select %parallel_loop3A_2839, %parallel_loop3A_2816, %parallel_loop3A_2773 : vector<16xi1>, vector<16xi32>
      %parallel_loop3A_2844 = arith.cmpf ogt, %parallel_loop3A_2775, %parallel_loop3A_2817 : vector<16xf32>
      %parallel_loop3A_2845 = arith.maximumf %parallel_loop3A_2817, %parallel_loop3A_2775 : vector<16xf32>
      %parallel_loop3A_2846 = arith.select %parallel_loop3A_2844, %parallel_loop3A_2776, %parallel_loop3A_2818 : vector<16xi1>, vector<16xi32>
      %parallel_loop3A_2847 = arith.minimumf %parallel_loop3A_2817, %parallel_loop3A_2775 : vector<16xf32>
      %parallel_loop3A_2848 = arith.select %parallel_loop3A_2844, %parallel_loop3A_2818, %parallel_loop3A_2776 : vector<16xi1>, vector<16xi32>
      %parallel_loop3A_2849 = arith.cmpf ogt, %parallel_loop3A_2777, %parallel_loop3A_2820 : vector<16xf32>
      %parallel_loop3A_2850 = arith.maximumf %parallel_loop3A_2820, %parallel_loop3A_2777 : vector<16xf32>
      %parallel_loop3A_2851 = arith.select %parallel_loop3A_2849, %parallel_loop3A_2778, %parallel_loop3A_2821 : vector<16xi1>, vector<16xi32>
      %parallel_loop3A_2852 = arith.minimumf %parallel_loop3A_2820, %parallel_loop3A_2777 : vector<16xf32>
      %parallel_loop3A_2853 = arith.select %parallel_loop3A_2849, %parallel_loop3A_2821, %parallel_loop3A_2778 : vector<16xi1>, vector<16xi32>
      %parallel_loop3A_2854 = arith.cmpf ogt, %parallel_loop3A_2757, %parallel_loop3A_2822 : vector<16xf32>
      %parallel_loop3A_2855 = arith.maximumf %parallel_loop3A_2822, %parallel_loop3A_2757 : vector<16xf32>
      %parallel_loop3A_2856 = arith.select %parallel_loop3A_2854, %parallel_loop3A_2758, %parallel_loop3A_2823 : vector<16xi1>, vector<16xi32>
      %parallel_loop3A_2857 = arith.minimumf %parallel_loop3A_2822, %parallel_loop3A_2757 : vector<16xf32>
      %parallel_loop3A_2858 = arith.select %parallel_loop3A_2854, %parallel_loop3A_2823, %parallel_loop3A_2758 : vector<16xi1>, vector<16xi32>
      %parallel_loop3A_2859 = arith.cmpf oeq, %parallel_loop3A_2735, %parallel_loop3A_2825 : vector<16xf32>
      %parallel_loop3A_2860 = arith.cmpf oeq, %parallel_loop3A_2825, %parallel_loop3A_2827 : vector<16xf32>
      %parallel_loop3A_2861 = arith.cmpf oeq, %parallel_loop3A_2827, %parallel_loop3A_2830 : vector<16xf32>
      %parallel_loop3A_2862 = arith.cmpf oeq, %parallel_loop3A_2830, %parallel_loop3A_2832 : vector<16xf32>
      %parallel_loop3A_2863 = arith.cmpf oeq, %parallel_loop3A_2832, %parallel_loop3A_2835 : vector<16xf32>
      %parallel_loop3A_2864 = arith.cmpf oeq, %parallel_loop3A_2835, %parallel_loop3A_2837 : vector<16xf32>
      %parallel_loop3A_2865 = arith.cmpf oeq, %parallel_loop3A_2837, %parallel_loop3A_2840 : vector<16xf32>
      %parallel_loop3A_2866 = arith.cmpf oeq, %parallel_loop3A_2840, %parallel_loop3A_2842 : vector<16xf32>
      %parallel_loop3A_2867 = arith.cmpf oeq, %parallel_loop3A_2842, %parallel_loop3A_2845 : vector<16xf32>
      %parallel_loop3A_2868 = arith.cmpf oeq, %parallel_loop3A_2845, %parallel_loop3A_2847 : vector<16xf32>
      %parallel_loop3A_2869 = arith.cmpf oeq, %parallel_loop3A_2847, %parallel_loop3A_2850 : vector<16xf32>
      %parallel_loop3A_2870 = arith.cmpf oeq, %parallel_loop3A_2850, %parallel_loop3A_2852 : vector<16xf32>
      %parallel_loop3A_2871 = arith.cmpf oeq, %parallel_loop3A_2852, %parallel_loop3A_2855 : vector<16xf32>
      %parallel_loop3A_2872 = arith.cmpf oeq, %parallel_loop3A_2855, %parallel_loop3A_2857 : vector<16xf32>
      %parallel_loop3A_2873 = arith.cmpf oeq, %parallel_loop3A_2857, %parallel_loop3A_2802 : vector<16xf32>
      %parallel_loop3A_2874 = arith.minsi %parallel_loop3A_2736, %parallel_loop3A_2826 : vector<16xi32>
      %parallel_loop3A_2875 = arith.select %parallel_loop3A_2859, %parallel_loop3A_2874, %parallel_loop3A_2736 : vector<16xi1>, vector<16xi32>
      %parallel_loop3A_2876 = arith.minsi %parallel_loop3A_2826, %parallel_loop3A_2828 : vector<16xi32>
      %parallel_loop3A_2877 = arith.select %parallel_loop3A_2860, %parallel_loop3A_2876, %parallel_loop3A_2826 : vector<16xi1>, vector<16xi32>
      %parallel_loop3A_2878 = arith.constant dense<true> : vector<16xi1>
      %parallel_loop3A_2879 = arith.xori %parallel_loop3A_2860, %parallel_loop3A_2878 : vector<16xi1>
      %parallel_loop3A_2880 = arith.andi %parallel_loop3A_2859, %parallel_loop3A_2879 : vector<16xi1>
      %parallel_loop3A_2881 = arith.maxsi %parallel_loop3A_2826, %parallel_loop3A_2736 : vector<16xi32>
      %parallel_loop3A_2882 = arith.select %parallel_loop3A_2880, %parallel_loop3A_2881, %parallel_loop3A_2877 : vector<16xi1>, vector<16xi32>
      %parallel_loop3A_2883 = arith.minsi %parallel_loop3A_2828, %parallel_loop3A_2831 : vector<16xi32>
      %parallel_loop3A_2884 = arith.select %parallel_loop3A_2861, %parallel_loop3A_2883, %parallel_loop3A_2828 : vector<16xi1>, vector<16xi32>
      %parallel_loop3A_2885 = arith.constant dense<true> : vector<16xi1>
      %parallel_loop3A_2886 = arith.xori %parallel_loop3A_2861, %parallel_loop3A_2885 : vector<16xi1>
      %parallel_loop3A_2887 = arith.andi %parallel_loop3A_2860, %parallel_loop3A_2886 : vector<16xi1>
      %parallel_loop3A_2888 = arith.maxsi %parallel_loop3A_2828, %parallel_loop3A_2826 : vector<16xi32>
      %parallel_loop3A_2889 = arith.select %parallel_loop3A_2887, %parallel_loop3A_2888, %parallel_loop3A_2884 : vector<16xi1>, vector<16xi32>
      %parallel_loop3A_2890 = arith.minsi %parallel_loop3A_2831, %parallel_loop3A_2833 : vector<16xi32>
      %parallel_loop3A_2891 = arith.select %parallel_loop3A_2862, %parallel_loop3A_2890, %parallel_loop3A_2831 : vector<16xi1>, vector<16xi32>
      %parallel_loop3A_2892 = arith.constant dense<true> : vector<16xi1>
      %parallel_loop3A_2893 = arith.xori %parallel_loop3A_2862, %parallel_loop3A_2892 : vector<16xi1>
      %parallel_loop3A_2894 = arith.andi %parallel_loop3A_2861, %parallel_loop3A_2893 : vector<16xi1>
      %parallel_loop3A_2895 = arith.maxsi %parallel_loop3A_2831, %parallel_loop3A_2828 : vector<16xi32>
      %parallel_loop3A_2896 = arith.select %parallel_loop3A_2894, %parallel_loop3A_2895, %parallel_loop3A_2891 : vector<16xi1>, vector<16xi32>
      %parallel_loop3A_2897 = arith.minsi %parallel_loop3A_2833, %parallel_loop3A_2836 : vector<16xi32>
      %parallel_loop3A_2898 = arith.select %parallel_loop3A_2863, %parallel_loop3A_2897, %parallel_loop3A_2833 : vector<16xi1>, vector<16xi32>
      %parallel_loop3A_2899 = arith.constant dense<true> : vector<16xi1>
      %parallel_loop3A_2900 = arith.xori %parallel_loop3A_2863, %parallel_loop3A_2899 : vector<16xi1>
      %parallel_loop3A_2901 = arith.andi %parallel_loop3A_2862, %parallel_loop3A_2900 : vector<16xi1>
      %parallel_loop3A_2902 = arith.maxsi %parallel_loop3A_2833, %parallel_loop3A_2831 : vector<16xi32>
      %parallel_loop3A_2903 = arith.select %parallel_loop3A_2901, %parallel_loop3A_2902, %parallel_loop3A_2898 : vector<16xi1>, vector<16xi32>
      %parallel_loop3A_2904 = arith.minsi %parallel_loop3A_2836, %parallel_loop3A_2838 : vector<16xi32>
      %parallel_loop3A_2905 = arith.select %parallel_loop3A_2864, %parallel_loop3A_2904, %parallel_loop3A_2836 : vector<16xi1>, vector<16xi32>
      %parallel_loop3A_2906 = arith.constant dense<true> : vector<16xi1>
      %parallel_loop3A_2907 = arith.xori %parallel_loop3A_2864, %parallel_loop3A_2906 : vector<16xi1>
      %parallel_loop3A_2908 = arith.andi %parallel_loop3A_2863, %parallel_loop3A_2907 : vector<16xi1>
      %parallel_loop3A_2909 = arith.maxsi %parallel_loop3A_2836, %parallel_loop3A_2833 : vector<16xi32>
      %parallel_loop3A_2910 = arith.select %parallel_loop3A_2908, %parallel_loop3A_2909, %parallel_loop3A_2905 : vector<16xi1>, vector<16xi32>
      %parallel_loop3A_2911 = arith.minsi %parallel_loop3A_2838, %parallel_loop3A_2841 : vector<16xi32>
      %parallel_loop3A_2912 = arith.select %parallel_loop3A_2865, %parallel_loop3A_2911, %parallel_loop3A_2838 : vector<16xi1>, vector<16xi32>
      %parallel_loop3A_2913 = arith.constant dense<true> : vector<16xi1>
      %parallel_loop3A_2914 = arith.xori %parallel_loop3A_2865, %parallel_loop3A_2913 : vector<16xi1>
      %parallel_loop3A_2915 = arith.andi %parallel_loop3A_2864, %parallel_loop3A_2914 : vector<16xi1>
      %parallel_loop3A_2916 = arith.maxsi %parallel_loop3A_2838, %parallel_loop3A_2836 : vector<16xi32>
      %parallel_loop3A_2917 = arith.select %parallel_loop3A_2915, %parallel_loop3A_2916, %parallel_loop3A_2912 : vector<16xi1>, vector<16xi32>
      %parallel_loop3A_2918 = arith.minsi %parallel_loop3A_2841, %parallel_loop3A_2843 : vector<16xi32>
      %parallel_loop3A_2919 = arith.select %parallel_loop3A_2866, %parallel_loop3A_2918, %parallel_loop3A_2841 : vector<16xi1>, vector<16xi32>
      %parallel_loop3A_2920 = arith.constant dense<true> : vector<16xi1>
      %parallel_loop3A_2921 = arith.xori %parallel_loop3A_2866, %parallel_loop3A_2920 : vector<16xi1>
      %parallel_loop3A_2922 = arith.andi %parallel_loop3A_2865, %parallel_loop3A_2921 : vector<16xi1>
      %parallel_loop3A_2923 = arith.maxsi %parallel_loop3A_2841, %parallel_loop3A_2838 : vector<16xi32>
      %parallel_loop3A_2924 = arith.select %parallel_loop3A_2922, %parallel_loop3A_2923, %parallel_loop3A_2919 : vector<16xi1>, vector<16xi32>
      %parallel_loop3A_2925 = arith.minsi %parallel_loop3A_2843, %parallel_loop3A_2846 : vector<16xi32>
      %parallel_loop3A_2926 = arith.select %parallel_loop3A_2867, %parallel_loop3A_2925, %parallel_loop3A_2843 : vector<16xi1>, vector<16xi32>
      %parallel_loop3A_2927 = arith.constant dense<true> : vector<16xi1>
      %parallel_loop3A_2928 = arith.xori %parallel_loop3A_2867, %parallel_loop3A_2927 : vector<16xi1>
      %parallel_loop3A_2929 = arith.andi %parallel_loop3A_2866, %parallel_loop3A_2928 : vector<16xi1>
      %parallel_loop3A_2930 = arith.maxsi %parallel_loop3A_2843, %parallel_loop3A_2841 : vector<16xi32>
      %parallel_loop3A_2931 = arith.select %parallel_loop3A_2929, %parallel_loop3A_2930, %parallel_loop3A_2926 : vector<16xi1>, vector<16xi32>
      %parallel_loop3A_2932 = arith.minsi %parallel_loop3A_2846, %parallel_loop3A_2848 : vector<16xi32>
      %parallel_loop3A_2933 = arith.select %parallel_loop3A_2868, %parallel_loop3A_2932, %parallel_loop3A_2846 : vector<16xi1>, vector<16xi32>
      %parallel_loop3A_2934 = arith.constant dense<true> : vector<16xi1>
      %parallel_loop3A_2935 = arith.xori %parallel_loop3A_2868, %parallel_loop3A_2934 : vector<16xi1>
      %parallel_loop3A_2936 = arith.andi %parallel_loop3A_2867, %parallel_loop3A_2935 : vector<16xi1>
      %parallel_loop3A_2937 = arith.maxsi %parallel_loop3A_2846, %parallel_loop3A_2843 : vector<16xi32>
      %parallel_loop3A_2938 = arith.select %parallel_loop3A_2936, %parallel_loop3A_2937, %parallel_loop3A_2933 : vector<16xi1>, vector<16xi32>
      %parallel_loop3A_2939 = arith.minsi %parallel_loop3A_2848, %parallel_loop3A_2851 : vector<16xi32>
      %parallel_loop3A_2940 = arith.select %parallel_loop3A_2869, %parallel_loop3A_2939, %parallel_loop3A_2848 : vector<16xi1>, vector<16xi32>
      %parallel_loop3A_2941 = arith.constant dense<true> : vector<16xi1>
      %parallel_loop3A_2942 = arith.xori %parallel_loop3A_2869, %parallel_loop3A_2941 : vector<16xi1>
      %parallel_loop3A_2943 = arith.andi %parallel_loop3A_2868, %parallel_loop3A_2942 : vector<16xi1>
      %parallel_loop3A_2944 = arith.maxsi %parallel_loop3A_2848, %parallel_loop3A_2846 : vector<16xi32>
      %parallel_loop3A_2945 = arith.select %parallel_loop3A_2943, %parallel_loop3A_2944, %parallel_loop3A_2940 : vector<16xi1>, vector<16xi32>
      %parallel_loop3A_2946 = arith.minsi %parallel_loop3A_2851, %parallel_loop3A_2853 : vector<16xi32>
      %parallel_loop3A_2947 = arith.select %parallel_loop3A_2870, %parallel_loop3A_2946, %parallel_loop3A_2851 : vector<16xi1>, vector<16xi32>
      %parallel_loop3A_2948 = arith.constant dense<true> : vector<16xi1>
      %parallel_loop3A_2949 = arith.xori %parallel_loop3A_2870, %parallel_loop3A_2948 : vector<16xi1>
      %parallel_loop3A_2950 = arith.andi %parallel_loop3A_2869, %parallel_loop3A_2949 : vector<16xi1>
      %parallel_loop3A_2951 = arith.maxsi %parallel_loop3A_2851, %parallel_loop3A_2848 : vector<16xi32>
      %parallel_loop3A_2952 = arith.select %parallel_loop3A_2950, %parallel_loop3A_2951, %parallel_loop3A_2947 : vector<16xi1>, vector<16xi32>
      %parallel_loop3A_2953 = arith.minsi %parallel_loop3A_2853, %parallel_loop3A_2856 : vector<16xi32>
      %parallel_loop3A_2954 = arith.select %parallel_loop3A_2871, %parallel_loop3A_2953, %parallel_loop3A_2853 : vector<16xi1>, vector<16xi32>
      %parallel_loop3A_2955 = arith.constant dense<true> : vector<16xi1>
      %parallel_loop3A_2956 = arith.xori %parallel_loop3A_2871, %parallel_loop3A_2955 : vector<16xi1>
      %parallel_loop3A_2957 = arith.andi %parallel_loop3A_2870, %parallel_loop3A_2956 : vector<16xi1>
      %parallel_loop3A_2958 = arith.maxsi %parallel_loop3A_2853, %parallel_loop3A_2851 : vector<16xi32>
      %parallel_loop3A_2959 = arith.select %parallel_loop3A_2957, %parallel_loop3A_2958, %parallel_loop3A_2954 : vector<16xi1>, vector<16xi32>
      %parallel_loop3A_2960 = arith.minsi %parallel_loop3A_2856, %parallel_loop3A_2858 : vector<16xi32>
      %parallel_loop3A_2961 = arith.select %parallel_loop3A_2872, %parallel_loop3A_2960, %parallel_loop3A_2856 : vector<16xi1>, vector<16xi32>
      %parallel_loop3A_2962 = arith.constant dense<true> : vector<16xi1>
      %parallel_loop3A_2963 = arith.xori %parallel_loop3A_2872, %parallel_loop3A_2962 : vector<16xi1>
      %parallel_loop3A_2964 = arith.andi %parallel_loop3A_2871, %parallel_loop3A_2963 : vector<16xi1>
      %parallel_loop3A_2965 = arith.maxsi %parallel_loop3A_2856, %parallel_loop3A_2853 : vector<16xi32>
      %parallel_loop3A_2966 = arith.select %parallel_loop3A_2964, %parallel_loop3A_2965, %parallel_loop3A_2961 : vector<16xi1>, vector<16xi32>
      %parallel_loop3A_2967 = arith.minsi %parallel_loop3A_2858, %parallel_loop3A_2803 : vector<16xi32>
      %parallel_loop3A_2968 = arith.select %parallel_loop3A_2873, %parallel_loop3A_2967, %parallel_loop3A_2858 : vector<16xi1>, vector<16xi32>
      %parallel_loop3A_2969 = arith.constant dense<true> : vector<16xi1>
      %parallel_loop3A_2970 = arith.xori %parallel_loop3A_2873, %parallel_loop3A_2969 : vector<16xi1>
      %parallel_loop3A_2971 = arith.andi %parallel_loop3A_2872, %parallel_loop3A_2970 : vector<16xi1>
      %parallel_loop3A_2972 = arith.maxsi %parallel_loop3A_2858, %parallel_loop3A_2856 : vector<16xi32>
      %parallel_loop3A_2973 = arith.select %parallel_loop3A_2971, %parallel_loop3A_2972, %parallel_loop3A_2968 : vector<16xi1>, vector<16xi32>
      %parallel_loop3A_2974 = arith.maxsi %parallel_loop3A_2803, %parallel_loop3A_2858 : vector<16xi32>
      %parallel_loop3A_2975 = arith.select %parallel_loop3A_2873, %parallel_loop3A_2974, %parallel_loop3A_2803 : vector<16xi1>, vector<16xi32>
      %parallel_loop3A_2976 = arith.constant 1.000000e+00 : f32
      %parallel_loop3A_2977 = vector.broadcast %parallel_loop3A_2976 : f32 to vector<16xf32>
      %parallel_loop3A_2978 = arith.divf %parallel_loop3A_2977, %parallel_loop3A_2182 : vector<16xf32>
      %parallel_loop3A_2979 = arith.constant 0 : i32
      %parallel_loop3A_2980 = arith.index_cast %parallel_loop3A_2979 : i32 to index
      %parallel_loop3A_2981 = arith.index_cast %parallel_loop3A_7 : i32 to index
      %parallel_loop3A_2982 = tpu.vector_load %arg6[%parallel_loop3A_2980, %parallel_loop3A_2981] {strides = array<i32>} : memref<8x512xi32, #tpu.memory_space<vmem>>, vector<16xi32>,
      tpu.vector_store %arg6[%parallel_loop3A_2980, %parallel_loop3A_2981], %parallel_loop3A_2875 {strides = array<i32>} : memref<8x512xi32, #tpu.memory_space<vmem>>, vector<16xi32>,
      %parallel_loop3A_2983 = math.exp %parallel_loop3A_2735 : vector<16xf32>
      %parallel_loop3A_2984 = arith.mulf %parallel_loop3A_2983, %parallel_loop3A_2978 : vector<16xf32>
      %parallel_loop3A_2985 = arith.constant 0 : i32
      %parallel_loop3A_2986 = arith.index_cast %parallel_loop3A_2985 : i32 to index
      %parallel_loop3A_2987 = arith.index_cast %parallel_loop3A_7 : i32 to index
      %parallel_loop3A_2988 = tpu.vector_load %arg7[%parallel_loop3A_2986, %parallel_loop3A_2987] {strides = array<i32>} : memref<8x512xf32, #tpu.memory_space<vmem>>, vector<16xf32>,
      tpu.vector_store %arg7[%parallel_loop3A_2986, %parallel_loop3A_2987], %parallel_loop3A_2984 {strides = array<i32>} : memref<8x512xf32, #tpu.memory_space<vmem>>, vector<16xf32>,
      %parallel_loop3A_2989 = arith.constant 1 : i32
      %parallel_loop3A_2990 = arith.index_cast %parallel_loop3A_2989 : i32 to index
      %parallel_loop3A_2991 = arith.index_cast %parallel_loop3A_7 : i32 to index
      %parallel_loop3A_2992 = tpu.vector_load %arg6[%parallel_loop3A_2990, %parallel_loop3A_2991] {strides = array<i32>} : memref<8x512xi32, #tpu.memory_space<vmem>>, vector<16xi32>,
      tpu.vector_store %arg6[%parallel_loop3A_2990, %parallel_loop3A_2991], %parallel_loop3A_2882 {strides = array<i32>} : memref<8x512xi32, #tpu.memory_space<vmem>>, vector<16xi32>,
      %parallel_loop3A_2993 = math.exp %parallel_loop3A_2825 : vector<16xf32>
      %parallel_loop3A_2994 = arith.mulf %parallel_loop3A_2993, %parallel_loop3A_2978 : vector<16xf32>
      %parallel_loop3A_2995 = arith.constant 1 : i32
      %parallel_loop3A_2996 = arith.index_cast %parallel_loop3A_2995 : i32 to index
      %parallel_loop3A_2997 = arith.index_cast %parallel_loop3A_7 : i32 to index
      %parallel_loop3A_2998 = tpu.vector_load %arg7[%parallel_loop3A_2996, %parallel_loop3A_2997] {strides = array<i32>} : memref<8x512xf32, #tpu.memory_space<vmem>>, vector<16xf32>,
      tpu.vector_store %arg7[%parallel_loop3A_2996, %parallel_loop3A_2997], %parallel_loop3A_2994 {strides = array<i32>} : memref<8x512xf32, #tpu.memory_space<vmem>>, vector<16xf32>,
      %parallel_loop3A_2999 = arith.constant 2 : i32
      %parallel_loop3A_3000 = arith.index_cast %parallel_loop3A_2999 : i32 to index
      %parallel_loop3A_3001 = arith.index_cast %parallel_loop3A_7 : i32 to index
      %parallel_loop3A_3002 = tpu.vector_load %arg6[%parallel_loop3A_3000, %parallel_loop3A_3001] {strides = array<i32>} : memref<8x512xi32, #tpu.memory_space<vmem>>, vector<16xi32>,
      tpu.vector_store %arg6[%parallel_loop3A_3000, %parallel_loop3A_3001], %parallel_loop3A_2889 {strides = array<i32>} : memref<8x512xi32, #tpu.memory_space<vmem>>, vector<16xi32>,
      %parallel_loop3A_3003 = math.exp %parallel_loop3A_2827 : vector<16xf32>
      %parallel_loop3A_3004 = arith.mulf %parallel_loop3A_3003, %parallel_loop3A_2978 : vector<16xf32>
      %parallel_loop3A_3005 = arith.constant 2 : i32
      %parallel_loop3A_3006 = arith.index_cast %parallel_loop3A_3005 : i32 to index
      %parallel_loop3A_3007 = arith.index_cast %parallel_loop3A_7 : i32 to index
      %parallel_loop3A_3008 = tpu.vector_load %arg7[%parallel_loop3A_3006, %parallel_loop3A_3007] {strides = array<i32>} : memref<8x512xf32, #tpu.memory_space<vmem>>, vector<16xf32>,
      tpu.vector_store %arg7[%parallel_loop3A_3006, %parallel_loop3A_3007], %parallel_loop3A_3004 {strides = array<i32>} : memref<8x512xf32, #tpu.memory_space<vmem>>, vector<16xf32>,
      %parallel_loop3A_3009 = arith.constant 3 : i32
      %parallel_loop3A_3010 = arith.index_cast %parallel_loop3A_3009 : i32 to index
      %parallel_loop3A_3011 = arith.index_cast %parallel_loop3A_7 : i32 to index
      %parallel_loop3A_3012 = tpu.vector_load %arg6[%parallel_loop3A_3010, %parallel_loop3A_3011] {strides = array<i32>} : memref<8x512xi32, #tpu.memory_space<vmem>>, vector<16xi32>,
      tpu.vector_store %arg6[%parallel_loop3A_3010, %parallel_loop3A_3011], %parallel_loop3A_2896 {strides = array<i32>} : memref<8x512xi32, #tpu.memory_space<vmem>>, vector<16xi32>,
      %parallel_loop3A_3013 = math.exp %parallel_loop3A_2830 : vector<16xf32>
      %parallel_loop3A_3014 = arith.mulf %parallel_loop3A_3013, %parallel_loop3A_2978 : vector<16xf32>
      %parallel_loop3A_3015 = arith.constant 3 : i32
      %parallel_loop3A_3016 = arith.index_cast %parallel_loop3A_3015 : i32 to index
      %parallel_loop3A_3017 = arith.index_cast %parallel_loop3A_7 : i32 to index
      %parallel_loop3A_3018 = tpu.vector_load %arg7[%parallel_loop3A_3016, %parallel_loop3A_3017] {strides = array<i32>} : memref<8x512xf32, #tpu.memory_space<vmem>>, vector<16xf32>,
      tpu.vector_store %arg7[%parallel_loop3A_3016, %parallel_loop3A_3017], %parallel_loop3A_3014 {strides = array<i32>} : memref<8x512xf32, #tpu.memory_space<vmem>>, vector<16xf32>,
      %parallel_loop3A_3019 = arith.constant 4 : i32
      %parallel_loop3A_3020 = arith.index_cast %parallel_loop3A_3019 : i32 to index
      %parallel_loop3A_3021 = arith.index_cast %parallel_loop3A_7 : i32 to index
      %parallel_loop3A_3022 = tpu.vector_load %arg6[%parallel_loop3A_3020, %parallel_loop3A_3021] {strides = array<i32>} : memref<8x512xi32, #tpu.memory_space<vmem>>, vector<16xi32>,
      tpu.vector_store %arg6[%parallel_loop3A_3020, %parallel_loop3A_3021], %parallel_loop3A_2903 {strides = array<i32>} : memref<8x512xi32, #tpu.memory_space<vmem>>, vector<16xi32>,
      %parallel_loop3A_3023 = math.exp %parallel_loop3A_2832 : vector<16xf32>
      %parallel_loop3A_3024 = arith.mulf %parallel_loop3A_3023, %parallel_loop3A_2978 : vector<16xf32>
      %parallel_loop3A_3025 = arith.constant 4 : i32
      %parallel_loop3A_3026 = arith.index_cast %parallel_loop3A_3025 : i32 to index
      %parallel_loop3A_3027 = arith.index_cast %parallel_loop3A_7 : i32 to index
      %parallel_loop3A_3028 = tpu.vector_load %arg7[%parallel_loop3A_3026, %parallel_loop3A_3027] {strides = array<i32>} : memref<8x512xf32, #tpu.memory_space<vmem>>, vector<16xf32>,
      tpu.vector_store %arg7[%parallel_loop3A_3026, %parallel_loop3A_3027], %parallel_loop3A_3024 {strides = array<i32>} : memref<8x512xf32, #tpu.memory_space<vmem>>, vector<16xf32>,
      %parallel_loop3A_3029 = arith.constant 5 : i32
      %parallel_loop3A_3030 = arith.index_cast %parallel_loop3A_3029 : i32 to index
      %parallel_loop3A_3031 = arith.index_cast %parallel_loop3A_7 : i32 to index
      %parallel_loop3A_3032 = tpu.vector_load %arg6[%parallel_loop3A_3030, %parallel_loop3A_3031] {strides = array<i32>} : memref<8x512xi32, #tpu.memory_space<vmem>>, vector<16xi32>,
      tpu.vector_store %arg6[%parallel_loop3A_3030, %parallel_loop3A_3031], %parallel_loop3A_2910 {strides = array<i32>} : memref<8x512xi32, #tpu.memory_space<vmem>>, vector<16xi32>,
      %parallel_loop3A_3033 = math.exp %parallel_loop3A_2835 : vector<16xf32>
      %parallel_loop3A_3034 = arith.mulf %parallel_loop3A_3033, %parallel_loop3A_2978 : vector<16xf32>
      %parallel_loop3A_3035 = arith.constant 5 : i32
      %parallel_loop3A_3036 = arith.index_cast %parallel_loop3A_3035 : i32 to index
      %parallel_loop3A_3037 = arith.index_cast %parallel_loop3A_7 : i32 to index
      %parallel_loop3A_3038 = tpu.vector_load %arg7[%parallel_loop3A_3036, %parallel_loop3A_3037] {strides = array<i32>} : memref<8x512xf32, #tpu.memory_space<vmem>>, vector<16xf32>,
      tpu.vector_store %arg7[%parallel_loop3A_3036, %parallel_loop3A_3037], %parallel_loop3A_3034 {strides = array<i32>} : memref<8x512xf32, #tpu.memory_space<vmem>>, vector<16xf32>,
      %parallel_loop3A_3039 = arith.constant 6 : i32
      %parallel_loop3A_3040 = arith.index_cast %parallel_loop3A_3039 : i32 to index
      %parallel_loop3A_3041 = arith.index_cast %parallel_loop3A_7 : i32 to index
      %parallel_loop3A_3042 = tpu.vector_load %arg6[%parallel_loop3A_3040, %parallel_loop3A_3041] {strides = array<i32>} : memref<8x512xi32, #tpu.memory_space<vmem>>, vector<16xi32>,
      tpu.vector_store %arg6[%parallel_loop3A_3040, %parallel_loop3A_3041], %parallel_loop3A_2917 {strides = array<i32>} : memref<8x512xi32, #tpu.memory_space<vmem>>, vector<16xi32>,
      %parallel_loop3A_3043 = math.exp %parallel_loop3A_2837 : vector<16xf32>
      %parallel_loop3A_3044 = arith.mulf %parallel_loop3A_3043, %parallel_loop3A_2978 : vector<16xf32>
      %parallel_loop3A_3045 = arith.constant 6 : i32
      %parallel_loop3A_3046 = arith.index_cast %parallel_loop3A_3045 : i32 to index
      %parallel_loop3A_3047 = arith.index_cast %parallel_loop3A_7 : i32 to index
      %parallel_loop3A_3048 = tpu.vector_load %arg7[%parallel_loop3A_3046, %parallel_loop3A_3047] {strides = array<i32>} : memref<8x512xf32, #tpu.memory_space<vmem>>, vector<16xf32>,
      tpu.vector_store %arg7[%parallel_loop3A_3046, %parallel_loop3A_3047], %parallel_loop3A_3044 {strides = array<i32>} : memref<8x512xf32, #tpu.memory_space<vmem>>, vector<16xf32>,
      %parallel_loop3A_3049 = arith.constant 7 : i32
      %parallel_loop3A_3050 = arith.index_cast %parallel_loop3A_3049 : i32 to index
      %parallel_loop3A_3051 = arith.index_cast %parallel_loop3A_7 : i32 to index
      %parallel_loop3A_3052 = tpu.vector_load %arg6[%parallel_loop3A_3050, %parallel_loop3A_3051] {strides = array<i32>} : memref<8x512xi32, #tpu.memory_space<vmem>>, vector<16xi32>,
      tpu.vector_store %arg6[%parallel_loop3A_3050, %parallel_loop3A_3051], %parallel_loop3A_2924 {strides = array<i32>} : memref<8x512xi32, #tpu.memory_space<vmem>>, vector<16xi32>,
      %parallel_loop3A_3053 = math.exp %parallel_loop3A_2840 : vector<16xf32>
      %parallel_loop3A_3054 = arith.mulf %parallel_loop3A_3053, %parallel_loop3A_2978 : vector<16xf32>
      %parallel_loop3A_3055 = arith.constant 7 : i32
      %parallel_loop3A_3056 = arith.index_cast %parallel_loop3A_3055 : i32 to index
      %parallel_loop3A_3057 = arith.index_cast %parallel_loop3A_7 : i32 to index
      %parallel_loop3A_3058 = tpu.vector_load %arg7[%parallel_loop3A_3056, %parallel_loop3A_3057] {strides = array<i32>} : memref<8x512xf32, #tpu.memory_space<vmem>>, vector<16xf32>,
      tpu.vector_store %arg7[%parallel_loop3A_3056, %parallel_loop3A_3057], %parallel_loop3A_3054 {strides = array<i32>} : memref<8x512xf32, #tpu.memory_space<vmem>>, vector<16xf32>,
    } {sc.loop_unroll_factor = 1 : i64, sc.parallel_access}
    "tpu.region"() ({
      %run_scoped3A = tpu.sem_alloc : memref<!tpu.dma_semaphore, #tpu.memory_space<semaphore_mem>>
      %dma_start3A = arith.constant 0 : i32
      %dma_start3A_5 = tpu.memref_slice %arg3[%dma_start3A, %mul3A_2] : memref<8x16384xi32, #tpu.memory_space<hbm>> -> memref<8x512xi32, #tpu.memory_space<hbm>>
      %dma_start3A_6 = arith.constant 0 : i32
      %dma_start3A_7 = tpu.memref_slice %arg3[%dma_start3A_6, %mul3A_2] : memref<8x16384xi32, #tpu.memory_space<hbm>> -> memref<8x512xi32, #tpu.memory_space<hbm>>
      tpu.enqueue_dma source(%arg6 : memref<8x512xi32, #tpu.memory_space<vmem>>) target(%dma_start3A_7 : memref<8x512xi32, #tpu.memory_space<hbm>>) target_semaphore(%run_scoped3A : memref<!tpu.dma_semaphore, #tpu.memory_space<semaphore_mem>>)
      %dma_wait3A = arith.constant 0 : i32
      %dma_wait3A_8 = tpu.memref_slice %arg3[%dma_wait3A, %mul3A_2] : memref<8x16384xi32, #tpu.memory_space<hbm>> -> memref<8x512xi32, #tpu.memory_space<hbm>>
      %dma_wait3A_9 = arith.constant 0 : i32
      %dma_wait3A_10 = tpu.memref_slice %arg3[%dma_wait3A_9, %mul3A_2] : memref<8x16384xi32, #tpu.memory_space<hbm>> -> memref<8x512xi32, #tpu.memory_space<hbm>>
      tpu.wait_dma2 semaphore(%run_scoped3A : memref<!tpu.dma_semaphore, #tpu.memory_space<semaphore_mem>>) src(%arg6 : memref<8x512xi32, #tpu.memory_space<vmem>>) dst(%dma_wait3A_10 : memref<8x512xi32, #tpu.memory_space<hbm>>)
      tpu.yield
    }) : () -> ()
    "tpu.region"() ({
      %run_scoped3A = tpu.sem_alloc : memref<!tpu.dma_semaphore, #tpu.memory_space<semaphore_mem>>
      %dma_start3A = arith.constant 0 : i32
      %dma_start3A_5 = tpu.memref_slice %arg4[%dma_start3A, %mul3A_2] : memref<8x16384xf32, #tpu.memory_space<hbm>> -> memref<8x512xf32, #tpu.memory_space<hbm>>
      %dma_start3A_6 = arith.constant 0 : i32
      %dma_start3A_7 = tpu.memref_slice %arg4[%dma_start3A_6, %mul3A_2] : memref<8x16384xf32, #tpu.memory_space<hbm>> -> memref<8x512xf32, #tpu.memory_space<hbm>>
      tpu.enqueue_dma source(%arg7 : memref<8x512xf32, #tpu.memory_space<vmem>>) target(%dma_start3A_7 : memref<8x512xf32, #tpu.memory_space<hbm>>) target_semaphore(%run_scoped3A : memref<!tpu.dma_semaphore, #tpu.memory_space<semaphore_mem>>)
      %dma_wait3A = arith.constant 0 : i32
      %dma_wait3A_8 = tpu.memref_slice %arg4[%dma_wait3A, %mul3A_2] : memref<8x16384xf32, #tpu.memory_space<hbm>> -> memref<8x512xf32, #tpu.memory_space<hbm>>
      %dma_wait3A_9 = arith.constant 0 : i32
      %dma_wait3A_10 = tpu.memref_slice %arg4[%dma_wait3A_9, %mul3A_2] : memref<8x16384xf32, #tpu.memory_space<hbm>> -> memref<8x512xf32, #tpu.memory_space<hbm>>
      tpu.wait_dma2 semaphore(%run_scoped3A : memref<!tpu.dma_semaphore, #tpu.memory_space<semaphore_mem>>) src(%arg7 : memref<8x512xf32, #tpu.memory_space<vmem>>) dst(%dma_wait3A_10 : memref<8x512xf32, #tpu.memory_space<hbm>>)
      tpu.yield
    }) : () -> ()
    return
  }
}

</mosaic_0001>

<sc_bundles>
// kernel: kernel.3.cloned.1.call-start
scs
__scs_entry_jumppad:
0x0: {  	(pc) =	sbr.rel $0x88, $3  }
0x1: {  	(tag) =	ssettag $0x0;
	lr =	simm.s32 $0x1  }
0x2: {  	[smem:$0x3FA0] =	sst lr;
	_ =	strace $0xD0000000  }
0x3: {  	_ = 	snop  }
0x4: {  	_ = 	snop  }
0x5: {  	_ = 	snop  }
0x6: {  	_ = 	snop  }
0x7: {  	_ = 	snop  }
__scs_overlays_trampoline_lowered:
0x8: {  	[smem:$0x3FAF] =	sst s0  }
0x9: {  	[smem:$0x3FB0] =	sst s1  }
0xa: {  	[smem:$0x3FB1] =	sst s2  }
0xb: {  	[smem:$0x3FB2] =	sst s3  }
0xc: {  	[smem:$0x3FB3] =	sst s4  }
0xd: {  	[smem:$0x3FB4] =	sst s5  }
0xe: {  	[smem:$0x3FB5] =	sst s6  }
0xf: {  	[smem:$0x3FB6] =	sst s7  }
0x10: {  	[smem:$0x3FB7] =	sst s8  }
0x11: {  	[smem:$0x3FB8] =	sst s9;
	s0 =	simm.s32 @!p0 $0x0  }
0x12: {  	s1 =	sld [smem:$0x3F9E];
	s0 =	simm.s32 @p0 $0x1  }
0x13: {  	[smem:$0x3FB9] =	sst s0;
	s0 =	simm.s32 @!p1 $0x0  }
0x14: {  	s2 =	sld [smem:$0x3F9D];
	s0 =	simm.s32 @p1 $0x1  }
0x15: {  	[smem:$0x3FBA] =	sst s0;
	s0 =	simm.s32 @!p2 $0x0  }
0x16: {  	s3 =	sld [smem:$0x3FDB];
	s0 =	simm.s32 @p2 $0x1  }
0x17: {  	s4 =	simm.s32 $0x1BF5;
	[smem:$0x3FBC] =	sst s0  }
0x18: {  	s0 =	sld [smem:$0x3F9F];
	_ =	swait.ge [sflag:s4], $0x0  }
0x19: {  	s7 =	sld [smem:$0x3FA0]  }
0x1a: {  	s8 =	sadd.s32 $0xFFFFE003, lr  }
0x1b: {  	s9 =	sadd.s32 $0xFFFFFEF7, lr;
	s5 =	simm.s32 $0xFFFFFFFF;
	p2 =	slt.u32 s8, $0xFFFFF086  }
0x1c: {  	p1 =	slt.u32 s9, $0xF7A;
	s5 =	simm.s32 @!p2 $0x0  }
0x1d: {  	s5 =	simm.s32 @p1 $0x1;
	p0 =	seq.s32 s7, s2  }
0x1e: {  	s7 =	smul.u32 @!p0 $0xF7A, s2;
	p2 =	seq.s32 @!p0 s5, $0x0  }
0x1f: {  	s9 =	smul.u32 $0xF7A, s1;
	s8 =	simm.s32 @!p0 $0x1BF5;
	p2 =	por !p2, p0  }
0x20: {  	[sflag:s8] =	ssyncset.s32 @!p0 $0xFFFFF086;
	s6 =	sadd.s32 @!p0 s3, s7;
	s7 =	simm.s32 @!p0 $0x108  }
0x21: {  	s3 =	sadd.s32 s3, s9;
	s6 =	sadd.s32 @!p0 $0x88, s6;
	s7 =	simm.s32 @p2 $0x1082  }
0x22: {  	[simem:s7], [sflag:s8] =	dma.local @!p0 [hbm:s6], $0xF7A  }
0x23: {  	s9 =	sor.u32 $0xD0000000, s2;
	s6 =	simm.s32 $0x108;
	_ =	swait.ge @!p0 [sflag:s8], $0x0  }
0x24: {  	s3 =	sadd.s32 $0x88, s3;
	s6 =	simm.s32 @!p1 $0x1082;
	[sflag:s4] =	ssyncset.s32 $0xFFFFF086  }
0x25: {  	[simem:s6], [sflag:s4] =	dma.local [hbm:s3], $0xF7A  }
0x26: {  	[smem:$0x3FA0] =	sst s1;
	(tag) =	ssettag s2;
	_ =	strace s9  }
0x27: {  	s1 =	sld [smem:$0x3FB0]  }
0x28: {  	s2 =	sld [smem:$0x3FB1]  }
0x29: {  	s4 =	sld [smem:$0x3FB3]  }
0x2a: {  	p0 =	seq.s32 s5, $0x0;
	s5 =	sld [smem:$0x3FB4]  }
0x2b: {  	s6 =	sld [smem:$0x3FB5]  }
0x2c: {  	s7 =	sld [smem:$0x3FB6]  }
0x2d: {  	s3 =	simm.s32 $0x108;
	s8 =	sld [smem:$0x3FB7]  }
0x2e: {  	s3 =	simm.s32 @!p0 $0x1082;
	s9 =	sld [smem:$0x3FB8]  }
0x2f: {  	lr =	sadd.s32 s0, s3;
	s0 =	sld [smem:$0x3FAF]  }
0x30: {  	s3 =	sld [smem:$0x3FB2]  }
0x31: {  	[smem:$0x3FBB] =	sst s10  }
0x32: {  	s10 =	sld [smem:$0x3FB9];
	_ =	sdelay $0x3  }
0x33: {  	p0 =	seq.s32 s10, $0x1;
	s10 =	sld [smem:$0x3FBB];
	_ =	sdelay $0x3  }
0x34: {  	[smem:$0x3FBB] =	sst s10  }
0x35: {  	s10 =	sld [smem:$0x3FBA];
	_ =	sdelay $0x3  }
0x36: {  	p1 =	seq.s32 s10, $0x1;
	s10 =	sld [smem:$0x3FBB];
	_ =	sdelay $0x3  }
0x37: {  	[smem:$0x3FBB] =	sst s10  }
0x38: {  	s10 =	sld [smem:$0x3FBC]  }
0x39: {  	_ = 	snop;
	(pc) =	sbr.ind lr, $3  }
0x3a: {  	_ = 	snop  }
0x3b: {  	_ = 	snop  }
0x3c: {  	p2 =	seq.s32 s10, $0x1;
	s10 =	sld [smem:$0x3FBB]  }
0x3d: {  	_ =	shalt  }
0x3e: {  	_ =	shalt  }
0x3f: {  	_ =	shalt  }
0x40: {  	_ =	shalt  }
0x41: {  	_ =	shalt  }
0x42: {  	_ =	shalt  }
0x43: {  	_ =	shalt  }
0x44: {  	_ =	shalt  }
0x45: {  	_ =	shalt  }
0x46: {  	_ =	shalt  }
0x47: {  	_ =	shalt  }
0x48: {  	_ =	shalt  }
0x49: {  	_ =	shalt  }
0x4a: {  	_ =	shalt  }
0x4b: {  	_ =	shalt  }
0x4c: {  	_ =	shalt  }
0x4d: {  	_ =	shalt  }
0x4e: {  	_ =	shalt  }
0x4f: {  	_ =	shalt  }
0x50: {  	_ =	shalt  }
0x51: {  	_ =	shalt  }
0x52: {  	_ =	shalt  }
0x53: {  	_ =	shalt  }
0x54: {  	_ =	shalt  }
0x55: {  	_ =	shalt  }
0x56: {  	_ =	shalt  }
0x57: {  	_ =	shalt  }
0x58: {  	_ =	shalt  }
0x59: {  	_ =	shalt  }
0x5a: {  	_ =	shalt  }
0x5b: {  	_ =	shalt  }
0x5c: {  	_ =	shalt  }
0x5d: {  	_ =	shalt  }
0x5e: {  	_ =	shalt  }
0x5f: {  	_ =	shalt  }
0x60: {  	_ =	shalt  }
0x61: {  	_ =	shalt  }
0x62: {  	_ =	shalt  }
0x63: {  	_ =	shalt  }
0x64: {  	_ =	shalt  }
0x65: {  	_ =	shalt  }
0x66: {  	_ =	shalt  }
0x67: {  	_ =	shalt  }
0x68: {  	_ =	shalt  }
0x69: {  	_ =	shalt  }
0x6a: {  	_ =	shalt  }
0x6b: {  	_ =	shalt  }
0x6c: {  	_ =	shalt  }
0x6d: {  	_ =	shalt  }
0x6e: {  	_ =	shalt  }
0x6f: {  	_ =	shalt  }
0x70: {  	_ =	shalt  }
0x71: {  	_ =	shalt  }
0x72: {  	_ =	shalt  }
0x73: {  	_ =	shalt  }
0x74: {  	_ =	shalt  }
0x75: {  	_ =	shalt  }
0x76: {  	_ =	shalt  }
0x77: {  	_ =	shalt  }
0x78: {  	_ =	shalt  }
0x79: {  	_ =	shalt  }
0x7a: {  	_ =	shalt  }
0x7b: {  	_ =	shalt  }
0x7c: {  	_ =	shalt  }
0x7d: {  	_ =	shalt  }
0x7e: {  	_ =	shalt  }
0x7f: {  	_ =	shalt  }
0x80: {  	_ =	shalt  }
0x81: {  	_ =	shalt  }
0x82: {  	_ =	shalt  }
0x83: {  	_ =	shalt  }
0x84: {  	_ =	shalt  }
0x85: {  	_ =	shalt  }
0x86: {  	_ =	shalt  }
0x87: {  	_ =	shalt  }
.Lfunc_end0:
.L_simem_size_0:
called_computation_lowered:
.L_overlay_start_0:
0x88: {  	s2 =	sld [smem:$0x3FD9]  }
0x89: {  	s3 =	sld [smem:$0x3FFE];
	_ =	sdelay $0x1  }
0x8a: {  	s1 =	srdreg.scid  }
0x8b: {  	s0 =	sand.u32 $0x1, s1  }
0x8c: {  	s15 =	sshll.u32 s0, $0xA;
	s2 =	sadd.s32 s3, s2  }
0x8d: {  	s2 =	sadd.s32 s2, s15  }
0x8e: {  	[smem:$0x3FC7] =	sst s2  }
0x8f: {  	_ = 	snop  }
0x90: {  	s2 =	sld [smem:$0x3FD0];
	_ =	sdelay $0x2  }
0x91: {  	s4 =	simm.s32 $0xA;
	s5 =	simm.s32 $0x10;
	s16 =	sld [smem:$0x3FC9]  }
0x92: {  	[smem:s5], [sflag:s4] =	dma.local [hbm:s2], $0x1  }
0x93: {  	_ =	swait.eq [sflag:s4], $0x1  }
0x94: {  	[sflag:s4] =	ssyncset.done $0x0  }
0x95: {  	s17 =	sld [smem:$0x10];
	[sflag:s4] =	ssyncadd.s32 $0xFFFFFFFF  }
0x96: {  	s18 =	sld [smem:$0x11];
	(tm) =	ssettm $0x1  }
0x97: {  	s19 =	sld [smem:$0x3FFB];
	_ =	sdelay $0x3  }
0x98: {  	_ =	strace s19  }
0x99: {  	s5 =	sld [smem:$0x3FFC];
	_ =	sdelay $0x3  }
0x9a: {  	_ =	strace s5  }
0x9b: {  	s5 =	sld [smem:$0x3FFD];
	_ =	sdelay $0x3  }
0x9c: {  	_ =	strace s5  }
0x9d: {  	_ =	strace $0x8FFFFFFF  }
0x9e: {  	s20 =	sld [smem:$0x3FDB];
	_ =	sdelay $0x1  }
0x9f: {  	s6 =	simm.s32 $_scs_section_size  }
0xa0: {  	s7 =	simm.s32 $_size__tile_overlayer_lowered;
	s8 =	simm.s32 $_tile_overlayer_lowered  }
0xa1: {  	s23 =	simm.s32 $0x1BFF;
	s22 =	sshll.u32 s8, $0x1;
	s5 =	sadd.s32 s6, s20  }
0xa2: {  	s9 =	simm.s32 $0x0;
	s21 =	sshll.u32 s7, $0x1;
	s7 =	sadd.s32 s22, s5  }
0xa3: {  	[timem:s9], [sflag:s23] =	dma.local [hbm:s7], s21  }
0xa4: {  	_ =	swait.ge [sflag:s23], s21  }
0xa5: {  	s6 =	ssub.s32 $0x0, s21;
	[sflag:s23] =	ssyncset.done $0x0  }
0xa6: {  	[sflag:s23] =	ssyncadd.s32 s6;
	_ =	sdelay $0x1  }
0xa7: {  	s24 =	simm.s32 $0x1B8B  }
0xa8: {  	_ =	swait.ge [sflag:s24], $0x1  }
0xa9: {  	[sflag:s24] =	ssyncset.done $0x0  }
0xaa: {  	s25 =	simm.s32 $0x1B8E;
	[sflag:s24] =	ssyncadd.s32 $0xFFFFFFFF  }
0xab: {  	s26 =	simm.s32 $execute0_lowered;
	[smem:$0x3FD2] =	sst s25  }
0xac: {  	s6 =	sshll.u32 s26, $0x1;
	_ =	strace $0x80000046;
	[dreg:$0x1] =	wrdreg $0xFFFFFFFF  }
0xad: {  	s28 =	simm.s32 $_size_execute0_lowered;
	s5 =	sadd.s32 s5, s6;
	[dreg:$0x0] =	wrdreg $0x0  }
0xae: {  	s6 =	sshll.u32 s28, $0x1;
	[dreg:$0x2] =	wrdreg s5  }
0xaf: {  	[dreg:$0x3] =	wrdreg s6  }
0xb0: {  	[dreg:$0x4] =	wrdreg $0xC0  }
0xb1: {  	_ =	task [dreg:s9], $0x5FFFF  }
0xb2: {  	[dreg:$0x1] =	wrdreg $0xFFFFFFFF  }
0xb3: {  	[dreg:$0x0] =	wrdreg $0x60  }
0xb4: {  	[dreg:$0x2] =	wrdreg s16  }
0xb5: {  	[dreg:$0x3] =	wrdreg s17  }
0xb6: {  	[dreg:$0x4] =	wrdreg s18  }
0xb7: {  	[dreg:$0x5] =	wrdreg $0x9  }
0xb8: {  	_ =	task.clear_ibuf [dreg:s9], $0x6FFFF;
	_ =	strace $0x90000046  }
0xb9: {  	s29 =	simm.s32 $0x9;
	_ =	strace $0x80000048  }
0xba: {  	_ =	swait.ge [sflag:s29], $0x1  }
0xbb: {  	[sflag:s29] =	ssyncadd.s32 $0xFFFFFFFF  }
0xbc: {  	_ =	strace $0x90000048  }
0xbd: {  	_ =	sfence  }
0xbe: {  	s30 =	sld [smem:$0x0];
	_ =	sdelay $0x2  }
0xbf: {  	s31 =	sshll.u32 s1, $0xD;
	s1 =	sshrl.u32 s1, $0x2  }
0xc0: {  	s3 =	sand.u32 $0x4000, s31;
	s1 =	sadd.s32 s1, s30  }
0xc1: {  	s0 =	sor.u32 s3, s0;
	s1 =	sshll.u32 s1, $0x11  }
0xc2: {  	s0 =	sor.u32 s1, s0  }
0xc3: {  	s0 =	sadd.s32 $0x8F2B, s0  }
0xc4: {  	[sflag:s0] =	ssyncadd.remote.s32 $0x1  }
0xc5: {  	_ =	sfence.sel $0xFFFF  }
0xc6: {  	[dreg:$0x0] =	wrdreg $0xFFFFFFFF;
	(pc) =	sbr.abs _section_cstart, $3  }
0xc7: {  	[dreg:$0x1] =	wrdreg $0xFFFFFFFF  }
0xc8: {  	_ =	task.clear_ibuf [dreg:s9], $0x2FFFF;
	_ =	strace $0x9FFFFFFF  }
0xc9: {  	(tm) =	ssettm $0x7FFFFFFF  }
tec
execute0_lowered:
.L_overlay_start_1:
0x0: {  	(tag) =	ssettag $0x1  }
0x1: {  	v0 =	vimm.s32 $0x0;
	v14 =	vimm.s32 $0x2;
	v15 =	vimm.s32 $0x3  }
0x2: {  	v18 =	vimm.s32 $0x4;
	v19 =	vimm.s32 $0x5;
	v20 =	vimm.s32 $0x6  }
0x3: {  	v21 =	vimm.s32 $0x7;
	v31 =	vimm.s32 $0x8;
	v32 =	vimm.s32 $0x9;
	s3 =	rddreg [dreg:$0x0]  }
0x4: {  	v33 =	vimm.s32 $0xA;
	v34 =	vimm.s32 $0xB;
	v35 =	vimm.s32 $0xC;
	s4 =	rddreg [dreg:$0x1]  }
0x5: {  	v36 =	vimm.s32 $0xD;
	v37 =	vimm.s32 $0xE;
	v38 =	vimm.s32 $0xF;
	s5 =	rddreg [dreg:$0x2]  }
0x6: {  	v39 =	vimm.s32 $0x10;
	v40 =	vimm.s32 $0x11;
	v41 =	vimm.s32 $0x12;
	s0 =	rddreg [dreg:$0x3];
	s6 =	srdreg.scid  }
0x7: {  	v42 =	vimm.s32 $0x13;
	v43 =	vimm.s32 $0x14;
	v44 =	vimm.s32 $0x15;
	s2 =	simm.s32 $0x0;
	s1 =	stileid.u32;
	s10 =	simm.s32 $0x8000  }
0x8: {  	v45 =	vimm.s32 $0x16;
	v46 =	vimm.s32 $0x17;
	v47 =	vimm.s32 $0x18;
	s11 =	simm.s32 $0x9000;
	s12 =	simm.s32 $0x0;
	s6 =	sand.u32 $0x1, s6  }
0x9: {  	v48 =	vimm.s32 $0x19;
	v49 =	vimm.s32 $0x1A;
	v50 =	vimm.s32 $0x1B;
	s8 =	sshll.u32 s1, $0xA;
	[smem:$0x7FF] =	sst s2;
	s7 =	ssub.s32 $0x2, s6  }
0xa: {  	v51 =	vimm.s32 $0x1C;
	v52 =	vimm.s32 $0x1D;
	v53 =	vimm.s32 $0x1E;
	s6 =	sshll.u32 s6, $0x9;
	_ =	strace $0x80000047;
	s9 =	sshrl.u32 s7, $0x1  }
0xb: {  	v54 =	vimm.s32 $0x1F;
	v55 =	vimm.s32 $0x20;
	v56 =	vimm.s32 $0x21;
	s6 =	sor.u32 s6, s8;
	s8 =	simm.s32 $0x20000;
	s7 =	ssub.s32 s7, s9  }
0xc: {  	v57 =	vimm.s32 $0x22;
	v58 =	vimm.s32 $0x23;
	v59 =	vimm.s32 $0x24;
	s3 =	sadd.s32 s3, s6;
	s4 =	sadd.s32 s4, s6;
	s5 =	sadd.s32 s5, s6  }
0xd: {  	v60 =	vimm.s32 $0x25;
	v61 =	vimm.s32 $0x26;
	v62 =	vimm.s32 $0x27;
	s9 =	simm.s32 $0x1;
	s6 =	smax.u32 s7, $0x1;
	s7 =	simm.s32 $0x1000  }
.LBB2_1:
0xe: {  	[tilespmem:s2], [sflag:$0x1] =	stream.strided.gather [hbm4b:s3+s7], $0x8000, s8, s7, $0x38;
	[tilespmem:$0xA000] =	vst v63  }
0xf: {  	_ =	swait.ge [sflag:s9], $0x8000  }
0x10: {  	[sflag:s9] =	ssyncset.done $0x0  }
0x11: {  	s13 =	simm.s32 $0x0;
	s14 =	simm.s32 $0x0;
	[sflag:s9] =	ssyncadd.s32 $0xFFFF8000  }
.LBB2_2:
0x12: {  	s15 =	sand.u32 $0x70, s14;
	s16 =	sand.u32 $0xC00, s13  }
0x13: {  	s15 =	sor.u32 s15, s16  }
0x14: {  	v1 =	vld [tilespmem:s15+$0x0]  }
0x15: {  	v2 =	vld [tilespmem:s15+$0x80];
	_ =	sdelay $0x1  }
0x16: {  	s16 =	sor.u32 s16, s14;
	v3 =	vld [tilespmem:s15+$0x100]  }
0x17: {  	s17 =	sor.u32 $0x180, s16  }
0x18: {  	v5 =	vld [tilespmem:s17+$0x0];
	v4 =	vmul.f32 $1.442695020e+00, v1  }
0x19: {  	v10 =	vmul.f32 $1.442695020e+00, v2  }
0x1a: {  	(erf) = vpow2.f32 v4  }
0x1b: {  	v11 =	vmul.f32 $1.442695020e+00, v3;
	(erf) = vpow2.f32 v10;
	_ =	sdelay $0x1  }
0x1c: {  	v6 =	vld [tilespmem:s15+$0x200];
	v24 =	vmul.f32 $1.442695020e+00, v5;
	(erf) = vpow2.f32 v11;
	_ =	sdelay $0x1  }
0x1d: {  	v4 =	vld [tilespmem:s15+$0x280];
	(erf) = vpow2.f32 v24  }
0x1e: {  	v7 =	vld [tilespmem:s15+$0x300]  }
0x1f: {  	s31 =	sor.u32 s13, s14  }
0x20: {  	s16 =	sor.u32 $0x380, s31;
	v9 =	vmul.f32 $1.442695020e+00, v6  }
0x21: {  	v10 =	vld [tilespmem:s16+$0x0];
	v8 =	vpop (erf)  }
0x22: {  	vm0 =	vgt.f32 v2, v1;
	v25 =	vmul.f32 $1.442695020e+00, v4;
	v11 =	vpop (erf);
	(erf) = vpow2.f32 v9  }
0x23: {  	v27 =	vmul.f32 $1.442695020e+00, v7;
	v12 =	vmax.f32 v1, v2;
	v8 =	vadd.f32 $0.0e+00, v8  }
0x24: {  	v1 =	vmin.f32 v1, v2;
	vm1 =	vmneg vm0;
	v26 =	vpop (erf);
	(erf) = vpow2.f32 v25  }
0x25: {  	v63 =	vsel vm0, $0x1, v0;
	vm5 =	vgt.f32 v5, v3;
	v8 =	vadd.f32 v11, v8  }
0x26: {  	v2 =	vsel vm1, $0x1, v0;
	v24 =	vmul.f32 $1.442695020e+00, v10;
	v13 =	vpop (erf);
	(erf) = vpow2.f32 v27  }
0x27: {  	vm9 =	vgt.f32 v4, v6;
	vm10 =	vgt.f32 v10, v7;
	v8 =	vadd.f32 v26, v8  }
0x28: {  	v25 =	vsel vm5, $0x3, v14;
	(erf) = vpow2.f32 v24;
	v24 =	vsel vm9, $0x4, v19  }
0x29: {  	v26 =	vsel vm5, $0x2, v15;
	v8 =	vadd.f32 v13, v8;
	v13 =	vmax.f32 v3, v5  }
0x2a: {  	v3 =	vmin.f32 v3, v5;
	vm6 =	vgt.f32 v13, v12;
	v14 =	vmax.f32 v12, v13  }
0x2b: {  	v12 =	vmin.f32 v12, v13;
	vm7 =	vgt.f32 v3, v1;
	v13 =	vmax.f32 v1, v3;
	v27 =	vpop (erf)  }
0x2c: {  	v1 =	vmin.f32 v1, v3;
	v15 =	vsel vm6, v25, v63;
	v8 =	vadd.f32 v27, v8  }
0x2d: {  	v9 =	vsel vm6, v63, v25;
	v16 =	vsel vm7, v26, v2;
	v2 =	vsel vm7, v2, v26;
	v3 =	vpop (erf)  }
0x2e: {  	vm8 =	vgt.f32 v12, v13;
	v11 =	vmax.f32 v13, v12;
	v3 =	vadd.f32 v3, v8  }
0x2f: {  	v26 =	vsel vm10, $0x7, v20;
	v17 =	vsel vm8, v9, v16;
	v9 =	vsel vm8, v16, v9;
	v63 =	vpop (erf)  }
0x30: {  	v27 =	vsel vm10, $0x6, v21;
	v8 =	vmin.f32 v13, v12;
	v3 =	vadd.f32 v63, v3  }
0x31: {  	v12 =	vmax.f32 v6, v4;
	v13 =	vsel vm9, $0x5, v18;
	v4 =	vmin.f32 v6, v4;
	v25 =	vpop (erf)  }
0x32: {  	v16 =	vadd.f32 v25, v3;
	v3 =	vmax.f32 v7, v10;
	v7 =	vmin.f32 v7, v10  }
0x33: {  	vm11 =	vgt.f32 v3, v12;
	v18 =	vmax.f32 v12, v3;
	v3 =	vmin.f32 v12, v3  }
0x34: {  	vm12 =	vgt.f32 v7, v4;
	v12 =	vmax.f32 v4, v7;
	v7 =	vmin.f32 v4, v7  }
0x35: {  	v19 =	vsel vm11, v26, v13;
	v6 =	vsel vm11, v13, v26;
	v13 =	vsel vm12, v27, v24  }
0x36: {  	vm13 =	vgt.f32 v3, v12;
	v10 =	vsel vm12, v24, v27;
	v20 =	vmax.f32 v12, v3  }
0x37: {  	v3 =	vmin.f32 v12, v3;
	vm14 =	vgt.f32 v18, v14;
	v5 =	vmax.f32 v14, v18  }
0x38: {  	v12 =	vmin.f32 v14, v18;
	vm6 =	vgt.f32 v7, v1;
	v27 =	vmax.f32 v1, v7  }
0x39: {  	v21 =	vsel vm13, v6, v13;
	v6 =	vsel vm13, v13, v6;
	v4 =	vsel vm14, v19, v15  }
0x3a: {  	v13 =	vld [tilespmem:s15+$0x1000];
	v14 =	vsel vm14, v15, v19;
	vm15 =	vgt.f32 v3, v8;
	v15 =	vmax.f32 v8, v3  }
0x3b: {  	v22 =	vld [tilespmem:s15+$0x1080];
	v19 =	vmin.f32 v8, v3;
	vm5 =	vgt.f32 v20, v11;
	v8 =	vmin.f32 v11, v20  }
0x3c: {  	v18 =	vsel vm15, v6, v9;
	vm4 =	vgt.f32 v12, v15;
	v23 =	vsel vm15, v9, v6  }
0x3d: {  	v26 =	vld [tilespmem:s15+$0x1100];
	v6 =	vmax.f32 v15, v12;
	v15 =	vmin.f32 v15, v12;
	v12 =	vmax.f32 v11, v20  }
0x3e: {  	v63 =	vsel vm5, v17, v21;
	vm7 =	vgt.f32 v8, v27;
	v24 =	vsel vm4, v14, v18  }
0x3f: {  	v20 =	vld [tilespmem:s15+$0x1180];
	v25 =	vsel vm4, v18, v14;
	v14 =	vsel vm5, v21, v17;
	v3 =	vmul.f32 $1.442695020e+00, v13  }
0x40: {  	v17 =	vmul.f32 $1.442695020e+00, v22;
	v18 =	vsel vm6, v10, v2;
	v2 =	vsel vm6, v2, v10  }
0x41: {  	v10 =	vmax.f32 v27, v8;
	v27 =	vmin.f32 v27, v8;
	(erf) = vpow2.f32 v3  }
0x42: {  	v21 =	vld [tilespmem:s15+$0x1200];
	vm8 =	vgt.f32 v6, v12;
	v3 =	vmin.f32 v1, v7;
	v1 =	vmul.f32 $1.442695020e+00, v26  }
0x43: {  	v8 =	vmax.f32 v12, v6;
	v12 =	vmin.f32 v12, v6;
	(erf) = vpow2.f32 v17  }
0x44: {  	v28 =	vld [tilespmem:s15+$0x1280];
	v29 =	vsel vm7, v18, v63;
	(erf) = vpow2.f32 v1;
	v1 =	vmul.f32 $1.442695020e+00, v20  }
0x45: {  	v9 =	vsel vm8, v24, v14;
	v14 =	vsel vm8, v14, v24;
	vm10 =	vgt.f32 v19, v27  }
0x46: {  	vm9 =	vgt.f32 v15, v10;
	v11 =	vsel vm10, v23, v29;
	(erf) = vpow2.f32 v1;
	v1 =	vld [tilespmem:s15+$0x1300]  }
0x47: {  	vm12 =	vgt.f32 v20, v26;
	v17 =	vsel vm7, v63, v18;
	v63 =	vmul.f32 $1.442695020e+00, v21  }
0x48: {  	v24 =	vld [tilespmem:s15+$0x1380];
	vm11 =	vgt.f32 v22, v13;
	v7 =	vmax.f32 v10, v15;
	v33 =	vsel vm12, $0xB, v33  }
0x49: {  	vm4 =	vgt.f32 v28, v21;
	(erf) = vpow2.f32 v63;
	v63 =	vmul.f32 $1.442695020e+00, v28  }
0x4a: {  	v18 =	vmin.f32 v10, v15;
	v10 =	vmax.f32 v27, v19;
	v6 =	vsel vm9, v25, v17;
	v15 =	vpop (erf)  }
0x4b: {  	(erf) = vpow2.f32 v63;
	v63 =	vmul.f32 $1.442695020e+00, v1;
	v30 =	vadd.f32 v15, v16  }
0x4c: {  	v17 =	vsel vm9, v17, v25;
	v25 =	vmax.f32 v26, v20;
	v15 =	vmin.f32 v27, v19;
	v19 =	vpop (erf)  }
0x4d: {  	(erf) = vpow2.f32 v63;
	v63 =	vmul.f32 $1.442695020e+00, v24;
	v19 =	vadd.f32 v19, v30  }
0x4e: {  	v16 =	vsel vm10, v29, v23;
	v23 =	vmax.f32 v13, v22;
	v13 =	vmin.f32 v13, v22;
	v27 =	vpop (erf)  }
0x4f: {  	v22 =	vsel vm11, $0x8, v32;
	v32 =	vpop (erf);
	(erf) = vpow2.f32 v63;
	v19 =	vadd.f32 v27, v19  }
0x50: {  	v20 =	vmin.f32 v26, v20;
	vm5 =	vgt.f32 v24, v1;
	v29 =	vsel vm11, $0x9, v31  }
0x51: {  	vm13 =	vgt.f32 v25, v23;
	vm14 =	vgt.f32 v20, v13;
	v19 =	vadd.f32 v32, v19  }
0x52: {  	v30 =	vmax.f32 v23, v25;
	v31 =	vsel vm13, v33, v29;
	v23 =	vmin.f32 v23, v25;
	v32 =	vpop (erf)  }
0x53: {  	v25 =	vmax.f32 v21, v28;
	v63 =	vsel vm12, $0xA, v34;
	v19 =	vadd.f32 v32, v19  }
0x54: {  	v27 =	vsel vm13, v29, v33;
	v33 =	vmax.f32 v13, v20;
	v20 =	vmin.f32 v13, v20;
	v13 =	vpop (erf)  }
0x55: {  	v21 =	vmin.f32 v21, v28;
	v29 =	vsel vm14, v63, v22;
	v13 =	vadd.f32 v13, v19  }
0x56: {  	v22 =	vsel vm14, v22, v63;
	v63 =	vsel vm5, $0xF, v37;
	vm15 =	vgt.f32 v23, v33;
	v34 =	vpop (erf)  }
0x57: {  	v26 =	vsel vm15, v27, v29;
	v27 =	vsel vm15, v29, v27;
	v13 =	vadd.f32 v34, v13  }
0x58: {  	v29 =	vsel vm4, $0xD, v35;
	v32 =	vsel vm4, $0xC, v36;
	v36 =	vsel vm5, $0xE, v38;
	v28 =	vpop (erf)  }
0x59: {  	v19 =	vmax.f32 v33, v23;
	v13 =	vadd.f32 v28, v13;
	v28 =	vmax.f32 v1, v24  }
0x5a: {  	v23 =	vmin.f32 v33, v23;
	v1 =	vmin.f32 v1, v24;
	vm6 =	vgt.f32 v28, v25  }
0x5b: {  	v37 =	vmax.f32 v25, v28;
	v25 =	vmin.f32 v25, v28;
	vm7 =	vgt.f32 v1, v21  }
0x5c: {  	v35 =	vsel vm6, v63, v29;
	v28 =	vsel vm6, v29, v63;
	v29 =	vmax.f32 v21, v1  }
0x5d: {  	v38 =	vsel vm7, v36, v32;
	v1 =	vmin.f32 v21, v1;
	v21 =	vsel vm7, v32, v36  }
0x5e: {  	vm9 =	vgt.f32 v37, v30;
	vm8 =	vgt.f32 v25, v29;
	v24 =	vmax.f32 v29, v25  }
0x5f: {  	v25 =	vmin.f32 v29, v25;
	v29 =	vmax.f32 v30, v37;
	v33 =	vsel vm9, v35, v31  }
0x60: {  	v30 =	vmin.f32 v30, v37;
	v31 =	vsel vm9, v31, v35;
	vm13 =	vgt.f32 v1, v20  }
0x61: {  	v63 =	vsel vm8, v28, v38;
	v28 =	vsel vm8, v38, v28;
	vm10 =	vgt.f32 v25, v23  }
0x62: {  	v36 =	vmax.f32 v23, v25;
	v23 =	vmin.f32 v23, v25;
	vm12 =	vgt.f32 v24, v19  }
0x63: {  	v34 =	vmax.f32 v19, v24;
	v19 =	vmin.f32 v19, v24;
	vm6 =	vgt.f32 v29, v5  }
0x64: {  	v37 =	vsel vm10, v28, v27;
	v25 =	vsel vm10, v27, v28;
	vm11 =	vgt.f32 v30, v36  }
0x65: {  	v27 =	vmax.f32 v36, v30;
	v30 =	vmin.f32 v36, v30;
	v38 =	vsel vm12, v63, v26  }
0x66: {  	v63 =	vsel vm12, v26, v63;
	v36 =	vmax.f32 v20, v1;
	v20 =	vmin.f32 v20, v1  }
0x67: {  	v28 =	vsel vm11, v31, v37;
	v31 =	vsel vm11, v37, v31;
	v37 =	vsel vm13, v21, v22  }
0x68: {  	v21 =	vsel vm13, v22, v21;
	vm14 =	vgt.f32 v19, v36;
	v1 =	vmax.f32 v36, v19  }
0x69: {  	v19 =	vmin.f32 v36, v19;
	vm15 =	vgt.f32 v27, v34;
	v26 =	vmax.f32 v34, v27  }
0x6a: {  	v27 =	vmin.f32 v34, v27;
	v22 =	vsel vm14, v63, v37;
	v24 =	vsel vm14, v37, v63  }
0x6b: {  	v32 =	vsel vm15, v28, v38;
	vm4 =	vgt.f32 v30, v1;
	v28 =	vsel vm15, v38, v28  }
0x6c: {  	v34 =	vmax.f32 v1, v30;
	v30 =	vmin.f32 v1, v30;
	vm5 =	vgt.f32 v23, v19  }
0x6d: {  	v1 =	vmax.f32 v5, v29;
	v5 =	vmin.f32 v5, v29;
	v38 =	vsel vm6, v4, v33  }
0x6e: {  	vm9 =	vgt.f32 v27, v12;
	vm14 =	vgt.f32 v26, v8;
	v35 =	vsel vm4, v31, v22  }
0x6f: {  	v22 =	vsel vm4, v22, v31;
	v31 =	vmax.f32 v19, v23;
	v36 =	vsel vm5, v25, v24  }
0x70: {  	v19 =	vmin.f32 v19, v23;
	v23 =	vsel vm5, v24, v25;
	vm7 =	vgt.f32 v30, v18  }
0x71: {  	v18 =	vmax.f32 v18, v30;
	v37 =	vsel vm9, v28, v14;
	v14 =	vsel vm9, v14, v28  }
0x72: {  	v24 =	vsel vm14, v32, v9;
	v9 =	vsel vm14, v9, v32;
	vm5 =	vgt.f32 v34, v7  }
0x73: {  	v32 =	vmax.f32 v7, v34;
	v7 =	vmin.f32 v7, v34;
	v17 =	vsel vm7, v22, v17  }
0x74: {  	vm8 =	vgt.f32 v5, v18;
	v22 =	vsel vm6, v33, v4;
	v63 =	vmax.f32 v18, v5  }
0x75: {  	v5 =	vmin.f32 v18, v5;
	v18 =	vmax.f32 v12, v27;
	v12 =	vmin.f32 v12, v27  }
0x76: {  	vm10 =	vgt.f32 v19, v15;
	v15 =	vmax.f32 v15, v19;
	vm15 =	vgt.f32 v31, v10  }
0x77: {  	v10 =	vmax.f32 v10, v31;
	vm6 =	vgt.f32 v20, v3;
	v3 =	vmax.f32 v3, v20  }
0x78: {  	v33 =	vsel vm8, v38, v17;
	v17 =	vsel vm8, v17, v38;
	v16 =	vsel vm10, v23, v16  }
0x79: {  	vm11 =	vgt.f32 v12, v15;
	v12 =	vmax.f32 v15, v12;
	vm12 =	vgt.f32 v63, v18  }
0x7a: {  	v15 =	vmax.f32 v18, v63;
	v4 =	vmin.f32 v18, v63;
	v38 =	vmax.f32 v8, v26  }
0x7b: {  	v8 =	vmin.f32 v8, v26;
	v11 =	vsel vm15, v36, v11;
	v2 =	vsel vm6, v21, v2  }
0x7c: {  	vm7 =	vgt.f32 v7, v3;
	v3 =	vmax.f32 v3, v7;
	v14 =	vsel vm11, v14, v16  }
0x7d: {  	v16 =	vsel vm12, v33, v37;
	vm13 =	vgt.f32 v5, v12;
	v18 =	vsel vm12, v37, v33  }
0x7e: {  	v19 =	vmax.f32 v12, v5;
	v12 =	vmin.f32 v12, v5;
	vm4 =	vgt.f32 v8, v10  }
0x7f: {  	v33 =	vsel vm5, v35, v6;
	v6 =	vsel vm5, v6, v35;
	vm10 =	vgt.f32 v15, v38  }
0x80: {  	v23 =	vsel vm13, v17, v14;
	v17 =	vsel vm13, v14, v17;
	v14 =	vmax.f32 v10, v8  }
0x81: {  	v63 =	vsel vm4, v9, v11;
	v8 =	vmin.f32 v10, v8;
	v9 =	vsel vm4, v11, v9  }
0x82: {  	v2 =	vsel vm7, v6, v2;
	v6 =	vmin.f32 v38, v15;
	v36 =	vsel vm10, v24, v16  }
0x83: {  	vm8 =	vgt.f32 v14, v32;
	v35 =	vmax.f32 v32, v14;
	v14 =	vmin.f32 v32, v14  }
0x84: {  	vm9 =	vgt.f32 v8, v3;
	v8 =	vmax.f32 v3, v8;
	v3 =	vmax.f32 v38, v15  }
0x85: {  	v20 =	vsel vm8, v63, v33;
	v21 =	vsel vm8, v33, v63;
	v25 =	vsel vm9, v9, v2  }
0x86: {  	v9 =	vsel vm10, v16, v24;
	vm11 =	vgt.f32 v4, v35;
	v2 =	vmax.f32 v35, v4  }
0x87: {  	v10 =	vmin.f32 v35, v4;
	vm12 =	vgt.f32 v19, v14;
	v5 =	vmax.f32 v14, v19  }
0x88: {  	v7 =	vmin.f32 v14, v19;
	vm13 =	vgt.f32 v12, v8;
	v4 =	vmax.f32 v8, v12  }
0x89: {  	v8 =	vmin.f32 v8, v12;
	vm4 =	vne.f32 v1, v3;
	vm5 =	vne.f32 v3, v6  }
0x8a: {  	v63 =	vmin.u32 v16, v24;
	v16 =	vmax.u32 v24, v16;
	v15 =	vsel vm11, v18, v20  }
0x8b: {  	v19 =	vld [tilespmem:s15+$0x2000];
	v37 =	vsel vm11, v20, v18;
	v27 =	vsel vm12, v23, v21;
	v28 =	vsel vm12, v21, v23  }
0x8c: {  	v31 =	vld [tilespmem:s15+$0x2100];
	v29 =	vsel vm13, v17, v25;
	vm6 =	vne.f32 v6, v2;
	vm7 =	vne.f32 v2, v10  }
0x8d: {  	v30 =	vld [tilespmem:s15+$0x2080];
	vm3 =	vne.f32 v10, v5;
	vm2 =	vne.f32 v5, v7;
	vm14 =	veq.f32 v7, v4  }
0x8e: {  	v32 =	vld [tilespmem:s15+$0x2180];
	vm15 =	vne.f32 v4, v8;
	v38 =	vmin.u32 v22, v9;
	v16 =	vsel vm5, v36, v16  }
0x8f: {  	v35 =	vmin.u32 v18, v20;
	v17 =	vmin.u32 v17, v25;
	v14 =	vsel vm4, v22, v38  }
0x90: {  	v22 =	vmax.u32 v9, v22;
	v34 =	vmin.u32 v36, v15;
	v12 =	vmul.f32 $1.442695020e+00, v19  }
0x91: {  	v11 =	vmax.u32 v15, v36;
	v9 =	vsel vm4, v9, v22;
	v22 =	vmul.f32 $1.442695020e+00, v31  }
0x92: {  	v36 =	vmin.u32 v37, v27;
	(erf) = vpow2.f32 v12;
	v12 =	vmul.f32 $1.442695020e+00, v30  }
0x93: {  	v24 =	vld [tilespmem:s15+$0x2200];
	v11 =	vsel vm6, v15, v11;
	v8 =	vsel vm5, v9, v63;
	v15 =	vmul.f32 $1.442695020e+00, v32  }
0x94: {  	v9 =	vsel vm7, v11, v35;
	vm5 =	vgt.f32 v30, v19;
	(erf) = vpow2.f32 v12  }
0x95: {  	v12 =	vsel vm6, v16, v34;
	v16 =	vmax.u32 v20, v18;
	v18 =	vld [tilespmem:s15+$0x2280];
	v20 =	vmax.u32 v27, v37  }
0x96: {  	(erf) = vpow2.f32 v22;
	v16 =	vsel vm7, v37, v16;
	v37 =	vmin.u32 v23, v21  }
0x97: {  	(erf) = vpow2.f32 v15;
	v15 =	vsel vm3, v16, v36;
	v16 =	vsel vm3, v27, v20;
	v20 =	vld [tilespmem:s15+$0x2300]  }
0x98: {  	v11 =	vsel vm2, v16, v37;
	v16 =	vmax.u32 v21, v23;
	v21 =	vmul.f32 $1.442695020e+00, v24  }
0x99: {  	v63 =	vld [tilespmem:s15+$0x2380];
	v33 =	vsel vm5, $0x10, v40;
	v22 =	vmin.u32 v28, v29;
	v23 =	vmax.u32 v29, v28  }
0x9a: {  	v16 =	vsel vm2, v28, v16;
	(erf) = vpow2.f32 v21;
	v21 =	vmul.f32 $1.442695020e+00, v18  }
0x9b: {  	vm6 =	vgt.f32 v32, v31;
	v16 =	vsel vm14, v22, v16;
	v22 =	vsel vm14, v23, v29;
	v38 =	vpop (erf)  }
0x9c: {  	(erf) = vpow2.f32 v21;
	v21 =	vmul.f32 $1.442695020e+00, v20;
	v13 =	vadd.f32 v38, v13  }
0x9d: {  	v35 =	vsel vm6, $0x13, v41;
	v28 =	vmin.f32 v31, v32;
	v29 =	vsel vm6, $0x12, v42;
	v23 =	vpop (erf)  }
0x9e: {  	(erf) = vpow2.f32 v21;
	v21 =	vmul.f32 $1.442695020e+00, v63;
	v23 =	vadd.f32 v23, v13  }
0x9f: {  	vm10 =	vgt.f32 v18, v24;
	v37 =	vmax.f32 v24, v18;
	v13 =	vsel vm15, v22, v17;
	v22 =	vpop (erf)  }
0xa0: {  	v34 =	vpop (erf);
	(erf) = vpow2.f32 v21;
	v22 =	vadd.f32 v22, v23;
	v23 =	vsel vm5, $0x11, v39  }
0xa1: {  	v17 =	vmax.f32 v19, v30;
	v19 =	vmin.f32 v19, v30;
	v21 =	vmax.f32 v31, v32  }
0xa2: {  	vm7 =	vgt.f32 v21, v17;
	v30 =	vmax.f32 v17, v21;
	v22 =	vadd.f32 v34, v22  }
0xa3: {  	v17 =	vmin.f32 v17, v21;
	v31 =	vsel vm7, v35, v23;
	v21 =	vsel vm7, v23, v35;
	v23 =	vpop (erf)  }
0xa4: {  	v18 =	vmin.f32 v24, v18;
	vm11 =	vgt.f32 v63, v20;
	v22 =	vadd.f32 v23, v22  }
0xa5: {  	vm8 =	vgt.f32 v28, v19;
	v36 =	vmax.f32 v19, v28;
	v19 =	vmin.f32 v19, v28;
	v28 =	vpop (erf)  }
0xa6: {  	vm9 =	vgt.f32 v17, v36;
	v23 =	vsel vm8, v29, v33;
	v22 =	vadd.f32 v28, v22  }
0xa7: {  	v38 =	vsel vm10, $0x14, v44;
	v28 =	vsel vm9, v21, v23;
	v23 =	vsel vm9, v23, v21;
	v21 =	vpop (erf)  }
0xa8: {  	v40 =	vsel vm11, $0x17, v45;
	v41 =	vsel vm11, $0x16, v46;
	v21 =	vadd.f32 v21, v22  }
0xa9: {  	v25 =	vsel vm8, v33, v29;
	v29 =	vmax.f32 v36, v17;
	v17 =	vmin.f32 v36, v17;
	v39 =	vpop (erf)  }
0xaa: {  	v22 =	vsel vm10, $0x15, v43;
	v32 =	vadd.f32 v39, v21;
	v21 =	vmax.f32 v20, v63  }
0xab: {  	v20 =	vmin.f32 v20, v63;
	vm12 =	vgt.f32 v21, v37;
	v42 =	vmax.f32 v37, v21  }
0xac: {  	v21 =	vmin.f32 v37, v21;
	vm13 =	vgt.f32 v20, v18;
	v45 =	vmax.f32 v18, v20  }
0xad: {  	v18 =	vmin.f32 v18, v20;
	v43 =	vsel vm12, v40, v22;
	v22 =	vsel vm12, v22, v40  }
0xae: {  	v46 =	vsel vm13, v41, v38;
	v24 =	vsel vm13, v38, v41;
	vm14 =	vgt.f32 v21, v45  }
0xaf: {  	v63 =	vmax.f32 v45, v21;
	v26 =	vmin.f32 v45, v21;
	vm15 =	vgt.f32 v42, v30  }
0xb0: {  	v20 =	vmax.f32 v30, v42;
	v30 =	vmin.f32 v30, v42;
	vm7 =	vgt.f32 v18, v19  }
0xb1: {  	v44 =	vsel vm14, v22, v46;
	v22 =	vsel vm14, v46, v22;
	v21 =	vsel vm15, v43, v31  }
0xb2: {  	v31 =	vsel vm15, v31, v43;
	vm4 =	vgt.f32 v26, v17;
	v45 =	vmax.f32 v17, v26  }
0xb3: {  	v35 =	vld [tilespmem:s15+$0x3180];
	v17 =	vmin.f32 v17, v26;
	vm6 =	vgt.f32 v63, v29;
	v33 =	vmax.f32 v29, v63  }
0xb4: {  	v37 =	vld [tilespmem:s15+$0x3000];
	v27 =	vmin.f32 v29, v63;
	v29 =	vmax.f32 v19, v18;
	v63 =	vsel vm7, v24, v25  }
0xb5: {  	v18 =	vmin.f32 v19, v18;
	v19 =	vsel vm7, v25, v24;
	v46 =	vsel vm4, v22, v23  }
0xb6: {  	v34 =	vld [tilespmem:s15+$0x3080];
	v38 =	vsel vm4, v23, v22;
	vm5 =	vgt.f32 v30, v45;
	v22 =	vmax.f32 v45, v30  }
0xb7: {  	v39 =	vld [tilespmem:s15+$0x3100];
	v26 =	vmin.f32 v45, v30;
	v40 =	vsel vm6, v44, v28;
	v28 =	vsel vm6, v28, v44  }
0xb8: {  	vm8 =	vgt.f32 v27, v29;
	v45 =	vmul.f32 $1.442695020e+00, v35;
	v43 =	vmin.f32 v29, v27  }
0xb9: {  	v41 =	vld [tilespmem:s15+$0x3200];
	v23 =	vsel vm5, v31, v46;
	v31 =	vsel vm5, v46, v31;
	v30 =	vmul.f32 $1.442695020e+00, v37  }
0xba: {  	v44 =	vld [tilespmem:s15+$0x3280];
	v42 =	vsel vm8, v28, v63;
	v36 =	vsel vm8, v63, v28;
	vm9 =	vgt.f32 v22, v33  }
0xbb: {  	v25 =	vmax.f32 v33, v22;
	(erf) = vpow2.f32 v30;
	v30 =	vmul.f32 $1.442695020e+00, v34  }
0xbc: {  	vm11 =	vgt.f32 v17, v43;
	vm13 =	vgt.f32 v35, v39;
	v24 =	vsel vm9, v23, v40  }
0xbd: {  	v28 =	vsel vm9, v40, v23;
	(erf) = vpow2.f32 v30;
	v30 =	vmul.f32 $1.442695020e+00, v39  }
0xbe: {  	vm12 =	vgt.f32 v34, v37;
	v49 =	vsel vm13, $0x1B, v49;
	v63 =	vmul.f32 $1.442695020e+00, v41  }
0xbf: {  	vm5 =	vgt.f32 v44, v41;
	(erf) = vpow2.f32 v30;
	v30 =	vmax.f32 v29, v27  }
0xc0: {  	v29 =	vmin.f32 v33, v22;
	v27 =	vsel vm11, v38, v36;
	(erf) = vpow2.f32 v45  }
0xc1: {  	vm10 =	vgt.f32 v26, v30;
	v22 =	vmax.f32 v30, v26;
	v30 =	vmin.f32 v30, v26  }
0xc2: {  	v40 =	vld [tilespmem:s15+$0x3300];
	v26 =	vmax.f32 v43, v17;
	v23 =	vsel vm10, v31, v42;
	v33 =	vsel vm10, v42, v31  }
0xc3: {  	v31 =	vmin.f32 v43, v17;
	v43 =	vmax.f32 v37, v34;
	v34 =	vmin.f32 v37, v34  }
0xc4: {  	v42 =	vld [tilespmem:s15+$0x3380];
	v37 =	vsel vm12, $0x18, v48;
	v48 =	vmax.f32 v39, v35;
	v35 =	vmin.f32 v39, v35  }
0xc5: {  	v39 =	vsel vm13, $0x1A, v50;
	v46 =	vpop (erf);
	(erf) = vpow2.f32 v63;
	v63 =	vmul.f32 $1.442695020e+00, v44  }
0xc6: {  	vm14 =	vgt.f32 v48, v43;
	vm15 =	vgt.f32 v35, v34;
	v32 =	vadd.f32 v46, v32  }
0xc7: {  	v46 =	vmax.f32 v43, v48;
	v45 =	vpop (erf);
	(erf) = vpow2.f32 v63;
	v63 =	vmul.f32 $1.442695020e+00, v40  }
0xc8: {  	v43 =	vmin.f32 v43, v48;
	v17 =	vadd.f32 v45, v32;
	v32 =	vsel vm11, v36, v38  }
0xc9: {  	v36 =	vsel vm12, $0x19, v47;
	v45 =	vpop (erf);
	(erf) = vpow2.f32 v63;
	v63 =	vmul.f32 $1.442695020e+00, v42  }
0xca: {  	v48 =	vsel vm15, v39, v37;
	vm6 =	vgt.f32 v42, v40;
	v47 =	vsel vm14, v49, v36  }
0xcb: {  	v36 =	vsel vm14, v36, v49;
	v17 =	vadd.f32 v45, v17;
	v45 =	vpop (erf);
	(erf) = vpow2.f32 v63  }
0xcc: {  	v63 =	vmax.f32 v34, v35;
	v34 =	vmin.f32 v34, v35;
	v35 =	vsel vm15, v37, v39  }
0xcd: {  	v17 =	vadd.f32 v45, v17;
	vm4 =	vgt.f32 v43, v63;
	v37 =	vmin.f32 v63, v43  }
0xce: {  	v45 =	vmax.f32 v41, v44;
	v41 =	vmin.f32 v41, v44;
	v44 =	vmax.f32 v40, v42  }
0xcf: {  	v40 =	vmin.f32 v40, v42;
	v39 =	vsel vm4, v36, v48;
	v36 =	vsel vm4, v48, v36  }
0xd0: {  	v48 =	vsel vm5, $0x1D, v51;
	vm7 =	vgt.f32 v44, v45;
	v49 =	vmax.f32 v45, v44  }
0xd1: {  	v44 =	vmin.f32 v45, v44;
	vm8 =	vgt.f32 v40, v41;
	v38 =	vpop (erf);
	vm10 =	vgt.f32 v49, v46  }
0xd2: {  	v17 =	vadd.f32 v38, v17;
	v38 =	vmax.f32 v63, v43;
	v43 =	vsel vm5, $0x1C, v52  }
0xd3: {  	v52 =	vsel vm6, $0x1E, v54;
	v54 =	vmax.f32 v41, v40;
	v40 =	vmin.f32 v41, v40;
	v50 =	vpop (erf)  }
0xd4: {  	vm9 =	vgt.f32 v44, v54;
	v41 =	vsel vm8, v43, v52;
	v17 =	vadd.f32 v50, v17  }
0xd5: {  	v42 =	vmax.f32 v54, v44;
	v44 =	vmin.f32 v54, v44;
	vm14 =	vgt.f32 v40, v34;
	v63 =	vpop (erf)  }
0xd6: {  	vm11 =	vgt.f32 v44, v37;
	v17 =	vadd.f32 v63, v17;
	v63 =	vsel vm6, $0x1F, v53  }
0xd7: {  	vm13 =	vgt.f32 v42, v38;
	v50 =	vsel vm7, v63, v48;
	v53 =	vsel vm7, v48, v63  }
0xd8: {  	v51 =	vpop (erf);
	v48 =	vmax.f32 v46, v49;
	v46 =	vmin.f32 v46, v49;
	v49 =	vmax.f32 v38, v42  }
0xd9: {  	v38 =	vmin.f32 v38, v42;
	v17 =	vadd.f32 v51, v17;
	v51 =	vsel vm8, v52, v43  }
0xda: {  	v63 =	vsel vm10, v50, v47;
	v47 =	vsel vm10, v47, v50;
	vm7 =	vgt.f32 v48, v20  }
0xdb: {  	v52 =	vsel vm9, v53, v51;
	v45 =	vsel vm9, v51, v53;
	v53 =	vmax.f32 v37, v44  }
0xdc: {  	v37 =	vmin.f32 v37, v44;
	v51 =	vmax.f32 v34, v40;
	v34 =	vmin.f32 v34, v40  }
0xdd: {  	v54 =	vsel vm11, v45, v36;
	vm12 =	vgt.f32 v46, v53;
	v36 =	vsel vm11, v36, v45  }
0xde: {  	v44 =	vmax.f32 v53, v46;
	v46 =	vmin.f32 v53, v46;
	v50 =	vsel vm13, v52, v39  }
0xdf: {  	v39 =	vsel vm13, v39, v52;
	v52 =	vsel vm14, v41, v35;
	vm15 =	vgt.f32 v38, v51  }
0xe0: {  	v35 =	vsel vm14, v35, v41;
	v53 =	vmax.f32 v51, v38;
	v38 =	vmin.f32 v51, v38  }
0xe1: {  	v45 =	vsel vm12, v47, v54;
	v47 =	vsel vm12, v54, v47;
	v54 =	vsel vm15, v39, v52  }
0xe2: {  	v39 =	vsel vm15, v52, v39;
	vm4 =	vgt.f32 v44, v49;
	v42 =	vmax.f32 v49, v44  }
0xe3: {  	v44 =	vmin.f32 v49, v44;
	vm5 =	vgt.f32 v46, v53;
	v49 =	vmax.f32 v53, v46  }
0xe4: {  	v40 =	vmin.f32 v53, v46;
	vm6 =	vgt.f32 v37, v38;
	v53 =	vmax.f32 v38, v37  }
0xe5: {  	v37 =	vmin.f32 v38, v37;
	v38 =	vmax.f32 v20, v48;
	v20 =	vmin.f32 v20, v48  }
0xe6: {  	v43 =	vsel vm4, v45, v50;
	v45 =	vsel vm4, v50, v45;
	v52 =	vsel vm5, v47, v54  }
0xe7: {  	v41 =	vsel vm5, v54, v47;
	v54 =	vsel vm6, v36, v39;
	v36 =	vsel vm6, v39, v36  }
0xe8: {  	v39 =	vsel vm7, v63, v21;
	v21 =	vsel vm7, v21, v63;
	vm8 =	vgt.f32 v40, v30  }
0xe9: {  	v30 =	vmax.f32 v30, v40;
	vm10 =	vgt.f32 v44, v29;
	vm11 =	vgt.f32 v37, v31  }
0xea: {  	v31 =	vmax.f32 v31, v37;
	vm15 =	vgt.f32 v42, v25;
	vm4 =	vgt.f32 v53, v26  }
0xeb: {  	v26 =	vmax.f32 v26, v53;
	vm6 =	vgt.f32 v49, v22;
	v47 =	vmax.f32 v22, v49  }
0xec: {  	v22 =	vmin.f32 v22, v49;
	vm7 =	vgt.f32 v34, v18;
	v18 =	vmax.f32 v18, v34  }
0xed: {  	v0 =	vmax.f32 v1, v38;
	v33 =	vsel vm8, v41, v33;
	vm9 =	vgt.f32 v20, v30  }
0xee: {  	v40 =	vmax.f32 v30, v20;
	v20 =	vmin.f32 v30, v20;
	v30 =	vmax.f32 v29, v44  }
0xef: {  	v63 =	vsel vm10, v45, v28;
	v29 =	vmin.f32 v29, v44;
	v28 =	vsel vm10, v28, v45  }
0xf0: {  	v32 =	vsel vm11, v36, v32;
	v27 =	vsel vm4, v54, v27;
	v48 =	vsel vm6, v52, v23  }
0xf1: {  	v23 =	vsel vm6, v23, v52;
	v19 =	vsel vm7, v35, v19;
	vm8 =	vgt.f32 v22, v18  }
0xf2: {  	v18 =	vmax.f32 v18, v22;
	v41 =	vsel vm9, v21, v33;
	v21 =	vsel vm9, v33, v21  }
0xf3: {  	vm12 =	vgt.f32 v29, v31;
	v29 =	vmax.f32 v31, v29;
	vm13 =	vgt.f32 v40, v30  }
0xf4: {  	v31 =	vmax.f32 v30, v40;
	v30 =	vmin.f32 v30, v40;
	v19 =	vsel vm8, v23, v19  }
0xf5: {  	v28 =	vsel vm12, v28, v32;
	v32 =	vsel vm13, v41, v63;
	v33 =	vsel vm13, v63, v41  }
0xf6: {  	vm14 =	vgt.f32 v20, v29;
	v44 =	vmax.f32 v29, v20;
	v20 =	vmin.f32 v29, v20  }
0xf7: {  	v29 =	vsel vm15, v43, v24;
	v24 =	vsel vm15, v24, v43;
	v37 =	vsel vm14, v21, v28  }
0xf8: {  	v21 =	vsel vm14, v28, v21;
	v28 =	vmax.f32 v25, v42;
	v25 =	vmin.f32 v25, v42  }
0xf9: {  	v63 =	vmin.u32 v32, v29;
	vm5 =	vgt.f32 v25, v26;
	v45 =	vmax.f32 v26, v25  }
0xfa: {  	v25 =	vmin.f32 v26, v25;
	vm11 =	vgt.f32 v31, v28;
	v46 =	vsel vm5, v24, v27  }
0xfb: {  	v24 =	vsel vm5, v27, v24;
	vm9 =	vgt.f32 v45, v47;
	v22 =	vmax.f32 v47, v45  }
0xfc: {  	v26 =	vmin.f32 v47, v45;
	vm10 =	vgt.f32 v25, v18;
	v18 =	vmax.f32 v18, v25  }
0xfd: {  	v51 =	vsel vm11, v32, v29;
	v23 =	vsel vm9, v46, v48;
	v27 =	vsel vm9, v48, v46  }
0xfe: {  	v19 =	vsel vm10, v24, v19;
	v24 =	vmax.f32 v28, v31;
	v28 =	vmin.f32 v28, v31  }
0xff: {  	v31 =	vsel vm11, v29, v32;
	vm12 =	vgt.f32 v30, v22;
	v34 =	vmax.f32 v22, v30  }
0x100: {  	v22 =	vmin.f32 v22, v30;
	vm13 =	vgt.f32 v44, v26;
	v40 =	vmax.f32 v26, v44  }
0x101: {  	v26 =	vmin.f32 v26, v44;
	vm14 =	vgt.f32 v20, v18;
	v42 =	vmax.f32 v18, v20  }
0x102: {  	v18 =	vmin.f32 v18, v20;
	v20 =	vmin.u32 v39, v51;
	v48 =	vmax.u32 v29, v32  }
0x103: {  	v52 =	vsel vm12, v33, v23;
	v30 =	vsel vm12, v23, v33;
	v41 =	vsel vm13, v37, v27  }
0x104: {  	v53 =	vsel vm13, v27, v37;
	v54 =	vsel vm14, v21, v19;
	vm0 =	vne.f32 v38, v24  }
0x105: {  	vm15 =	vne.f32 v24, v28;
	vm9 =	vne.f32 v28, v34;
	vm10 =	vne.f32 v34, v22  }
0x106: {  	vm11 =	vne.f32 v22, v40;
	vm12 =	vne.f32 v40, v26;
	vm13 =	veq.f32 v26, v42  }
0x107: {  	vm14 =	vne.f32 v42, v18;
	v18 =	vmax.u32 v51, v39;
	v19 =	vmin.u32 v21, v19  }
0x108: {  	vm4 =	vgt.f32 v22, v10;
	v10 =	vmax.f32 v10, v22;
	vm6 =	vgt.f32 v28, v6  }
0x109: {  	vm7 =	vgt.f32 v26, v7;
	v7 =	vmax.f32 v7, v26;
	v18 =	vsel vm0, v51, v18  }
0x10a: {  	v20 =	vsel vm0, v39, v20;
	v29 =	vmin.u32 v31, v52;
	v25 =	vsel vm15, v31, v48  }
0x10b: {  	v31 =	vmax.u32 v52, v31;
	v49 =	vmin.u32 v30, v41;
	v50 =	vmax.u32 v41, v30  }
0x10c: {  	v51 =	vmax.u32 v54, v53;
	v18 =	vsel vm15, v18, v63;
	v25 =	vsel vm9, v25, v29  }
0x10d: {  	v29 =	vmin.u32 v33, v23;
	v31 =	vsel vm9, v52, v31;
	v23 =	vmax.u32 v23, v33  }
0x10e: {  	v33 =	vsel vm11, v41, v50;
	v21 =	vsel vm13, v51, v54;
	vm15 =	vgt.f32 v38, v1  }
0x10f: {  	v1 =	vmin.f32 v1, v38;
	v23 =	vsel vm10, v30, v23;
	v30 =	vmin.u32 v37, v27  }
0x110: {  	v29 =	vsel vm10, v31, v29;
	v31 =	vmin.u32 v53, v54;
	v27 =	vmax.u32 v27, v37  }
0x111: {  	v19 =	vsel vm14, v21, v19;
	v21 =	vsel vm15, v20, v14;
	v14 =	vsel vm15, v14, v20  }
0x112: {  	vm5 =	vgt.f32 v1, v10;
	v20 =	vmax.f32 v10, v1;
	v1 =	vmin.f32 v10, v1  }
0x113: {  	vm14 =	vgt.f32 v34, v2;
	vm15 =	vgt.f32 v42, v4;
	v4 =	vmax.f32 v4, v42  }
0x114: {  	v23 =	vsel vm11, v23, v49;
	v30 =	vsel vm12, v33, v30;
	v27 =	vsel vm12, v53, v27  }
0x115: {  	vm11 =	vgt.f32 v24, v3;
	vm12 =	vgt.f32 v40, v5;
	v5 =	vmax.f32 v5, v40  }
0x116: {  	v40 =	vmax.f32 v2, v34;
	v41 =	vsel vm14, v29, v9;
	v2 =	vmin.f32 v2, v34  }
0x117: {  	v9 =	vsel vm14, v9, v29;
	v13 =	vsel vm15, v19, v13;
	v27 =	vsel vm13, v31, v27  }
0x118: {  	v15 =	vsel vm4, v23, v15;
	v54 =	vsel vm11, v18, v8;
	v36 =	vsel vm11, v8, v18  }
0x119: {  	v37 =	vsel vm12, v30, v11;
	vm4 =	vgt.f32 v2, v4;
	v2 =	vmax.f32 v4, v2  }
0x11a: {  	v22 =	vsel vm5, v14, v15;
	v52 =	vsel vm5, v15, v14;
	v14 =	vmax.f32 v6, v28  }
0x11b: {  	v15 =	vsel vm6, v25, v12;
	v6 =	vmin.f32 v6, v28;
	v12 =	vsel vm6, v12, v25  }
0x11c: {  	v16 =	vsel vm7, v27, v16;
	v43 =	vsel vm4, v9, v13;
	vm8 =	vgt.f32 v6, v7  }
0x11d: {  	v6 =	vmax.f32 v7, v6;
	vm9 =	vgt.f32 v20, v14;
	v53 =	vsel vm8, v12, v16  }
0x11e: {  	v12 =	vmax.f32 v14, v20;
	v16 =	vsel vm9, v22, v15;
	v14 =	vmin.f32 v14, v20  }
0x11f: {  	v15 =	vsel vm9, v15, v22;
	vm10 =	vgt.f32 v1, v6;
	v20 =	vmax.f32 v6, v1  }
0x120: {  	v23 =	vmin.f32 v6, v1;
	v1 =	vmax.f32 v3, v24;
	v3 =	vmin.f32 v3, v24  }
0x121: {  	v22 =	vsel vm10, v52, v53;
	v25 =	vsel vm10, v53, v52;
	vm13 =	vgt.f32 v3, v5  }
0x122: {  	v30 =	vld [tilespmem:s15+$0x4100];
	v38 =	vmax.f32 v5, v3;
	v3 =	vmin.f32 v5, v3;
	vm7 =	vgt.f32 v12, v1  }
0x123: {  	v5 =	vmin.f32 v1, v12;
	v31 =	vmin.u32 v16, v54;
	v51 =	vmax.u32 v54, v16  }
0x124: {  	v11 =	vsel vm13, v36, v37;
	v39 =	vsel vm13, v37, v36;
	vm5 =	vgt.f32 v38, v40  }
0x125: {  	v44 =	vmax.f32 v40, v38;
	v6 =	vmin.f32 v40, v38;
	vm6 =	vgt.f32 v3, v2  }
0x126: {  	v45 =	vmax.f32 v2, v3;
	v3 =	vmax.f32 v1, v12;
	v19 =	vsel vm7, v16, v54  }
0x127: {  	v46 =	vsel vm7, v54, v16;
	v53 =	vmul.f32 $1.442695020e+00, v30;
	v13 =	vsel vm5, v11, v41  }
0x128: {  	v28 =	vld [tilespmem:s15+$0x4000];
	v11 =	vsel vm5, v41, v11;
	v18 =	vsel vm6, v39, v43;
	vm8 =	vgt.f32 v14, v44  }
0x129: {  	v4 =	vmax.f32 v44, v14;
	v8 =	vmin.f32 v44, v14;
	vm9 =	vgt.f32 v20, v6  }
0x12a: {  	v63 =	vmax.f32 v6, v20;
	v6 =	vmin.f32 v6, v20;
	vm10 =	vgt.f32 v23, v45  }
0x12b: {  	v1 =	vmax.f32 v45, v23;
	v7 =	vmin.f32 v45, v23;
	vm11 =	vne.f32 v0, v3  }
0x12c: {  	vm12 =	vne.f32 v3, v5;
	v49 =	vmin.u32 v21, v19;
	v12 =	vmax.u32 v19, v21  }
0x12d: {  	[tilespmem:$0x1FFE0] =	vst v0;
	v50 =	vmul.f32 $1.442695020e+00, v28;
	v0 =	vimm.s32 $0x28;
	v47 =	vsel vm8, v15, v13  }
0x12e: {  	v23 =	vld [tilespmem:s15+$0x4080];
	v14 =	vsel vm8, v13, v15;
	v48 =	vsel vm9, v22, v11;
	v20 =	vsel vm9, v11, v22  }
0x12f: {  	v29 =	vsel vm10, v25, v18;
	vm13 =	vne.f32 v5, v4;
	vm14 =	vne.f32 v4, v8  }
0x130: {  	vm15 =	vne.f32 v8, v63;
	vm8 =	vne.f32 v63, v6;
	v19 =	vsel vm11, v19, v12  }
0x131: {  	vm9 =	veq.f32 v6, v1;
	vm10 =	vne.f32 v1, v7;
	v7 =	vsel vm12, v19, v31;
	v19 =	vld [tilespmem:s15+$0x4180]  }
0x132: {  	v12 =	vsel vm11, v21, v49;
	v9 =	vsel vm12, v46, v51;
	v21 =	vmin.u32 v15, v13  }
0x133: {  	v13 =	vmax.u32 v13, v15;
	(erf) = vpow2.f32 v50;
	v52 =	vmul.f32 $1.442695020e+00, v23  }
0x134: {  	v18 =	vmin.u32 v25, v18;
	v16 =	vmin.u32 v46, v47;
	v24 =	vmax.u32 v47, v46;
	v31 =	vld [tilespmem:s15+$0x4200]  }
0x135: {  	v54 =	vmin.u32 v14, v48;
	v15 =	vsel vm14, v14, v13;
	(erf) = vpow2.f32 v52  }
0x136: {  	v37 =	vld [tilespmem:s15+$0x4280];
	v14 =	vmax.u32 v48, v14;
	v24 =	vsel vm13, v47, v24;
	v36 =	vmul.f32 $1.442695020e+00, v19  }
0x137: {  	v13 =	vsel vm13, v9, v16;
	v15 =	vsel vm15, v15, v54;
	(erf) = vpow2.f32 v53  }
0x138: {  	v16 =	vmin.u32 v22, v11;
	v9 =	vsel vm14, v24, v21;
	v21 =	vld [tilespmem:s15+$0x4300];
	(erf) = vpow2.f32 v36  }
0x139: {  	v38 =	vsel vm15, v48, v14;
	v11 =	vmax.u32 v11, v22;
	v22 =	vmul.f32 $1.442695020e+00, v31  }
0x13a: {  	v14 =	vmin.u32 v20, v29;
	v10 =	vsel vm8, v38, v16;
	v11 =	vsel vm8, v20, v11;
	v16 =	vld [tilespmem:s15+$0x4380]  }
0x13b: {  	v20 =	vmax.u32 v29, v20;
	(erf) = vpow2.f32 v22;
	v22 =	vmul.f32 $1.442695020e+00, v37  }
0x13c: {  	v14 =	vsel vm9, v14, v11;
	v40 =	vsel vm9, v20, v29;
	vm11 =	vgt.f32 v23, v28;
	v39 =	vpop (erf)  }
0x13d: {  	v17 =	vadd.f32 v39, v17;
	(erf) = vpow2.f32 v22;
	v22 =	vmul.f32 $1.442695020e+00, v21  }
0x13e: {  	v11 =	vsel vm10, v40, v18;
	v18 =	vmax.f32 v28, v23;
	v41 =	vsel vm11, $0x21, v55;
	v20 =	vpop (erf)  }
0x13f: {  	(erf) = vpow2.f32 v22;
	v22 =	vmul.f32 $1.442695020e+00, v16;
	v17 =	vadd.f32 v20, v17  }
0x140: {  	v23 =	vmin.f32 v28, v23;
	vm12 =	vgt.f32 v19, v30;
	vm4 =	vgt.f32 v37, v31;
	v20 =	vpop (erf)  }
0x141: {  	v42 =	vpop (erf);
	(erf) = vpow2.f32 v22;
	v22 =	vmax.f32 v30, v19;
	v17 =	vadd.f32 v20, v17  }
0x142: {  	v47 =	vmin.f32 v31, v37;
	v43 =	vsel vm12, $0x23, v57;
	v44 =	vsel vm12, $0x22, v58  }
0x143: {  	vm5 =	vgt.f32 v16, v21;
	v19 =	vmin.f32 v30, v19;
	v17 =	vadd.f32 v42, v17  }
0x144: {  	vm13 =	vgt.f32 v22, v18;
	v45 =	vmax.f32 v18, v22;
	v18 =	vmin.f32 v18, v22;
	v22 =	vpop (erf)  }
0x145: {  	v49 =	vsel vm5, $0x27, v61;
	v20 =	vsel vm11, $0x20, v56;
	v17 =	vadd.f32 v22, v17  }
0x146: {  	vm14 =	vgt.f32 v19, v23;
	v22 =	vmax.f32 v23, v19;
	v23 =	vmin.f32 v23, v19;
	v19 =	vpop (erf)  }
0x147: {  	v28 =	vsel vm13, v43, v41;
	v24 =	vsel vm13, v41, v43;
	v17 =	vadd.f32 v19, v17  }
0x148: {  	v35 =	vld [tilespmem:s15+$0x5000];
	v46 =	vsel vm14, v44, v20;
	v26 =	vsel vm14, v20, v44;
	v20 =	vsel vm4, $0x25, v59;
	v19 =	vpop (erf)  }
0x149: {  	v40 =	vld [tilespmem:s15+$0x5180];
	vm15 =	vgt.f32 v18, v22;
	v29 =	vmax.f32 v22, v18;
	v17 =	vadd.f32 v19, v17  }
0x14a: {  	v36 =	vld [tilespmem:s15+$0x5080];
	v18 =	vmin.f32 v22, v18;
	v30 =	vsel vm15, v24, v46;
	v22 =	vsel vm15, v46, v24;
	v48 =	vpop (erf)  }
0x14b: {  	v39 =	vld [tilespmem:s15+$0x5100];
	v19 =	vmax.f32 v31, v37;
	v31 =	vsel vm4, $0x24, v60;
	v25 =	vadd.f32 v48, v17  }
0x14c: {  	v41 =	vld [tilespmem:s15+$0x5200];
	v17 =	vmax.f32 v21, v16;
	v16 =	vmin.f32 v21, v16;
	v21 =	vsel vm5, $0x26, v62  }
0x14d: {  	vm6 =	vgt.f32 v17, v19;
	v50 =	vmax.f32 v19, v17;
	v17 =	vmin.f32 v19, v17  }
0x14e: {  	vm7 =	vgt.f32 v16, v47;
	v51 =	vsel vm6, v49, v20;
	v19 =	vsel vm6, v20, v49  }
0x14f: {  	v20 =	vmax.f32 v47, v16;
	v52 =	vsel vm7, v21, v31;
	v16 =	vmin.f32 v47, v16  }
0x150: {  	v21 =	vsel vm7, v31, v21;
	vm9 =	vgt.f32 v50, v45;
	v27 =	vmin.f32 v45, v50  }
0x151: {  	v49 =	vmul.f32 $1.442695020e+00, v41;
	vm6 =	vgt.f32 v36, v35;
	vm7 =	vgt.f32 v40, v39  }
0x152: {  	v44 =	vld [tilespmem:s15+$0x5280];
	vm8 =	vgt.f32 v17, v20;
	v53 =	vmax.f32 v20, v17;
	v17 =	vmin.f32 v20, v17  }
0x153: {  	v20 =	vmax.f32 v45, v50;
	vm13 =	vgt.f32 v16, v23;
	v31 =	vsel vm8, v19, v52  }
0x154: {  	v32 =	vsel vm8, v52, v19;
	v19 =	vsel vm9, v51, v28;
	vm10 =	vgt.f32 v17, v18  }
0x155: {  	v28 =	vsel vm9, v28, v51;
	v54 =	vmax.f32 v18, v17;
	v56 =	vmin.f32 v18, v17  }
0x156: {  	vm12 =	vgt.f32 v53, v29;
	v17 =	vmul.f32 $1.442695020e+00, v35;
	v24 =	vmin.f32 v29, v53  }
0x157: {  	v18 =	vmul.f32 $1.442695020e+00, v36;
	v51 =	vmul.f32 $1.442695020e+00, v44;
	v55 =	vsel vm10, v32, v22  }
0x158: {  	v57 =	vsel vm10, v22, v32;
	vm11 =	vgt.f32 v27, v54;
	v22 =	vmax.f32 v54, v27  }
0x159: {  	v27 =	vmin.f32 v54, v27;
	v60 =	vsel vm12, v31, v30;
	v54 =	vmax.f32 v35, v36  }
0x15a: {  	v35 =	vmin.f32 v35, v36;
	v58 =	vsel vm11, v28, v55;
	v59 =	vsel vm11, v55, v28  }
0x15b: {  	v28 =	vmax.f32 v29, v53;
	(erf) = vpow2.f32 v17;
	v29 =	vsel vm12, v30, v31  }
0x15c: {  	v30 =	vmax.f32 v23, v16;
	v31 =	vsel vm13, v21, v26;
	v17 =	vmin.f32 v23, v16  }
0x15d: {  	v16 =	vmul.f32 $1.442695020e+00, v39;
	vm11 =	vgt.f32 v44, v41;
	(erf) = vpow2.f32 v18  }
0x15e: {  	v18 =	vsel vm13, v26, v21;
	vm14 =	vgt.f32 v24, v30;
	v61 =	vmax.f32 v30, v24  }
0x15f: {  	v42 =	vld [tilespmem:s15+$0x5380];
	v30 =	vmin.f32 v30, v24;
	vm15 =	vgt.f32 v22, v28;
	v24 =	vmax.f32 v28, v22  }
0x160: {  	v62 =	vsel vm14, v29, v31;
	(erf) = vpow2.f32 v16;
	v16 =	vmul.f32 $1.442695020e+00, v40  }
0x161: {  	v48 =	vsel vm14, v31, v29;
	v23 =	vsel vm15, v58, v60;
	v29 =	vmin.f32 v28, v22  }
0x162: {  	v28 =	vsel vm15, v60, v58;
	vm4 =	vgt.f32 v27, v61;
	v21 =	vmax.f32 v61, v27  }
0x163: {  	v32 =	vmin.f32 v61, v27;
	vm5 =	vgt.f32 v56, v30;
	v27 =	vmax.f32 v30, v56  }
0x164: {  	v30 =	vmin.f32 v30, v56;
	v56 =	vmul.f32 $1.442695020e+00, v42;
	(erf) = vpow2.f32 v16;
	v16 =	vld [tilespmem:s15+$0x5300]  }
0x165: {  	v60 =	vmax.f32 v39, v40;
	v39 =	vmin.f32 v39, v40;
	v22 =	vsel vm4, v59, v62  }
0x166: {  	v31 =	vsel vm4, v62, v59;
	v33 =	vsel vm5, v48, v57;
	vm8 =	vgt.f32 v60, v54  }
0x167: {  	v45 =	vmax.f32 v54, v60;
	v34 =	vmin.f32 v54, v60;
	vm9 =	vgt.f32 v39, v35  }
0x168: {  	v54 =	vmax.f32 v41, v44;
	v41 =	vmin.f32 v41, v44;
	(erf) = vpow2.f32 v49  }
0x169: {  	v50 =	vpop (erf);
	(erf) = vpow2.f32 v51;
	v53 =	vmul.f32 $1.442695020e+00, v16;
	vm12 =	vgt.f32 v42, v16  }
0x16a: {  	v26 =	vadd.f32 v50, v25;
	v25 =	vsel vm5, v57, v48;
	v57 =	vsel vm6, $0x29, v0  }
0x16b: {  	v0 =	vimm.s32 $0x29;
	v50 =	vmax.f32 v35, v39;
	v35 =	vmin.f32 v35, v39  }
0x16c: {  	v52 =	vpop (erf);
	(erf) = vpow2.f32 v53;
	v58 =	vsel vm6, $0x28, v0;
	v0 =	vimm.s32 $0x2A  }
0x16d: {  	vm10 =	vgt.f32 v34, v50;
	v40 =	vmax.f32 v50, v34;
	v34 =	vmin.f32 v50, v34  }
0x16e: {  	v55 =	vpop (erf);
	v26 =	vadd.f32 v52, v26;
	v61 =	vsel vm7, $0x2B, v0;
	v0 =	vimm.s32 $0x2B  }
0x16f: {  	v59 =	vpop (erf);
	(erf) = vpow2.f32 v56;
	v62 =	vsel vm7, $0x2A, v0;
	v46 =	vsel vm8, v61, v57  }
0x170: {  	v48 =	vsel vm8, v57, v61;
	v0 =	vimm.s32 $0x2C;
	v26 =	vadd.f32 v55, v26  }
0x171: {  	v51 =	vsel vm9, v62, v58;
	v36 =	vsel vm9, v58, v62;
	v55 =	vsel vm11, $0x2D, v0  }
0x172: {  	v0 =	vimm.s32 $0x2D;
	v58 =	vmax.f32 v16, v42;
	v16 =	vmin.f32 v16, v42  }
0x173: {  	v39 =	vsel vm10, v48, v51;
	v37 =	vsel vm10, v51, v48;
	v56 =	vsel vm11, $0x2C, v0  }
0x174: {  	v0 =	vimm.s32 $0x2E;
	vm13 =	vgt.f32 v58, v54;
	v61 =	vmax.f32 v54, v58  }
0x175: {  	v43 =	vmin.f32 v54, v58;
	vm14 =	vgt.f32 v16, v41;
	v26 =	vadd.f32 v59, v26  }
0x176: {  	v59 =	vsel vm12, $0x2F, v0;
	v0 =	vimm.s32 $0x2F;
	vm4 =	vgt.f32 v61, v45  }
0x177: {  	v49 =	vpop (erf);
	v47 =	vmax.f32 v45, v61;
	v45 =	vmin.f32 v45, v61;
	v60 =	vsel vm12, $0x2E, v0  }
0x178: {  	v62 =	vsel vm13, v59, v55;
	v38 =	vsel vm13, v55, v59;
	v26 =	vadd.f32 v49, v26  }
0x179: {  	vm13 =	vgt.f32 v47, v20;
	v0 =	vimm.s32 $0x30;
	v52 =	vpop (erf);
	v54 =	vsel vm14, v56, v60  }
0x17a: {  	v48 =	vsel vm4, v62, v46;
	v26 =	vadd.f32 v52, v26;
	v52 =	vmax.f32 v41, v16  }
0x17b: {  	v46 =	vsel vm4, v46, v62;
	v16 =	vmin.f32 v41, v16;
	vm15 =	vgt.f32 v43, v52  }
0x17c: {  	v53 =	vpop (erf);
	v55 =	vmax.f32 v52, v43;
	v43 =	vmin.f32 v52, v43;
	vm8 =	vgt.f32 v16, v35  }
0x17d: {  	v51 =	vmax.f32 v35, v16;
	v35 =	vmin.f32 v35, v16;
	v26 =	vadd.f32 v53, v26  }
0x17e: {  	v53 =	vsel vm14, v60, v56;
	vm5 =	vgt.f32 v43, v34;
	vm7 =	vgt.f32 v55, v40  }
0x17f: {  	v61 =	vmax.f32 v40, v55;
	v40 =	vmin.f32 v40, v55;
	v52 =	vsel vm8, v54, v36  }
0x180: {  	v36 =	vsel vm8, v36, v54;
	v56 =	vsel vm15, v38, v53;
	v38 =	vsel vm15, v53, v38  }
0x181: {  	v57 =	vpop (erf);
	vm9 =	vgt.f32 v40, v51;
	v16 =	vmax.f32 v51, v40;
	v40 =	vmin.f32 v51, v40  }
0x182: {  	v26 =	vadd.f32 v57, v26;
	v57 =	vmax.f32 v34, v43;
	v58 =	vsel vm5, v38, v37  }
0x183: {  	v34 =	vmin.f32 v34, v43;
	v37 =	vsel vm5, v37, v38;
	v62 =	vsel vm7, v56, v39  }
0x184: {  	v39 =	vsel vm7, v39, v56;
	vm6 =	vgt.f32 v45, v57;
	v59 =	vmax.f32 v57, v45  }
0x185: {  	v45 =	vmin.f32 v57, v45;
	v53 =	vsel vm9, v39, v52;
	v39 =	vsel vm9, v52, v39  }
0x186: {  	vm12 =	vgt.f32 v34, v40;
	v60 =	vsel vm6, v46, v58;
	v46 =	vsel vm6, v58, v46  }
0x187: {  	vm10 =	vgt.f32 v59, v61;
	v54 =	vmax.f32 v61, v59;
	v38 =	vmin.f32 v61, v59  }
0x188: {  	vm11 =	vgt.f32 v45, v16;
	v56 =	vmax.f32 v16, v45;
	v45 =	vmin.f32 v16, v45  }
0x189: {  	v58 =	vmax.f32 v40, v34;
	v59 =	vsel vm12, v37, v39;
	v34 =	vmin.f32 v40, v34  }
0x18a: {  	v37 =	vsel vm12, v39, v37;
	v16 =	vmax.f32 v20, v47;
	v39 =	vsel vm13, v48, v19  }
0x18b: {  	v20 =	vmin.f32 v20, v47;
	v19 =	vsel vm13, v19, v48;
	vm13 =	vgt.f32 v35, v17  }
0x18c: {  	v17 =	vmax.f32 v17, v35;
	v55 =	vsel vm10, v60, v62;
	v43 =	vsel vm10, v62, v60  }
0x18d: {  	v57 =	vsel vm11, v46, v53;
	v41 =	vsel vm11, v53, v46;
	vm14 =	vgt.f32 v45, v32  }
0x18e: {  	v32 =	vmax.f32 v32, v45;
	vm4 =	vgt.f32 v38, v29;
	vm5 =	vgt.f32 v34, v30  }
0x18f: {  	v30 =	vmax.f32 v30, v34;
	vm9 =	vgt.f32 v54, v24;
	vm10 =	vgt.f32 v58, v27  }
0x190: {  	v47 =	vmax.f32 v27, v58;
	vm12 =	vgt.f32 v56, v21;
	v53 =	vmax.f32 v21, v56  }
0x191: {  	v21 =	vmin.f32 v21, v56;
	v18 =	vsel vm13, v36, v18;
	v31 =	vsel vm14, v41, v31  }
0x192: {  	vm15 =	vgt.f32 v20, v32;
	v60 =	vmax.f32 v32, v20;
	v20 =	vmin.f32 v32, v20  }
0x193: {  	v61 =	vsel vm4, v43, v28;
	v28 =	vsel vm4, v28, v43;
	v33 =	vsel vm5, v37, v33  }
0x194: {  	v48 =	vsel vm9, v23, v55;
	v25 =	vsel vm10, v59, v25;
	v41 =	vsel vm15, v19, v31  }
0x195: {  	v19 =	vsel vm15, v31, v19;
	v31 =	vmax.f32 v29, v38;
	v29 =	vmin.f32 v29, v38  }
0x196: {  	vm14 =	vgt.f32 v21, v17;
	v17 =	vmax.f32 v17, v21;
	vm6 =	vgt.f32 v29, v30  }
0x197: {  	v29 =	vmax.f32 v30, v29;
	vm7 =	vgt.f32 v60, v31;
	v30 =	vmax.f32 v31, v60  }
0x198: {  	v31 =	vmin.f32 v31, v60;
	v28 =	vsel vm6, v28, v33;
	v33 =	vsel vm7, v41, v61  }
0x199: {  	v32 =	vsel vm7, v61, v41;
	vm8 =	vgt.f32 v20, v29;
	v62 =	vmax.f32 v29, v20  }
0x19a: {  	v46 =	vld [tilespmem:s15+$0x6080];
	v29 =	vmin.f32 v29, v20;
	v20 =	vmin.f32 v24, v54;
	v37 =	vsel vm8, v19, v28  }
0x19b: {  	v36 =	vld [tilespmem:s15+$0x6100];
	v38 =	vsel vm8, v28, v19;
	v19 =	vmax.f32 v24, v54;
	vm11 =	vgt.f32 v20, v47  }
0x19c: {  	v43 =	vld [tilespmem:s15+$0x6000];
	v28 =	vsel vm9, v55, v23;
	v23 =	vmax.f32 v47, v20;
	v20 =	vmin.f32 v47, v20  }
0x19d: {  	v54 =	vsel vm12, v57, v22;
	v22 =	vsel vm12, v22, v57;
	v51 =	vsel vm11, v48, v25  }
0x19e: {  	v52 =	vsel vm11, v25, v48;
	v18 =	vsel vm14, v22, v18;
	vm15 =	vgt.f32 v23, v53  }
0x19f: {  	v22 =	vmax.f32 v53, v23;
	v25 =	vmin.f32 v53, v23;
	vm4 =	vgt.f32 v20, v17  }
0x1a0: {  	v56 =	vmax.f32 v17, v20;
	vm5 =	vgt.f32 v30, v19;
	v21 =	vmin.f32 v19, v30  }
0x1a1: {  	v53 =	vmul.f32 $1.442695020e+00, v36;
	v48 =	vmax.f32 v43, v46;
	v55 =	vsel vm15, v51, v54  }
0x1a2: {  	v27 =	vsel vm15, v54, v51;
	v40 =	vsel vm4, v52, v18;
	v18 =	vmax.f32 v19, v30  }
0x1a3: {  	v57 =	vsel vm5, v33, v28;
	v30 =	vsel vm5, v28, v33;
	vm6 =	vgt.f32 v31, v22  }
0x1a4: {  	v17 =	vmax.f32 v22, v31;
	v23 =	vmin.f32 v22, v31;
	vm7 =	vgt.f32 v62, v25  }
0x1a5: {  	v20 =	vmax.f32 v25, v62;
	v22 =	vmin.f32 v25, v62;
	vm8 =	vgt.f32 v29, v56  }
0x1a6: {  	v19 =	vmax.f32 v56, v29;
	v60 =	vmin.f32 v56, v29;
	v29 =	vmul.f32 $1.442695020e+00, v43  }
0x1a7: {  	v31 =	vmin.u32 v33, v28;
	v28 =	vmax.u32 v28, v33;
	v41 =	vsel vm6, v32, v55  }
0x1a8: {  	v58 =	vsel vm6, v55, v32;
	v59 =	vsel vm7, v37, v27;
	v34 =	vsel vm7, v27, v37  }
0x1a9: {  	v45 =	vsel vm8, v38, v40;
	vm5 =	vne.f32 v16, v18;
	vm9 =	vne.f32 v18, v21  }
0x1aa: {  	vm10 =	vne.f32 v21, v17;
	vm11 =	vne.f32 v17, v23;
	vm12 =	vne.f32 v23, v20  }
0x1ab: {  	v47 =	vld [tilespmem:s15+$0x6180];
	vm13 =	vne.f32 v20, v22;
	vm14 =	veq.f32 v22, v19;
	vm15 =	vne.f32 v19, v60  }
0x1ac: {  	v61 =	vmin.u32 v39, v57;
	v62 =	vmax.u32 v57, v39;
	v56 =	vmin.u32 v37, v27  }
0x1ad: {  	v27 =	vmax.u32 v27, v37;
	v38 =	vmin.u32 v38, v40;
	(erf) = vpow2.f32 v29  }
0x1ae: {  	v29 =	vmul.f32 $1.442695020e+00, v46;
	v24 =	vsel vm5, v57, v62;
	v52 =	vmin.u32 v30, v41  }
0x1af: {  	v28 =	vsel vm9, v30, v28;
	v54 =	vmax.u32 v41, v30;
	v57 =	vmin.u32 v34, v45  }
0x1b0: {  	v25 =	vsel vm9, v24, v31;
	v28 =	vsel vm10, v28, v52;
	v30 =	vmul.f32 $1.442695020e+00, v47  }
0x1b1: {  	v31 =	vmin.u32 v32, v55;
	v24 =	vsel vm10, v41, v54;
	v32 =	vmax.u32 v55, v32  }
0x1b2: {  	v33 =	vld [tilespmem:s15+$0x6200];
	v55 =	vmin.u32 v58, v59;
	v52 =	vmin.f32 v43, v46;
	vm6 =	vgt.f32 v47, v36  }
0x1b3: {  	v54 =	vmax.f32 v36, v47;
	v36 =	vmin.f32 v36, v47;
	(erf) = vpow2.f32 v29  }
0x1b4: {  	v29 =	vsel vm5, v39, v61;
	v32 =	vsel vm11, v58, v32;
	v24 =	vsel vm11, v24, v31  }
0x1b5: {  	v35 =	vld [tilespmem:s15+$0x6300];
	vm5 =	vgt.f32 v46, v43;
	vm7 =	vgt.f32 v54, v48;
	v40 =	vmin.f32 v48, v54  }
0x1b6: {  	vm8 =	vgt.f32 v36, v52;
	(erf) = vpow2.f32 v53;
	v31 =	vsel vm12, v32, v55  }
0x1b7: {  	v60 =	vmul.f32 $1.442695020e+00, v33;
	v49 =	vsel vm5, $0x31, v0;
	v0 =	vimm.s32 $0x31  }
0x1b8: {  	v39 =	vld [tilespmem:s15+$0x6280];
	(erf) = vpow2.f32 v30;
	v30 =	vmax.u32 v59, v58;
	v58 =	vsel vm13, v34, v27  }
0x1b9: {  	v34 =	vmax.u32 v45, v34;
	v53 =	vsel vm5, $0x30, v0;
	v0 =	vimm.s32 $0x32  }
0x1ba: {  	v30 =	vsel vm12, v59, v30;
	v34 =	vsel vm14, v34, v45;
	v45 =	vmul.f32 $1.442695020e+00, v35  }
0x1bb: {  	v32 =	vld [tilespmem:s15+$0x6380];
	v55 =	vsel vm6, $0x33, v0;
	v0 =	vimm.s32 $0x33;
	v27 =	vsel vm13, v30, v56  }
0x1bc: {  	v30 =	vsel vm14, v57, v58;
	v56 =	vsel vm6, $0x32, v0;
	v46 =	vsel vm7, v55, v49  }
0x1bd: {  	v58 =	vmax.f32 v52, v36;
	v0 =	vimm.s32 $0x34;
	v62 =	vmul.f32 $1.442695020e+00, v39  }
0x1be: {  	v42 =	vsel vm8, v53, v56;
	vm9 =	vgt.f32 v40, v58;
	v43 =	vmax.f32 v58, v40  }
0x1bf: {  	v40 =	vmin.f32 v58, v40;
	vm10 =	vgt.f32 v39, v33;
	v59 =	vpop (erf);
	(erf) = vpow2.f32 v60  }
0x1c0: {  	v51 =	vmul.f32 $1.442695020e+00, v32;
	vm11 =	vgt.f32 v32, v35;
	v26 =	vadd.f32 v59, v26  }
0x1c1: {  	v59 =	vsel vm8, v56, v53;
	v61 =	vpop (erf);
	(erf) = vpow2.f32 v62;
	v62 =	vmax.f32 v33, v39  }
0x1c2: {  	v33 =	vmin.f32 v33, v39;
	v37 =	vadd.f32 v61, v26;
	v26 =	vsel vm15, v34, v38  }
0x1c3: {  	v44 =	vpop (erf);
	(erf) = vpow2.f32 v45;
	v45 =	vmax.f32 v48, v54;
	v38 =	vmin.f32 v52, v36  }
0x1c4: {  	v52 =	vsel vm10, $0x35, v0;
	v0 =	vimm.s32 $0x35;
	v50 =	vpop (erf);
	(erf) = vpow2.f32 v51  }
0x1c5: {  	v53 =	vsel vm10, $0x34, v0;
	v0 =	vimm.s32 $0x36;
	v34 =	vadd.f32 v44, v37  }
0x1c6: {  	v37 =	vsel vm7, v49, v55;
	v55 =	vmax.f32 v35, v32;
	v56 =	vsel vm11, $0x37, v0  }
0x1c7: {  	v32 =	vmin.f32 v35, v32;
	v0 =	vimm.s32 $0x37;
	v34 =	vadd.f32 v50, v34  }
0x1c8: {  	v44 =	vsel vm9, v37, v59;
	v37 =	vsel vm9, v59, v37;
	vm12 =	vgt.f32 v55, v62;
	v57 =	vpop (erf)  }
0x1c9: {  	v58 =	vmax.f32 v62, v55;
	vm13 =	vgt.f32 v32, v33;
	v34 =	vadd.f32 v57, v34  }
0x1ca: {  	v59 =	vsel vm12, v56, v52;
	v39 =	vsel vm12, v52, v56;
	vm15 =	vgt.f32 v58, v45;
	v60 =	vpop (erf)  }
0x1cb: {  	v36 =	vmax.f32 v45, v58;
	v58 =	vmin.f32 v45, v58;
	v34 =	vadd.f32 v60, v34  }
0x1cc: {  	v35 =	vsel vm15, v59, v46;
	v59 =	vsel vm15, v46, v59;
	v57 =	vsel vm11, $0x36, v0;
	v61 =	vpop (erf)  }
0x1cd: {  	v60 =	vmax.f32 v33, v32;
	v32 =	vmin.f32 v33, v32;
	v34 =	vadd.f32 v61, v34  }
0x1ce: {  	v0 =	vimm.s32 $0x38;
	v33 =	vsel vm13, v53, v57;
	v54 =	vpop (erf);
	vm7 =	vgt.f32 v32, v38  }
0x1cf: {  	v49 =	vld [tilespmem:s15+$0x7000];
	v61 =	vsel vm13, v57, v53;
	v48 =	vadd.f32 v54, v34;
	v34 =	vmin.f32 v62, v55  }
0x1d0: {  	v52 =	vsel vm7, v33, v42;
	v33 =	vsel vm7, v42, v33;
	vm14 =	vgt.f32 v34, v60  }
0x1d1: {  	v51 =	vmax.f32 v60, v34;
	v34 =	vmin.f32 v60, v34;
	v62 =	vsel vm14, v39, v61  }
0x1d2: {  	v53 =	vld [tilespmem:s15+$0x7080];
	v39 =	vsel vm14, v61, v39;
	vm4 =	vgt.f32 v34, v40;
	v60 =	vmax.f32 v40, v34  }
0x1d3: {  	v50 =	vmin.f32 v40, v34;
	vm6 =	vgt.f32 v51, v43;
	v46 =	vmax.f32 v43, v51  }
0x1d4: {  	v56 =	vld [tilespmem:s15+$0x7100];
	v61 =	vmul.f32 $1.442695020e+00, v49;
	v34 =	vmin.f32 v38, v32;
	v47 =	vsel vm4, v39, v37  }
0x1d5: {  	vm5 =	vgt.f32 v58, v60;
	v54 =	vsel vm4, v37, v39;
	v37 =	vmax.f32 v60, v58  }
0x1d6: {  	v41 =	vmin.f32 v60, v58;
	v39 =	vmin.f32 v43, v51;
	v40 =	vsel vm6, v44, v62  }
0x1d7: {  	v60 =	vmul.f32 $1.442695020e+00, v53;
	vm12 =	vgt.f32 v53, v49;
	v55 =	vsel vm5, v59, v47  }
0x1d8: {  	v51 =	vld [tilespmem:s15+$0x7180];
	v45 =	vsel vm5, v47, v59;
	v47 =	vsel vm6, v62, v44;
	v62 =	vmax.f32 v38, v32  }
0x1d9: {  	(erf) = vpow2.f32 v61;
	v61 =	vmul.f32 $1.442695020e+00, v56;
	vm9 =	vgt.f32 v37, v46  }
0x1da: {  	v57 =	vld [tilespmem:s15+$0x7200];
	v44 =	vmin.f32 v46, v37;
	vm8 =	vgt.f32 v39, v62;
	(erf) = vpow2.f32 v60  }
0x1db: {  	v42 =	vmax.f32 v62, v39;
	v59 =	vmin.f32 v62, v39;
	v39 =	vsel vm9, v55, v47  }
0x1dc: {  	v60 =	vld [tilespmem:s15+$0x7280];
	v43 =	vsel vm9, v47, v55;
	v58 =	vsel vm8, v40, v52;
	(erf) = vpow2.f32 v61  }
0x1dd: {  	v55 =	vld [tilespmem:s15+$0x7300];
	v52 =	vsel vm8, v52, v40;
	vm10 =	vgt.f32 v41, v42;
	v32 =	vmul.f32 $1.442695020e+00, v51  }
0x1de: {  	v40 =	vmax.f32 v46, v37;
	v37 =	vsel vm10, v45, v58;
	v47 =	vsel vm10, v58, v45;
	v58 =	vld [tilespmem:s15+$0x7380]  }
0x1df: {  	v62 =	vmul.f32 $1.442695020e+00, v57;
	v38 =	vmax.f32 v42, v41;
	(erf) = vpow2.f32 v32  }
0x1e0: {  	v46 =	vmin.f32 v42, v41;
	vm11 =	vgt.f32 v50, v59;
	v41 =	vmax.f32 v59, v50  }
0x1e1: {  	v42 =	vsel vm11, v54, v52;
	v45 =	vmin.f32 v59, v50;
	v32 =	vmul.f32 $1.442695020e+00, v60  }
0x1e2: {  	vm13 =	vgt.f32 v51, v56;
	v59 =	vmul.f32 $1.442695020e+00, v55;
	(erf) = vpow2.f32 v62;
	v61 =	vpop (erf)  }
0x1e3: {  	vm5 =	vgt.f32 v60, v57;
	vm6 =	vgt.f32 v58, v55;
	v61 =	vadd.f32 v61, v48  }
0x1e4: {  	(erf) = vpow2.f32 v32;
	v62 =	vpop (erf);
	v48 =	vsel vm11, v52, v54;
	v52 =	vmax.f32 v49, v53  }
0x1e5: {  	(erf) = vpow2.f32 v59;
	v59 =	vsel vm12, $0x39, v0;
	v50 =	vadd.f32 v62, v61  }
0x1e6: {  	v49 =	vmin.f32 v49, v53;
	v0 =	vimm.s32 $0x39;
	v62 =	vpop (erf);
	v61 =	vmul.f32 $1.442695020e+00, v58  }
0x1e7: {  	v53 =	vsel vm12, $0x38, v0;
	v0 =	vimm.s32 $0x3A;
	v50 =	vadd.f32 v62, v50  }
0x1e8: {  	v54 =	vsel vm13, $0x3B, v0;
	v0 =	vimm.s32 $0x3B;
	v62 =	vpop (erf);
	(erf) = vpow2.f32 v61  }
0x1e9: {  	v32 =	vadd.f32 v62, v50;
	v50 =	vmax.f32 v56, v51;
	v51 =	vmin.f32 v56, v51  }
0x1ea: {  	v56 =	vsel vm13, $0x3A, v0;
	v0 =	vimm.s32 $0x3C;
	vm14 =	vgt.f32 v50, v52  }
0x1eb: {  	v61 =	vmax.f32 v52, v50;
	v50 =	vmin.f32 v52, v50;
	v52 =	vpop (erf);
	vm15 =	vgt.f32 v51, v49  }
0x1ec: {  	v62 =	vsel vm14, v54, v59;
	v32 =	vadd.f32 v52, v32;
	v52 =	vmax.f32 v49, v51  }
0x1ed: {  	v54 =	vsel vm14, v59, v54;
	v59 =	vsel vm15, v56, v53;
	v49 =	vmin.f32 v49, v51;
	v51 =	vpop (erf)  }
0x1ee: {  	v53 =	vsel vm15, v53, v56;
	vm4 =	vgt.f32 v50, v52;
	v32 =	vadd.f32 v51, v32  }
0x1ef: {  	v51 =	vmax.f32 v52, v50;
	v56 =	vsel vm4, v54, v59;
	v50 =	vmin.f32 v52, v50;
	v52 =	vpop (erf)  }
0x1f0: {  	v54 =	vsel vm4, v59, v54;
	v59 =	vsel vm5, $0x3D, v0;
	v32 =	vadd.f32 v52, v32  }
0x1f1: {  	v0 =	vimm.s32 $0x3E;
	v52 =	vmax.f32 v57, v60;
	v57 =	vmin.f32 v57, v60;
	v60 =	vpop (erf)  }
0x1f2: {  	v0 =	vsel vm6, $0x3F, v0;
	v32 =	vadd.f32 v60, v32;
	v60 =	vmax.f32 v55, v58  }
0x1f3: {  	v55 =	vmin.f32 v55, v58;
	vm7 =	vgt.f32 v60, v52;
	v58 =	vmax.f32 v52, v60  }
0x1f4: {  	v52 =	vmin.f32 v52, v60;
	vm8 =	vgt.f32 v55, v57;
	v60 =	vsel vm7, v0, v59  }
0x1f5: {  	v2 =	vsel vm7, v59, v0;
	v59 =	vmax.f32 v57, v55;
	v55 =	vmin.f32 v57, v55  }
0x1f6: {  	v0 =	vimm.s32 $0x3D;
	vm10 =	vgt.f32 v58, v61;
	(erf) = vrcp.f32 v32  }
0x1f7: {  	v32 =	vimm.s32 $0x9;
	v57 =	vsel vm5, $0x3C, v0;
	v0 =	vimm.s32 $0x3F  }
0x1f8: {  	vm9 =	vgt.f32 v52, v59;
	vm14 =	vgt.f32 v55, v49;
	v0 =	vsel vm6, $0x3E, v0  }
0x1f9: {  	[tilespmem:$0x1FFF0] =	vst v1;
	v1 =	vsel vm8, v0, v57;
	v0 =	vsel vm8, v57, v0;
	v57 =	vmax.f32 v59, v52  }
0x1fa: {  	v52 =	vmin.f32 v59, v52;
	v59 =	vsel vm9, v2, v1;
	v1 =	vsel vm9, v1, v2  }
0x1fb: {  	v2 =	vmax.f32 v61, v58;
	v58 =	vmin.f32 v61, v58;
	v61 =	vsel vm10, v60, v62  }
0x1fc: {  	v60 =	vsel vm10, v62, v60;
	vm11 =	vgt.f32 v52, v50;
	v62 =	vmax.f32 v50, v52  }
0x1fd: {  	v50 =	vmin.f32 v50, v52;
	vm13 =	vgt.f32 v57, v51;
	v52 =	vsel vm11, v1, v54  }
0x1fe: {  	v1 =	vsel vm11, v54, v1;
	vm12 =	vgt.f32 v58, v62;
	v54 =	vmax.f32 v62, v58  }
0x1ff: {  	v58 =	vmin.f32 v62, v58;
	vm7 =	vgt.f32 v2, v36;
	v62 =	vsel vm12, v60, v52  }
0x200: {  	v52 =	vsel vm12, v52, v60;
	v60 =	vmax.f32 v51, v57;
	v51 =	vmin.f32 v51, v57  }
0x201: {  	v57 =	vsel vm13, v59, v56;
	v56 =	vsel vm13, v56, v59;
	v59 =	vmax.f32 v49, v55  }
0x202: {  	v49 =	vmin.f32 v49, v55;
	v55 =	vsel vm14, v0, v53;
	v0 =	vsel vm14, v53, v0  }
0x203: {  	vm15 =	vgt.f32 v51, v59;
	v53 =	vmax.f32 v59, v51;
	v51 =	vmin.f32 v59, v51  }
0x204: {  	vm4 =	vgt.f32 v54, v60;
	v59 =	vsel vm15, v56, v55;
	v55 =	vsel vm15, v55, v56  }
0x205: {  	v56 =	vmax.f32 v60, v54;
	v54 =	vmin.f32 v60, v54;
	v60 =	vsel vm4, v62, v57  }
0x206: {  	v57 =	vsel vm4, v57, v62;
	vm5 =	vgt.f32 v58, v53;
	v62 =	vmax.f32 v53, v58  }
0x207: {  	v53 =	vmin.f32 v53, v58;
	vm6 =	vgt.f32 v50, v51;
	v58 =	vsel vm5, v52, v59  }
0x208: {  	v52 =	vsel vm5, v59, v52;
	v59 =	vmax.f32 v51, v50;
	v50 =	vmin.f32 v51, v50  }
0x209: {  	v51 =	vsel vm6, v1, v55;
	v1 =	vsel vm6, v55, v1;
	v55 =	vmax.f32 v36, v2  }
0x20a: {  	v2 =	vmin.f32 v36, v2;
	vm8 =	vgt.f32 v53, v46;
	v36 =	vsel vm7, v61, v35  }
0x20b: {  	v35 =	vsel vm7, v35, v61;
	v61 =	vimm.s32 $0x26;
	v46 =	vmax.f32 v46, v53  }
0x20c: {  	vm10 =	vgt.f32 v54, v44;
	vm15 =	vgt.f32 v56, v40;
	vm6 =	vgt.f32 v62, v38  }
0x20d: {  	vm7 =	vgt.f32 v49, v34;
	v34 =	vmax.f32 v34, v49;
	v47 =	vsel vm8, v52, v47  }
0x20e: {  	vm9 =	vgt.f32 v2, v46;
	v52 =	vmax.f32 v46, v2;
	v2 =	vmin.f32 v46, v2  }
0x20f: {  	v53 =	vsel vm10, v57, v43;
	v43 =	vsel vm10, v43, v57;
	v57 =	vimm.s32 $0x22  }
0x210: {  	vm11 =	vgt.f32 v50, v45;
	v45 =	vmax.f32 v45, v50;
	v50 =	vsel vm15, v60, v39  }
0x211: {  	v39 =	vsel vm15, v39, v60;
	v60 =	vimm.s32 $0x25;
	vm4 =	vgt.f32 v59, v41  }
0x212: {  	v41 =	vmax.f32 v41, v59;
	v59 =	vimm.s32 $0x24;
	v49 =	vsel vm6, v58, v37  }
0x213: {  	v37 =	vsel vm6, v37, v58;
	v58 =	vimm.s32 $0x23;
	v0 =	vsel vm7, v0, v33  }
0x214: {  	v46 =	vsel vm9, v35, v47;
	v35 =	vsel vm9, v47, v35;
	v47 =	vmax.f32 v44, v54  }
0x215: {  	v44 =	vmin.f32 v44, v54;
	v54 =	vimm.s32 $0x1F;
	v1 =	vsel vm11, v1, v48  }
0x216: {  	v42 =	vsel vm4, v51, v42;
	vm12 =	vgt.f32 v44, v45;
	v44 =	vmax.f32 v45, v44  }
0x217: {  	vm13 =	vgt.f32 v52, v47;
	v45 =	vmin.f32 v47, v52;
	v1 =	vsel vm12, v43, v1  }
0x218: {  	v43 =	vmax.f32 v47, v52;
	v52 =	vimm.s32 $0x1D;
	v47 =	vsel vm13, v46, v53  }
0x219: {  	v46 =	vsel vm13, v53, v46;
	v53 =	vimm.s32 $0x1E;
	vm14 =	vgt.f32 v2, v44  }
0x21a: {  	v48 =	vmax.f32 v44, v2;
	v2 =	vmin.f32 v44, v2;
	v44 =	vsel vm14, v35, v1  }
0x21b: {  	v1 =	vsel vm14, v1, v35;
	v35 =	vmax.f32 v40, v56;
	v40 =	vmin.f32 v40, v56  }
0x21c: {  	v56 =	vimm.s32 $0x21;
	vm5 =	vgt.f32 v40, v41;
	v51 =	vmax.f32 v41, v40  }
0x21d: {  	v40 =	vmin.f32 v41, v40;
	vm11 =	vgt.f32 v43, v35;
	v41 =	vsel vm5, v39, v42  }
0x21e: {  	v39 =	vsel vm5, v42, v39;
	v42 =	vmax.f32 v38, v62;
	v38 =	vmin.f32 v38, v62  }
0x21f: {  	v62 =	vimm.s32 $0x27;
	vm8 =	vgt.f32 v38, v34;
	v33 =	vmax.f32 v34, v38  }
0x220: {  	vm9 =	vgt.f32 v51, v42;
	v34 =	vmax.f32 v42, v51;
	v38 =	vmin.f32 v42, v51  }
0x221: {  	v51 =	vimm.s32 $0x1C;
	v42 =	vsel vm11, v50, v47;
	v0 =	vsel vm8, v37, v0  }
0x222: {  	v37 =	vsel vm9, v41, v49;
	v41 =	vsel vm9, v49, v41;
	vm10 =	vgt.f32 v40, v33  }
0x223: {  	v33 =	vmax.f32 v33, v40;
	v40 =	vsel vm11, v47, v50;
	vm12 =	vgt.f32 v45, v34  }
0x224: {  	vm13 =	vgt.f32 v48, v38;
	v0 =	vsel vm10, v39, v0;
	v39 =	vmax.f32 v35, v43  }
0x225: {  	v35 =	vmin.f32 v35, v43;
	v43 =	vmax.f32 v34, v45;
	v49 =	vsel vm12, v46, v37  }
0x226: {  	v34 =	vmin.f32 v34, v45;
	v45 =	vmax.f32 v38, v48;
	v38 =	vmin.f32 v38, v48  }
0x227: {  	v48 =	vmin.u32 v36, v40;
	vm15 =	vgt.f32 v2, v33;
	vm14 =	vne.f32 v55, v39  }
0x228: {  	vm8 =	vne.f32 v39, v35;
	vm9 =	vne.f32 v35, v43;
	vm10 =	vne.f32 v43, v34  }
0x229: {  	vm11 =	vne.f32 v34, v45;
	vm4 =	vgt.f32 v34, v23;
	v23 =	vmax.f32 v23, v34  }
0x22a: {  	vm6 =	vgt.f32 v35, v21;
	v48 =	vsel vm14, v36, v48;
	v36 =	vmax.u32 v40, v36  }
0x22b: {  	vm7 =	vgt.f32 v38, v22;
	v22 =	vmax.f32 v22, v38;
	v36 =	vsel vm14, v40, v36  }
0x22c: {  	v40 =	vmin.u32 v47, v50;
	v47 =	vmax.u32 v50, v47;
	v50 =	vmin.u32 v42, v49  }
0x22d: {  	v36 =	vsel vm8, v36, v40;
	v40 =	vmax.f32 v33, v2;
	v47 =	vsel vm8, v42, v47  }
0x22e: {  	v2 =	vmin.f32 v33, v2;
	v33 =	vsel vm12, v37, v46;
	v42 =	vmax.u32 v49, v42  }
0x22f: {  	vm12 =	vne.f32 v45, v38;
	v47 =	vsel vm9, v47, v50;
	v50 =	vsel vm13, v44, v41  }
0x230: {  	v42 =	vsel vm9, v49, v42;
	v49 =	vmax.u32 v37, v46;
	v37 =	vmin.u32 v46, v37  }
0x231: {  	vm14 =	vne.f32 v40, v2;
	v46 =	vmin.u32 v33, v50;
	v49 =	vsel vm10, v33, v49  }
0x232: {  	v37 =	vsel vm10, v42, v37;
	v33 =	vmax.u32 v50, v33;
	v42 =	vsel vm11, v49, v46  }
0x233: {  	v49 =	vimm.s32 $0x1A;
	v33 =	vsel vm11, v50, v33;
	v46 =	vmin.u32 v44, v41  }
0x234: {  	v50 =	vimm.s32 $0x1B;
	vm11 =	vgt.f32 v39, v18;
	v33 =	vsel vm12, v33, v46  }
0x235: {  	v46 =	vsel vm13, v41, v44;
	v41 =	vmax.u32 v41, v44;
	v44 =	vsel vm15, v1, v0  }
0x236: {  	vm13 =	veq.f32 v38, v40;
	v0 =	vmin.u32 v1, v0;
	vm15 =	vgt.f32 v55, v16  }
0x237: {  	v31 =	vsel vm4, v42, v31;
	v42 =	vimm.s32 $0x13;
	v38 =	vimm.s32 $0xF  }
0x238: {  	v2 =	vsel vm12, v46, v41;
	v41 =	vmin.u32 v46, v44;
	v46 =	vmax.u32 v44, v46  }
0x239: {  	vm12 =	vgt.f32 v45, v20;
	v20 =	vmax.f32 v20, v45;
	v45 =	vimm.s32 $0x16  }
0x23a: {  	v2 =	vsel vm13, v41, v2;
	v1 =	vsel vm13, v46, v44;
	v46 =	vimm.s32 $0x17  }
0x23b: {  	v44 =	vimm.s32 $0x15;
	v41 =	vsel vm15, v48, v29;
	v29 =	vsel vm15, v29, v48  }
0x23c: {  	v48 =	vimm.s32 $0x19;
	v27 =	vsel vm12, v33, v27;
	vm15 =	vgt.f32 v40, v19  }
0x23d: {  	v19 =	vmax.f32 v19, v40;
	v40 =	vimm.s32 $0x11;
	v0 =	vsel vm14, v1, v0  }
0x23e: {  	v1 =	vmax.f32 v16, v55;
	v16 =	vmin.f32 v16, v55;
	v55 =	vimm.s32 $0x20  }
0x23f: {  	v2 =	vsel vm7, v2, v30;
	vm14 =	vgt.f32 v43, v17;
	vm5 =	vgt.f32 v16, v23  }
0x240: {  	v34 =	vmax.f32 v23, v16;
	v16 =	vmin.f32 v23, v16;
	v0 =	vsel vm15, v0, v26  }
0x241: {  	v23 =	vsel vm5, v29, v31;
	v29 =	vsel vm5, v31, v29;
	v31 =	vmax.f32 v21, v35  }
0x242: {  	v21 =	vmin.f32 v21, v35;
	v35 =	vsel vm6, v47, v28;
	v28 =	vsel vm6, v28, v47  }
0x243: {  	v47 =	vimm.s32 $0x18;
	vm8 =	vgt.f32 v21, v22;
	v21 =	vmax.f32 v22, v21  }
0x244: {  	vm9 =	vgt.f32 v34, v31;
	v22 =	vmax.f32 v31, v34;
	v2 =	vsel vm8, v28, v2  }
0x245: {  	v28 =	vmin.f32 v31, v34;
	v30 =	vsel vm9, v23, v35;
	v23 =	vsel vm9, v35, v23  }
0x246: {  	vm10 =	vgt.f32 v16, v21;
	v31 =	vmax.f32 v21, v16;
	v16 =	vmin.f32 v21, v16  }
0x247: {  	v34 =	vsel vm11, v36, v25;
	v25 =	vsel vm11, v25, v36;
	v36 =	vimm.s32 $0xD  }
0x248: {  	v35 =	vsel vm14, v37, v24;
	v24 =	vsel vm14, v24, v37;
	v21 =	vsel vm10, v29, v2  }
0x249: {  	v2 =	vsel vm10, v2, v29;
	v29 =	vmax.f32 v18, v39;
	v18 =	vmin.f32 v18, v39  }
0x24a: {  	v37 =	vimm.s32 $0xE;
	v39 =	vimm.s32 $0x10;
	vm13 =	vgt.f32 v18, v20  }
0x24b: {  	v33 =	vmax.f32 v20, v18;
	v18 =	vmin.f32 v20, v18;
	v20 =	vsel vm13, v25, v27  }
0x24c: {  	v25 =	vsel vm13, v27, v25;
	v27 =	vmax.f32 v17, v43;
	v17 =	vmin.f32 v17, v43  }
0x24d: {  	vm7 =	vgt.f32 v22, v29;
	v43 =	vimm.s32 $0x14;
	vm4 =	vgt.f32 v17, v19  }
0x24e: {  	v17 =	vmax.f32 v19, v17;
	vm5 =	vgt.f32 v33, v27;
	v19 =	vmax.f32 v27, v33  }
0x24f: {  	v26 =	vmin.f32 v27, v33;
	v27 =	vsel vm7, v34, v30;
	v0 =	vsel vm4, v24, v0  }
0x250: {  	v24 =	vsel vm5, v20, v35;
	v20 =	vsel vm5, v35, v20;
	vm6 =	vgt.f32 v18, v17  }
0x251: {  	v17 =	vmax.f32 v17, v18;
	v18 =	vmax.f32 v29, v22;
	v22 =	vmin.f32 v29, v22  }
0x252: {  	vm8 =	vgt.f32 v28, v19;
	v29 =	vmax.f32 v19, v28;
	v19 =	vmin.f32 v19, v28  }
0x253: {  	vm9 =	vgt.f32 v31, v26;
	v28 =	vmax.f32 v26, v31;
	v26 =	vmin.f32 v26, v31  }
0x254: {  	v0 =	vsel vm6, v25, v0;
	v25 =	vsel vm7, v30, v34;
	v33 =	vsel vm8, v23, v24  }
0x255: {  	vm10 =	vne.f32 v1, v18;
	vm11 =	vgt.f32 v16, v17;
	vm12 =	vne.f32 v18, v22  }
0x256: {  	vm13 =	vne.f32 v22, v29;
	vm14 =	vne.f32 v29, v19;
	vm15 =	vne.f32 v19, v28  }
0x257: {  	vm6 =	vne.f32 v28, v26;
	vm5 =	vgt.f32 v18, v3;
	v31 =	vmin.u32 v41, v25  }
0x258: {  	v35 =	vmax.u32 v25, v41;
	v31 =	vsel vm10, v41, v31;
	v41 =	vimm.s32 $0x12  }
0x259: {  	v25 =	vsel vm10, v25, v35;
	v35 =	vmin.u32 v30, v34;
	v30 =	vmax.u32 v34, v30  }
0x25a: {  	v34 =	vmin.u32 v27, v33;
	vm10 =	vgt.f32 v19, v8;
	v8 =	vmax.f32 v8, v19  }
0x25b: {  	v25 =	vsel vm12, v25, v35;
	v35 =	vmax.f32 v17, v16;
	v30 =	vsel vm12, v27, v30  }
0x25c: {  	v16 =	vmin.f32 v17, v16;
	v17 =	vsel vm8, v24, v23;
	v27 =	vmax.u32 v33, v27  }
0x25d: {  	vm12 =	vgt.f32 v22, v5;
	v30 =	vsel vm13, v30, v34;
	v34 =	vsel vm9, v21, v20  }
0x25e: {  	v27 =	vsel vm13, v33, v27;
	v33 =	vmax.u32 v24, v23;
	v23 =	vmin.u32 v23, v24  }
0x25f: {  	vm7 =	veq.f32 v26, v35;
	vm8 =	vne.f32 v35, v16;
	vm13 =	vgt.f32 v26, v6  }
0x260: {  	v6 =	vmax.f32 v6, v26;
	v26 =	vmax.f32 v3, v18;
	v3 =	vmin.f32 v3, v18  }
0x261: {  	v24 =	vmin.u32 v17, v34;
	v33 =	vsel vm14, v17, v33;
	v17 =	vmax.u32 v34, v17  }
0x262: {  	v23 =	vsel vm14, v27, v23;
	v27 =	vmin.u32 v21, v20;
	v17 =	vsel vm15, v34, v17  }
0x263: {  	v18 =	vmax.f32 v63, v28;
	v24 =	vsel vm15, v33, v24;
	v17 =	vsel vm6, v17, v27  }
0x264: {  	v27 =	vsel vm9, v20, v21;
	v20 =	vmax.u32 v20, v21;
	v21 =	vsel vm11, v2, v0  }
0x265: {  	v33 =	vimm.s32 $0xA;
	v16 =	vsel vm6, v27, v20;
	v20 =	vmin.u32 v27, v21  }
0x266: {  	v34 =	vimm.s32 $0xB;
	v0 =	vmin.u32 v2, v0;
	v16 =	vsel vm7, v20, v16;
	v20 =	vld [tilespmem:$0x1FFE0]  }
0x267: {  	v15 =	vsel vm10, v24, v15;
	v27 =	vmax.u32 v21, v27;
	vm6 =	vgt.f32 v28, v63  }
0x268: {  	v2 =	vsel vm7, v27, v21;
	v21 =	vsel vm12, v30, v13;
	v13 =	vsel vm12, v13, v30  }
0x269: {  	v10 =	vsel vm6, v17, v10;
	vm7 =	vgt.f32 v3, v18;
	v17 =	vmax.f32 v18, v3  }
0x26a: {  	v3 =	vmin.f32 v18, v3;
	v0 =	vsel vm8, v2, v0;
	v14 =	vsel vm13, v16, v14  }
0x26b: {  	vm8 =	vgt.f32 v29, v4;
	vm9 =	vgt.f32 v1, v20;
	v2 =	vmax.f32 v20, v1  }
0x26c: {  	v1 =	vmin.f32 v20, v1;
	v20 =	vsel vm9, v31, v12;
	v12 =	vsel vm9, v12, v31  }
0x26d: {  	v31 =	vimm.s32 $0x8;
	vm11 =	vgt.f32 v1, v8;
	v19 =	vmax.f32 v8, v1  }
0x26e: {  	v1 =	vmin.f32 v8, v1;
	v27 =	vsel vm11, v12, v15;
	v12 =	vsel vm11, v15, v12  }
0x26f: {  	v15 =	vmax.f32 v5, v22;
	v5 =	vmin.f32 v5, v22;
	v22 =	vsel vm8, v23, v9  }
0x270: {  	v9 =	vsel vm8, v9, v23;
	vm14 =	vgt.f32 v5, v6;
	v5 =	vmax.f32 v6, v5  }
0x271: {  	vm15 =	vgt.f32 v19, v15;
	v24 =	vsel vm14, v13, v14;
	v13 =	vmax.f32 v15, v19  }
0x272: {  	v14 =	vmin.f32 v15, v19;
	v15 =	vsel vm15, v27, v21;
	v8 =	vsel vm15, v21, v27  }
0x273: {  	vm4 =	vgt.f32 v1, v5;
	v16 =	vmax.f32 v5, v1;
	v1 =	vmin.f32 v5, v1  }
0x274: {  	v27 =	vmax.f32 v4, v29;
	v4 =	vmin.f32 v4, v29;
	v19 =	vsel vm4, v12, v24  }
0x275: {  	v5 =	vsel vm4, v24, v12;
	v12 =	vsel vm5, v25, v7;
	v7 =	vsel vm5, v7, v25  }
0x276: {  	vm11 =	vgt.f32 v17, v27;
	v63 =	vmax.f32 v27, v17;
	vm13 =	vgt.f32 v13, v26  }
0x277: {  	v21 =	vld [tilespmem:$0x1FFF0];
	v24 =	vmul.f32 $1.442695020e+00, v2;
	v25 =	vmax.f32 v26, v13;
	v6 =	vmin.f32 v26, v13  }
0x278: {  	v18 =	vsel vm7, v7, v10;
	v7 =	vsel vm7, v10, v7;
	v10 =	vmin.f32 v27, v17  }
0x279: {  	v26 =	vmul.f32 $1.442695020e+00, v25;
	vm14 =	vgt.f32 v14, v63;
	v13 =	vmax.f32 v63, v14  }
0x27a: {  	vm7 =	vne.f32 v2, v25;
	vm8 =	vne.f32 v25, v6;
	(erf) = vpow2.f32 v24  }
0x27b: {  	v17 =	vsel vm11, v22, v18;
	vm15 =	vgt.f32 v16, v10;
	(erf) = vpow2.f32 v26  }
0x27c: {  	v26 =	vsel vm15, v19, v17;
	vm9 =	vgt.f32 v35, v21;
	v21 =	vmax.f32 v21, v35  }
0x27d: {  	v35 =	vimm.s32 $0xC;
	v0 =	vsel vm9, v0, v11;
	vm10 =	vgt.f32 v4, v21  }
0x27e: {  	v4 =	vmax.f32 v21, v4;
	v11 =	vsel vm11, v18, v22;
	v18 =	vsel vm13, v15, v12  }
0x27f: {  	vm9 =	vne.f32 v6, v13;
	vm12 =	vgt.f32 v3, v4;
	v3 =	vmax.f32 v4, v3  }
0x280: {  	v4 =	vmax.f32 v10, v16;
	v10 =	vmin.f32 v10, v16;
	v16 =	vmul.f32 $1.442695020e+00, v6  }
0x281: {  	v0 =	vsel vm10, v9, v0;
	v9 =	vmin.f32 v63, v14;
	v14 =	vsel vm13, v12, v15  }
0x282: {  	v2 =	vmin.u32 v20, v18;
	(erf) = vpow2.f32 v16;
	v16 =	vmul.f32 $1.442695020e+00, v13  }
0x283: {  	v27 =	vmax.u32 v18, v20;
	v0 =	vsel vm12, v7, v0;
	v2 =	vsel vm7, v20, v2  }
0x284: {  	v20 =	vsel vm14, v8, v11;
	v7 =	vsel vm7, v18, v27;
	(erf) = vpow2.f32 v16  }
0x285: {  	v18 =	vmin.u32 v15, v12;
	vm10 =	vne.f32 v13, v9;
	v16 =	vmul.f32 $1.442695020e+00, v9  }
0x286: {  	v12 =	vmax.u32 v12, v15;
	v15 =	vmul.f32 $1.442695020e+00, v4;
	vm11 =	vne.f32 v9, v4  }
0x287: {  	vm12 =	vne.f32 v4, v10;
	v63 =	vsel vm8, v7, v18;
	v7 =	vpop (erf);
	(erf) = vpow2.f32 v16  }
0x288: {  	v12 =	vsel vm8, v14, v12;
	v13 =	vpop (erf);
	(erf) = vpow2.f32 v15;
	v15 =	vmul.f32 $1.442695020e+00, v10  }
0x289: {  	[tilespmem:s15+$0x8000] =	vst v2;
	v2 =	vmax.f32 v3, v1;
	v16 =	vmin.u32 v14, v20;
	v13 =	vmul.f32 v13, v7  }
0x28a: {  	[tilespmem:s15+$0x8080] =	vst v63;
	v14 =	vmax.u32 v20, v14;
	v18 =	vpop (erf);
	(erf) = vpow2.f32 v15;
	v15 =	vmul.f32 $1.442695020e+00, v2  }
0x28b: {  	v14 =	vsel vm9, v20, v14;
	v18 =	vmul.f32 v18, v7;
	v12 =	vsel vm9, v12, v16;
	[tilespmem:s15+$0x9000] =	vst v13;
	v24 =	vpop (erf)  }
0x28c: {  	v13 =	vmin.u32 v8, v11;
	[tilespmem:s15+$0x8100] =	vst v12;
	(erf) = vpow2.f32 v15;
	v6 =	vmul.f32 v24, v7  }
0x28d: {  	vm13 =	vgt.f32 v1, v3;
	v13 =	vsel vm10, v14, v13;
	v14 =	vsel vm14, v11, v8;
	[tilespmem:s15+$0x9080] =	vst v18;
	v25 =	vpop (erf)  }
0x28e: {  	v8 =	vmax.u32 v11, v8;
	v27 =	vmin.u32 v14, v26;
	[tilespmem:s15+$0x9100] =	vst v6;
	v9 =	vmul.f32 v25, v7  }
0x28f: {  	v1 =	vmin.f32 v3, v1;
	v8 =	vsel vm10, v14, v8;
	v12 =	vmax.u32 v26, v14;
	[tilespmem:s17+$0x8000] =	vst v13  }
0x290: {  	v63 =	vsel vm11, v8, v27;
	v24 =	vsel vm11, v26, v12;
	v26 =	vmin.u32 v19, v17;
	v25 =	vpop (erf);
	[tilespmem:s17+$0x9000] =	vst v9  }
0x291: {  	v3 =	vsel vm12, v24, v26;
	v24 =	vmax.u32 v17, v19;
	v8 =	vmul.f32 v25, v7;
	v27 =	vpop (erf);
	[tilespmem:s15+$0x8200] =	vst v63  }
0x292: {  	v25 =	vsel vm13, v5, v0;
	v63 =	vsel vm15, v17, v19;
	v4 =	vmul.f32 v27, v7;
	[tilespmem:s15+$0x8280] =	vst v3  }
0x293: {  	p0 =	sne.s32 s14, $0x1F0;
	vm14 =	veq.f32 v10, v2;
	[tilespmem:s15+$0x9200] =	vst v8;
	v9 =	vsel vm12, v63, v24;
	v26 =	vpop (erf);
	v3 =	vmin.u32 v63, v25  }
.Ltmp0:
0x294: {  	v27 =	vmax.u32 v25, v63;
	v3 =	vsel vm14, v3, v9;
	[tilespmem:s15+$0x9280] =	vst v4;
	v63 =	vmul.f32 v26, v7;
	(pc) =	sbr.rel @p0 .LBB2_2-.Ltmp0, $4  }
0x295: {  	v0 =	vmin.u32 v5, v0;
	vm15 =	vne.f32 v2, v1;
	v1 =	vsel vm14, v27, v25;
	[tilespmem:s15+$0x8300] =	vst v3;
	v2 =	vpop (erf)  }
0x296: {  	v21 =	vimm.s32 $0x7;
	v0 =	vsel vm15, v1, v0;
	[tilespmem:s15+$0x9300] =	vst v63;
	v1 =	vmul.f32 v2, v7  }
0x297: {  	v20 =	vimm.s32 $0x6;
	v18 =	vimm.s32 $0x4;
	v14 =	vimm.s32 $0x2;
	[tilespmem:s16+$0x8000] =	vst v0  }
0x298: {  	s13 =	sadd.s32 $0x80, s13;
	s14 =	sadd.s32 $0x10, s14;
	v15 =	vimm.s32 $0x3;
	v19 =	vimm.s32 $0x5;
	v0 =	vimm.s32 $0x0;
	[tilespmem:s16+$0x9000] =	vst v1  }
0x299: {  	[hbm4b:s4+s2] =	stream.linear.scatter [tilespmem:s10], [sflag:$0x1], $0x1000, $0x38;
	[tilespmem:$0xA000] =	vst v63  }
0x29a: {  	s12 =	sadd.s32 $0x1, s12;
	_ =	swait.ge [sflag:s9], $0x1000  }
0x29b: {  	p0 =	sne.s32 s12, s6;
	[sflag:s9] =	ssyncset.done $0x0  }
.Ltmp1:
0x29c: {  	[sflag:s9] =	ssyncadd.s32 $0xFFFFF000;
	(pc) =	sbr.rel @p0 .LBB2_1-.Ltmp1, $4  }
0x29d: {  	[hbm4b:s5+s2] =	stream.linear.scatter [tilespmem:s11], [sflag:$0x1], $0x1000, $0x38;
	[tilespmem:$0xA000] =	vst v63  }
0x29e: {  	_ =	swait.ge [sflag:s9], $0x1000  }
0x29f: {  	[sflag:s9] =	ssyncset.done $0x0  }
0x2a0: {  	[sflag:s9] =	ssyncadd.s32 $0xFFFFF000  }
0x2a1: {  	_ =	sfence.sel $0x180000  }
0x2a2: {  	[bflag:$0x0] =	sbarrier.arrive $0xFFFF  }
0x2a3: {  	p0 =	sne.s32 s1, $0x0;
	_ =	strace $0x90000047  }
0x2a4: {  	s0 =	sadd.s32 @!p0 $0x100000, s0;
	[bflag:$0x2] =	sbarrier.arrive $0xFFFF  }
0x2a5: {  	[sflag:s0] =	ssyncadd.tile.s32 @!p0 $0x1;
	_ =	shalt  }
.Lfunc_end2:
_tile_overlayer_lowered:
.L_overlay_start_2:
0x2a6: {  	(tag) =	ssettag $0x2  }
0x2a7: {  	s0 =	rddreg [dreg:$0x0];
	s2 =	stileid.u32  }
0x2a8: {  	s1 =	rddreg [dreg:$0x1];
	p0 =	sne.s32 s2, $0x0  }
0x2a9: {  	s3 =	rddreg [dreg:$0x2];
	[bflag:$0x3] =	sbarrier.arrive $0xFFFF;
	s2 =	simm.s32 @!p0 $0x1C01  }
0x2aa: {  	[timem:s3], [sflag:s2] =	dma.local @!p0 [hbm:s0], s1  }
0x2ab: {  	s0 =	simm.s32 @!p0 $0x1  }
0x2ac: {  	_ =	swait.ge @!p0 [sflag:s0], s1  }
0x2ad: {  	s1 =	ssub.s32 @!p0 $0x0, s1;
	[sflag:s0] =	ssyncset.done @!p0 $0x0  }
0x2ae: {  	[sflag:s0] =	ssyncadd.s32 @!p0 s1  }
0x2af: {  	[bflag:$0x3] =	sbarrier.arrive $0xFFFF  }
0x2b0: {  	_ =	shalt  }

</sc_bundles>
